<compile_context>
chip_gen: v7x
topology: tpu7x:2x2x1
jax: 0.10.2.dev20260603
libtpu: 0.0.44.dev20260713+nightly
codegen_flags: <defaults>
</compile_context>

<pallas_src>
import functools

import jax
import jax.numpy as jnp
import numpy as np
from jax import lax
from jax.experimental import pallas as pl
from jax.experimental.pallas import tpu as pltpu
from jax.experimental.pallas import tpu_sc as plsc

_VOCAB1 = 100001
_PAD = 100016
_NW = 32
_NNEG = 200
_SEARCH_STEPS = 17
_ILP = 4


def _sampler_call(table_pad, logpp_pad, seeds_flat, pos_items):
    n_seeds = seeds_flat.shape[0]
    n_pos = pos_items.shape[0]
    per_w = n_seeds // _NW
    chunk = 6400
    n_ch = per_w // chunk
    pos_per_w = n_pos // _NW
    mesh = plsc.VectorSubcoreMesh(core_axis_name="c", subcore_axis_name="s")

    @functools.partial(
        pl.kernel,
        mesh=mesh,
        compiler_params=pltpu.CompilerParams(needs_layout_passes=False),
        out_type=(
            jax.ShapeDtypeStruct((n_seeds,), jnp.int32),
            jax.ShapeDtypeStruct((n_seeds,), jnp.float32),
            jax.ShapeDtypeStruct((n_pos,), jnp.float32),
        ),
        scratch_types=[
            pltpu.VMEM((_PAD,), jnp.float32),
            pltpu.VMEM((chunk,), jnp.float32),
            pltpu.VMEM((chunk,), jnp.int32),
            pltpu.VMEM((chunk,), jnp.float32),
            pltpu.VMEM((pos_per_w,), jnp.int32),
            pltpu.VMEM((pos_per_w,), jnp.float32),
        ],
    )
    def body(table_hbm, logpp_hbm, seeds_hbm, pos_hbm,
             negi_hbm, negp_hbm, posp_hbm,
             big_v, seeds_v, idx_v, prob_v, pidx_v, pprob_v):
        wid = lax.axis_index("s") * 2 + lax.axis_index("c")
        base_w = wid * per_w

        pltpu.sync_copy(table_hbm, big_v)
        for c in range(n_ch):
            base = base_w + c * chunk
            pltpu.sync_copy(seeds_hbm.at[pl.ds(base, chunk)], seeds_v)

            def search_step(i, _):
                b0 = i * (16 * _ILP)
                ss = [seeds_v[pl.ds(b0 + u * 16, 16)] for u in range(_ILP)]
                lo = [jnp.zeros((16,), jnp.int32) for _ in range(_ILP)]
                hi = [jnp.full((16,), _VOCAB1, jnp.int32) for _ in range(_ILP)]
                for _u in range(_SEARCH_STEPS):
                    for k in range(_ILP):
                        mid = lax.shift_right_logical(lo[k] + hi[k], 1)
                        t = plsc.load_gather(big_v, [mid])
                        lt = t < ss[k]
                        lo[k] = jnp.where(lt, mid + 1, lo[k])
                        hi[k] = jnp.where(lt, hi[k], mid)
                for u in range(_ILP):
                    idx_v[pl.ds(b0 + u * 16, 16)] = lo[u]
                return 0

            lax.fori_loop(0, chunk // (16 * _ILP), search_step, 0)
            pltpu.sync_copy(idx_v, negi_hbm.at[pl.ds(base, chunk)])

        pltpu.sync_copy(logpp_hbm, big_v)
        for c in range(n_ch):
            base = base_w + c * chunk
            pltpu.sync_copy(negi_hbm.at[pl.ds(base, chunk)], idx_v)

            def gather_step(i, _):
                b0 = i * (16 * _ILP)
                for u in range(_ILP):
                    ii = idx_v[pl.ds(b0 + u * 16, 16)]
                    prob_v[pl.ds(b0 + u * 16, 16)] = plsc.load_gather(
                        big_v, [ii])
                return 0

            lax.fori_loop(0, chunk // (16 * _ILP), gather_step, 0)
            pltpu.sync_copy(prob_v, negp_hbm.at[pl.ds(base, chunk)])

        pbase = wid * pos_per_w
        pltpu.sync_copy(pos_hbm.at[pl.ds(pbase, pos_per_w)], pidx_v)

        def pos_step(i, _):
            ii = pidx_v[pl.ds(i * 16, 16)]
            pprob_v[pl.ds(i * 16, 16)] = plsc.load_gather(big_v, [ii])
            return 0

        lax.fori_loop(0, pos_per_w // 16, pos_step, 0)
        pltpu.sync_copy(pprob_v, posp_hbm.at[pl.ds(pbase, pos_per_w)])

    return body(table_pad, logpp_pad, seeds_flat, pos_items)


def kernel(query, pos_items, pop_count, num_neg):
    pc = jnp.log(pop_count + 1.0)
    pc = jnp.concatenate([jnp.ones((1,), dtype=pc.dtype), pc], axis=0)
    pop_prob = pc / jnp.sum(pc)
    table = jnp.cumsum(pop_prob)
    logpp = jnp.log(pop_prob)
    table_pad = jnp.concatenate(
        [table, jnp.full((_PAD - _VOCAB1,), 2.0, jnp.float32)])
    logpp_pad = jnp.concatenate(
        [logpp, jnp.zeros((_PAD - _VOCAB1,), jnp.float32)])

    nq = int(np.prod(query.shape[:-1]))
    seeds = jax.random.uniform(
        jax.random.key(42), (nq, _NNEG), dtype=jnp.float32).reshape(-1)

    negi, negp, posp = _sampler_call(
        table_pad, logpp_pad, seeds, pos_items.astype(jnp.int32))

    neg_items = negi.reshape(tuple(query.shape[:-1]) + (_NNEG,))
    neg_items = neg_items + (num_neg - _NNEG)
    neg_prob = negp.reshape(tuple(query.shape[:-1]) + (_NNEG,))
    return (posp, neg_items, neg_prob)

# --- scband reference (transcript-rebuilt; emitter-appended) ---
"""Pipeline reference for scband-popular-sampler-model-8254927143134 (READ-ONLY COPY).

The authoritative reference and input builder live on the scoring server;
editing this copy changes nothing except your own understanding.
"""

import jax, jax.numpy as jnp
import numpy as np

VOCAB = 100000
BATCH = 4096
DIM = 64
NUM_NEG = 200


def setup_inputs(seed: int = 0) -> dict:
    key = jax.random.key(seed)
    k1, k2, k3 = jax.random.split(key, 3)
    query = jax.random.normal(k1, (BATCH, DIM), dtype=jnp.float32)
    pos_items = jax.random.randint(k2, (BATCH,), 0, VOCAB + 1)
    # pop_count init arg: raw popularity counts, shape [VOCAB]
    pop_count = jax.random.uniform(k3, (VOCAB,), dtype=jnp.float32, minval=0.0, maxval=1000.0)
    return {"query": query, "pos_items": pos_items, "pop_count": pop_count, "num_neg": NUM_NEG}


def reference(query, pos_items, pop_count, num_neg):
    # __init__ preprocessing, mode == 0
    pc = jnp.log(pop_count + 1.0)
    pc = jnp.concatenate([jnp.ones((1,), dtype=pc.dtype), pc], axis=0)
    pop_prob = pc / jnp.sum(pc)
    table = jnp.cumsum(pop_prob)
    # forward
    num_queries = int(np.prod(query.shape[:-1]))
    seeds = jax.random.uniform(jax.random.key(42), (num_queries, NUM_NEG), dtype=jnp.float32)
    neg_items = jnp.searchsorted(table, seeds)
    neg_items = neg_items.reshape(tuple(query.shape[:-1]) + (NUM_NEG,))
    neg_items = neg_items + (num_neg - NUM_NEG)
    neg_prob = jnp.log(pop_prob[neg_items])
    pos_prob = jnp.log(pop_prob[pos_items])
    return (pos_prob, neg_items, neg_prob)

if __name__ == "__main__":
    import jax
    _d = setup_inputs()
    print(jax.jit(kernel)(*tuple(_d.values())))

</pallas_src>

<mosaic_0001>
#map = affine_map<(d0, d1) -> (0)>
module attributes {stable_mosaic.version = 14 : i64} {
  func.func @body(%arg0: i32, %arg1: i32, %arg2: memref<100016xf32, #tpu.memory_space<hbm>>, %arg3: memref<100016xf32, #tpu.memory_space<hbm>>, %arg4: memref<819200xf32, #tpu.memory_space<hbm>>, %arg5: memref<4096xi32, #tpu.memory_space<hbm>>, %arg6: memref<819200xi32, #tpu.memory_space<hbm>>, %arg7: memref<819200xf32, #tpu.memory_space<hbm>>, %arg8: memref<4096xf32, #tpu.memory_space<hbm>>, %arg9: memref<100016xf32, #tpu.memory_space<vmem>>, %arg10: memref<6400xf32, #tpu.memory_space<vmem>>, %arg11: memref<6400xi32, #tpu.memory_space<vmem>>, %arg12: memref<6400xf32, #tpu.memory_space<vmem>>, %arg13: memref<128xi32, #tpu.memory_space<vmem>>, %arg14: memref<128xf32, #tpu.memory_space<vmem>>) attributes {dimension_semantics = [#tpu.dimension_semantics<core_parallel>, #tpu.dimension_semantics<subcore_parallel>], iteration_bounds = array<i64: 2, 16>, scalar_prefetch = 0 : i64, scratch_operands = 6 : i64, tpu.core_type = #tpu.core_type<sc_vector_subcore>, window_params = [{transform_indices = #map}, {transform_indices = #map}, {transform_indices = #map}, {transform_indices = #map}, {transform_indices = #map}, {transform_indices = #map}, {transform_indices = #map}]} {
    %mul3A = arith.constant 2 : i32
    %mul3A_0 = arith.muli %arg1, %mul3A : i32
    %add3A = arith.addi %mul3A_0, %arg0 : i32
    %mul3A_1 = arith.constant 25600 : i32
    %mul3A_2 = arith.muli %add3A, %mul3A_1 : i32
    "tpu.region"() ({
      %run_scoped3A = tpu.sem_alloc : memref<!tpu.dma_semaphore, #tpu.memory_space<semaphore_mem>>
      tpu.enqueue_dma source(%arg2 : memref<100016xf32, #tpu.memory_space<hbm>>) target(%arg9 : memref<100016xf32, #tpu.memory_space<vmem>>) target_semaphore(%run_scoped3A : memref<!tpu.dma_semaphore, #tpu.memory_space<semaphore_mem>>)
      tpu.wait_dma2 semaphore(%run_scoped3A : memref<!tpu.dma_semaphore, #tpu.memory_space<semaphore_mem>>) src(%arg2 : memref<100016xf32, #tpu.memory_space<hbm>>) dst(%arg9 : memref<100016xf32, #tpu.memory_space<vmem>>)
      tpu.yield
    }) : () -> ()
    %add3A_3 = arith.constant 0 : i32
    %add3A_4 = arith.addi %mul3A_2, %add3A_3 : i32
    "tpu.region"() ({
      %run_scoped3A = tpu.sem_alloc : memref<!tpu.dma_semaphore, #tpu.memory_space<semaphore_mem>>
      %dma_start3A = tpu.memref_slice %arg4[%add3A_4] : memref<819200xf32, #tpu.memory_space<hbm>> -> memref<6400xf32, #tpu.memory_space<hbm>>
      %dma_start3A_83 = tpu.memref_slice %arg4[%add3A_4] : memref<819200xf32, #tpu.memory_space<hbm>> -> memref<6400xf32, #tpu.memory_space<hbm>>
      tpu.enqueue_dma source(%dma_start3A_83 : memref<6400xf32, #tpu.memory_space<hbm>>) target(%arg10 : memref<6400xf32, #tpu.memory_space<vmem>>) target_semaphore(%run_scoped3A : memref<!tpu.dma_semaphore, #tpu.memory_space<semaphore_mem>>)
      %dma_wait3A = tpu.memref_slice %arg4[%add3A_4] : memref<819200xf32, #tpu.memory_space<hbm>> -> memref<6400xf32, #tpu.memory_space<hbm>>
      %dma_wait3A_84 = tpu.memref_slice %arg4[%add3A_4] : memref<819200xf32, #tpu.memory_space<hbm>> -> memref<6400xf32, #tpu.memory_space<hbm>>
      tpu.wait_dma2 semaphore(%run_scoped3A : memref<!tpu.dma_semaphore, #tpu.memory_space<semaphore_mem>>) src(%dma_wait3A_84 : memref<6400xf32, #tpu.memory_space<hbm>>) dst(%arg10 : memref<6400xf32, #tpu.memory_space<vmem>>)
      tpu.yield
    }) : () -> ()
    %scan3A = arith.constant 0 : i32
    %scan3A_5 = arith.constant 0 : i32
    %scan3A_6 = arith.constant 100 : i32
    %scan3A_7 = arith.addi %scan3A_5, %scan3A_6 : i32
    %scan3A_8 = arith.constant 1 : i32
    %scan3A_9 = scf.for %scan3A_83 = %scan3A_5 to %scan3A_7 step %scan3A_8 iter_args(%scan3A_84 = %scan3A) -> (i32)  : i32 {
      %mul3A_85 = arith.constant 64 : i32
      %mul3A_86 = arith.muli %scan3A_83, %mul3A_85 : i32
      %add3A_87 = arith.constant 0 : i32
      %add3A_88 = arith.addi %mul3A_86, %add3A_87 : i32
      %get3A = arith.index_cast %add3A_88 : i32 to index
      %get3A_89 = tpu.vector_load %arg10[%get3A] {strides = array<i32>} : memref<6400xf32, #tpu.memory_space<vmem>>, vector<16xf32>,
      %add3A_90 = arith.constant 16 : i32
      %add3A_91 = arith.addi %mul3A_86, %add3A_90 : i32
      %get3A_92 = arith.index_cast %add3A_91 : i32 to index
      %get3A_93 = tpu.vector_load %arg10[%get3A_92] {strides = array<i32>} : memref<6400xf32, #tpu.memory_space<vmem>>, vector<16xf32>,
      %add3A_94 = arith.constant 32 : i32
      %add3A_95 = arith.addi %mul3A_86, %add3A_94 : i32
      %get3A_96 = arith.index_cast %add3A_95 : i32 to index
      %get3A_97 = tpu.vector_load %arg10[%get3A_96] {strides = array<i32>} : memref<6400xf32, #tpu.memory_space<vmem>>, vector<16xf32>,
      %add3A_98 = arith.constant 48 : i32
      %add3A_99 = arith.addi %mul3A_86, %add3A_98 : i32
      %get3A_100 = arith.index_cast %add3A_99 : i32 to index
      %get3A_101 = tpu.vector_load %arg10[%get3A_100] {strides = array<i32>} : memref<6400xf32, #tpu.memory_space<vmem>>, vector<16xf32>,
      %broadcast_in_dim3A = arith.constant 0 : i32
      %broadcast_in_dim3A_102 = vector.broadcast %broadcast_in_dim3A : i32 to vector<16xi32>
      %broadcast_in_dim3A_103 = arith.constant 0 : i32
      %broadcast_in_dim3A_104 = vector.broadcast %broadcast_in_dim3A_103 : i32 to vector<16xi32>
      %broadcast_in_dim3A_105 = arith.constant 0 : i32
      %broadcast_in_dim3A_106 = vector.broadcast %broadcast_in_dim3A_105 : i32 to vector<16xi32>
      %broadcast_in_dim3A_107 = arith.constant 0 : i32
      %broadcast_in_dim3A_108 = vector.broadcast %broadcast_in_dim3A_107 : i32 to vector<16xi32>
      %broadcast_in_dim3A_109 = arith.constant 100001 : i32
      %broadcast_in_dim3A_110 = vector.broadcast %broadcast_in_dim3A_109 : i32 to vector<16xi32>
      %broadcast_in_dim3A_111 = arith.constant 100001 : i32
      %broadcast_in_dim3A_112 = vector.broadcast %broadcast_in_dim3A_111 : i32 to vector<16xi32>
      %broadcast_in_dim3A_113 = arith.constant 100001 : i32
      %broadcast_in_dim3A_114 = vector.broadcast %broadcast_in_dim3A_113 : i32 to vector<16xi32>
      %broadcast_in_dim3A_115 = arith.constant 100001 : i32
      %broadcast_in_dim3A_116 = vector.broadcast %broadcast_in_dim3A_115 : i32 to vector<16xi32>
      %add3A_117 = arith.addi %broadcast_in_dim3A_102, %broadcast_in_dim3A_110 : vector<16xi32>
      %shift_right_logical3A = arith.constant 1 : i32
      %shift_right_logical3A_118 = vector.broadcast %shift_right_logical3A : i32 to vector<16xi32>
      %shift_right_logical3A_119 = arith.shrui %add3A_117, %shift_right_logical3A_118 : vector<16xi32>
      %gather3A = tpu.vector_load_idx %arg9[%shift_right_logical3A_119] : memref<100016xf32, #tpu.memory_space<vmem>>[vector<16xi32>], vector<16xf32>,
      %lt3A = arith.cmpf olt, %gather3A, %get3A_89 : vector<16xf32>
      %add3A_120 = arith.constant 1 : i32
      %add3A_121 = vector.broadcast %add3A_120 : i32 to vector<16xi32>
      %add3A_122 = arith.addi %shift_right_logical3A_119, %add3A_121 : vector<16xi32>
      %select_n3A = arith.select %lt3A, %add3A_122, %broadcast_in_dim3A_102 : vector<16xi1>, vector<16xi32>
      %select_n3A_123 = arith.select %lt3A, %broadcast_in_dim3A_110, %shift_right_logical3A_119 : vector<16xi1>, vector<16xi32>
      %add3A_124 = arith.addi %broadcast_in_dim3A_104, %broadcast_in_dim3A_112 : vector<16xi32>
      %shift_right_logical3A_125 = arith.constant 1 : i32
      %shift_right_logical3A_126 = vector.broadcast %shift_right_logical3A_125 : i32 to vector<16xi32>
      %shift_right_logical3A_127 = arith.shrui %add3A_124, %shift_right_logical3A_126 : vector<16xi32>
      %gather3A_128 = tpu.vector_load_idx %arg9[%shift_right_logical3A_127] : memref<100016xf32, #tpu.memory_space<vmem>>[vector<16xi32>], vector<16xf32>,
      %lt3A_129 = arith.cmpf olt, %gather3A_128, %get3A_93 : vector<16xf32>
      %add3A_130 = arith.constant 1 : i32
      %add3A_131 = vector.broadcast %add3A_130 : i32 to vector<16xi32>
      %add3A_132 = arith.addi %shift_right_logical3A_127, %add3A_131 : vector<16xi32>
      %select_n3A_133 = arith.select %lt3A_129, %add3A_132, %broadcast_in_dim3A_104 : vector<16xi1>, vector<16xi32>
      %select_n3A_134 = arith.select %lt3A_129, %broadcast_in_dim3A_112, %shift_right_logical3A_127 : vector<16xi1>, vector<16xi32>
      %add3A_135 = arith.addi %broadcast_in_dim3A_106, %broadcast_in_dim3A_114 : vector<16xi32>
      %shift_right_logical3A_136 = arith.constant 1 : i32
      %shift_right_logical3A_137 = vector.broadcast %shift_right_logical3A_136 : i32 to vector<16xi32>
      %shift_right_logical3A_138 = arith.shrui %add3A_135, %shift_right_logical3A_137 : vector<16xi32>
      %gather3A_139 = tpu.vector_load_idx %arg9[%shift_right_logical3A_138] : memref<100016xf32, #tpu.memory_space<vmem>>[vector<16xi32>], vector<16xf32>,
      %lt3A_140 = arith.cmpf olt, %gather3A_139, %get3A_97 : vector<16xf32>
      %add3A_141 = arith.constant 1 : i32
      %add3A_142 = vector.broadcast %add3A_141 : i32 to vector<16xi32>
      %add3A_143 = arith.addi %shift_right_logical3A_138, %add3A_142 : vector<16xi32>
      %select_n3A_144 = arith.select %lt3A_140, %add3A_143, %broadcast_in_dim3A_106 : vector<16xi1>, vector<16xi32>
      %select_n3A_145 = arith.select %lt3A_140, %broadcast_in_dim3A_114, %shift_right_logical3A_138 : vector<16xi1>, vector<16xi32>
      %add3A_146 = arith.addi %broadcast_in_dim3A_108, %broadcast_in_dim3A_116 : vector<16xi32>
      %shift_right_logical3A_147 = arith.constant 1 : i32
      %shift_right_logical3A_148 = vector.broadcast %shift_right_logical3A_147 : i32 to vector<16xi32>
      %shift_right_logical3A_149 = arith.shrui %add3A_146, %shift_right_logical3A_148 : vector<16xi32>
      %gather3A_150 = tpu.vector_load_idx %arg9[%shift_right_logical3A_149] : memref<100016xf32, #tpu.memory_space<vmem>>[vector<16xi32>], vector<16xf32>,
      %lt3A_151 = arith.cmpf olt, %gather3A_150, %get3A_101 : vector<16xf32>
      %add3A_152 = arith.constant 1 : i32
      %add3A_153 = vector.broadcast %add3A_152 : i32 to vector<16xi32>
      %add3A_154 = arith.addi %shift_right_logical3A_149, %add3A_153 : vector<16xi32>
      %select_n3A_155 = arith.select %lt3A_151, %add3A_154, %broadcast_in_dim3A_108 : vector<16xi1>, vector<16xi32>
      %select_n3A_156 = arith.select %lt3A_151, %broadcast_in_dim3A_116, %shift_right_logical3A_149 : vector<16xi1>, vector<16xi32>
      %add3A_157 = arith.addi %select_n3A, %select_n3A_123 : vector<16xi32>
      %shift_right_logical3A_158 = arith.constant 1 : i32
      %shift_right_logical3A_159 = vector.broadcast %shift_right_logical3A_158 : i32 to vector<16xi32>
      %shift_right_logical3A_160 = arith.shrui %add3A_157, %shift_right_logical3A_159 : vector<16xi32>
      %gather3A_161 = tpu.vector_load_idx %arg9[%shift_right_logical3A_160] : memref<100016xf32, #tpu.memory_space<vmem>>[vector<16xi32>], vector<16xf32>,
      %lt3A_162 = arith.cmpf olt, %gather3A_161, %get3A_89 : vector<16xf32>
      %add3A_163 = arith.constant 1 : i32
      %add3A_164 = vector.broadcast %add3A_163 : i32 to vector<16xi32>
      %add3A_165 = arith.addi %shift_right_logical3A_160, %add3A_164 : vector<16xi32>
      %select_n3A_166 = arith.select %lt3A_162, %add3A_165, %select_n3A : vector<16xi1>, vector<16xi32>
      %select_n3A_167 = arith.select %lt3A_162, %select_n3A_123, %shift_right_logical3A_160 : vector<16xi1>, vector<16xi32>
      %add3A_168 = arith.addi %select_n3A_133, %select_n3A_134 : vector<16xi32>
      %shift_right_logical3A_169 = arith.constant 1 : i32
      %shift_right_logical3A_170 = vector.broadcast %shift_right_logical3A_169 : i32 to vector<16xi32>
      %shift_right_logical3A_171 = arith.shrui %add3A_168, %shift_right_logical3A_170 : vector<16xi32>
      %gather3A_172 = tpu.vector_load_idx %arg9[%shift_right_logical3A_171] : memref<100016xf32, #tpu.memory_space<vmem>>[vector<16xi32>], vector<16xf32>,
      %lt3A_173 = arith.cmpf olt, %gather3A_172, %get3A_93 : vector<16xf32>
      %add3A_174 = arith.constant 1 : i32
      %add3A_175 = vector.broadcast %add3A_174 : i32 to vector<16xi32>
      %add3A_176 = arith.addi %shift_right_logical3A_171, %add3A_175 : vector<16xi32>
      %select_n3A_177 = arith.select %lt3A_173, %add3A_176, %select_n3A_133 : vector<16xi1>, vector<16xi32>
      %select_n3A_178 = arith.select %lt3A_173, %select_n3A_134, %shift_right_logical3A_171 : vector<16xi1>, vector<16xi32>
      %add3A_179 = arith.addi %select_n3A_144, %select_n3A_145 : vector<16xi32>
      %shift_right_logical3A_180 = arith.constant 1 : i32
      %shift_right_logical3A_181 = vector.broadcast %shift_right_logical3A_180 : i32 to vector<16xi32>
      %shift_right_logical3A_182 = arith.shrui %add3A_179, %shift_right_logical3A_181 : vector<16xi32>
      %gather3A_183 = tpu.vector_load_idx %arg9[%shift_right_logical3A_182] : memref<100016xf32, #tpu.memory_space<vmem>>[vector<16xi32>], vector<16xf32>,
      %lt3A_184 = arith.cmpf olt, %gather3A_183, %get3A_97 : vector<16xf32>
      %add3A_185 = arith.constant 1 : i32
      %add3A_186 = vector.broadcast %add3A_185 : i32 to vector<16xi32>
      %add3A_187 = arith.addi %shift_right_logical3A_182, %add3A_186 : vector<16xi32>
      %select_n3A_188 = arith.select %lt3A_184, %add3A_187, %select_n3A_144 : vector<16xi1>, vector<16xi32>
      %select_n3A_189 = arith.select %lt3A_184, %select_n3A_145, %shift_right_logical3A_182 : vector<16xi1>, vector<16xi32>
      %add3A_190 = arith.addi %select_n3A_155, %select_n3A_156 : vector<16xi32>
      %shift_right_logical3A_191 = arith.constant 1 : i32
      %shift_right_logical3A_192 = vector.broadcast %shift_right_logical3A_191 : i32 to vector<16xi32>
      %shift_right_logical3A_193 = arith.shrui %add3A_190, %shift_right_logical3A_192 : vector<16xi32>
      %gather3A_194 = tpu.vector_load_idx %arg9[%shift_right_logical3A_193] : memref<100016xf32, #tpu.memory_space<vmem>>[vector<16xi32>], vector<16xf32>,
      %lt3A_195 = arith.cmpf olt, %gather3A_194, %get3A_101 : vector<16xf32>
      %add3A_196 = arith.constant 1 : i32
      %add3A_197 = vector.broadcast %add3A_196 : i32 to vector<16xi32>
      %add3A_198 = arith.addi %shift_right_logical3A_193, %add3A_197 : vector<16xi32>
      %select_n3A_199 = arith.select %lt3A_195, %add3A_198, %select_n3A_155 : vector<16xi1>, vector<16xi32>
      %select_n3A_200 = arith.select %lt3A_195, %select_n3A_156, %shift_right_logical3A_193 : vector<16xi1>, vector<16xi32>
      %add3A_201 = arith.addi %select_n3A_166, %select_n3A_167 : vector<16xi32>
      %shift_right_logical3A_202 = arith.constant 1 : i32
      %shift_right_logical3A_203 = vector.broadcast %shift_right_logical3A_202 : i32 to vector<16xi32>
      %shift_right_logical3A_204 = arith.shrui %add3A_201, %shift_right_logical3A_203 : vector<16xi32>
      %gather3A_205 = tpu.vector_load_idx %arg9[%shift_right_logical3A_204] : memref<100016xf32, #tpu.memory_space<vmem>>[vector<16xi32>], vector<16xf32>,
      %lt3A_206 = arith.cmpf olt, %gather3A_205, %get3A_89 : vector<16xf32>
      %add3A_207 = arith.constant 1 : i32
      %add3A_208 = vector.broadcast %add3A_207 : i32 to vector<16xi32>
      %add3A_209 = arith.addi %shift_right_logical3A_204, %add3A_208 : vector<16xi32>
      %select_n3A_210 = arith.select %lt3A_206, %add3A_209, %select_n3A_166 : vector<16xi1>, vector<16xi32>
      %select_n3A_211 = arith.select %lt3A_206, %select_n3A_167, %shift_right_logical3A_204 : vector<16xi1>, vector<16xi32>
      %add3A_212 = arith.addi %select_n3A_177, %select_n3A_178 : vector<16xi32>
      %shift_right_logical3A_213 = arith.constant 1 : i32
      %shift_right_logical3A_214 = vector.broadcast %shift_right_logical3A_213 : i32 to vector<16xi32>
      %shift_right_logical3A_215 = arith.shrui %add3A_212, %shift_right_logical3A_214 : vector<16xi32>
      %gather3A_216 = tpu.vector_load_idx %arg9[%shift_right_logical3A_215] : memref<100016xf32, #tpu.memory_space<vmem>>[vector<16xi32>], vector<16xf32>,
      %lt3A_217 = arith.cmpf olt, %gather3A_216, %get3A_93 : vector<16xf32>
      %add3A_218 = arith.constant 1 : i32
      %add3A_219 = vector.broadcast %add3A_218 : i32 to vector<16xi32>
      %add3A_220 = arith.addi %shift_right_logical3A_215, %add3A_219 : vector<16xi32>
      %select_n3A_221 = arith.select %lt3A_217, %add3A_220, %select_n3A_177 : vector<16xi1>, vector<16xi32>
      %select_n3A_222 = arith.select %lt3A_217, %select_n3A_178, %shift_right_logical3A_215 : vector<16xi1>, vector<16xi32>
      %add3A_223 = arith.addi %select_n3A_188, %select_n3A_189 : vector<16xi32>
      %shift_right_logical3A_224 = arith.constant 1 : i32
      %shift_right_logical3A_225 = vector.broadcast %shift_right_logical3A_224 : i32 to vector<16xi32>
      %shift_right_logical3A_226 = arith.shrui %add3A_223, %shift_right_logical3A_225 : vector<16xi32>
      %gather3A_227 = tpu.vector_load_idx %arg9[%shift_right_logical3A_226] : memref<100016xf32, #tpu.memory_space<vmem>>[vector<16xi32>], vector<16xf32>,
      %lt3A_228 = arith.cmpf olt, %gather3A_227, %get3A_97 : vector<16xf32>
      %add3A_229 = arith.constant 1 : i32
      %add3A_230 = vector.broadcast %add3A_229 : i32 to vector<16xi32>
      %add3A_231 = arith.addi %shift_right_logical3A_226, %add3A_230 : vector<16xi32>
      %select_n3A_232 = arith.select %lt3A_228, %add3A_231, %select_n3A_188 : vector<16xi1>, vector<16xi32>
      %select_n3A_233 = arith.select %lt3A_228, %select_n3A_189, %shift_right_logical3A_226 : vector<16xi1>, vector<16xi32>
      %add3A_234 = arith.addi %select_n3A_199, %select_n3A_200 : vector<16xi32>
      %shift_right_logical3A_235 = arith.constant 1 : i32
      %shift_right_logical3A_236 = vector.broadcast %shift_right_logical3A_235 : i32 to vector<16xi32>
      %shift_right_logical3A_237 = arith.shrui %add3A_234, %shift_right_logical3A_236 : vector<16xi32>
      %gather3A_238 = tpu.vector_load_idx %arg9[%shift_right_logical3A_237] : memref<100016xf32, #tpu.memory_space<vmem>>[vector<16xi32>], vector<16xf32>,
      %lt3A_239 = arith.cmpf olt, %gather3A_238, %get3A_101 : vector<16xf32>
      %add3A_240 = arith.constant 1 : i32
      %add3A_241 = vector.broadcast %add3A_240 : i32 to vector<16xi32>
      %add3A_242 = arith.addi %shift_right_logical3A_237, %add3A_241 : vector<16xi32>
      %select_n3A_243 = arith.select %lt3A_239, %add3A_242, %select_n3A_199 : vector<16xi1>, vector<16xi32>
      %select_n3A_244 = arith.select %lt3A_239, %select_n3A_200, %shift_right_logical3A_237 : vector<16xi1>, vector<16xi32>
      %add3A_245 = arith.addi %select_n3A_210, %select_n3A_211 : vector<16xi32>
      %shift_right_logical3A_246 = arith.constant 1 : i32
      %shift_right_logical3A_247 = vector.broadcast %shift_right_logical3A_246 : i32 to vector<16xi32>
      %shift_right_logical3A_248 = arith.shrui %add3A_245, %shift_right_logical3A_247 : vector<16xi32>
      %gather3A_249 = tpu.vector_load_idx %arg9[%shift_right_logical3A_248] : memref<100016xf32, #tpu.memory_space<vmem>>[vector<16xi32>], vector<16xf32>,
      %lt3A_250 = arith.cmpf olt, %gather3A_249, %get3A_89 : vector<16xf32>
      %add3A_251 = arith.constant 1 : i32
      %add3A_252 = vector.broadcast %add3A_251 : i32 to vector<16xi32>
      %add3A_253 = arith.addi %shift_right_logical3A_248, %add3A_252 : vector<16xi32>
      %select_n3A_254 = arith.select %lt3A_250, %add3A_253, %select_n3A_210 : vector<16xi1>, vector<16xi32>
      %select_n3A_255 = arith.select %lt3A_250, %select_n3A_211, %shift_right_logical3A_248 : vector<16xi1>, vector<16xi32>
      %add3A_256 = arith.addi %select_n3A_221, %select_n3A_222 : vector<16xi32>
      %shift_right_logical3A_257 = arith.constant 1 : i32
      %shift_right_logical3A_258 = vector.broadcast %shift_right_logical3A_257 : i32 to vector<16xi32>
      %shift_right_logical3A_259 = arith.shrui %add3A_256, %shift_right_logical3A_258 : vector<16xi32>
      %gather3A_260 = tpu.vector_load_idx %arg9[%shift_right_logical3A_259] : memref<100016xf32, #tpu.memory_space<vmem>>[vector<16xi32>], vector<16xf32>,
      %lt3A_261 = arith.cmpf olt, %gather3A_260, %get3A_93 : vector<16xf32>
      %add3A_262 = arith.constant 1 : i32
      %add3A_263 = vector.broadcast %add3A_262 : i32 to vector<16xi32>
      %add3A_264 = arith.addi %shift_right_logical3A_259, %add3A_263 : vector<16xi32>
      %select_n3A_265 = arith.select %lt3A_261, %add3A_264, %select_n3A_221 : vector<16xi1>, vector<16xi32>
      %select_n3A_266 = arith.select %lt3A_261, %select_n3A_222, %shift_right_logical3A_259 : vector<16xi1>, vector<16xi32>
      %add3A_267 = arith.addi %select_n3A_232, %select_n3A_233 : vector<16xi32>
      %shift_right_logical3A_268 = arith.constant 1 : i32
      %shift_right_logical3A_269 = vector.broadcast %shift_right_logical3A_268 : i32 to vector<16xi32>
      %shift_right_logical3A_270 = arith.shrui %add3A_267, %shift_right_logical3A_269 : vector<16xi32>
      %gather3A_271 = tpu.vector_load_idx %arg9[%shift_right_logical3A_270] : memref<100016xf32, #tpu.memory_space<vmem>>[vector<16xi32>], vector<16xf32>,
      %lt3A_272 = arith.cmpf olt, %gather3A_271, %get3A_97 : vector<16xf32>
      %add3A_273 = arith.constant 1 : i32
      %add3A_274 = vector.broadcast %add3A_273 : i32 to vector<16xi32>
      %add3A_275 = arith.addi %shift_right_logical3A_270, %add3A_274 : vector<16xi32>
      %select_n3A_276 = arith.select %lt3A_272, %add3A_275, %select_n3A_232 : vector<16xi1>, vector<16xi32>
      %select_n3A_277 = arith.select %lt3A_272, %select_n3A_233, %shift_right_logical3A_270 : vector<16xi1>, vector<16xi32>
      %add3A_278 = arith.addi %select_n3A_243, %select_n3A_244 : vector<16xi32>
      %shift_right_logical3A_279 = arith.constant 1 : i32
      %shift_right_logical3A_280 = vector.broadcast %shift_right_logical3A_279 : i32 to vector<16xi32>
      %shift_right_logical3A_281 = arith.shrui %add3A_278, %shift_right_logical3A_280 : vector<16xi32>
      %gather3A_282 = tpu.vector_load_idx %arg9[%shift_right_logical3A_281] : memref<100016xf32, #tpu.memory_space<vmem>>[vector<16xi32>], vector<16xf32>,
      %lt3A_283 = arith.cmpf olt, %gather3A_282, %get3A_101 : vector<16xf32>
      %add3A_284 = arith.constant 1 : i32
      %add3A_285 = vector.broadcast %add3A_284 : i32 to vector<16xi32>
      %add3A_286 = arith.addi %shift_right_logical3A_281, %add3A_285 : vector<16xi32>
      %select_n3A_287 = arith.select %lt3A_283, %add3A_286, %select_n3A_243 : vector<16xi1>, vector<16xi32>
      %select_n3A_288 = arith.select %lt3A_283, %select_n3A_244, %shift_right_logical3A_281 : vector<16xi1>, vector<16xi32>
      %add3A_289 = arith.addi %select_n3A_254, %select_n3A_255 : vector<16xi32>
      %shift_right_logical3A_290 = arith.constant 1 : i32
      %shift_right_logical3A_291 = vector.broadcast %shift_right_logical3A_290 : i32 to vector<16xi32>
      %shift_right_logical3A_292 = arith.shrui %add3A_289, %shift_right_logical3A_291 : vector<16xi32>
      %gather3A_293 = tpu.vector_load_idx %arg9[%shift_right_logical3A_292] : memref<100016xf32, #tpu.memory_space<vmem>>[vector<16xi32>], vector<16xf32>,
      %lt3A_294 = arith.cmpf olt, %gather3A_293, %get3A_89 : vector<16xf32>
      %add3A_295 = arith.constant 1 : i32
      %add3A_296 = vector.broadcast %add3A_295 : i32 to vector<16xi32>
      %add3A_297 = arith.addi %shift_right_logical3A_292, %add3A_296 : vector<16xi32>
      %select_n3A_298 = arith.select %lt3A_294, %add3A_297, %select_n3A_254 : vector<16xi1>, vector<16xi32>
      %select_n3A_299 = arith.select %lt3A_294, %select_n3A_255, %shift_right_logical3A_292 : vector<16xi1>, vector<16xi32>
      %add3A_300 = arith.addi %select_n3A_265, %select_n3A_266 : vector<16xi32>
      %shift_right_logical3A_301 = arith.constant 1 : i32
      %shift_right_logical3A_302 = vector.broadcast %shift_right_logical3A_301 : i32 to vector<16xi32>
      %shift_right_logical3A_303 = arith.shrui %add3A_300, %shift_right_logical3A_302 : vector<16xi32>
      %gather3A_304 = tpu.vector_load_idx %arg9[%shift_right_logical3A_303] : memref<100016xf32, #tpu.memory_space<vmem>>[vector<16xi32>], vector<16xf32>,
      %lt3A_305 = arith.cmpf olt, %gather3A_304, %get3A_93 : vector<16xf32>
      %add3A_306 = arith.constant 1 : i32
      %add3A_307 = vector.broadcast %add3A_306 : i32 to vector<16xi32>
      %add3A_308 = arith.addi %shift_right_logical3A_303, %add3A_307 : vector<16xi32>
      %select_n3A_309 = arith.select %lt3A_305, %add3A_308, %select_n3A_265 : vector<16xi1>, vector<16xi32>
      %select_n3A_310 = arith.select %lt3A_305, %select_n3A_266, %shift_right_logical3A_303 : vector<16xi1>, vector<16xi32>
      %add3A_311 = arith.addi %select_n3A_276, %select_n3A_277 : vector<16xi32>
      %shift_right_logical3A_312 = arith.constant 1 : i32
      %shift_right_logical3A_313 = vector.broadcast %shift_right_logical3A_312 : i32 to vector<16xi32>
      %shift_right_logical3A_314 = arith.shrui %add3A_311, %shift_right_logical3A_313 : vector<16xi32>
      %gather3A_315 = tpu.vector_load_idx %arg9[%shift_right_logical3A_314] : memref<100016xf32, #tpu.memory_space<vmem>>[vector<16xi32>], vector<16xf32>,
      %lt3A_316 = arith.cmpf olt, %gather3A_315, %get3A_97 : vector<16xf32>
      %add3A_317 = arith.constant 1 : i32
      %add3A_318 = vector.broadcast %add3A_317 : i32 to vector<16xi32>
      %add3A_319 = arith.addi %shift_right_logical3A_314, %add3A_318 : vector<16xi32>
      %select_n3A_320 = arith.select %lt3A_316, %add3A_319, %select_n3A_276 : vector<16xi1>, vector<16xi32>
      %select_n3A_321 = arith.select %lt3A_316, %select_n3A_277, %shift_right_logical3A_314 : vector<16xi1>, vector<16xi32>
      %add3A_322 = arith.addi %select_n3A_287, %select_n3A_288 : vector<16xi32>
      %shift_right_logical3A_323 = arith.constant 1 : i32
      %shift_right_logical3A_324 = vector.broadcast %shift_right_logical3A_323 : i32 to vector<16xi32>
      %shift_right_logical3A_325 = arith.shrui %add3A_322, %shift_right_logical3A_324 : vector<16xi32>
      %gather3A_326 = tpu.vector_load_idx %arg9[%shift_right_logical3A_325] : memref<100016xf32, #tpu.memory_space<vmem>>[vector<16xi32>], vector<16xf32>,
      %lt3A_327 = arith.cmpf olt, %gather3A_326, %get3A_101 : vector<16xf32>
      %add3A_328 = arith.constant 1 : i32
      %add3A_329 = vector.broadcast %add3A_328 : i32 to vector<16xi32>
      %add3A_330 = arith.addi %shift_right_logical3A_325, %add3A_329 : vector<16xi32>
      %select_n3A_331 = arith.select %lt3A_327, %add3A_330, %select_n3A_287 : vector<16xi1>, vector<16xi32>
      %select_n3A_332 = arith.select %lt3A_327, %select_n3A_288, %shift_right_logical3A_325 : vector<16xi1>, vector<16xi32>
      %add3A_333 = arith.addi %select_n3A_298, %select_n3A_299 : vector<16xi32>
      %shift_right_logical3A_334 = arith.constant 1 : i32
      %shift_right_logical3A_335 = vector.broadcast %shift_right_logical3A_334 : i32 to vector<16xi32>
      %shift_right_logical3A_336 = arith.shrui %add3A_333, %shift_right_logical3A_335 : vector<16xi32>
      %gather3A_337 = tpu.vector_load_idx %arg9[%shift_right_logical3A_336] : memref<100016xf32, #tpu.memory_space<vmem>>[vector<16xi32>], vector<16xf32>,
      %lt3A_338 = arith.cmpf olt, %gather3A_337, %get3A_89 : vector<16xf32>
      %add3A_339 = arith.constant 1 : i32
      %add3A_340 = vector.broadcast %add3A_339 : i32 to vector<16xi32>
      %add3A_341 = arith.addi %shift_right_logical3A_336, %add3A_340 : vector<16xi32>
      %select_n3A_342 = arith.select %lt3A_338, %add3A_341, %select_n3A_298 : vector<16xi1>, vector<16xi32>
      %select_n3A_343 = arith.select %lt3A_338, %select_n3A_299, %shift_right_logical3A_336 : vector<16xi1>, vector<16xi32>
      %add3A_344 = arith.addi %select_n3A_309, %select_n3A_310 : vector<16xi32>
      %shift_right_logical3A_345 = arith.constant 1 : i32
      %shift_right_logical3A_346 = vector.broadcast %shift_right_logical3A_345 : i32 to vector<16xi32>
      %shift_right_logical3A_347 = arith.shrui %add3A_344, %shift_right_logical3A_346 : vector<16xi32>
      %gather3A_348 = tpu.vector_load_idx %arg9[%shift_right_logical3A_347] : memref<100016xf32, #tpu.memory_space<vmem>>[vector<16xi32>], vector<16xf32>,
      %lt3A_349 = arith.cmpf olt, %gather3A_348, %get3A_93 : vector<16xf32>
      %add3A_350 = arith.constant 1 : i32
      %add3A_351 = vector.broadcast %add3A_350 : i32 to vector<16xi32>
      %add3A_352 = arith.addi %shift_right_logical3A_347, %add3A_351 : vector<16xi32>
      %select_n3A_353 = arith.select %lt3A_349, %add3A_352, %select_n3A_309 : vector<16xi1>, vector<16xi32>
      %select_n3A_354 = arith.select %lt3A_349, %select_n3A_310, %shift_right_logical3A_347 : vector<16xi1>, vector<16xi32>
      %add3A_355 = arith.addi %select_n3A_320, %select_n3A_321 : vector<16xi32>
      %shift_right_logical3A_356 = arith.constant 1 : i32
      %shift_right_logical3A_357 = vector.broadcast %shift_right_logical3A_356 : i32 to vector<16xi32>
      %shift_right_logical3A_358 = arith.shrui %add3A_355, %shift_right_logical3A_357 : vector<16xi32>
      %gather3A_359 = tpu.vector_load_idx %arg9[%shift_right_logical3A_358] : memref<100016xf32, #tpu.memory_space<vmem>>[vector<16xi32>], vector<16xf32>,
      %lt3A_360 = arith.cmpf olt, %gather3A_359, %get3A_97 : vector<16xf32>
      %add3A_361 = arith.constant 1 : i32
      %add3A_362 = vector.broadcast %add3A_361 : i32 to vector<16xi32>
      %add3A_363 = arith.addi %shift_right_logical3A_358, %add3A_362 : vector<16xi32>
      %select_n3A_364 = arith.select %lt3A_360, %add3A_363, %select_n3A_320 : vector<16xi1>, vector<16xi32>
      %select_n3A_365 = arith.select %lt3A_360, %select_n3A_321, %shift_right_logical3A_358 : vector<16xi1>, vector<16xi32>
      %add3A_366 = arith.addi %select_n3A_331, %select_n3A_332 : vector<16xi32>
      %shift_right_logical3A_367 = arith.constant 1 : i32
      %shift_right_logical3A_368 = vector.broadcast %shift_right_logical3A_367 : i32 to vector<16xi32>
      %shift_right_logical3A_369 = arith.shrui %add3A_366, %shift_right_logical3A_368 : vector<16xi32>
      %gather3A_370 = tpu.vector_load_idx %arg9[%shift_right_logical3A_369] : memref<100016xf32, #tpu.memory_space<vmem>>[vector<16xi32>], vector<16xf32>,
      %lt3A_371 = arith.cmpf olt, %gather3A_370, %get3A_101 : vector<16xf32>
      %add3A_372 = arith.constant 1 : i32
      %add3A_373 = vector.broadcast %add3A_372 : i32 to vector<16xi32>
      %add3A_374 = arith.addi %shift_right_logical3A_369, %add3A_373 : vector<16xi32>
      %select_n3A_375 = arith.select %lt3A_371, %add3A_374, %select_n3A_331 : vector<16xi1>, vector<16xi32>
      %select_n3A_376 = arith.select %lt3A_371, %select_n3A_332, %shift_right_logical3A_369 : vector<16xi1>, vector<16xi32>
      %add3A_377 = arith.addi %select_n3A_342, %select_n3A_343 : vector<16xi32>
      %shift_right_logical3A_378 = arith.constant 1 : i32
      %shift_right_logical3A_379 = vector.broadcast %shift_right_logical3A_378 : i32 to vector<16xi32>
      %shift_right_logical3A_380 = arith.shrui %add3A_377, %shift_right_logical3A_379 : vector<16xi32>
      %gather3A_381 = tpu.vector_load_idx %arg9[%shift_right_logical3A_380] : memref<100016xf32, #tpu.memory_space<vmem>>[vector<16xi32>], vector<16xf32>,
      %lt3A_382 = arith.cmpf olt, %gather3A_381, %get3A_89 : vector<16xf32>
      %add3A_383 = arith.constant 1 : i32
      %add3A_384 = vector.broadcast %add3A_383 : i32 to vector<16xi32>
      %add3A_385 = arith.addi %shift_right_logical3A_380, %add3A_384 : vector<16xi32>
      %select_n3A_386 = arith.select %lt3A_382, %add3A_385, %select_n3A_342 : vector<16xi1>, vector<16xi32>
      %select_n3A_387 = arith.select %lt3A_382, %select_n3A_343, %shift_right_logical3A_380 : vector<16xi1>, vector<16xi32>
      %add3A_388 = arith.addi %select_n3A_353, %select_n3A_354 : vector<16xi32>
      %shift_right_logical3A_389 = arith.constant 1 : i32
      %shift_right_logical3A_390 = vector.broadcast %shift_right_logical3A_389 : i32 to vector<16xi32>
      %shift_right_logical3A_391 = arith.shrui %add3A_388, %shift_right_logical3A_390 : vector<16xi32>
      %gather3A_392 = tpu.vector_load_idx %arg9[%shift_right_logical3A_391] : memref<100016xf32, #tpu.memory_space<vmem>>[vector<16xi32>], vector<16xf32>,
      %lt3A_393 = arith.cmpf olt, %gather3A_392, %get3A_93 : vector<16xf32>
      %add3A_394 = arith.constant 1 : i32
      %add3A_395 = vector.broadcast %add3A_394 : i32 to vector<16xi32>
      %add3A_396 = arith.addi %shift_right_logical3A_391, %add3A_395 : vector<16xi32>
      %select_n3A_397 = arith.select %lt3A_393, %add3A_396, %select_n3A_353 : vector<16xi1>, vector<16xi32>
      %select_n3A_398 = arith.select %lt3A_393, %select_n3A_354, %shift_right_logical3A_391 : vector<16xi1>, vector<16xi32>
      %add3A_399 = arith.addi %select_n3A_364, %select_n3A_365 : vector<16xi32>
      %shift_right_logical3A_400 = arith.constant 1 : i32
      %shift_right_logical3A_401 = vector.broadcast %shift_right_logical3A_400 : i32 to vector<16xi32>
      %shift_right_logical3A_402 = arith.shrui %add3A_399, %shift_right_logical3A_401 : vector<16xi32>
      %gather3A_403 = tpu.vector_load_idx %arg9[%shift_right_logical3A_402] : memref<100016xf32, #tpu.memory_space<vmem>>[vector<16xi32>], vector<16xf32>,
      %lt3A_404 = arith.cmpf olt, %gather3A_403, %get3A_97 : vector<16xf32>
      %add3A_405 = arith.constant 1 : i32
      %add3A_406 = vector.broadcast %add3A_405 : i32 to vector<16xi32>
      %add3A_407 = arith.addi %shift_right_logical3A_402, %add3A_406 : vector<16xi32>
      %select_n3A_408 = arith.select %lt3A_404, %add3A_407, %select_n3A_364 : vector<16xi1>, vector<16xi32>
      %select_n3A_409 = arith.select %lt3A_404, %select_n3A_365, %shift_right_logical3A_402 : vector<16xi1>, vector<16xi32>
      %add3A_410 = arith.addi %select_n3A_375, %select_n3A_376 : vector<16xi32>
      %shift_right_logical3A_411 = arith.constant 1 : i32
      %shift_right_logical3A_412 = vector.broadcast %shift_right_logical3A_411 : i32 to vector<16xi32>
      %shift_right_logical3A_413 = arith.shrui %add3A_410, %shift_right_logical3A_412 : vector<16xi32>
      %gather3A_414 = tpu.vector_load_idx %arg9[%shift_right_logical3A_413] : memref<100016xf32, #tpu.memory_space<vmem>>[vector<16xi32>], vector<16xf32>,
      %lt3A_415 = arith.cmpf olt, %gather3A_414, %get3A_101 : vector<16xf32>
      %add3A_416 = arith.constant 1 : i32
      %add3A_417 = vector.broadcast %add3A_416 : i32 to vector<16xi32>
      %add3A_418 = arith.addi %shift_right_logical3A_413, %add3A_417 : vector<16xi32>
      %select_n3A_419 = arith.select %lt3A_415, %add3A_418, %select_n3A_375 : vector<16xi1>, vector<16xi32>
      %select_n3A_420 = arith.select %lt3A_415, %select_n3A_376, %shift_right_logical3A_413 : vector<16xi1>, vector<16xi32>
      %add3A_421 = arith.addi %select_n3A_386, %select_n3A_387 : vector<16xi32>
      %shift_right_logical3A_422 = arith.constant 1 : i32
      %shift_right_logical3A_423 = vector.broadcast %shift_right_logical3A_422 : i32 to vector<16xi32>
      %shift_right_logical3A_424 = arith.shrui %add3A_421, %shift_right_logical3A_423 : vector<16xi32>
      %gather3A_425 = tpu.vector_load_idx %arg9[%shift_right_logical3A_424] : memref<100016xf32, #tpu.memory_space<vmem>>[vector<16xi32>], vector<16xf32>,
      %lt3A_426 = arith.cmpf olt, %gather3A_425, %get3A_89 : vector<16xf32>
      %add3A_427 = arith.constant 1 : i32
      %add3A_428 = vector.broadcast %add3A_427 : i32 to vector<16xi32>
      %add3A_429 = arith.addi %shift_right_logical3A_424, %add3A_428 : vector<16xi32>
      %select_n3A_430 = arith.select %lt3A_426, %add3A_429, %select_n3A_386 : vector<16xi1>, vector<16xi32>
      %select_n3A_431 = arith.select %lt3A_426, %select_n3A_387, %shift_right_logical3A_424 : vector<16xi1>, vector<16xi32>
      %add3A_432 = arith.addi %select_n3A_397, %select_n3A_398 : vector<16xi32>
      %shift_right_logical3A_433 = arith.constant 1 : i32
      %shift_right_logical3A_434 = vector.broadcast %shift_right_logical3A_433 : i32 to vector<16xi32>
      %shift_right_logical3A_435 = arith.shrui %add3A_432, %shift_right_logical3A_434 : vector<16xi32>
      %gather3A_436 = tpu.vector_load_idx %arg9[%shift_right_logical3A_435] : memref<100016xf32, #tpu.memory_space<vmem>>[vector<16xi32>], vector<16xf32>,
      %lt3A_437 = arith.cmpf olt, %gather3A_436, %get3A_93 : vector<16xf32>
      %add3A_438 = arith.constant 1 : i32
      %add3A_439 = vector.broadcast %add3A_438 : i32 to vector<16xi32>
      %add3A_440 = arith.addi %shift_right_logical3A_435, %add3A_439 : vector<16xi32>
      %select_n3A_441 = arith.select %lt3A_437, %add3A_440, %select_n3A_397 : vector<16xi1>, vector<16xi32>
      %select_n3A_442 = arith.select %lt3A_437, %select_n3A_398, %shift_right_logical3A_435 : vector<16xi1>, vector<16xi32>
      %add3A_443 = arith.addi %select_n3A_408, %select_n3A_409 : vector<16xi32>
      %shift_right_logical3A_444 = arith.constant 1 : i32
      %shift_right_logical3A_445 = vector.broadcast %shift_right_logical3A_444 : i32 to vector<16xi32>
      %shift_right_logical3A_446 = arith.shrui %add3A_443, %shift_right_logical3A_445 : vector<16xi32>
      %gather3A_447 = tpu.vector_load_idx %arg9[%shift_right_logical3A_446] : memref<100016xf32, #tpu.memory_space<vmem>>[vector<16xi32>], vector<16xf32>,
      %lt3A_448 = arith.cmpf olt, %gather3A_447, %get3A_97 : vector<16xf32>
      %add3A_449 = arith.constant 1 : i32
      %add3A_450 = vector.broadcast %add3A_449 : i32 to vector<16xi32>
      %add3A_451 = arith.addi %shift_right_logical3A_446, %add3A_450 : vector<16xi32>
      %select_n3A_452 = arith.select %lt3A_448, %add3A_451, %select_n3A_408 : vector<16xi1>, vector<16xi32>
      %select_n3A_453 = arith.select %lt3A_448, %select_n3A_409, %shift_right_logical3A_446 : vector<16xi1>, vector<16xi32>
      %add3A_454 = arith.addi %select_n3A_419, %select_n3A_420 : vector<16xi32>
      %shift_right_logical3A_455 = arith.constant 1 : i32
      %shift_right_logical3A_456 = vector.broadcast %shift_right_logical3A_455 : i32 to vector<16xi32>
      %shift_right_logical3A_457 = arith.shrui %add3A_454, %shift_right_logical3A_456 : vector<16xi32>
      %gather3A_458 = tpu.vector_load_idx %arg9[%shift_right_logical3A_457] : memref<100016xf32, #tpu.memory_space<vmem>>[vector<16xi32>], vector<16xf32>,
      %lt3A_459 = arith.cmpf olt, %gather3A_458, %get3A_101 : vector<16xf32>
      %add3A_460 = arith.constant 1 : i32
      %add3A_461 = vector.broadcast %add3A_460 : i32 to vector<16xi32>
      %add3A_462 = arith.addi %shift_right_logical3A_457, %add3A_461 : vector<16xi32>
      %select_n3A_463 = arith.select %lt3A_459, %add3A_462, %select_n3A_419 : vector<16xi1>, vector<16xi32>
      %select_n3A_464 = arith.select %lt3A_459, %select_n3A_420, %shift_right_logical3A_457 : vector<16xi1>, vector<16xi32>
      %add3A_465 = arith.addi %select_n3A_430, %select_n3A_431 : vector<16xi32>
      %shift_right_logical3A_466 = arith.constant 1 : i32
      %shift_right_logical3A_467 = vector.broadcast %shift_right_logical3A_466 : i32 to vector<16xi32>
      %shift_right_logical3A_468 = arith.shrui %add3A_465, %shift_right_logical3A_467 : vector<16xi32>
      %gather3A_469 = tpu.vector_load_idx %arg9[%shift_right_logical3A_468] : memref<100016xf32, #tpu.memory_space<vmem>>[vector<16xi32>], vector<16xf32>,
      %lt3A_470 = arith.cmpf olt, %gather3A_469, %get3A_89 : vector<16xf32>
      %add3A_471 = arith.constant 1 : i32
      %add3A_472 = vector.broadcast %add3A_471 : i32 to vector<16xi32>
      %add3A_473 = arith.addi %shift_right_logical3A_468, %add3A_472 : vector<16xi32>
      %select_n3A_474 = arith.select %lt3A_470, %add3A_473, %select_n3A_430 : vector<16xi1>, vector<16xi32>
      %select_n3A_475 = arith.select %lt3A_470, %select_n3A_431, %shift_right_logical3A_468 : vector<16xi1>, vector<16xi32>
      %add3A_476 = arith.addi %select_n3A_441, %select_n3A_442 : vector<16xi32>
      %shift_right_logical3A_477 = arith.constant 1 : i32
      %shift_right_logical3A_478 = vector.broadcast %shift_right_logical3A_477 : i32 to vector<16xi32>
      %shift_right_logical3A_479 = arith.shrui %add3A_476, %shift_right_logical3A_478 : vector<16xi32>
      %gather3A_480 = tpu.vector_load_idx %arg9[%shift_right_logical3A_479] : memref<100016xf32, #tpu.memory_space<vmem>>[vector<16xi32>], vector<16xf32>,
      %lt3A_481 = arith.cmpf olt, %gather3A_480, %get3A_93 : vector<16xf32>
      %add3A_482 = arith.constant 1 : i32
      %add3A_483 = vector.broadcast %add3A_482 : i32 to vector<16xi32>
      %add3A_484 = arith.addi %shift_right_logical3A_479, %add3A_483 : vector<16xi32>
      %select_n3A_485 = arith.select %lt3A_481, %add3A_484, %select_n3A_441 : vector<16xi1>, vector<16xi32>
      %select_n3A_486 = arith.select %lt3A_481, %select_n3A_442, %shift_right_logical3A_479 : vector<16xi1>, vector<16xi32>
      %add3A_487 = arith.addi %select_n3A_452, %select_n3A_453 : vector<16xi32>
      %shift_right_logical3A_488 = arith.constant 1 : i32
      %shift_right_logical3A_489 = vector.broadcast %shift_right_logical3A_488 : i32 to vector<16xi32>
      %shift_right_logical3A_490 = arith.shrui %add3A_487, %shift_right_logical3A_489 : vector<16xi32>
      %gather3A_491 = tpu.vector_load_idx %arg9[%shift_right_logical3A_490] : memref<100016xf32, #tpu.memory_space<vmem>>[vector<16xi32>], vector<16xf32>,
      %lt3A_492 = arith.cmpf olt, %gather3A_491, %get3A_97 : vector<16xf32>
      %add3A_493 = arith.constant 1 : i32
      %add3A_494 = vector.broadcast %add3A_493 : i32 to vector<16xi32>
      %add3A_495 = arith.addi %shift_right_logical3A_490, %add3A_494 : vector<16xi32>
      %select_n3A_496 = arith.select %lt3A_492, %add3A_495, %select_n3A_452 : vector<16xi1>, vector<16xi32>
      %select_n3A_497 = arith.select %lt3A_492, %select_n3A_453, %shift_right_logical3A_490 : vector<16xi1>, vector<16xi32>
      %add3A_498 = arith.addi %select_n3A_463, %select_n3A_464 : vector<16xi32>
      %shift_right_logical3A_499 = arith.constant 1 : i32
      %shift_right_logical3A_500 = vector.broadcast %shift_right_logical3A_499 : i32 to vector<16xi32>
      %shift_right_logical3A_501 = arith.shrui %add3A_498, %shift_right_logical3A_500 : vector<16xi32>
      %gather3A_502 = tpu.vector_load_idx %arg9[%shift_right_logical3A_501] : memref<100016xf32, #tpu.memory_space<vmem>>[vector<16xi32>], vector<16xf32>,
      %lt3A_503 = arith.cmpf olt, %gather3A_502, %get3A_101 : vector<16xf32>
      %add3A_504 = arith.constant 1 : i32
      %add3A_505 = vector.broadcast %add3A_504 : i32 to vector<16xi32>
      %add3A_506 = arith.addi %shift_right_logical3A_501, %add3A_505 : vector<16xi32>
      %select_n3A_507 = arith.select %lt3A_503, %add3A_506, %select_n3A_463 : vector<16xi1>, vector<16xi32>
      %select_n3A_508 = arith.select %lt3A_503, %select_n3A_464, %shift_right_logical3A_501 : vector<16xi1>, vector<16xi32>
      %add3A_509 = arith.addi %select_n3A_474, %select_n3A_475 : vector<16xi32>
      %shift_right_logical3A_510 = arith.constant 1 : i32
      %shift_right_logical3A_511 = vector.broadcast %shift_right_logical3A_510 : i32 to vector<16xi32>
      %shift_right_logical3A_512 = arith.shrui %add3A_509, %shift_right_logical3A_511 : vector<16xi32>
      %gather3A_513 = tpu.vector_load_idx %arg9[%shift_right_logical3A_512] : memref<100016xf32, #tpu.memory_space<vmem>>[vector<16xi32>], vector<16xf32>,
      %lt3A_514 = arith.cmpf olt, %gather3A_513, %get3A_89 : vector<16xf32>
      %add3A_515 = arith.constant 1 : i32
      %add3A_516 = vector.broadcast %add3A_515 : i32 to vector<16xi32>
      %add3A_517 = arith.addi %shift_right_logical3A_512, %add3A_516 : vector<16xi32>
      %select_n3A_518 = arith.select %lt3A_514, %add3A_517, %select_n3A_474 : vector<16xi1>, vector<16xi32>
      %select_n3A_519 = arith.select %lt3A_514, %select_n3A_475, %shift_right_logical3A_512 : vector<16xi1>, vector<16xi32>
      %add3A_520 = arith.addi %select_n3A_485, %select_n3A_486 : vector<16xi32>
      %shift_right_logical3A_521 = arith.constant 1 : i32
      %shift_right_logical3A_522 = vector.broadcast %shift_right_logical3A_521 : i32 to vector<16xi32>
      %shift_right_logical3A_523 = arith.shrui %add3A_520, %shift_right_logical3A_522 : vector<16xi32>
      %gather3A_524 = tpu.vector_load_idx %arg9[%shift_right_logical3A_523] : memref<100016xf32, #tpu.memory_space<vmem>>[vector<16xi32>], vector<16xf32>,
      %lt3A_525 = arith.cmpf olt, %gather3A_524, %get3A_93 : vector<16xf32>
      %add3A_526 = arith.constant 1 : i32
      %add3A_527 = vector.broadcast %add3A_526 : i32 to vector<16xi32>
      %add3A_528 = arith.addi %shift_right_logical3A_523, %add3A_527 : vector<16xi32>
      %select_n3A_529 = arith.select %lt3A_525, %add3A_528, %select_n3A_485 : vector<16xi1>, vector<16xi32>
      %select_n3A_530 = arith.select %lt3A_525, %select_n3A_486, %shift_right_logical3A_523 : vector<16xi1>, vector<16xi32>
      %add3A_531 = arith.addi %select_n3A_496, %select_n3A_497 : vector<16xi32>
      %shift_right_logical3A_532 = arith.constant 1 : i32
      %shift_right_logical3A_533 = vector.broadcast %shift_right_logical3A_532 : i32 to vector<16xi32>
      %shift_right_logical3A_534 = arith.shrui %add3A_531, %shift_right_logical3A_533 : vector<16xi32>
      %gather3A_535 = tpu.vector_load_idx %arg9[%shift_right_logical3A_534] : memref<100016xf32, #tpu.memory_space<vmem>>[vector<16xi32>], vector<16xf32>,
      %lt3A_536 = arith.cmpf olt, %gather3A_535, %get3A_97 : vector<16xf32>
      %add3A_537 = arith.constant 1 : i32
      %add3A_538 = vector.broadcast %add3A_537 : i32 to vector<16xi32>
      %add3A_539 = arith.addi %shift_right_logical3A_534, %add3A_538 : vector<16xi32>
      %select_n3A_540 = arith.select %lt3A_536, %add3A_539, %select_n3A_496 : vector<16xi1>, vector<16xi32>
      %select_n3A_541 = arith.select %lt3A_536, %select_n3A_497, %shift_right_logical3A_534 : vector<16xi1>, vector<16xi32>
      %add3A_542 = arith.addi %select_n3A_507, %select_n3A_508 : vector<16xi32>
      %shift_right_logical3A_543 = arith.constant 1 : i32
      %shift_right_logical3A_544 = vector.broadcast %shift_right_logical3A_543 : i32 to vector<16xi32>
      %shift_right_logical3A_545 = arith.shrui %add3A_542, %shift_right_logical3A_544 : vector<16xi32>
      %gather3A_546 = tpu.vector_load_idx %arg9[%shift_right_logical3A_545] : memref<100016xf32, #tpu.memory_space<vmem>>[vector<16xi32>], vector<16xf32>,
      %lt3A_547 = arith.cmpf olt, %gather3A_546, %get3A_101 : vector<16xf32>
      %add3A_548 = arith.constant 1 : i32
      %add3A_549 = vector.broadcast %add3A_548 : i32 to vector<16xi32>
      %add3A_550 = arith.addi %shift_right_logical3A_545, %add3A_549 : vector<16xi32>
      %select_n3A_551 = arith.select %lt3A_547, %add3A_550, %select_n3A_507 : vector<16xi1>, vector<16xi32>
      %select_n3A_552 = arith.select %lt3A_547, %select_n3A_508, %shift_right_logical3A_545 : vector<16xi1>, vector<16xi32>
      %add3A_553 = arith.addi %select_n3A_518, %select_n3A_519 : vector<16xi32>
      %shift_right_logical3A_554 = arith.constant 1 : i32
      %shift_right_logical3A_555 = vector.broadcast %shift_right_logical3A_554 : i32 to vector<16xi32>
      %shift_right_logical3A_556 = arith.shrui %add3A_553, %shift_right_logical3A_555 : vector<16xi32>
      %gather3A_557 = tpu.vector_load_idx %arg9[%shift_right_logical3A_556] : memref<100016xf32, #tpu.memory_space<vmem>>[vector<16xi32>], vector<16xf32>,
      %lt3A_558 = arith.cmpf olt, %gather3A_557, %get3A_89 : vector<16xf32>
      %add3A_559 = arith.constant 1 : i32
      %add3A_560 = vector.broadcast %add3A_559 : i32 to vector<16xi32>
      %add3A_561 = arith.addi %shift_right_logical3A_556, %add3A_560 : vector<16xi32>
      %select_n3A_562 = arith.select %lt3A_558, %add3A_561, %select_n3A_518 : vector<16xi1>, vector<16xi32>
      %select_n3A_563 = arith.select %lt3A_558, %select_n3A_519, %shift_right_logical3A_556 : vector<16xi1>, vector<16xi32>
      %add3A_564 = arith.addi %select_n3A_529, %select_n3A_530 : vector<16xi32>
      %shift_right_logical3A_565 = arith.constant 1 : i32
      %shift_right_logical3A_566 = vector.broadcast %shift_right_logical3A_565 : i32 to vector<16xi32>
      %shift_right_logical3A_567 = arith.shrui %add3A_564, %shift_right_logical3A_566 : vector<16xi32>
      %gather3A_568 = tpu.vector_load_idx %arg9[%shift_right_logical3A_567] : memref<100016xf32, #tpu.memory_space<vmem>>[vector<16xi32>], vector<16xf32>,
      %lt3A_569 = arith.cmpf olt, %gather3A_568, %get3A_93 : vector<16xf32>
      %add3A_570 = arith.constant 1 : i32
      %add3A_571 = vector.broadcast %add3A_570 : i32 to vector<16xi32>
      %add3A_572 = arith.addi %shift_right_logical3A_567, %add3A_571 : vector<16xi32>
      %select_n3A_573 = arith.select %lt3A_569, %add3A_572, %select_n3A_529 : vector<16xi1>, vector<16xi32>
      %select_n3A_574 = arith.select %lt3A_569, %select_n3A_530, %shift_right_logical3A_567 : vector<16xi1>, vector<16xi32>
      %add3A_575 = arith.addi %select_n3A_540, %select_n3A_541 : vector<16xi32>
      %shift_right_logical3A_576 = arith.constant 1 : i32
      %shift_right_logical3A_577 = vector.broadcast %shift_right_logical3A_576 : i32 to vector<16xi32>
      %shift_right_logical3A_578 = arith.shrui %add3A_575, %shift_right_logical3A_577 : vector<16xi32>
      %gather3A_579 = tpu.vector_load_idx %arg9[%shift_right_logical3A_578] : memref<100016xf32, #tpu.memory_space<vmem>>[vector<16xi32>], vector<16xf32>,
      %lt3A_580 = arith.cmpf olt, %gather3A_579, %get3A_97 : vector<16xf32>
      %add3A_581 = arith.constant 1 : i32
      %add3A_582 = vector.broadcast %add3A_581 : i32 to vector<16xi32>
      %add3A_583 = arith.addi %shift_right_logical3A_578, %add3A_582 : vector<16xi32>
      %select_n3A_584 = arith.select %lt3A_580, %add3A_583, %select_n3A_540 : vector<16xi1>, vector<16xi32>
      %select_n3A_585 = arith.select %lt3A_580, %select_n3A_541, %shift_right_logical3A_578 : vector<16xi1>, vector<16xi32>
      %add3A_586 = arith.addi %select_n3A_551, %select_n3A_552 : vector<16xi32>
      %shift_right_logical3A_587 = arith.constant 1 : i32
      %shift_right_logical3A_588 = vector.broadcast %shift_right_logical3A_587 : i32 to vector<16xi32>
      %shift_right_logical3A_589 = arith.shrui %add3A_586, %shift_right_logical3A_588 : vector<16xi32>
      %gather3A_590 = tpu.vector_load_idx %arg9[%shift_right_logical3A_589] : memref<100016xf32, #tpu.memory_space<vmem>>[vector<16xi32>], vector<16xf32>,
      %lt3A_591 = arith.cmpf olt, %gather3A_590, %get3A_101 : vector<16xf32>
      %add3A_592 = arith.constant 1 : i32
      %add3A_593 = vector.broadcast %add3A_592 : i32 to vector<16xi32>
      %add3A_594 = arith.addi %shift_right_logical3A_589, %add3A_593 : vector<16xi32>
      %select_n3A_595 = arith.select %lt3A_591, %add3A_594, %select_n3A_551 : vector<16xi1>, vector<16xi32>
      %select_n3A_596 = arith.select %lt3A_591, %select_n3A_552, %shift_right_logical3A_589 : vector<16xi1>, vector<16xi32>
      %add3A_597 = arith.addi %select_n3A_562, %select_n3A_563 : vector<16xi32>
      %shift_right_logical3A_598 = arith.constant 1 : i32
      %shift_right_logical3A_599 = vector.broadcast %shift_right_logical3A_598 : i32 to vector<16xi32>
      %shift_right_logical3A_600 = arith.shrui %add3A_597, %shift_right_logical3A_599 : vector<16xi32>
      %gather3A_601 = tpu.vector_load_idx %arg9[%shift_right_logical3A_600] : memref<100016xf32, #tpu.memory_space<vmem>>[vector<16xi32>], vector<16xf32>,
      %lt3A_602 = arith.cmpf olt, %gather3A_601, %get3A_89 : vector<16xf32>
      %add3A_603 = arith.constant 1 : i32
      %add3A_604 = vector.broadcast %add3A_603 : i32 to vector<16xi32>
      %add3A_605 = arith.addi %shift_right_logical3A_600, %add3A_604 : vector<16xi32>
      %select_n3A_606 = arith.select %lt3A_602, %add3A_605, %select_n3A_562 : vector<16xi1>, vector<16xi32>
      %select_n3A_607 = arith.select %lt3A_602, %select_n3A_563, %shift_right_logical3A_600 : vector<16xi1>, vector<16xi32>
      %add3A_608 = arith.addi %select_n3A_573, %select_n3A_574 : vector<16xi32>
      %shift_right_logical3A_609 = arith.constant 1 : i32
      %shift_right_logical3A_610 = vector.broadcast %shift_right_logical3A_609 : i32 to vector<16xi32>
      %shift_right_logical3A_611 = arith.shrui %add3A_608, %shift_right_logical3A_610 : vector<16xi32>
      %gather3A_612 = tpu.vector_load_idx %arg9[%shift_right_logical3A_611] : memref<100016xf32, #tpu.memory_space<vmem>>[vector<16xi32>], vector<16xf32>,
      %lt3A_613 = arith.cmpf olt, %gather3A_612, %get3A_93 : vector<16xf32>
      %add3A_614 = arith.constant 1 : i32
      %add3A_615 = vector.broadcast %add3A_614 : i32 to vector<16xi32>
      %add3A_616 = arith.addi %shift_right_logical3A_611, %add3A_615 : vector<16xi32>
      %select_n3A_617 = arith.select %lt3A_613, %add3A_616, %select_n3A_573 : vector<16xi1>, vector<16xi32>
      %select_n3A_618 = arith.select %lt3A_613, %select_n3A_574, %shift_right_logical3A_611 : vector<16xi1>, vector<16xi32>
      %add3A_619 = arith.addi %select_n3A_584, %select_n3A_585 : vector<16xi32>
      %shift_right_logical3A_620 = arith.constant 1 : i32
      %shift_right_logical3A_621 = vector.broadcast %shift_right_logical3A_620 : i32 to vector<16xi32>
      %shift_right_logical3A_622 = arith.shrui %add3A_619, %shift_right_logical3A_621 : vector<16xi32>
      %gather3A_623 = tpu.vector_load_idx %arg9[%shift_right_logical3A_622] : memref<100016xf32, #tpu.memory_space<vmem>>[vector<16xi32>], vector<16xf32>,
      %lt3A_624 = arith.cmpf olt, %gather3A_623, %get3A_97 : vector<16xf32>
      %add3A_625 = arith.constant 1 : i32
      %add3A_626 = vector.broadcast %add3A_625 : i32 to vector<16xi32>
      %add3A_627 = arith.addi %shift_right_logical3A_622, %add3A_626 : vector<16xi32>
      %select_n3A_628 = arith.select %lt3A_624, %add3A_627, %select_n3A_584 : vector<16xi1>, vector<16xi32>
      %select_n3A_629 = arith.select %lt3A_624, %select_n3A_585, %shift_right_logical3A_622 : vector<16xi1>, vector<16xi32>
      %add3A_630 = arith.addi %select_n3A_595, %select_n3A_596 : vector<16xi32>
      %shift_right_logical3A_631 = arith.constant 1 : i32
      %shift_right_logical3A_632 = vector.broadcast %shift_right_logical3A_631 : i32 to vector<16xi32>
      %shift_right_logical3A_633 = arith.shrui %add3A_630, %shift_right_logical3A_632 : vector<16xi32>
      %gather3A_634 = tpu.vector_load_idx %arg9[%shift_right_logical3A_633] : memref<100016xf32, #tpu.memory_space<vmem>>[vector<16xi32>], vector<16xf32>,
      %lt3A_635 = arith.cmpf olt, %gather3A_634, %get3A_101 : vector<16xf32>
      %add3A_636 = arith.constant 1 : i32
      %add3A_637 = vector.broadcast %add3A_636 : i32 to vector<16xi32>
      %add3A_638 = arith.addi %shift_right_logical3A_633, %add3A_637 : vector<16xi32>
      %select_n3A_639 = arith.select %lt3A_635, %add3A_638, %select_n3A_595 : vector<16xi1>, vector<16xi32>
      %select_n3A_640 = arith.select %lt3A_635, %select_n3A_596, %shift_right_logical3A_633 : vector<16xi1>, vector<16xi32>
      %add3A_641 = arith.addi %select_n3A_606, %select_n3A_607 : vector<16xi32>
      %shift_right_logical3A_642 = arith.constant 1 : i32
      %shift_right_logical3A_643 = vector.broadcast %shift_right_logical3A_642 : i32 to vector<16xi32>
      %shift_right_logical3A_644 = arith.shrui %add3A_641, %shift_right_logical3A_643 : vector<16xi32>
      %gather3A_645 = tpu.vector_load_idx %arg9[%shift_right_logical3A_644] : memref<100016xf32, #tpu.memory_space<vmem>>[vector<16xi32>], vector<16xf32>,
      %lt3A_646 = arith.cmpf olt, %gather3A_645, %get3A_89 : vector<16xf32>
      %add3A_647 = arith.constant 1 : i32
      %add3A_648 = vector.broadcast %add3A_647 : i32 to vector<16xi32>
      %add3A_649 = arith.addi %shift_right_logical3A_644, %add3A_648 : vector<16xi32>
      %select_n3A_650 = arith.select %lt3A_646, %add3A_649, %select_n3A_606 : vector<16xi1>, vector<16xi32>
      %select_n3A_651 = arith.select %lt3A_646, %select_n3A_607, %shift_right_logical3A_644 : vector<16xi1>, vector<16xi32>
      %add3A_652 = arith.addi %select_n3A_617, %select_n3A_618 : vector<16xi32>
      %shift_right_logical3A_653 = arith.constant 1 : i32
      %shift_right_logical3A_654 = vector.broadcast %shift_right_logical3A_653 : i32 to vector<16xi32>
      %shift_right_logical3A_655 = arith.shrui %add3A_652, %shift_right_logical3A_654 : vector<16xi32>
      %gather3A_656 = tpu.vector_load_idx %arg9[%shift_right_logical3A_655] : memref<100016xf32, #tpu.memory_space<vmem>>[vector<16xi32>], vector<16xf32>,
      %lt3A_657 = arith.cmpf olt, %gather3A_656, %get3A_93 : vector<16xf32>
      %add3A_658 = arith.constant 1 : i32
      %add3A_659 = vector.broadcast %add3A_658 : i32 to vector<16xi32>
      %add3A_660 = arith.addi %shift_right_logical3A_655, %add3A_659 : vector<16xi32>
      %select_n3A_661 = arith.select %lt3A_657, %add3A_660, %select_n3A_617 : vector<16xi1>, vector<16xi32>
      %select_n3A_662 = arith.select %lt3A_657, %select_n3A_618, %shift_right_logical3A_655 : vector<16xi1>, vector<16xi32>
      %add3A_663 = arith.addi %select_n3A_628, %select_n3A_629 : vector<16xi32>
      %shift_right_logical3A_664 = arith.constant 1 : i32
      %shift_right_logical3A_665 = vector.broadcast %shift_right_logical3A_664 : i32 to vector<16xi32>
      %shift_right_logical3A_666 = arith.shrui %add3A_663, %shift_right_logical3A_665 : vector<16xi32>
      %gather3A_667 = tpu.vector_load_idx %arg9[%shift_right_logical3A_666] : memref<100016xf32, #tpu.memory_space<vmem>>[vector<16xi32>], vector<16xf32>,
      %lt3A_668 = arith.cmpf olt, %gather3A_667, %get3A_97 : vector<16xf32>
      %add3A_669 = arith.constant 1 : i32
      %add3A_670 = vector.broadcast %add3A_669 : i32 to vector<16xi32>
      %add3A_671 = arith.addi %shift_right_logical3A_666, %add3A_670 : vector<16xi32>
      %select_n3A_672 = arith.select %lt3A_668, %add3A_671, %select_n3A_628 : vector<16xi1>, vector<16xi32>
      %select_n3A_673 = arith.select %lt3A_668, %select_n3A_629, %shift_right_logical3A_666 : vector<16xi1>, vector<16xi32>
      %add3A_674 = arith.addi %select_n3A_639, %select_n3A_640 : vector<16xi32>
      %shift_right_logical3A_675 = arith.constant 1 : i32
      %shift_right_logical3A_676 = vector.broadcast %shift_right_logical3A_675 : i32 to vector<16xi32>
      %shift_right_logical3A_677 = arith.shrui %add3A_674, %shift_right_logical3A_676 : vector<16xi32>
      %gather3A_678 = tpu.vector_load_idx %arg9[%shift_right_logical3A_677] : memref<100016xf32, #tpu.memory_space<vmem>>[vector<16xi32>], vector<16xf32>,
      %lt3A_679 = arith.cmpf olt, %gather3A_678, %get3A_101 : vector<16xf32>
      %add3A_680 = arith.constant 1 : i32
      %add3A_681 = vector.broadcast %add3A_680 : i32 to vector<16xi32>
      %add3A_682 = arith.addi %shift_right_logical3A_677, %add3A_681 : vector<16xi32>
      %select_n3A_683 = arith.select %lt3A_679, %add3A_682, %select_n3A_639 : vector<16xi1>, vector<16xi32>
      %select_n3A_684 = arith.select %lt3A_679, %select_n3A_640, %shift_right_logical3A_677 : vector<16xi1>, vector<16xi32>
      %add3A_685 = arith.addi %select_n3A_650, %select_n3A_651 : vector<16xi32>
      %shift_right_logical3A_686 = arith.constant 1 : i32
      %shift_right_logical3A_687 = vector.broadcast %shift_right_logical3A_686 : i32 to vector<16xi32>
      %shift_right_logical3A_688 = arith.shrui %add3A_685, %shift_right_logical3A_687 : vector<16xi32>
      %gather3A_689 = tpu.vector_load_idx %arg9[%shift_right_logical3A_688] : memref<100016xf32, #tpu.memory_space<vmem>>[vector<16xi32>], vector<16xf32>,
      %lt3A_690 = arith.cmpf olt, %gather3A_689, %get3A_89 : vector<16xf32>
      %add3A_691 = arith.constant 1 : i32
      %add3A_692 = vector.broadcast %add3A_691 : i32 to vector<16xi32>
      %add3A_693 = arith.addi %shift_right_logical3A_688, %add3A_692 : vector<16xi32>
      %select_n3A_694 = arith.select %lt3A_690, %add3A_693, %select_n3A_650 : vector<16xi1>, vector<16xi32>
      %select_n3A_695 = arith.select %lt3A_690, %select_n3A_651, %shift_right_logical3A_688 : vector<16xi1>, vector<16xi32>
      %add3A_696 = arith.addi %select_n3A_661, %select_n3A_662 : vector<16xi32>
      %shift_right_logical3A_697 = arith.constant 1 : i32
      %shift_right_logical3A_698 = vector.broadcast %shift_right_logical3A_697 : i32 to vector<16xi32>
      %shift_right_logical3A_699 = arith.shrui %add3A_696, %shift_right_logical3A_698 : vector<16xi32>
      %gather3A_700 = tpu.vector_load_idx %arg9[%shift_right_logical3A_699] : memref<100016xf32, #tpu.memory_space<vmem>>[vector<16xi32>], vector<16xf32>,
      %lt3A_701 = arith.cmpf olt, %gather3A_700, %get3A_93 : vector<16xf32>
      %add3A_702 = arith.constant 1 : i32
      %add3A_703 = vector.broadcast %add3A_702 : i32 to vector<16xi32>
      %add3A_704 = arith.addi %shift_right_logical3A_699, %add3A_703 : vector<16xi32>
      %select_n3A_705 = arith.select %lt3A_701, %add3A_704, %select_n3A_661 : vector<16xi1>, vector<16xi32>
      %select_n3A_706 = arith.select %lt3A_701, %select_n3A_662, %shift_right_logical3A_699 : vector<16xi1>, vector<16xi32>
      %add3A_707 = arith.addi %select_n3A_672, %select_n3A_673 : vector<16xi32>
      %shift_right_logical3A_708 = arith.constant 1 : i32
      %shift_right_logical3A_709 = vector.broadcast %shift_right_logical3A_708 : i32 to vector<16xi32>
      %shift_right_logical3A_710 = arith.shrui %add3A_707, %shift_right_logical3A_709 : vector<16xi32>
      %gather3A_711 = tpu.vector_load_idx %arg9[%shift_right_logical3A_710] : memref<100016xf32, #tpu.memory_space<vmem>>[vector<16xi32>], vector<16xf32>,
      %lt3A_712 = arith.cmpf olt, %gather3A_711, %get3A_97 : vector<16xf32>
      %add3A_713 = arith.constant 1 : i32
      %add3A_714 = vector.broadcast %add3A_713 : i32 to vector<16xi32>
      %add3A_715 = arith.addi %shift_right_logical3A_710, %add3A_714 : vector<16xi32>
      %select_n3A_716 = arith.select %lt3A_712, %add3A_715, %select_n3A_672 : vector<16xi1>, vector<16xi32>
      %select_n3A_717 = arith.select %lt3A_712, %select_n3A_673, %shift_right_logical3A_710 : vector<16xi1>, vector<16xi32>
      %add3A_718 = arith.addi %select_n3A_683, %select_n3A_684 : vector<16xi32>
      %shift_right_logical3A_719 = arith.constant 1 : i32
      %shift_right_logical3A_720 = vector.broadcast %shift_right_logical3A_719 : i32 to vector<16xi32>
      %shift_right_logical3A_721 = arith.shrui %add3A_718, %shift_right_logical3A_720 : vector<16xi32>
      %gather3A_722 = tpu.vector_load_idx %arg9[%shift_right_logical3A_721] : memref<100016xf32, #tpu.memory_space<vmem>>[vector<16xi32>], vector<16xf32>,
      %lt3A_723 = arith.cmpf olt, %gather3A_722, %get3A_101 : vector<16xf32>
      %add3A_724 = arith.constant 1 : i32
      %add3A_725 = vector.broadcast %add3A_724 : i32 to vector<16xi32>
      %add3A_726 = arith.addi %shift_right_logical3A_721, %add3A_725 : vector<16xi32>
      %select_n3A_727 = arith.select %lt3A_723, %add3A_726, %select_n3A_683 : vector<16xi1>, vector<16xi32>
      %select_n3A_728 = arith.select %lt3A_723, %select_n3A_684, %shift_right_logical3A_721 : vector<16xi1>, vector<16xi32>
      %add3A_729 = arith.addi %select_n3A_694, %select_n3A_695 : vector<16xi32>
      %shift_right_logical3A_730 = arith.constant 1 : i32
      %shift_right_logical3A_731 = vector.broadcast %shift_right_logical3A_730 : i32 to vector<16xi32>
      %shift_right_logical3A_732 = arith.shrui %add3A_729, %shift_right_logical3A_731 : vector<16xi32>
      %gather3A_733 = tpu.vector_load_idx %arg9[%shift_right_logical3A_732] : memref<100016xf32, #tpu.memory_space<vmem>>[vector<16xi32>], vector<16xf32>,
      %lt3A_734 = arith.cmpf olt, %gather3A_733, %get3A_89 : vector<16xf32>
      %add3A_735 = arith.constant 1 : i32
      %add3A_736 = vector.broadcast %add3A_735 : i32 to vector<16xi32>
      %add3A_737 = arith.addi %shift_right_logical3A_732, %add3A_736 : vector<16xi32>
      %select_n3A_738 = arith.select %lt3A_734, %add3A_737, %select_n3A_694 : vector<16xi1>, vector<16xi32>
      %select_n3A_739 = arith.select %lt3A_734, %select_n3A_695, %shift_right_logical3A_732 : vector<16xi1>, vector<16xi32>
      %add3A_740 = arith.addi %select_n3A_705, %select_n3A_706 : vector<16xi32>
      %shift_right_logical3A_741 = arith.constant 1 : i32
      %shift_right_logical3A_742 = vector.broadcast %shift_right_logical3A_741 : i32 to vector<16xi32>
      %shift_right_logical3A_743 = arith.shrui %add3A_740, %shift_right_logical3A_742 : vector<16xi32>
      %gather3A_744 = tpu.vector_load_idx %arg9[%shift_right_logical3A_743] : memref<100016xf32, #tpu.memory_space<vmem>>[vector<16xi32>], vector<16xf32>,
      %lt3A_745 = arith.cmpf olt, %gather3A_744, %get3A_93 : vector<16xf32>
      %add3A_746 = arith.constant 1 : i32
      %add3A_747 = vector.broadcast %add3A_746 : i32 to vector<16xi32>
      %add3A_748 = arith.addi %shift_right_logical3A_743, %add3A_747 : vector<16xi32>
      %select_n3A_749 = arith.select %lt3A_745, %add3A_748, %select_n3A_705 : vector<16xi1>, vector<16xi32>
      %select_n3A_750 = arith.select %lt3A_745, %select_n3A_706, %shift_right_logical3A_743 : vector<16xi1>, vector<16xi32>
      %add3A_751 = arith.addi %select_n3A_716, %select_n3A_717 : vector<16xi32>
      %shift_right_logical3A_752 = arith.constant 1 : i32
      %shift_right_logical3A_753 = vector.broadcast %shift_right_logical3A_752 : i32 to vector<16xi32>
      %shift_right_logical3A_754 = arith.shrui %add3A_751, %shift_right_logical3A_753 : vector<16xi32>
      %gather3A_755 = tpu.vector_load_idx %arg9[%shift_right_logical3A_754] : memref<100016xf32, #tpu.memory_space<vmem>>[vector<16xi32>], vector<16xf32>,
      %lt3A_756 = arith.cmpf olt, %gather3A_755, %get3A_97 : vector<16xf32>
      %add3A_757 = arith.constant 1 : i32
      %add3A_758 = vector.broadcast %add3A_757 : i32 to vector<16xi32>
      %add3A_759 = arith.addi %shift_right_logical3A_754, %add3A_758 : vector<16xi32>
      %select_n3A_760 = arith.select %lt3A_756, %add3A_759, %select_n3A_716 : vector<16xi1>, vector<16xi32>
      %select_n3A_761 = arith.select %lt3A_756, %select_n3A_717, %shift_right_logical3A_754 : vector<16xi1>, vector<16xi32>
      %add3A_762 = arith.addi %select_n3A_727, %select_n3A_728 : vector<16xi32>
      %shift_right_logical3A_763 = arith.constant 1 : i32
      %shift_right_logical3A_764 = vector.broadcast %shift_right_logical3A_763 : i32 to vector<16xi32>
      %shift_right_logical3A_765 = arith.shrui %add3A_762, %shift_right_logical3A_764 : vector<16xi32>
      %gather3A_766 = tpu.vector_load_idx %arg9[%shift_right_logical3A_765] : memref<100016xf32, #tpu.memory_space<vmem>>[vector<16xi32>], vector<16xf32>,
      %lt3A_767 = arith.cmpf olt, %gather3A_766, %get3A_101 : vector<16xf32>
      %add3A_768 = arith.constant 1 : i32
      %add3A_769 = vector.broadcast %add3A_768 : i32 to vector<16xi32>
      %add3A_770 = arith.addi %shift_right_logical3A_765, %add3A_769 : vector<16xi32>
      %select_n3A_771 = arith.select %lt3A_767, %add3A_770, %select_n3A_727 : vector<16xi1>, vector<16xi32>
      %select_n3A_772 = arith.select %lt3A_767, %select_n3A_728, %shift_right_logical3A_765 : vector<16xi1>, vector<16xi32>
      %add3A_773 = arith.addi %select_n3A_738, %select_n3A_739 : vector<16xi32>
      %shift_right_logical3A_774 = arith.constant 1 : i32
      %shift_right_logical3A_775 = vector.broadcast %shift_right_logical3A_774 : i32 to vector<16xi32>
      %shift_right_logical3A_776 = arith.shrui %add3A_773, %shift_right_logical3A_775 : vector<16xi32>
      %gather3A_777 = tpu.vector_load_idx %arg9[%shift_right_logical3A_776] : memref<100016xf32, #tpu.memory_space<vmem>>[vector<16xi32>], vector<16xf32>,
      %lt3A_778 = arith.cmpf olt, %gather3A_777, %get3A_89 : vector<16xf32>
      %add3A_779 = arith.constant 1 : i32
      %add3A_780 = vector.broadcast %add3A_779 : i32 to vector<16xi32>
      %add3A_781 = arith.addi %shift_right_logical3A_776, %add3A_780 : vector<16xi32>
      %select_n3A_782 = arith.select %lt3A_778, %add3A_781, %select_n3A_738 : vector<16xi1>, vector<16xi32>
      %select_n3A_783 = arith.select %lt3A_778, %select_n3A_739, %shift_right_logical3A_776 : vector<16xi1>, vector<16xi32>
      %add3A_784 = arith.addi %select_n3A_749, %select_n3A_750 : vector<16xi32>
      %shift_right_logical3A_785 = arith.constant 1 : i32
      %shift_right_logical3A_786 = vector.broadcast %shift_right_logical3A_785 : i32 to vector<16xi32>
      %shift_right_logical3A_787 = arith.shrui %add3A_784, %shift_right_logical3A_786 : vector<16xi32>
      %gather3A_788 = tpu.vector_load_idx %arg9[%shift_right_logical3A_787] : memref<100016xf32, #tpu.memory_space<vmem>>[vector<16xi32>], vector<16xf32>,
      %lt3A_789 = arith.cmpf olt, %gather3A_788, %get3A_93 : vector<16xf32>
      %add3A_790 = arith.constant 1 : i32
      %add3A_791 = vector.broadcast %add3A_790 : i32 to vector<16xi32>
      %add3A_792 = arith.addi %shift_right_logical3A_787, %add3A_791 : vector<16xi32>
      %select_n3A_793 = arith.select %lt3A_789, %add3A_792, %select_n3A_749 : vector<16xi1>, vector<16xi32>
      %select_n3A_794 = arith.select %lt3A_789, %select_n3A_750, %shift_right_logical3A_787 : vector<16xi1>, vector<16xi32>
      %add3A_795 = arith.addi %select_n3A_760, %select_n3A_761 : vector<16xi32>
      %shift_right_logical3A_796 = arith.constant 1 : i32
      %shift_right_logical3A_797 = vector.broadcast %shift_right_logical3A_796 : i32 to vector<16xi32>
      %shift_right_logical3A_798 = arith.shrui %add3A_795, %shift_right_logical3A_797 : vector<16xi32>
      %gather3A_799 = tpu.vector_load_idx %arg9[%shift_right_logical3A_798] : memref<100016xf32, #tpu.memory_space<vmem>>[vector<16xi32>], vector<16xf32>,
      %lt3A_800 = arith.cmpf olt, %gather3A_799, %get3A_97 : vector<16xf32>
      %add3A_801 = arith.constant 1 : i32
      %add3A_802 = vector.broadcast %add3A_801 : i32 to vector<16xi32>
      %add3A_803 = arith.addi %shift_right_logical3A_798, %add3A_802 : vector<16xi32>
      %select_n3A_804 = arith.select %lt3A_800, %add3A_803, %select_n3A_760 : vector<16xi1>, vector<16xi32>
      %select_n3A_805 = arith.select %lt3A_800, %select_n3A_761, %shift_right_logical3A_798 : vector<16xi1>, vector<16xi32>
      %add3A_806 = arith.addi %select_n3A_771, %select_n3A_772 : vector<16xi32>
      %shift_right_logical3A_807 = arith.constant 1 : i32
      %shift_right_logical3A_808 = vector.broadcast %shift_right_logical3A_807 : i32 to vector<16xi32>
      %shift_right_logical3A_809 = arith.shrui %add3A_806, %shift_right_logical3A_808 : vector<16xi32>
      %gather3A_810 = tpu.vector_load_idx %arg9[%shift_right_logical3A_809] : memref<100016xf32, #tpu.memory_space<vmem>>[vector<16xi32>], vector<16xf32>,
      %lt3A_811 = arith.cmpf olt, %gather3A_810, %get3A_101 : vector<16xf32>
      %add3A_812 = arith.constant 1 : i32
      %add3A_813 = vector.broadcast %add3A_812 : i32 to vector<16xi32>
      %add3A_814 = arith.addi %shift_right_logical3A_809, %add3A_813 : vector<16xi32>
      %select_n3A_815 = arith.select %lt3A_811, %add3A_814, %select_n3A_771 : vector<16xi1>, vector<16xi32>
      %select_n3A_816 = arith.select %lt3A_811, %select_n3A_772, %shift_right_logical3A_809 : vector<16xi1>, vector<16xi32>
      %add3A_817 = arith.addi %select_n3A_782, %select_n3A_783 : vector<16xi32>
      %shift_right_logical3A_818 = arith.constant 1 : i32
      %shift_right_logical3A_819 = vector.broadcast %shift_right_logical3A_818 : i32 to vector<16xi32>
      %shift_right_logical3A_820 = arith.shrui %add3A_817, %shift_right_logical3A_819 : vector<16xi32>
      %gather3A_821 = tpu.vector_load_idx %arg9[%shift_right_logical3A_820] : memref<100016xf32, #tpu.memory_space<vmem>>[vector<16xi32>], vector<16xf32>,
      %lt3A_822 = arith.cmpf olt, %gather3A_821, %get3A_89 : vector<16xf32>
      %add3A_823 = arith.constant 1 : i32
      %add3A_824 = vector.broadcast %add3A_823 : i32 to vector<16xi32>
      %add3A_825 = arith.addi %shift_right_logical3A_820, %add3A_824 : vector<16xi32>
      %select_n3A_826 = arith.select %lt3A_822, %add3A_825, %select_n3A_782 : vector<16xi1>, vector<16xi32>
      %select_n3A_827 = arith.select %lt3A_822, %select_n3A_783, %shift_right_logical3A_820 : vector<16xi1>, vector<16xi32>
      %add3A_828 = arith.addi %select_n3A_793, %select_n3A_794 : vector<16xi32>
      %shift_right_logical3A_829 = arith.constant 1 : i32
      %shift_right_logical3A_830 = vector.broadcast %shift_right_logical3A_829 : i32 to vector<16xi32>
      %shift_right_logical3A_831 = arith.shrui %add3A_828, %shift_right_logical3A_830 : vector<16xi32>
      %gather3A_832 = tpu.vector_load_idx %arg9[%shift_right_logical3A_831] : memref<100016xf32, #tpu.memory_space<vmem>>[vector<16xi32>], vector<16xf32>,
      %lt3A_833 = arith.cmpf olt, %gather3A_832, %get3A_93 : vector<16xf32>
      %add3A_834 = arith.constant 1 : i32
      %add3A_835 = vector.broadcast %add3A_834 : i32 to vector<16xi32>
      %add3A_836 = arith.addi %shift_right_logical3A_831, %add3A_835 : vector<16xi32>
      %select_n3A_837 = arith.select %lt3A_833, %add3A_836, %select_n3A_793 : vector<16xi1>, vector<16xi32>
      %select_n3A_838 = arith.select %lt3A_833, %select_n3A_794, %shift_right_logical3A_831 : vector<16xi1>, vector<16xi32>
      %add3A_839 = arith.addi %select_n3A_804, %select_n3A_805 : vector<16xi32>
      %shift_right_logical3A_840 = arith.constant 1 : i32
      %shift_right_logical3A_841 = vector.broadcast %shift_right_logical3A_840 : i32 to vector<16xi32>
      %shift_right_logical3A_842 = arith.shrui %add3A_839, %shift_right_logical3A_841 : vector<16xi32>
      %gather3A_843 = tpu.vector_load_idx %arg9[%shift_right_logical3A_842] : memref<100016xf32, #tpu.memory_space<vmem>>[vector<16xi32>], vector<16xf32>,
      %lt3A_844 = arith.cmpf olt, %gather3A_843, %get3A_97 : vector<16xf32>
      %add3A_845 = arith.constant 1 : i32
      %add3A_846 = vector.broadcast %add3A_845 : i32 to vector<16xi32>
      %add3A_847 = arith.addi %shift_right_logical3A_842, %add3A_846 : vector<16xi32>
      %select_n3A_848 = arith.select %lt3A_844, %add3A_847, %select_n3A_804 : vector<16xi1>, vector<16xi32>
      %select_n3A_849 = arith.select %lt3A_844, %select_n3A_805, %shift_right_logical3A_842 : vector<16xi1>, vector<16xi32>
      %add3A_850 = arith.addi %select_n3A_815, %select_n3A_816 : vector<16xi32>
      %shift_right_logical3A_851 = arith.constant 1 : i32
      %shift_right_logical3A_852 = vector.broadcast %shift_right_logical3A_851 : i32 to vector<16xi32>
      %shift_right_logical3A_853 = arith.shrui %add3A_850, %shift_right_logical3A_852 : vector<16xi32>
      %gather3A_854 = tpu.vector_load_idx %arg9[%shift_right_logical3A_853] : memref<100016xf32, #tpu.memory_space<vmem>>[vector<16xi32>], vector<16xf32>,
      %lt3A_855 = arith.cmpf olt, %gather3A_854, %get3A_101 : vector<16xf32>
      %add3A_856 = arith.constant 1 : i32
      %add3A_857 = vector.broadcast %add3A_856 : i32 to vector<16xi32>
      %add3A_858 = arith.addi %shift_right_logical3A_853, %add3A_857 : vector<16xi32>
      %select_n3A_859 = arith.select %lt3A_855, %add3A_858, %select_n3A_815 : vector<16xi1>, vector<16xi32>
      %select_n3A_860 = arith.select %lt3A_855, %select_n3A_816, %shift_right_logical3A_853 : vector<16xi1>, vector<16xi32>
      %add3A_861 = arith.constant 0 : i32
      %add3A_862 = arith.addi %mul3A_86, %add3A_861 : i32
      %swap3A = arith.index_cast %add3A_862 : i32 to index
      %swap3A_863 = tpu.vector_load %arg11[%swap3A] {strides = array<i32>} : memref<6400xi32, #tpu.memory_space<vmem>>, vector<16xi32>,
      tpu.vector_store %arg11[%swap3A], %select_n3A_826 {strides = array<i32>} : memref<6400xi32, #tpu.memory_space<vmem>>, vector<16xi32>,
      %add3A_864 = arith.constant 16 : i32
      %add3A_865 = arith.addi %mul3A_86, %add3A_864 : i32
      %swap3A_866 = arith.index_cast %add3A_865 : i32 to index
      %swap3A_867 = tpu.vector_load %arg11[%swap3A_866] {strides = array<i32>} : memref<6400xi32, #tpu.memory_space<vmem>>, vector<16xi32>,
      tpu.vector_store %arg11[%swap3A_866], %select_n3A_837 {strides = array<i32>} : memref<6400xi32, #tpu.memory_space<vmem>>, vector<16xi32>,
      %add3A_868 = arith.constant 32 : i32
      %add3A_869 = arith.addi %mul3A_86, %add3A_868 : i32
      %swap3A_870 = arith.index_cast %add3A_869 : i32 to index
      %swap3A_871 = tpu.vector_load %arg11[%swap3A_870] {strides = array<i32>} : memref<6400xi32, #tpu.memory_space<vmem>>, vector<16xi32>,
      tpu.vector_store %arg11[%swap3A_870], %select_n3A_848 {strides = array<i32>} : memref<6400xi32, #tpu.memory_space<vmem>>, vector<16xi32>,
      %add3A_872 = arith.constant 48 : i32
      %add3A_873 = arith.addi %mul3A_86, %add3A_872 : i32
      %swap3A_874 = arith.index_cast %add3A_873 : i32 to index
      %swap3A_875 = tpu.vector_load %arg11[%swap3A_874] {strides = array<i32>} : memref<6400xi32, #tpu.memory_space<vmem>>, vector<16xi32>,
      tpu.vector_store %arg11[%swap3A_874], %select_n3A_859 {strides = array<i32>} : memref<6400xi32, #tpu.memory_space<vmem>>, vector<16xi32>,
      %scan3A_876 = arith.constant 0 : i32
      scf.yield %scan3A_876 : i32
    }
    %scan3A_10 = arith.constant 100 : i32
    "tpu.region"() ({
      %run_scoped3A = tpu.sem_alloc : memref<!tpu.dma_semaphore, #tpu.memory_space<semaphore_mem>>
      %dma_start3A = tpu.memref_slice %arg6[%add3A_4] : memref<819200xi32, #tpu.memory_space<hbm>> -> memref<6400xi32, #tpu.memory_space<hbm>>
      %dma_start3A_83 = tpu.memref_slice %arg6[%add3A_4] : memref<819200xi32, #tpu.memory_space<hbm>> -> memref<6400xi32, #tpu.memory_space<hbm>>
      tpu.enqueue_dma source(%arg11 : memref<6400xi32, #tpu.memory_space<vmem>>) target(%dma_start3A_83 : memref<6400xi32, #tpu.memory_space<hbm>>) target_semaphore(%run_scoped3A : memref<!tpu.dma_semaphore, #tpu.memory_space<semaphore_mem>>)
      %dma_wait3A = tpu.memref_slice %arg6[%add3A_4] : memref<819200xi32, #tpu.memory_space<hbm>> -> memref<6400xi32, #tpu.memory_space<hbm>>
      %dma_wait3A_84 = tpu.memref_slice %arg6[%add3A_4] : memref<819200xi32, #tpu.memory_space<hbm>> -> memref<6400xi32, #tpu.memory_space<hbm>>
      tpu.wait_dma2 semaphore(%run_scoped3A : memref<!tpu.dma_semaphore, #tpu.memory_space<semaphore_mem>>) src(%arg11 : memref<6400xi32, #tpu.memory_space<vmem>>) dst(%dma_wait3A_84 : memref<6400xi32, #tpu.memory_space<hbm>>)
      tpu.yield
    }) : () -> ()
    %add3A_11 = arith.constant 6400 : i32
    %add3A_12 = arith.addi %mul3A_2, %add3A_11 : i32
    "tpu.region"() ({
      %run_scoped3A = tpu.sem_alloc : memref<!tpu.dma_semaphore, #tpu.memory_space<semaphore_mem>>
      %dma_start3A = tpu.memref_slice %arg4[%add3A_12] : memref<819200xf32, #tpu.memory_space<hbm>> -> memref<6400xf32, #tpu.memory_space<hbm>>
      %dma_start3A_83 = tpu.memref_slice %arg4[%add3A_12] : memref<819200xf32, #tpu.memory_space<hbm>> -> memref<6400xf32, #tpu.memory_space<hbm>>
      tpu.enqueue_dma source(%dma_start3A_83 : memref<6400xf32, #tpu.memory_space<hbm>>) target(%arg10 : memref<6400xf32, #tpu.memory_space<vmem>>) target_semaphore(%run_scoped3A : memref<!tpu.dma_semaphore, #tpu.memory_space<semaphore_mem>>)
      %dma_wait3A = tpu.memref_slice %arg4[%add3A_12] : memref<819200xf32, #tpu.memory_space<hbm>> -> memref<6400xf32, #tpu.memory_space<hbm>>
      %dma_wait3A_84 = tpu.memref_slice %arg4[%add3A_12] : memref<819200xf32, #tpu.memory_space<hbm>> -> memref<6400xf32, #tpu.memory_space<hbm>>
      tpu.wait_dma2 semaphore(%run_scoped3A : memref<!tpu.dma_semaphore, #tpu.memory_space<semaphore_mem>>) src(%dma_wait3A_84 : memref<6400xf32, #tpu.memory_space<hbm>>) dst(%arg10 : memref<6400xf32, #tpu.memory_space<vmem>>)
      tpu.yield
    }) : () -> ()
    %scan3A_13 = arith.constant 0 : i32
    %scan3A_14 = arith.constant 0 : i32
    %scan3A_15 = arith.constant 100 : i32
    %scan3A_16 = arith.addi %scan3A_14, %scan3A_15 : i32
    %scan3A_17 = arith.constant 1 : i32
    %scan3A_18 = scf.for %scan3A_83 = %scan3A_14 to %scan3A_16 step %scan3A_17 iter_args(%scan3A_84 = %scan3A_13) -> (i32)  : i32 {
      %mul3A_85 = arith.constant 64 : i32
      %mul3A_86 = arith.muli %scan3A_83, %mul3A_85 : i32
      %add3A_87 = arith.constant 0 : i32
      %add3A_88 = arith.addi %mul3A_86, %add3A_87 : i32
      %get3A = arith.index_cast %add3A_88 : i32 to index
      %get3A_89 = tpu.vector_load %arg10[%get3A] {strides = array<i32>} : memref<6400xf32, #tpu.memory_space<vmem>>, vector<16xf32>,
      %add3A_90 = arith.constant 16 : i32
      %add3A_91 = arith.addi %mul3A_86, %add3A_90 : i32
      %get3A_92 = arith.index_cast %add3A_91 : i32 to index
      %get3A_93 = tpu.vector_load %arg10[%get3A_92] {strides = array<i32>} : memref<6400xf32, #tpu.memory_space<vmem>>, vector<16xf32>,
      %add3A_94 = arith.constant 32 : i32
      %add3A_95 = arith.addi %mul3A_86, %add3A_94 : i32
      %get3A_96 = arith.index_cast %add3A_95 : i32 to index
      %get3A_97 = tpu.vector_load %arg10[%get3A_96] {strides = array<i32>} : memref<6400xf32, #tpu.memory_space<vmem>>, vector<16xf32>,
      %add3A_98 = arith.constant 48 : i32
      %add3A_99 = arith.addi %mul3A_86, %add3A_98 : i32
      %get3A_100 = arith.index_cast %add3A_99 : i32 to index
      %get3A_101 = tpu.vector_load %arg10[%get3A_100] {strides = array<i32>} : memref<6400xf32, #tpu.memory_space<vmem>>, vector<16xf32>,
      %broadcast_in_dim3A = arith.constant 0 : i32
      %broadcast_in_dim3A_102 = vector.broadcast %broadcast_in_dim3A : i32 to vector<16xi32>
      %broadcast_in_dim3A_103 = arith.constant 0 : i32
      %broadcast_in_dim3A_104 = vector.broadcast %broadcast_in_dim3A_103 : i32 to vector<16xi32>
      %broadcast_in_dim3A_105 = arith.constant 0 : i32
      %broadcast_in_dim3A_106 = vector.broadcast %broadcast_in_dim3A_105 : i32 to vector<16xi32>
      %broadcast_in_dim3A_107 = arith.constant 0 : i32
      %broadcast_in_dim3A_108 = vector.broadcast %broadcast_in_dim3A_107 : i32 to vector<16xi32>
      %broadcast_in_dim3A_109 = arith.constant 100001 : i32
      %broadcast_in_dim3A_110 = vector.broadcast %broadcast_in_dim3A_109 : i32 to vector<16xi32>
      %broadcast_in_dim3A_111 = arith.constant 100001 : i32
      %broadcast_in_dim3A_112 = vector.broadcast %broadcast_in_dim3A_111 : i32 to vector<16xi32>
      %broadcast_in_dim3A_113 = arith.constant 100001 : i32
      %broadcast_in_dim3A_114 = vector.broadcast %broadcast_in_dim3A_113 : i32 to vector<16xi32>
      %broadcast_in_dim3A_115 = arith.constant 100001 : i32
      %broadcast_in_dim3A_116 = vector.broadcast %broadcast_in_dim3A_115 : i32 to vector<16xi32>
      %add3A_117 = arith.addi %broadcast_in_dim3A_102, %broadcast_in_dim3A_110 : vector<16xi32>
      %shift_right_logical3A = arith.constant 1 : i32
      %shift_right_logical3A_118 = vector.broadcast %shift_right_logical3A : i32 to vector<16xi32>
      %shift_right_logical3A_119 = arith.shrui %add3A_117, %shift_right_logical3A_118 : vector<16xi32>
      %gather3A = tpu.vector_load_idx %arg9[%shift_right_logical3A_119] : memref<100016xf32, #tpu.memory_space<vmem>>[vector<16xi32>], vector<16xf32>,
      %lt3A = arith.cmpf olt, %gather3A, %get3A_89 : vector<16xf32>
      %add3A_120 = arith.constant 1 : i32
      %add3A_121 = vector.broadcast %add3A_120 : i32 to vector<16xi32>
      %add3A_122 = arith.addi %shift_right_logical3A_119, %add3A_121 : vector<16xi32>
      %select_n3A = arith.select %lt3A, %add3A_122, %broadcast_in_dim3A_102 : vector<16xi1>, vector<16xi32>
      %select_n3A_123 = arith.select %lt3A, %broadcast_in_dim3A_110, %shift_right_logical3A_119 : vector<16xi1>, vector<16xi32>
      %add3A_124 = arith.addi %broadcast_in_dim3A_104, %broadcast_in_dim3A_112 : vector<16xi32>
      %shift_right_logical3A_125 = arith.constant 1 : i32
      %shift_right_logical3A_126 = vector.broadcast %shift_right_logical3A_125 : i32 to vector<16xi32>
      %shift_right_logical3A_127 = arith.shrui %add3A_124, %shift_right_logical3A_126 : vector<16xi32>
      %gather3A_128 = tpu.vector_load_idx %arg9[%shift_right_logical3A_127] : memref<100016xf32, #tpu.memory_space<vmem>>[vector<16xi32>], vector<16xf32>,
      %lt3A_129 = arith.cmpf olt, %gather3A_128, %get3A_93 : vector<16xf32>
      %add3A_130 = arith.constant 1 : i32
      %add3A_131 = vector.broadcast %add3A_130 : i32 to vector<16xi32>
      %add3A_132 = arith.addi %shift_right_logical3A_127, %add3A_131 : vector<16xi32>
      %select_n3A_133 = arith.select %lt3A_129, %add3A_132, %broadcast_in_dim3A_104 : vector<16xi1>, vector<16xi32>
      %select_n3A_134 = arith.select %lt3A_129, %broadcast_in_dim3A_112, %shift_right_logical3A_127 : vector<16xi1>, vector<16xi32>
      %add3A_135 = arith.addi %broadcast_in_dim3A_106, %broadcast_in_dim3A_114 : vector<16xi32>
      %shift_right_logical3A_136 = arith.constant 1 : i32
      %shift_right_logical3A_137 = vector.broadcast %shift_right_logical3A_136 : i32 to vector<16xi32>
      %shift_right_logical3A_138 = arith.shrui %add3A_135, %shift_right_logical3A_137 : vector<16xi32>
      %gather3A_139 = tpu.vector_load_idx %arg9[%shift_right_logical3A_138] : memref<100016xf32, #tpu.memory_space<vmem>>[vector<16xi32>], vector<16xf32>,
      %lt3A_140 = arith.cmpf olt, %gather3A_139, %get3A_97 : vector<16xf32>
      %add3A_141 = arith.constant 1 : i32
      %add3A_142 = vector.broadcast %add3A_141 : i32 to vector<16xi32>
      %add3A_143 = arith.addi %shift_right_logical3A_138, %add3A_142 : vector<16xi32>
      %select_n3A_144 = arith.select %lt3A_140, %add3A_143, %broadcast_in_dim3A_106 : vector<16xi1>, vector<16xi32>
      %select_n3A_145 = arith.select %lt3A_140, %broadcast_in_dim3A_114, %shift_right_logical3A_138 : vector<16xi1>, vector<16xi32>
      %add3A_146 = arith.addi %broadcast_in_dim3A_108, %broadcast_in_dim3A_116 : vector<16xi32>
      %shift_right_logical3A_147 = arith.constant 1 : i32
      %shift_right_logical3A_148 = vector.broadcast %shift_right_logical3A_147 : i32 to vector<16xi32>
      %shift_right_logical3A_149 = arith.shrui %add3A_146, %shift_right_logical3A_148 : vector<16xi32>
      %gather3A_150 = tpu.vector_load_idx %arg9[%shift_right_logical3A_149] : memref<100016xf32, #tpu.memory_space<vmem>>[vector<16xi32>], vector<16xf32>,
      %lt3A_151 = arith.cmpf olt, %gather3A_150, %get3A_101 : vector<16xf32>
      %add3A_152 = arith.constant 1 : i32
      %add3A_153 = vector.broadcast %add3A_152 : i32 to vector<16xi32>
      %add3A_154 = arith.addi %shift_right_logical3A_149, %add3A_153 : vector<16xi32>
      %select_n3A_155 = arith.select %lt3A_151, %add3A_154, %broadcast_in_dim3A_108 : vector<16xi1>, vector<16xi32>
      %select_n3A_156 = arith.select %lt3A_151, %broadcast_in_dim3A_116, %shift_right_logical3A_149 : vector<16xi1>, vector<16xi32>
      %add3A_157 = arith.addi %select_n3A, %select_n3A_123 : vector<16xi32>
      %shift_right_logical3A_158 = arith.constant 1 : i32
      %shift_right_logical3A_159 = vector.broadcast %shift_right_logical3A_158 : i32 to vector<16xi32>
      %shift_right_logical3A_160 = arith.shrui %add3A_157, %shift_right_logical3A_159 : vector<16xi32>
      %gather3A_161 = tpu.vector_load_idx %arg9[%shift_right_logical3A_160] : memref<100016xf32, #tpu.memory_space<vmem>>[vector<16xi32>], vector<16xf32>,
      %lt3A_162 = arith.cmpf olt, %gather3A_161, %get3A_89 : vector<16xf32>
      %add3A_163 = arith.constant 1 : i32
      %add3A_164 = vector.broadcast %add3A_163 : i32 to vector<16xi32>
      %add3A_165 = arith.addi %shift_right_logical3A_160, %add3A_164 : vector<16xi32>
      %select_n3A_166 = arith.select %lt3A_162, %add3A_165, %select_n3A : vector<16xi1>, vector<16xi32>
      %select_n3A_167 = arith.select %lt3A_162, %select_n3A_123, %shift_right_logical3A_160 : vector<16xi1>, vector<16xi32>
      %add3A_168 = arith.addi %select_n3A_133, %select_n3A_134 : vector<16xi32>
      %shift_right_logical3A_169 = arith.constant 1 : i32
      %shift_right_logical3A_170 = vector.broadcast %shift_right_logical3A_169 : i32 to vector<16xi32>
      %shift_right_logical3A_171 = arith.shrui %add3A_168, %shift_right_logical3A_170 : vector<16xi32>
      %gather3A_172 = tpu.vector_load_idx %arg9[%shift_right_logical3A_171] : memref<100016xf32, #tpu.memory_space<vmem>>[vector<16xi32>], vector<16xf32>,
      %lt3A_173 = arith.cmpf olt, %gather3A_172, %get3A_93 : vector<16xf32>
      %add3A_174 = arith.constant 1 : i32
      %add3A_175 = vector.broadcast %add3A_174 : i32 to vector<16xi32>
      %add3A_176 = arith.addi %shift_right_logical3A_171, %add3A_175 : vector<16xi32>
      %select_n3A_177 = arith.select %lt3A_173, %add3A_176, %select_n3A_133 : vector<16xi1>, vector<16xi32>
      %select_n3A_178 = arith.select %lt3A_173, %select_n3A_134, %shift_right_logical3A_171 : vector<16xi1>, vector<16xi32>
      %add3A_179 = arith.addi %select_n3A_144, %select_n3A_145 : vector<16xi32>
      %shift_right_logical3A_180 = arith.constant 1 : i32
      %shift_right_logical3A_181 = vector.broadcast %shift_right_logical3A_180 : i32 to vector<16xi32>
      %shift_right_logical3A_182 = arith.shrui %add3A_179, %shift_right_logical3A_181 : vector<16xi32>
      %gather3A_183 = tpu.vector_load_idx %arg9[%shift_right_logical3A_182] : memref<100016xf32, #tpu.memory_space<vmem>>[vector<16xi32>], vector<16xf32>,
      %lt3A_184 = arith.cmpf olt, %gather3A_183, %get3A_97 : vector<16xf32>
      %add3A_185 = arith.constant 1 : i32
      %add3A_186 = vector.broadcast %add3A_185 : i32 to vector<16xi32>
      %add3A_187 = arith.addi %shift_right_logical3A_182, %add3A_186 : vector<16xi32>
      %select_n3A_188 = arith.select %lt3A_184, %add3A_187, %select_n3A_144 : vector<16xi1>, vector<16xi32>
      %select_n3A_189 = arith.select %lt3A_184, %select_n3A_145, %shift_right_logical3A_182 : vector<16xi1>, vector<16xi32>
      %add3A_190 = arith.addi %select_n3A_155, %select_n3A_156 : vector<16xi32>
      %shift_right_logical3A_191 = arith.constant 1 : i32
      %shift_right_logical3A_192 = vector.broadcast %shift_right_logical3A_191 : i32 to vector<16xi32>
      %shift_right_logical3A_193 = arith.shrui %add3A_190, %shift_right_logical3A_192 : vector<16xi32>
      %gather3A_194 = tpu.vector_load_idx %arg9[%shift_right_logical3A_193] : memref<100016xf32, #tpu.memory_space<vmem>>[vector<16xi32>], vector<16xf32>,
      %lt3A_195 = arith.cmpf olt, %gather3A_194, %get3A_101 : vector<16xf32>
      %add3A_196 = arith.constant 1 : i32
      %add3A_197 = vector.broadcast %add3A_196 : i32 to vector<16xi32>
      %add3A_198 = arith.addi %shift_right_logical3A_193, %add3A_197 : vector<16xi32>
      %select_n3A_199 = arith.select %lt3A_195, %add3A_198, %select_n3A_155 : vector<16xi1>, vector<16xi32>
      %select_n3A_200 = arith.select %lt3A_195, %select_n3A_156, %shift_right_logical3A_193 : vector<16xi1>, vector<16xi32>
      %add3A_201 = arith.addi %select_n3A_166, %select_n3A_167 : vector<16xi32>
      %shift_right_logical3A_202 = arith.constant 1 : i32
      %shift_right_logical3A_203 = vector.broadcast %shift_right_logical3A_202 : i32 to vector<16xi32>
      %shift_right_logical3A_204 = arith.shrui %add3A_201, %shift_right_logical3A_203 : vector<16xi32>
      %gather3A_205 = tpu.vector_load_idx %arg9[%shift_right_logical3A_204] : memref<100016xf32, #tpu.memory_space<vmem>>[vector<16xi32>], vector<16xf32>,
      %lt3A_206 = arith.cmpf olt, %gather3A_205, %get3A_89 : vector<16xf32>
      %add3A_207 = arith.constant 1 : i32
      %add3A_208 = vector.broadcast %add3A_207 : i32 to vector<16xi32>
      %add3A_209 = arith.addi %shift_right_logical3A_204, %add3A_208 : vector<16xi32>
      %select_n3A_210 = arith.select %lt3A_206, %add3A_209, %select_n3A_166 : vector<16xi1>, vector<16xi32>
      %select_n3A_211 = arith.select %lt3A_206, %select_n3A_167, %shift_right_logical3A_204 : vector<16xi1>, vector<16xi32>
      %add3A_212 = arith.addi %select_n3A_177, %select_n3A_178 : vector<16xi32>
      %shift_right_logical3A_213 = arith.constant 1 : i32
      %shift_right_logical3A_214 = vector.broadcast %shift_right_logical3A_213 : i32 to vector<16xi32>
      %shift_right_logical3A_215 = arith.shrui %add3A_212, %shift_right_logical3A_214 : vector<16xi32>
      %gather3A_216 = tpu.vector_load_idx %arg9[%shift_right_logical3A_215] : memref<100016xf32, #tpu.memory_space<vmem>>[vector<16xi32>], vector<16xf32>,
      %lt3A_217 = arith.cmpf olt, %gather3A_216, %get3A_93 : vector<16xf32>
      %add3A_218 = arith.constant 1 : i32
      %add3A_219 = vector.broadcast %add3A_218 : i32 to vector<16xi32>
      %add3A_220 = arith.addi %shift_right_logical3A_215, %add3A_219 : vector<16xi32>
      %select_n3A_221 = arith.select %lt3A_217, %add3A_220, %select_n3A_177 : vector<16xi1>, vector<16xi32>
      %select_n3A_222 = arith.select %lt3A_217, %select_n3A_178, %shift_right_logical3A_215 : vector<16xi1>, vector<16xi32>
      %add3A_223 = arith.addi %select_n3A_188, %select_n3A_189 : vector<16xi32>
      %shift_right_logical3A_224 = arith.constant 1 : i32
      %shift_right_logical3A_225 = vector.broadcast %shift_right_logical3A_224 : i32 to vector<16xi32>
      %shift_right_logical3A_226 = arith.shrui %add3A_223, %shift_right_logical3A_225 : vector<16xi32>
      %gather3A_227 = tpu.vector_load_idx %arg9[%shift_right_logical3A_226] : memref<100016xf32, #tpu.memory_space<vmem>>[vector<16xi32>], vector<16xf32>,
      %lt3A_228 = arith.cmpf olt, %gather3A_227, %get3A_97 : vector<16xf32>
      %add3A_229 = arith.constant 1 : i32
      %add3A_230 = vector.broadcast %add3A_229 : i32 to vector<16xi32>
      %add3A_231 = arith.addi %shift_right_logical3A_226, %add3A_230 : vector<16xi32>
      %select_n3A_232 = arith.select %lt3A_228, %add3A_231, %select_n3A_188 : vector<16xi1>, vector<16xi32>
      %select_n3A_233 = arith.select %lt3A_228, %select_n3A_189, %shift_right_logical3A_226 : vector<16xi1>, vector<16xi32>
      %add3A_234 = arith.addi %select_n3A_199, %select_n3A_200 : vector<16xi32>
      %shift_right_logical3A_235 = arith.constant 1 : i32
      %shift_right_logical3A_236 = vector.broadcast %shift_right_logical3A_235 : i32 to vector<16xi32>
      %shift_right_logical3A_237 = arith.shrui %add3A_234, %shift_right_logical3A_236 : vector<16xi32>
      %gather3A_238 = tpu.vector_load_idx %arg9[%shift_right_logical3A_237] : memref<100016xf32, #tpu.memory_space<vmem>>[vector<16xi32>], vector<16xf32>,
      %lt3A_239 = arith.cmpf olt, %gather3A_238, %get3A_101 : vector<16xf32>
      %add3A_240 = arith.constant 1 : i32
      %add3A_241 = vector.broadcast %add3A_240 : i32 to vector<16xi32>
      %add3A_242 = arith.addi %shift_right_logical3A_237, %add3A_241 : vector<16xi32>
      %select_n3A_243 = arith.select %lt3A_239, %add3A_242, %select_n3A_199 : vector<16xi1>, vector<16xi32>
      %select_n3A_244 = arith.select %lt3A_239, %select_n3A_200, %shift_right_logical3A_237 : vector<16xi1>, vector<16xi32>
      %add3A_245 = arith.addi %select_n3A_210, %select_n3A_211 : vector<16xi32>
      %shift_right_logical3A_246 = arith.constant 1 : i32
      %shift_right_logical3A_247 = vector.broadcast %shift_right_logical3A_246 : i32 to vector<16xi32>
      %shift_right_logical3A_248 = arith.shrui %add3A_245, %shift_right_logical3A_247 : vector<16xi32>
      %gather3A_249 = tpu.vector_load_idx %arg9[%shift_right_logical3A_248] : memref<100016xf32, #tpu.memory_space<vmem>>[vector<16xi32>], vector<16xf32>,
      %lt3A_250 = arith.cmpf olt, %gather3A_249, %get3A_89 : vector<16xf32>
      %add3A_251 = arith.constant 1 : i32
      %add3A_252 = vector.broadcast %add3A_251 : i32 to vector<16xi32>
      %add3A_253 = arith.addi %shift_right_logical3A_248, %add3A_252 : vector<16xi32>
      %select_n3A_254 = arith.select %lt3A_250, %add3A_253, %select_n3A_210 : vector<16xi1>, vector<16xi32>
      %select_n3A_255 = arith.select %lt3A_250, %select_n3A_211, %shift_right_logical3A_248 : vector<16xi1>, vector<16xi32>
      %add3A_256 = arith.addi %select_n3A_221, %select_n3A_222 : vector<16xi32>
      %shift_right_logical3A_257 = arith.constant 1 : i32
      %shift_right_logical3A_258 = vector.broadcast %shift_right_logical3A_257 : i32 to vector<16xi32>
      %shift_right_logical3A_259 = arith.shrui %add3A_256, %shift_right_logical3A_258 : vector<16xi32>
      %gather3A_260 = tpu.vector_load_idx %arg9[%shift_right_logical3A_259] : memref<100016xf32, #tpu.memory_space<vmem>>[vector<16xi32>], vector<16xf32>,
      %lt3A_261 = arith.cmpf olt, %gather3A_260, %get3A_93 : vector<16xf32>
      %add3A_262 = arith.constant 1 : i32
      %add3A_263 = vector.broadcast %add3A_262 : i32 to vector<16xi32>
      %add3A_264 = arith.addi %shift_right_logical3A_259, %add3A_263 : vector<16xi32>
      %select_n3A_265 = arith.select %lt3A_261, %add3A_264, %select_n3A_221 : vector<16xi1>, vector<16xi32>
      %select_n3A_266 = arith.select %lt3A_261, %select_n3A_222, %shift_right_logical3A_259 : vector<16xi1>, vector<16xi32>
      %add3A_267 = arith.addi %select_n3A_232, %select_n3A_233 : vector<16xi32>
      %shift_right_logical3A_268 = arith.constant 1 : i32
      %shift_right_logical3A_269 = vector.broadcast %shift_right_logical3A_268 : i32 to vector<16xi32>
      %shift_right_logical3A_270 = arith.shrui %add3A_267, %shift_right_logical3A_269 : vector<16xi32>
      %gather3A_271 = tpu.vector_load_idx %arg9[%shift_right_logical3A_270] : memref<100016xf32, #tpu.memory_space<vmem>>[vector<16xi32>], vector<16xf32>,
      %lt3A_272 = arith.cmpf olt, %gather3A_271, %get3A_97 : vector<16xf32>
      %add3A_273 = arith.constant 1 : i32
      %add3A_274 = vector.broadcast %add3A_273 : i32 to vector<16xi32>
      %add3A_275 = arith.addi %shift_right_logical3A_270, %add3A_274 : vector<16xi32>
      %select_n3A_276 = arith.select %lt3A_272, %add3A_275, %select_n3A_232 : vector<16xi1>, vector<16xi32>
      %select_n3A_277 = arith.select %lt3A_272, %select_n3A_233, %shift_right_logical3A_270 : vector<16xi1>, vector<16xi32>
      %add3A_278 = arith.addi %select_n3A_243, %select_n3A_244 : vector<16xi32>
      %shift_right_logical3A_279 = arith.constant 1 : i32
      %shift_right_logical3A_280 = vector.broadcast %shift_right_logical3A_279 : i32 to vector<16xi32>
      %shift_right_logical3A_281 = arith.shrui %add3A_278, %shift_right_logical3A_280 : vector<16xi32>
      %gather3A_282 = tpu.vector_load_idx %arg9[%shift_right_logical3A_281] : memref<100016xf32, #tpu.memory_space<vmem>>[vector<16xi32>], vector<16xf32>,
      %lt3A_283 = arith.cmpf olt, %gather3A_282, %get3A_101 : vector<16xf32>
      %add3A_284 = arith.constant 1 : i32
      %add3A_285 = vector.broadcast %add3A_284 : i32 to vector<16xi32>
      %add3A_286 = arith.addi %shift_right_logical3A_281, %add3A_285 : vector<16xi32>
      %select_n3A_287 = arith.select %lt3A_283, %add3A_286, %select_n3A_243 : vector<16xi1>, vector<16xi32>
      %select_n3A_288 = arith.select %lt3A_283, %select_n3A_244, %shift_right_logical3A_281 : vector<16xi1>, vector<16xi32>
      %add3A_289 = arith.addi %select_n3A_254, %select_n3A_255 : vector<16xi32>
      %shift_right_logical3A_290 = arith.constant 1 : i32
      %shift_right_logical3A_291 = vector.broadcast %shift_right_logical3A_290 : i32 to vector<16xi32>
      %shift_right_logical3A_292 = arith.shrui %add3A_289, %shift_right_logical3A_291 : vector<16xi32>
      %gather3A_293 = tpu.vector_load_idx %arg9[%shift_right_logical3A_292] : memref<100016xf32, #tpu.memory_space<vmem>>[vector<16xi32>], vector<16xf32>,
      %lt3A_294 = arith.cmpf olt, %gather3A_293, %get3A_89 : vector<16xf32>
      %add3A_295 = arith.constant 1 : i32
      %add3A_296 = vector.broadcast %add3A_295 : i32 to vector<16xi32>
      %add3A_297 = arith.addi %shift_right_logical3A_292, %add3A_296 : vector<16xi32>
      %select_n3A_298 = arith.select %lt3A_294, %add3A_297, %select_n3A_254 : vector<16xi1>, vector<16xi32>
      %select_n3A_299 = arith.select %lt3A_294, %select_n3A_255, %shift_right_logical3A_292 : vector<16xi1>, vector<16xi32>
      %add3A_300 = arith.addi %select_n3A_265, %select_n3A_266 : vector<16xi32>
      %shift_right_logical3A_301 = arith.constant 1 : i32
      %shift_right_logical3A_302 = vector.broadcast %shift_right_logical3A_301 : i32 to vector<16xi32>
      %shift_right_logical3A_303 = arith.shrui %add3A_300, %shift_right_logical3A_302 : vector<16xi32>
      %gather3A_304 = tpu.vector_load_idx %arg9[%shift_right_logical3A_303] : memref<100016xf32, #tpu.memory_space<vmem>>[vector<16xi32>], vector<16xf32>,
      %lt3A_305 = arith.cmpf olt, %gather3A_304, %get3A_93 : vector<16xf32>
      %add3A_306 = arith.constant 1 : i32
      %add3A_307 = vector.broadcast %add3A_306 : i32 to vector<16xi32>
      %add3A_308 = arith.addi %shift_right_logical3A_303, %add3A_307 : vector<16xi32>
      %select_n3A_309 = arith.select %lt3A_305, %add3A_308, %select_n3A_265 : vector<16xi1>, vector<16xi32>
      %select_n3A_310 = arith.select %lt3A_305, %select_n3A_266, %shift_right_logical3A_303 : vector<16xi1>, vector<16xi32>
      %add3A_311 = arith.addi %select_n3A_276, %select_n3A_277 : vector<16xi32>
      %shift_right_logical3A_312 = arith.constant 1 : i32
      %shift_right_logical3A_313 = vector.broadcast %shift_right_logical3A_312 : i32 to vector<16xi32>
      %shift_right_logical3A_314 = arith.shrui %add3A_311, %shift_right_logical3A_313 : vector<16xi32>
      %gather3A_315 = tpu.vector_load_idx %arg9[%shift_right_logical3A_314] : memref<100016xf32, #tpu.memory_space<vmem>>[vector<16xi32>], vector<16xf32>,
      %lt3A_316 = arith.cmpf olt, %gather3A_315, %get3A_97 : vector<16xf32>
      %add3A_317 = arith.constant 1 : i32
      %add3A_318 = vector.broadcast %add3A_317 : i32 to vector<16xi32>
      %add3A_319 = arith.addi %shift_right_logical3A_314, %add3A_318 : vector<16xi32>
      %select_n3A_320 = arith.select %lt3A_316, %add3A_319, %select_n3A_276 : vector<16xi1>, vector<16xi32>
      %select_n3A_321 = arith.select %lt3A_316, %select_n3A_277, %shift_right_logical3A_314 : vector<16xi1>, vector<16xi32>
      %add3A_322 = arith.addi %select_n3A_287, %select_n3A_288 : vector<16xi32>
      %shift_right_logical3A_323 = arith.constant 1 : i32
      %shift_right_logical3A_324 = vector.broadcast %shift_right_logical3A_323 : i32 to vector<16xi32>
      %shift_right_logical3A_325 = arith.shrui %add3A_322, %shift_right_logical3A_324 : vector<16xi32>
      %gather3A_326 = tpu.vector_load_idx %arg9[%shift_right_logical3A_325] : memref<100016xf32, #tpu.memory_space<vmem>>[vector<16xi32>], vector<16xf32>,
      %lt3A_327 = arith.cmpf olt, %gather3A_326, %get3A_101 : vector<16xf32>
      %add3A_328 = arith.constant 1 : i32
      %add3A_329 = vector.broadcast %add3A_328 : i32 to vector<16xi32>
      %add3A_330 = arith.addi %shift_right_logical3A_325, %add3A_329 : vector<16xi32>
      %select_n3A_331 = arith.select %lt3A_327, %add3A_330, %select_n3A_287 : vector<16xi1>, vector<16xi32>
      %select_n3A_332 = arith.select %lt3A_327, %select_n3A_288, %shift_right_logical3A_325 : vector<16xi1>, vector<16xi32>
      %add3A_333 = arith.addi %select_n3A_298, %select_n3A_299 : vector<16xi32>
      %shift_right_logical3A_334 = arith.constant 1 : i32
      %shift_right_logical3A_335 = vector.broadcast %shift_right_logical3A_334 : i32 to vector<16xi32>
      %shift_right_logical3A_336 = arith.shrui %add3A_333, %shift_right_logical3A_335 : vector<16xi32>
      %gather3A_337 = tpu.vector_load_idx %arg9[%shift_right_logical3A_336] : memref<100016xf32, #tpu.memory_space<vmem>>[vector<16xi32>], vector<16xf32>,
      %lt3A_338 = arith.cmpf olt, %gather3A_337, %get3A_89 : vector<16xf32>
      %add3A_339 = arith.constant 1 : i32
      %add3A_340 = vector.broadcast %add3A_339 : i32 to vector<16xi32>
      %add3A_341 = arith.addi %shift_right_logical3A_336, %add3A_340 : vector<16xi32>
      %select_n3A_342 = arith.select %lt3A_338, %add3A_341, %select_n3A_298 : vector<16xi1>, vector<16xi32>
      %select_n3A_343 = arith.select %lt3A_338, %select_n3A_299, %shift_right_logical3A_336 : vector<16xi1>, vector<16xi32>
      %add3A_344 = arith.addi %select_n3A_309, %select_n3A_310 : vector<16xi32>
      %shift_right_logical3A_345 = arith.constant 1 : i32
      %shift_right_logical3A_346 = vector.broadcast %shift_right_logical3A_345 : i32 to vector<16xi32>
      %shift_right_logical3A_347 = arith.shrui %add3A_344, %shift_right_logical3A_346 : vector<16xi32>
      %gather3A_348 = tpu.vector_load_idx %arg9[%shift_right_logical3A_347] : memref<100016xf32, #tpu.memory_space<vmem>>[vector<16xi32>], vector<16xf32>,
      %lt3A_349 = arith.cmpf olt, %gather3A_348, %get3A_93 : vector<16xf32>
      %add3A_350 = arith.constant 1 : i32
      %add3A_351 = vector.broadcast %add3A_350 : i32 to vector<16xi32>
      %add3A_352 = arith.addi %shift_right_logical3A_347, %add3A_351 : vector<16xi32>
      %select_n3A_353 = arith.select %lt3A_349, %add3A_352, %select_n3A_309 : vector<16xi1>, vector<16xi32>
      %select_n3A_354 = arith.select %lt3A_349, %select_n3A_310, %shift_right_logical3A_347 : vector<16xi1>, vector<16xi32>
      %add3A_355 = arith.addi %select_n3A_320, %select_n3A_321 : vector<16xi32>
      %shift_right_logical3A_356 = arith.constant 1 : i32
      %shift_right_logical3A_357 = vector.broadcast %shift_right_logical3A_356 : i32 to vector<16xi32>
      %shift_right_logical3A_358 = arith.shrui %add3A_355, %shift_right_logical3A_357 : vector<16xi32>
      %gather3A_359 = tpu.vector_load_idx %arg9[%shift_right_logical3A_358] : memref<100016xf32, #tpu.memory_space<vmem>>[vector<16xi32>], vector<16xf32>,
      %lt3A_360 = arith.cmpf olt, %gather3A_359, %get3A_97 : vector<16xf32>
      %add3A_361 = arith.constant 1 : i32
      %add3A_362 = vector.broadcast %add3A_361 : i32 to vector<16xi32>
      %add3A_363 = arith.addi %shift_right_logical3A_358, %add3A_362 : vector<16xi32>
      %select_n3A_364 = arith.select %lt3A_360, %add3A_363, %select_n3A_320 : vector<16xi1>, vector<16xi32>
      %select_n3A_365 = arith.select %lt3A_360, %select_n3A_321, %shift_right_logical3A_358 : vector<16xi1>, vector<16xi32>
      %add3A_366 = arith.addi %select_n3A_331, %select_n3A_332 : vector<16xi32>
      %shift_right_logical3A_367 = arith.constant 1 : i32
      %shift_right_logical3A_368 = vector.broadcast %shift_right_logical3A_367 : i32 to vector<16xi32>
      %shift_right_logical3A_369 = arith.shrui %add3A_366, %shift_right_logical3A_368 : vector<16xi32>
      %gather3A_370 = tpu.vector_load_idx %arg9[%shift_right_logical3A_369] : memref<100016xf32, #tpu.memory_space<vmem>>[vector<16xi32>], vector<16xf32>,
      %lt3A_371 = arith.cmpf olt, %gather3A_370, %get3A_101 : vector<16xf32>
      %add3A_372 = arith.constant 1 : i32
      %add3A_373 = vector.broadcast %add3A_372 : i32 to vector<16xi32>
      %add3A_374 = arith.addi %shift_right_logical3A_369, %add3A_373 : vector<16xi32>
      %select_n3A_375 = arith.select %lt3A_371, %add3A_374, %select_n3A_331 : vector<16xi1>, vector<16xi32>
      %select_n3A_376 = arith.select %lt3A_371, %select_n3A_332, %shift_right_logical3A_369 : vector<16xi1>, vector<16xi32>
      %add3A_377 = arith.addi %select_n3A_342, %select_n3A_343 : vector<16xi32>
      %shift_right_logical3A_378 = arith.constant 1 : i32
      %shift_right_logical3A_379 = vector.broadcast %shift_right_logical3A_378 : i32 to vector<16xi32>
      %shift_right_logical3A_380 = arith.shrui %add3A_377, %shift_right_logical3A_379 : vector<16xi32>
      %gather3A_381 = tpu.vector_load_idx %arg9[%shift_right_logical3A_380] : memref<100016xf32, #tpu.memory_space<vmem>>[vector<16xi32>], vector<16xf32>,
      %lt3A_382 = arith.cmpf olt, %gather3A_381, %get3A_89 : vector<16xf32>
      %add3A_383 = arith.constant 1 : i32
      %add3A_384 = vector.broadcast %add3A_383 : i32 to vector<16xi32>
      %add3A_385 = arith.addi %shift_right_logical3A_380, %add3A_384 : vector<16xi32>
      %select_n3A_386 = arith.select %lt3A_382, %add3A_385, %select_n3A_342 : vector<16xi1>, vector<16xi32>
      %select_n3A_387 = arith.select %lt3A_382, %select_n3A_343, %shift_right_logical3A_380 : vector<16xi1>, vector<16xi32>
      %add3A_388 = arith.addi %select_n3A_353, %select_n3A_354 : vector<16xi32>
      %shift_right_logical3A_389 = arith.constant 1 : i32
      %shift_right_logical3A_390 = vector.broadcast %shift_right_logical3A_389 : i32 to vector<16xi32>
      %shift_right_logical3A_391 = arith.shrui %add3A_388, %shift_right_logical3A_390 : vector<16xi32>
      %gather3A_392 = tpu.vector_load_idx %arg9[%shift_right_logical3A_391] : memref<100016xf32, #tpu.memory_space<vmem>>[vector<16xi32>], vector<16xf32>,
      %lt3A_393 = arith.cmpf olt, %gather3A_392, %get3A_93 : vector<16xf32>
      %add3A_394 = arith.constant 1 : i32
      %add3A_395 = vector.broadcast %add3A_394 : i32 to vector<16xi32>
      %add3A_396 = arith.addi %shift_right_logical3A_391, %add3A_395 : vector<16xi32>
      %select_n3A_397 = arith.select %lt3A_393, %add3A_396, %select_n3A_353 : vector<16xi1>, vector<16xi32>
      %select_n3A_398 = arith.select %lt3A_393, %select_n3A_354, %shift_right_logical3A_391 : vector<16xi1>, vector<16xi32>
      %add3A_399 = arith.addi %select_n3A_364, %select_n3A_365 : vector<16xi32>
      %shift_right_logical3A_400 = arith.constant 1 : i32
      %shift_right_logical3A_401 = vector.broadcast %shift_right_logical3A_400 : i32 to vector<16xi32>
      %shift_right_logical3A_402 = arith.shrui %add3A_399, %shift_right_logical3A_401 : vector<16xi32>
      %gather3A_403 = tpu.vector_load_idx %arg9[%shift_right_logical3A_402] : memref<100016xf32, #tpu.memory_space<vmem>>[vector<16xi32>], vector<16xf32>,
      %lt3A_404 = arith.cmpf olt, %gather3A_403, %get3A_97 : vector<16xf32>
      %add3A_405 = arith.constant 1 : i32
      %add3A_406 = vector.broadcast %add3A_405 : i32 to vector<16xi32>
      %add3A_407 = arith.addi %shift_right_logical3A_402, %add3A_406 : vector<16xi32>
      %select_n3A_408 = arith.select %lt3A_404, %add3A_407, %select_n3A_364 : vector<16xi1>, vector<16xi32>
      %select_n3A_409 = arith.select %lt3A_404, %select_n3A_365, %shift_right_logical3A_402 : vector<16xi1>, vector<16xi32>
      %add3A_410 = arith.addi %select_n3A_375, %select_n3A_376 : vector<16xi32>
      %shift_right_logical3A_411 = arith.constant 1 : i32
      %shift_right_logical3A_412 = vector.broadcast %shift_right_logical3A_411 : i32 to vector<16xi32>
      %shift_right_logical3A_413 = arith.shrui %add3A_410, %shift_right_logical3A_412 : vector<16xi32>
      %gather3A_414 = tpu.vector_load_idx %arg9[%shift_right_logical3A_413] : memref<100016xf32, #tpu.memory_space<vmem>>[vector<16xi32>], vector<16xf32>,
      %lt3A_415 = arith.cmpf olt, %gather3A_414, %get3A_101 : vector<16xf32>
      %add3A_416 = arith.constant 1 : i32
      %add3A_417 = vector.broadcast %add3A_416 : i32 to vector<16xi32>
      %add3A_418 = arith.addi %shift_right_logical3A_413, %add3A_417 : vector<16xi32>
      %select_n3A_419 = arith.select %lt3A_415, %add3A_418, %select_n3A_375 : vector<16xi1>, vector<16xi32>
      %select_n3A_420 = arith.select %lt3A_415, %select_n3A_376, %shift_right_logical3A_413 : vector<16xi1>, vector<16xi32>
      %add3A_421 = arith.addi %select_n3A_386, %select_n3A_387 : vector<16xi32>
      %shift_right_logical3A_422 = arith.constant 1 : i32
      %shift_right_logical3A_423 = vector.broadcast %shift_right_logical3A_422 : i32 to vector<16xi32>
      %shift_right_logical3A_424 = arith.shrui %add3A_421, %shift_right_logical3A_423 : vector<16xi32>
      %gather3A_425 = tpu.vector_load_idx %arg9[%shift_right_logical3A_424] : memref<100016xf32, #tpu.memory_space<vmem>>[vector<16xi32>], vector<16xf32>,
      %lt3A_426 = arith.cmpf olt, %gather3A_425, %get3A_89 : vector<16xf32>
      %add3A_427 = arith.constant 1 : i32
      %add3A_428 = vector.broadcast %add3A_427 : i32 to vector<16xi32>
      %add3A_429 = arith.addi %shift_right_logical3A_424, %add3A_428 : vector<16xi32>
      %select_n3A_430 = arith.select %lt3A_426, %add3A_429, %select_n3A_386 : vector<16xi1>, vector<16xi32>
      %select_n3A_431 = arith.select %lt3A_426, %select_n3A_387, %shift_right_logical3A_424 : vector<16xi1>, vector<16xi32>
      %add3A_432 = arith.addi %select_n3A_397, %select_n3A_398 : vector<16xi32>
      %shift_right_logical3A_433 = arith.constant 1 : i32
      %shift_right_logical3A_434 = vector.broadcast %shift_right_logical3A_433 : i32 to vector<16xi32>
      %shift_right_logical3A_435 = arith.shrui %add3A_432, %shift_right_logical3A_434 : vector<16xi32>
      %gather3A_436 = tpu.vector_load_idx %arg9[%shift_right_logical3A_435] : memref<100016xf32, #tpu.memory_space<vmem>>[vector<16xi32>], vector<16xf32>,
      %lt3A_437 = arith.cmpf olt, %gather3A_436, %get3A_93 : vector<16xf32>
      %add3A_438 = arith.constant 1 : i32
      %add3A_439 = vector.broadcast %add3A_438 : i32 to vector<16xi32>
      %add3A_440 = arith.addi %shift_right_logical3A_435, %add3A_439 : vector<16xi32>
      %select_n3A_441 = arith.select %lt3A_437, %add3A_440, %select_n3A_397 : vector<16xi1>, vector<16xi32>
      %select_n3A_442 = arith.select %lt3A_437, %select_n3A_398, %shift_right_logical3A_435 : vector<16xi1>, vector<16xi32>
      %add3A_443 = arith.addi %select_n3A_408, %select_n3A_409 : vector<16xi32>
      %shift_right_logical3A_444 = arith.constant 1 : i32
      %shift_right_logical3A_445 = vector.broadcast %shift_right_logical3A_444 : i32 to vector<16xi32>
      %shift_right_logical3A_446 = arith.shrui %add3A_443, %shift_right_logical3A_445 : vector<16xi32>
      %gather3A_447 = tpu.vector_load_idx %arg9[%shift_right_logical3A_446] : memref<100016xf32, #tpu.memory_space<vmem>>[vector<16xi32>], vector<16xf32>,
      %lt3A_448 = arith.cmpf olt, %gather3A_447, %get3A_97 : vector<16xf32>
      %add3A_449 = arith.constant 1 : i32
      %add3A_450 = vector.broadcast %add3A_449 : i32 to vector<16xi32>
      %add3A_451 = arith.addi %shift_right_logical3A_446, %add3A_450 : vector<16xi32>
      %select_n3A_452 = arith.select %lt3A_448, %add3A_451, %select_n3A_408 : vector<16xi1>, vector<16xi32>
      %select_n3A_453 = arith.select %lt3A_448, %select_n3A_409, %shift_right_logical3A_446 : vector<16xi1>, vector<16xi32>
      %add3A_454 = arith.addi %select_n3A_419, %select_n3A_420 : vector<16xi32>
      %shift_right_logical3A_455 = arith.constant 1 : i32
      %shift_right_logical3A_456 = vector.broadcast %shift_right_logical3A_455 : i32 to vector<16xi32>
      %shift_right_logical3A_457 = arith.shrui %add3A_454, %shift_right_logical3A_456 : vector<16xi32>
      %gather3A_458 = tpu.vector_load_idx %arg9[%shift_right_logical3A_457] : memref<100016xf32, #tpu.memory_space<vmem>>[vector<16xi32>], vector<16xf32>,
      %lt3A_459 = arith.cmpf olt, %gather3A_458, %get3A_101 : vector<16xf32>
      %add3A_460 = arith.constant 1 : i32
      %add3A_461 = vector.broadcast %add3A_460 : i32 to vector<16xi32>
      %add3A_462 = arith.addi %shift_right_logical3A_457, %add3A_461 : vector<16xi32>
      %select_n3A_463 = arith.select %lt3A_459, %add3A_462, %select_n3A_419 : vector<16xi1>, vector<16xi32>
      %select_n3A_464 = arith.select %lt3A_459, %select_n3A_420, %shift_right_logical3A_457 : vector<16xi1>, vector<16xi32>
      %add3A_465 = arith.addi %select_n3A_430, %select_n3A_431 : vector<16xi32>
      %shift_right_logical3A_466 = arith.constant 1 : i32
      %shift_right_logical3A_467 = vector.broadcast %shift_right_logical3A_466 : i32 to vector<16xi32>
      %shift_right_logical3A_468 = arith.shrui %add3A_465, %shift_right_logical3A_467 : vector<16xi32>
      %gather3A_469 = tpu.vector_load_idx %arg9[%shift_right_logical3A_468] : memref<100016xf32, #tpu.memory_space<vmem>>[vector<16xi32>], vector<16xf32>,
      %lt3A_470 = arith.cmpf olt, %gather3A_469, %get3A_89 : vector<16xf32>
      %add3A_471 = arith.constant 1 : i32
      %add3A_472 = vector.broadcast %add3A_471 : i32 to vector<16xi32>
      %add3A_473 = arith.addi %shift_right_logical3A_468, %add3A_472 : vector<16xi32>
      %select_n3A_474 = arith.select %lt3A_470, %add3A_473, %select_n3A_430 : vector<16xi1>, vector<16xi32>
      %select_n3A_475 = arith.select %lt3A_470, %select_n3A_431, %shift_right_logical3A_468 : vector<16xi1>, vector<16xi32>
      %add3A_476 = arith.addi %select_n3A_441, %select_n3A_442 : vector<16xi32>
      %shift_right_logical3A_477 = arith.constant 1 : i32
      %shift_right_logical3A_478 = vector.broadcast %shift_right_logical3A_477 : i32 to vector<16xi32>
      %shift_right_logical3A_479 = arith.shrui %add3A_476, %shift_right_logical3A_478 : vector<16xi32>
      %gather3A_480 = tpu.vector_load_idx %arg9[%shift_right_logical3A_479] : memref<100016xf32, #tpu.memory_space<vmem>>[vector<16xi32>], vector<16xf32>,
      %lt3A_481 = arith.cmpf olt, %gather3A_480, %get3A_93 : vector<16xf32>
      %add3A_482 = arith.constant 1 : i32
      %add3A_483 = vector.broadcast %add3A_482 : i32 to vector<16xi32>
      %add3A_484 = arith.addi %shift_right_logical3A_479, %add3A_483 : vector<16xi32>
      %select_n3A_485 = arith.select %lt3A_481, %add3A_484, %select_n3A_441 : vector<16xi1>, vector<16xi32>
      %select_n3A_486 = arith.select %lt3A_481, %select_n3A_442, %shift_right_logical3A_479 : vector<16xi1>, vector<16xi32>
      %add3A_487 = arith.addi %select_n3A_452, %select_n3A_453 : vector<16xi32>
      %shift_right_logical3A_488 = arith.constant 1 : i32
      %shift_right_logical3A_489 = vector.broadcast %shift_right_logical3A_488 : i32 to vector<16xi32>
      %shift_right_logical3A_490 = arith.shrui %add3A_487, %shift_right_logical3A_489 : vector<16xi32>
      %gather3A_491 = tpu.vector_load_idx %arg9[%shift_right_logical3A_490] : memref<100016xf32, #tpu.memory_space<vmem>>[vector<16xi32>], vector<16xf32>,
      %lt3A_492 = arith.cmpf olt, %gather3A_491, %get3A_97 : vector<16xf32>
      %add3A_493 = arith.constant 1 : i32
      %add3A_494 = vector.broadcast %add3A_493 : i32 to vector<16xi32>
      %add3A_495 = arith.addi %shift_right_logical3A_490, %add3A_494 : vector<16xi32>
      %select_n3A_496 = arith.select %lt3A_492, %add3A_495, %select_n3A_452 : vector<16xi1>, vector<16xi32>
      %select_n3A_497 = arith.select %lt3A_492, %select_n3A_453, %shift_right_logical3A_490 : vector<16xi1>, vector<16xi32>
      %add3A_498 = arith.addi %select_n3A_463, %select_n3A_464 : vector<16xi32>
      %shift_right_logical3A_499 = arith.constant 1 : i32
      %shift_right_logical3A_500 = vector.broadcast %shift_right_logical3A_499 : i32 to vector<16xi32>
      %shift_right_logical3A_501 = arith.shrui %add3A_498, %shift_right_logical3A_500 : vector<16xi32>
      %gather3A_502 = tpu.vector_load_idx %arg9[%shift_right_logical3A_501] : memref<100016xf32, #tpu.memory_space<vmem>>[vector<16xi32>], vector<16xf32>,
      %lt3A_503 = arith.cmpf olt, %gather3A_502, %get3A_101 : vector<16xf32>
      %add3A_504 = arith.constant 1 : i32
      %add3A_505 = vector.broadcast %add3A_504 : i32 to vector<16xi32>
      %add3A_506 = arith.addi %shift_right_logical3A_501, %add3A_505 : vector<16xi32>
      %select_n3A_507 = arith.select %lt3A_503, %add3A_506, %select_n3A_463 : vector<16xi1>, vector<16xi32>
      %select_n3A_508 = arith.select %lt3A_503, %select_n3A_464, %shift_right_logical3A_501 : vector<16xi1>, vector<16xi32>
      %add3A_509 = arith.addi %select_n3A_474, %select_n3A_475 : vector<16xi32>
      %shift_right_logical3A_510 = arith.constant 1 : i32
      %shift_right_logical3A_511 = vector.broadcast %shift_right_logical3A_510 : i32 to vector<16xi32>
      %shift_right_logical3A_512 = arith.shrui %add3A_509, %shift_right_logical3A_511 : vector<16xi32>
      %gather3A_513 = tpu.vector_load_idx %arg9[%shift_right_logical3A_512] : memref<100016xf32, #tpu.memory_space<vmem>>[vector<16xi32>], vector<16xf32>,
      %lt3A_514 = arith.cmpf olt, %gather3A_513, %get3A_89 : vector<16xf32>
      %add3A_515 = arith.constant 1 : i32
      %add3A_516 = vector.broadcast %add3A_515 : i32 to vector<16xi32>
      %add3A_517 = arith.addi %shift_right_logical3A_512, %add3A_516 : vector<16xi32>
      %select_n3A_518 = arith.select %lt3A_514, %add3A_517, %select_n3A_474 : vector<16xi1>, vector<16xi32>
      %select_n3A_519 = arith.select %lt3A_514, %select_n3A_475, %shift_right_logical3A_512 : vector<16xi1>, vector<16xi32>
      %add3A_520 = arith.addi %select_n3A_485, %select_n3A_486 : vector<16xi32>
      %shift_right_logical3A_521 = arith.constant 1 : i32
      %shift_right_logical3A_522 = vector.broadcast %shift_right_logical3A_521 : i32 to vector<16xi32>
      %shift_right_logical3A_523 = arith.shrui %add3A_520, %shift_right_logical3A_522 : vector<16xi32>
      %gather3A_524 = tpu.vector_load_idx %arg9[%shift_right_logical3A_523] : memref<100016xf32, #tpu.memory_space<vmem>>[vector<16xi32>], vector<16xf32>,
      %lt3A_525 = arith.cmpf olt, %gather3A_524, %get3A_93 : vector<16xf32>
      %add3A_526 = arith.constant 1 : i32
      %add3A_527 = vector.broadcast %add3A_526 : i32 to vector<16xi32>
      %add3A_528 = arith.addi %shift_right_logical3A_523, %add3A_527 : vector<16xi32>
      %select_n3A_529 = arith.select %lt3A_525, %add3A_528, %select_n3A_485 : vector<16xi1>, vector<16xi32>
      %select_n3A_530 = arith.select %lt3A_525, %select_n3A_486, %shift_right_logical3A_523 : vector<16xi1>, vector<16xi32>
      %add3A_531 = arith.addi %select_n3A_496, %select_n3A_497 : vector<16xi32>
      %shift_right_logical3A_532 = arith.constant 1 : i32
      %shift_right_logical3A_533 = vector.broadcast %shift_right_logical3A_532 : i32 to vector<16xi32>
      %shift_right_logical3A_534 = arith.shrui %add3A_531, %shift_right_logical3A_533 : vector<16xi32>
      %gather3A_535 = tpu.vector_load_idx %arg9[%shift_right_logical3A_534] : memref<100016xf32, #tpu.memory_space<vmem>>[vector<16xi32>], vector<16xf32>,
      %lt3A_536 = arith.cmpf olt, %gather3A_535, %get3A_97 : vector<16xf32>
      %add3A_537 = arith.constant 1 : i32
      %add3A_538 = vector.broadcast %add3A_537 : i32 to vector<16xi32>
      %add3A_539 = arith.addi %shift_right_logical3A_534, %add3A_538 : vector<16xi32>
      %select_n3A_540 = arith.select %lt3A_536, %add3A_539, %select_n3A_496 : vector<16xi1>, vector<16xi32>
      %select_n3A_541 = arith.select %lt3A_536, %select_n3A_497, %shift_right_logical3A_534 : vector<16xi1>, vector<16xi32>
      %add3A_542 = arith.addi %select_n3A_507, %select_n3A_508 : vector<16xi32>
      %shift_right_logical3A_543 = arith.constant 1 : i32
      %shift_right_logical3A_544 = vector.broadcast %shift_right_logical3A_543 : i32 to vector<16xi32>
      %shift_right_logical3A_545 = arith.shrui %add3A_542, %shift_right_logical3A_544 : vector<16xi32>
      %gather3A_546 = tpu.vector_load_idx %arg9[%shift_right_logical3A_545] : memref<100016xf32, #tpu.memory_space<vmem>>[vector<16xi32>], vector<16xf32>,
      %lt3A_547 = arith.cmpf olt, %gather3A_546, %get3A_101 : vector<16xf32>
      %add3A_548 = arith.constant 1 : i32
      %add3A_549 = vector.broadcast %add3A_548 : i32 to vector<16xi32>
      %add3A_550 = arith.addi %shift_right_logical3A_545, %add3A_549 : vector<16xi32>
      %select_n3A_551 = arith.select %lt3A_547, %add3A_550, %select_n3A_507 : vector<16xi1>, vector<16xi32>
      %select_n3A_552 = arith.select %lt3A_547, %select_n3A_508, %shift_right_logical3A_545 : vector<16xi1>, vector<16xi32>
      %add3A_553 = arith.addi %select_n3A_518, %select_n3A_519 : vector<16xi32>
      %shift_right_logical3A_554 = arith.constant 1 : i32
      %shift_right_logical3A_555 = vector.broadcast %shift_right_logical3A_554 : i32 to vector<16xi32>
      %shift_right_logical3A_556 = arith.shrui %add3A_553, %shift_right_logical3A_555 : vector<16xi32>
      %gather3A_557 = tpu.vector_load_idx %arg9[%shift_right_logical3A_556] : memref<100016xf32, #tpu.memory_space<vmem>>[vector<16xi32>], vector<16xf32>,
      %lt3A_558 = arith.cmpf olt, %gather3A_557, %get3A_89 : vector<16xf32>
      %add3A_559 = arith.constant 1 : i32
      %add3A_560 = vector.broadcast %add3A_559 : i32 to vector<16xi32>
      %add3A_561 = arith.addi %shift_right_logical3A_556, %add3A_560 : vector<16xi32>
      %select_n3A_562 = arith.select %lt3A_558, %add3A_561, %select_n3A_518 : vector<16xi1>, vector<16xi32>
      %select_n3A_563 = arith.select %lt3A_558, %select_n3A_519, %shift_right_logical3A_556 : vector<16xi1>, vector<16xi32>
      %add3A_564 = arith.addi %select_n3A_529, %select_n3A_530 : vector<16xi32>
      %shift_right_logical3A_565 = arith.constant 1 : i32
      %shift_right_logical3A_566 = vector.broadcast %shift_right_logical3A_565 : i32 to vector<16xi32>
      %shift_right_logical3A_567 = arith.shrui %add3A_564, %shift_right_logical3A_566 : vector<16xi32>
      %gather3A_568 = tpu.vector_load_idx %arg9[%shift_right_logical3A_567] : memref<100016xf32, #tpu.memory_space<vmem>>[vector<16xi32>], vector<16xf32>,
      %lt3A_569 = arith.cmpf olt, %gather3A_568, %get3A_93 : vector<16xf32>
      %add3A_570 = arith.constant 1 : i32
      %add3A_571 = vector.broadcast %add3A_570 : i32 to vector<16xi32>
      %add3A_572 = arith.addi %shift_right_logical3A_567, %add3A_571 : vector<16xi32>
      %select_n3A_573 = arith.select %lt3A_569, %add3A_572, %select_n3A_529 : vector<16xi1>, vector<16xi32>
      %select_n3A_574 = arith.select %lt3A_569, %select_n3A_530, %shift_right_logical3A_567 : vector<16xi1>, vector<16xi32>
      %add3A_575 = arith.addi %select_n3A_540, %select_n3A_541 : vector<16xi32>
      %shift_right_logical3A_576 = arith.constant 1 : i32
      %shift_right_logical3A_577 = vector.broadcast %shift_right_logical3A_576 : i32 to vector<16xi32>
      %shift_right_logical3A_578 = arith.shrui %add3A_575, %shift_right_logical3A_577 : vector<16xi32>
      %gather3A_579 = tpu.vector_load_idx %arg9[%shift_right_logical3A_578] : memref<100016xf32, #tpu.memory_space<vmem>>[vector<16xi32>], vector<16xf32>,
      %lt3A_580 = arith.cmpf olt, %gather3A_579, %get3A_97 : vector<16xf32>
      %add3A_581 = arith.constant 1 : i32
      %add3A_582 = vector.broadcast %add3A_581 : i32 to vector<16xi32>
      %add3A_583 = arith.addi %shift_right_logical3A_578, %add3A_582 : vector<16xi32>
      %select_n3A_584 = arith.select %lt3A_580, %add3A_583, %select_n3A_540 : vector<16xi1>, vector<16xi32>
      %select_n3A_585 = arith.select %lt3A_580, %select_n3A_541, %shift_right_logical3A_578 : vector<16xi1>, vector<16xi32>
      %add3A_586 = arith.addi %select_n3A_551, %select_n3A_552 : vector<16xi32>
      %shift_right_logical3A_587 = arith.constant 1 : i32
      %shift_right_logical3A_588 = vector.broadcast %shift_right_logical3A_587 : i32 to vector<16xi32>
      %shift_right_logical3A_589 = arith.shrui %add3A_586, %shift_right_logical3A_588 : vector<16xi32>
      %gather3A_590 = tpu.vector_load_idx %arg9[%shift_right_logical3A_589] : memref<100016xf32, #tpu.memory_space<vmem>>[vector<16xi32>], vector<16xf32>,
      %lt3A_591 = arith.cmpf olt, %gather3A_590, %get3A_101 : vector<16xf32>
      %add3A_592 = arith.constant 1 : i32
      %add3A_593 = vector.broadcast %add3A_592 : i32 to vector<16xi32>
      %add3A_594 = arith.addi %shift_right_logical3A_589, %add3A_593 : vector<16xi32>
      %select_n3A_595 = arith.select %lt3A_591, %add3A_594, %select_n3A_551 : vector<16xi1>, vector<16xi32>
      %select_n3A_596 = arith.select %lt3A_591, %select_n3A_552, %shift_right_logical3A_589 : vector<16xi1>, vector<16xi32>
      %add3A_597 = arith.addi %select_n3A_562, %select_n3A_563 : vector<16xi32>
      %shift_right_logical3A_598 = arith.constant 1 : i32
      %shift_right_logical3A_599 = vector.broadcast %shift_right_logical3A_598 : i32 to vector<16xi32>
      %shift_right_logical3A_600 = arith.shrui %add3A_597, %shift_right_logical3A_599 : vector<16xi32>
      %gather3A_601 = tpu.vector_load_idx %arg9[%shift_right_logical3A_600] : memref<100016xf32, #tpu.memory_space<vmem>>[vector<16xi32>], vector<16xf32>,
      %lt3A_602 = arith.cmpf olt, %gather3A_601, %get3A_89 : vector<16xf32>
      %add3A_603 = arith.constant 1 : i32
      %add3A_604 = vector.broadcast %add3A_603 : i32 to vector<16xi32>
      %add3A_605 = arith.addi %shift_right_logical3A_600, %add3A_604 : vector<16xi32>
      %select_n3A_606 = arith.select %lt3A_602, %add3A_605, %select_n3A_562 : vector<16xi1>, vector<16xi32>
      %select_n3A_607 = arith.select %lt3A_602, %select_n3A_563, %shift_right_logical3A_600 : vector<16xi1>, vector<16xi32>
      %add3A_608 = arith.addi %select_n3A_573, %select_n3A_574 : vector<16xi32>
      %shift_right_logical3A_609 = arith.constant 1 : i32
      %shift_right_logical3A_610 = vector.broadcast %shift_right_logical3A_609 : i32 to vector<16xi32>
      %shift_right_logical3A_611 = arith.shrui %add3A_608, %shift_right_logical3A_610 : vector<16xi32>
      %gather3A_612 = tpu.vector_load_idx %arg9[%shift_right_logical3A_611] : memref<100016xf32, #tpu.memory_space<vmem>>[vector<16xi32>], vector<16xf32>,
      %lt3A_613 = arith.cmpf olt, %gather3A_612, %get3A_93 : vector<16xf32>
      %add3A_614 = arith.constant 1 : i32
      %add3A_615 = vector.broadcast %add3A_614 : i32 to vector<16xi32>
      %add3A_616 = arith.addi %shift_right_logical3A_611, %add3A_615 : vector<16xi32>
      %select_n3A_617 = arith.select %lt3A_613, %add3A_616, %select_n3A_573 : vector<16xi1>, vector<16xi32>
      %select_n3A_618 = arith.select %lt3A_613, %select_n3A_574, %shift_right_logical3A_611 : vector<16xi1>, vector<16xi32>
      %add3A_619 = arith.addi %select_n3A_584, %select_n3A_585 : vector<16xi32>
      %shift_right_logical3A_620 = arith.constant 1 : i32
      %shift_right_logical3A_621 = vector.broadcast %shift_right_logical3A_620 : i32 to vector<16xi32>
      %shift_right_logical3A_622 = arith.shrui %add3A_619, %shift_right_logical3A_621 : vector<16xi32>
      %gather3A_623 = tpu.vector_load_idx %arg9[%shift_right_logical3A_622] : memref<100016xf32, #tpu.memory_space<vmem>>[vector<16xi32>], vector<16xf32>,
      %lt3A_624 = arith.cmpf olt, %gather3A_623, %get3A_97 : vector<16xf32>
      %add3A_625 = arith.constant 1 : i32
      %add3A_626 = vector.broadcast %add3A_625 : i32 to vector<16xi32>
      %add3A_627 = arith.addi %shift_right_logical3A_622, %add3A_626 : vector<16xi32>
      %select_n3A_628 = arith.select %lt3A_624, %add3A_627, %select_n3A_584 : vector<16xi1>, vector<16xi32>
      %select_n3A_629 = arith.select %lt3A_624, %select_n3A_585, %shift_right_logical3A_622 : vector<16xi1>, vector<16xi32>
      %add3A_630 = arith.addi %select_n3A_595, %select_n3A_596 : vector<16xi32>
      %shift_right_logical3A_631 = arith.constant 1 : i32
      %shift_right_logical3A_632 = vector.broadcast %shift_right_logical3A_631 : i32 to vector<16xi32>
      %shift_right_logical3A_633 = arith.shrui %add3A_630, %shift_right_logical3A_632 : vector<16xi32>
      %gather3A_634 = tpu.vector_load_idx %arg9[%shift_right_logical3A_633] : memref<100016xf32, #tpu.memory_space<vmem>>[vector<16xi32>], vector<16xf32>,
      %lt3A_635 = arith.cmpf olt, %gather3A_634, %get3A_101 : vector<16xf32>
      %add3A_636 = arith.constant 1 : i32
      %add3A_637 = vector.broadcast %add3A_636 : i32 to vector<16xi32>
      %add3A_638 = arith.addi %shift_right_logical3A_633, %add3A_637 : vector<16xi32>
      %select_n3A_639 = arith.select %lt3A_635, %add3A_638, %select_n3A_595 : vector<16xi1>, vector<16xi32>
      %select_n3A_640 = arith.select %lt3A_635, %select_n3A_596, %shift_right_logical3A_633 : vector<16xi1>, vector<16xi32>
      %add3A_641 = arith.addi %select_n3A_606, %select_n3A_607 : vector<16xi32>
      %shift_right_logical3A_642 = arith.constant 1 : i32
      %shift_right_logical3A_643 = vector.broadcast %shift_right_logical3A_642 : i32 to vector<16xi32>
      %shift_right_logical3A_644 = arith.shrui %add3A_641, %shift_right_logical3A_643 : vector<16xi32>
      %gather3A_645 = tpu.vector_load_idx %arg9[%shift_right_logical3A_644] : memref<100016xf32, #tpu.memory_space<vmem>>[vector<16xi32>], vector<16xf32>,
      %lt3A_646 = arith.cmpf olt, %gather3A_645, %get3A_89 : vector<16xf32>
      %add3A_647 = arith.constant 1 : i32
      %add3A_648 = vector.broadcast %add3A_647 : i32 to vector<16xi32>
      %add3A_649 = arith.addi %shift_right_logical3A_644, %add3A_648 : vector<16xi32>
      %select_n3A_650 = arith.select %lt3A_646, %add3A_649, %select_n3A_606 : vector<16xi1>, vector<16xi32>
      %select_n3A_651 = arith.select %lt3A_646, %select_n3A_607, %shift_right_logical3A_644 : vector<16xi1>, vector<16xi32>
      %add3A_652 = arith.addi %select_n3A_617, %select_n3A_618 : vector<16xi32>
      %shift_right_logical3A_653 = arith.constant 1 : i32
      %shift_right_logical3A_654 = vector.broadcast %shift_right_logical3A_653 : i32 to vector<16xi32>
      %shift_right_logical3A_655 = arith.shrui %add3A_652, %shift_right_logical3A_654 : vector<16xi32>
      %gather3A_656 = tpu.vector_load_idx %arg9[%shift_right_logical3A_655] : memref<100016xf32, #tpu.memory_space<vmem>>[vector<16xi32>], vector<16xf32>,
      %lt3A_657 = arith.cmpf olt, %gather3A_656, %get3A_93 : vector<16xf32>
      %add3A_658 = arith.constant 1 : i32
      %add3A_659 = vector.broadcast %add3A_658 : i32 to vector<16xi32>
      %add3A_660 = arith.addi %shift_right_logical3A_655, %add3A_659 : vector<16xi32>
      %select_n3A_661 = arith.select %lt3A_657, %add3A_660, %select_n3A_617 : vector<16xi1>, vector<16xi32>
      %select_n3A_662 = arith.select %lt3A_657, %select_n3A_618, %shift_right_logical3A_655 : vector<16xi1>, vector<16xi32>
      %add3A_663 = arith.addi %select_n3A_628, %select_n3A_629 : vector<16xi32>
      %shift_right_logical3A_664 = arith.constant 1 : i32
      %shift_right_logical3A_665 = vector.broadcast %shift_right_logical3A_664 : i32 to vector<16xi32>
      %shift_right_logical3A_666 = arith.shrui %add3A_663, %shift_right_logical3A_665 : vector<16xi32>
      %gather3A_667 = tpu.vector_load_idx %arg9[%shift_right_logical3A_666] : memref<100016xf32, #tpu.memory_space<vmem>>[vector<16xi32>], vector<16xf32>,
      %lt3A_668 = arith.cmpf olt, %gather3A_667, %get3A_97 : vector<16xf32>
      %add3A_669 = arith.constant 1 : i32
      %add3A_670 = vector.broadcast %add3A_669 : i32 to vector<16xi32>
      %add3A_671 = arith.addi %shift_right_logical3A_666, %add3A_670 : vector<16xi32>
      %select_n3A_672 = arith.select %lt3A_668, %add3A_671, %select_n3A_628 : vector<16xi1>, vector<16xi32>
      %select_n3A_673 = arith.select %lt3A_668, %select_n3A_629, %shift_right_logical3A_666 : vector<16xi1>, vector<16xi32>
      %add3A_674 = arith.addi %select_n3A_639, %select_n3A_640 : vector<16xi32>
      %shift_right_logical3A_675 = arith.constant 1 : i32
      %shift_right_logical3A_676 = vector.broadcast %shift_right_logical3A_675 : i32 to vector<16xi32>
      %shift_right_logical3A_677 = arith.shrui %add3A_674, %shift_right_logical3A_676 : vector<16xi32>
      %gather3A_678 = tpu.vector_load_idx %arg9[%shift_right_logical3A_677] : memref<100016xf32, #tpu.memory_space<vmem>>[vector<16xi32>], vector<16xf32>,
      %lt3A_679 = arith.cmpf olt, %gather3A_678, %get3A_101 : vector<16xf32>
      %add3A_680 = arith.constant 1 : i32
      %add3A_681 = vector.broadcast %add3A_680 : i32 to vector<16xi32>
      %add3A_682 = arith.addi %shift_right_logical3A_677, %add3A_681 : vector<16xi32>
      %select_n3A_683 = arith.select %lt3A_679, %add3A_682, %select_n3A_639 : vector<16xi1>, vector<16xi32>
      %select_n3A_684 = arith.select %lt3A_679, %select_n3A_640, %shift_right_logical3A_677 : vector<16xi1>, vector<16xi32>
      %add3A_685 = arith.addi %select_n3A_650, %select_n3A_651 : vector<16xi32>
      %shift_right_logical3A_686 = arith.constant 1 : i32
      %shift_right_logical3A_687 = vector.broadcast %shift_right_logical3A_686 : i32 to vector<16xi32>
      %shift_right_logical3A_688 = arith.shrui %add3A_685, %shift_right_logical3A_687 : vector<16xi32>
      %gather3A_689 = tpu.vector_load_idx %arg9[%shift_right_logical3A_688] : memref<100016xf32, #tpu.memory_space<vmem>>[vector<16xi32>], vector<16xf32>,
      %lt3A_690 = arith.cmpf olt, %gather3A_689, %get3A_89 : vector<16xf32>
      %add3A_691 = arith.constant 1 : i32
      %add3A_692 = vector.broadcast %add3A_691 : i32 to vector<16xi32>
      %add3A_693 = arith.addi %shift_right_logical3A_688, %add3A_692 : vector<16xi32>
      %select_n3A_694 = arith.select %lt3A_690, %add3A_693, %select_n3A_650 : vector<16xi1>, vector<16xi32>
      %select_n3A_695 = arith.select %lt3A_690, %select_n3A_651, %shift_right_logical3A_688 : vector<16xi1>, vector<16xi32>
      %add3A_696 = arith.addi %select_n3A_661, %select_n3A_662 : vector<16xi32>
      %shift_right_logical3A_697 = arith.constant 1 : i32
      %shift_right_logical3A_698 = vector.broadcast %shift_right_logical3A_697 : i32 to vector<16xi32>
      %shift_right_logical3A_699 = arith.shrui %add3A_696, %shift_right_logical3A_698 : vector<16xi32>
      %gather3A_700 = tpu.vector_load_idx %arg9[%shift_right_logical3A_699] : memref<100016xf32, #tpu.memory_space<vmem>>[vector<16xi32>], vector<16xf32>,
      %lt3A_701 = arith.cmpf olt, %gather3A_700, %get3A_93 : vector<16xf32>
      %add3A_702 = arith.constant 1 : i32
      %add3A_703 = vector.broadcast %add3A_702 : i32 to vector<16xi32>
      %add3A_704 = arith.addi %shift_right_logical3A_699, %add3A_703 : vector<16xi32>
      %select_n3A_705 = arith.select %lt3A_701, %add3A_704, %select_n3A_661 : vector<16xi1>, vector<16xi32>
      %select_n3A_706 = arith.select %lt3A_701, %select_n3A_662, %shift_right_logical3A_699 : vector<16xi1>, vector<16xi32>
      %add3A_707 = arith.addi %select_n3A_672, %select_n3A_673 : vector<16xi32>
      %shift_right_logical3A_708 = arith.constant 1 : i32
      %shift_right_logical3A_709 = vector.broadcast %shift_right_logical3A_708 : i32 to vector<16xi32>
      %shift_right_logical3A_710 = arith.shrui %add3A_707, %shift_right_logical3A_709 : vector<16xi32>
      %gather3A_711 = tpu.vector_load_idx %arg9[%shift_right_logical3A_710] : memref<100016xf32, #tpu.memory_space<vmem>>[vector<16xi32>], vector<16xf32>,
      %lt3A_712 = arith.cmpf olt, %gather3A_711, %get3A_97 : vector<16xf32>
      %add3A_713 = arith.constant 1 : i32
      %add3A_714 = vector.broadcast %add3A_713 : i32 to vector<16xi32>
      %add3A_715 = arith.addi %shift_right_logical3A_710, %add3A_714 : vector<16xi32>
      %select_n3A_716 = arith.select %lt3A_712, %add3A_715, %select_n3A_672 : vector<16xi1>, vector<16xi32>
      %select_n3A_717 = arith.select %lt3A_712, %select_n3A_673, %shift_right_logical3A_710 : vector<16xi1>, vector<16xi32>
      %add3A_718 = arith.addi %select_n3A_683, %select_n3A_684 : vector<16xi32>
      %shift_right_logical3A_719 = arith.constant 1 : i32
      %shift_right_logical3A_720 = vector.broadcast %shift_right_logical3A_719 : i32 to vector<16xi32>
      %shift_right_logical3A_721 = arith.shrui %add3A_718, %shift_right_logical3A_720 : vector<16xi32>
      %gather3A_722 = tpu.vector_load_idx %arg9[%shift_right_logical3A_721] : memref<100016xf32, #tpu.memory_space<vmem>>[vector<16xi32>], vector<16xf32>,
      %lt3A_723 = arith.cmpf olt, %gather3A_722, %get3A_101 : vector<16xf32>
      %add3A_724 = arith.constant 1 : i32
      %add3A_725 = vector.broadcast %add3A_724 : i32 to vector<16xi32>
      %add3A_726 = arith.addi %shift_right_logical3A_721, %add3A_725 : vector<16xi32>
      %select_n3A_727 = arith.select %lt3A_723, %add3A_726, %select_n3A_683 : vector<16xi1>, vector<16xi32>
      %select_n3A_728 = arith.select %lt3A_723, %select_n3A_684, %shift_right_logical3A_721 : vector<16xi1>, vector<16xi32>
      %add3A_729 = arith.addi %select_n3A_694, %select_n3A_695 : vector<16xi32>
      %shift_right_logical3A_730 = arith.constant 1 : i32
      %shift_right_logical3A_731 = vector.broadcast %shift_right_logical3A_730 : i32 to vector<16xi32>
      %shift_right_logical3A_732 = arith.shrui %add3A_729, %shift_right_logical3A_731 : vector<16xi32>
      %gather3A_733 = tpu.vector_load_idx %arg9[%shift_right_logical3A_732] : memref<100016xf32, #tpu.memory_space<vmem>>[vector<16xi32>], vector<16xf32>,
      %lt3A_734 = arith.cmpf olt, %gather3A_733, %get3A_89 : vector<16xf32>
      %add3A_735 = arith.constant 1 : i32
      %add3A_736 = vector.broadcast %add3A_735 : i32 to vector<16xi32>
      %add3A_737 = arith.addi %shift_right_logical3A_732, %add3A_736 : vector<16xi32>
      %select_n3A_738 = arith.select %lt3A_734, %add3A_737, %select_n3A_694 : vector<16xi1>, vector<16xi32>
      %select_n3A_739 = arith.select %lt3A_734, %select_n3A_695, %shift_right_logical3A_732 : vector<16xi1>, vector<16xi32>
      %add3A_740 = arith.addi %select_n3A_705, %select_n3A_706 : vector<16xi32>
      %shift_right_logical3A_741 = arith.constant 1 : i32
      %shift_right_logical3A_742 = vector.broadcast %shift_right_logical3A_741 : i32 to vector<16xi32>
      %shift_right_logical3A_743 = arith.shrui %add3A_740, %shift_right_logical3A_742 : vector<16xi32>
      %gather3A_744 = tpu.vector_load_idx %arg9[%shift_right_logical3A_743] : memref<100016xf32, #tpu.memory_space<vmem>>[vector<16xi32>], vector<16xf32>,
      %lt3A_745 = arith.cmpf olt, %gather3A_744, %get3A_93 : vector<16xf32>
      %add3A_746 = arith.constant 1 : i32
      %add3A_747 = vector.broadcast %add3A_746 : i32 to vector<16xi32>
      %add3A_748 = arith.addi %shift_right_logical3A_743, %add3A_747 : vector<16xi32>
      %select_n3A_749 = arith.select %lt3A_745, %add3A_748, %select_n3A_705 : vector<16xi1>, vector<16xi32>
      %select_n3A_750 = arith.select %lt3A_745, %select_n3A_706, %shift_right_logical3A_743 : vector<16xi1>, vector<16xi32>
      %add3A_751 = arith.addi %select_n3A_716, %select_n3A_717 : vector<16xi32>
      %shift_right_logical3A_752 = arith.constant 1 : i32
      %shift_right_logical3A_753 = vector.broadcast %shift_right_logical3A_752 : i32 to vector<16xi32>
      %shift_right_logical3A_754 = arith.shrui %add3A_751, %shift_right_logical3A_753 : vector<16xi32>
      %gather3A_755 = tpu.vector_load_idx %arg9[%shift_right_logical3A_754] : memref<100016xf32, #tpu.memory_space<vmem>>[vector<16xi32>], vector<16xf32>,
      %lt3A_756 = arith.cmpf olt, %gather3A_755, %get3A_97 : vector<16xf32>
      %add3A_757 = arith.constant 1 : i32
      %add3A_758 = vector.broadcast %add3A_757 : i32 to vector<16xi32>
      %add3A_759 = arith.addi %shift_right_logical3A_754, %add3A_758 : vector<16xi32>
      %select_n3A_760 = arith.select %lt3A_756, %add3A_759, %select_n3A_716 : vector<16xi1>, vector<16xi32>
      %select_n3A_761 = arith.select %lt3A_756, %select_n3A_717, %shift_right_logical3A_754 : vector<16xi1>, vector<16xi32>
      %add3A_762 = arith.addi %select_n3A_727, %select_n3A_728 : vector<16xi32>
      %shift_right_logical3A_763 = arith.constant 1 : i32
      %shift_right_logical3A_764 = vector.broadcast %shift_right_logical3A_763 : i32 to vector<16xi32>
      %shift_right_logical3A_765 = arith.shrui %add3A_762, %shift_right_logical3A_764 : vector<16xi32>
      %gather3A_766 = tpu.vector_load_idx %arg9[%shift_right_logical3A_765] : memref<100016xf32, #tpu.memory_space<vmem>>[vector<16xi32>], vector<16xf32>,
      %lt3A_767 = arith.cmpf olt, %gather3A_766, %get3A_101 : vector<16xf32>
      %add3A_768 = arith.constant 1 : i32
      %add3A_769 = vector.broadcast %add3A_768 : i32 to vector<16xi32>
      %add3A_770 = arith.addi %shift_right_logical3A_765, %add3A_769 : vector<16xi32>
      %select_n3A_771 = arith.select %lt3A_767, %add3A_770, %select_n3A_727 : vector<16xi1>, vector<16xi32>
      %select_n3A_772 = arith.select %lt3A_767, %select_n3A_728, %shift_right_logical3A_765 : vector<16xi1>, vector<16xi32>
      %add3A_773 = arith.addi %select_n3A_738, %select_n3A_739 : vector<16xi32>
      %shift_right_logical3A_774 = arith.constant 1 : i32
      %shift_right_logical3A_775 = vector.broadcast %shift_right_logical3A_774 : i32 to vector<16xi32>
      %shift_right_logical3A_776 = arith.shrui %add3A_773, %shift_right_logical3A_775 : vector<16xi32>
      %gather3A_777 = tpu.vector_load_idx %arg9[%shift_right_logical3A_776] : memref<100016xf32, #tpu.memory_space<vmem>>[vector<16xi32>], vector<16xf32>,
      %lt3A_778 = arith.cmpf olt, %gather3A_777, %get3A_89 : vector<16xf32>
      %add3A_779 = arith.constant 1 : i32
      %add3A_780 = vector.broadcast %add3A_779 : i32 to vector<16xi32>
      %add3A_781 = arith.addi %shift_right_logical3A_776, %add3A_780 : vector<16xi32>
      %select_n3A_782 = arith.select %lt3A_778, %add3A_781, %select_n3A_738 : vector<16xi1>, vector<16xi32>
      %select_n3A_783 = arith.select %lt3A_778, %select_n3A_739, %shift_right_logical3A_776 : vector<16xi1>, vector<16xi32>
      %add3A_784 = arith.addi %select_n3A_749, %select_n3A_750 : vector<16xi32>
      %shift_right_logical3A_785 = arith.constant 1 : i32
      %shift_right_logical3A_786 = vector.broadcast %shift_right_logical3A_785 : i32 to vector<16xi32>
      %shift_right_logical3A_787 = arith.shrui %add3A_784, %shift_right_logical3A_786 : vector<16xi32>
      %gather3A_788 = tpu.vector_load_idx %arg9[%shift_right_logical3A_787] : memref<100016xf32, #tpu.memory_space<vmem>>[vector<16xi32>], vector<16xf32>,
      %lt3A_789 = arith.cmpf olt, %gather3A_788, %get3A_93 : vector<16xf32>
      %add3A_790 = arith.constant 1 : i32
      %add3A_791 = vector.broadcast %add3A_790 : i32 to vector<16xi32>
      %add3A_792 = arith.addi %shift_right_logical3A_787, %add3A_791 : vector<16xi32>
      %select_n3A_793 = arith.select %lt3A_789, %add3A_792, %select_n3A_749 : vector<16xi1>, vector<16xi32>
      %select_n3A_794 = arith.select %lt3A_789, %select_n3A_750, %shift_right_logical3A_787 : vector<16xi1>, vector<16xi32>
      %add3A_795 = arith.addi %select_n3A_760, %select_n3A_761 : vector<16xi32>
      %shift_right_logical3A_796 = arith.constant 1 : i32
      %shift_right_logical3A_797 = vector.broadcast %shift_right_logical3A_796 : i32 to vector<16xi32>
      %shift_right_logical3A_798 = arith.shrui %add3A_795, %shift_right_logical3A_797 : vector<16xi32>
      %gather3A_799 = tpu.vector_load_idx %arg9[%shift_right_logical3A_798] : memref<100016xf32, #tpu.memory_space<vmem>>[vector<16xi32>], vector<16xf32>,
      %lt3A_800 = arith.cmpf olt, %gather3A_799, %get3A_97 : vector<16xf32>
      %add3A_801 = arith.constant 1 : i32
      %add3A_802 = vector.broadcast %add3A_801 : i32 to vector<16xi32>
      %add3A_803 = arith.addi %shift_right_logical3A_798, %add3A_802 : vector<16xi32>
      %select_n3A_804 = arith.select %lt3A_800, %add3A_803, %select_n3A_760 : vector<16xi1>, vector<16xi32>
      %select_n3A_805 = arith.select %lt3A_800, %select_n3A_761, %shift_right_logical3A_798 : vector<16xi1>, vector<16xi32>
      %add3A_806 = arith.addi %select_n3A_771, %select_n3A_772 : vector<16xi32>
      %shift_right_logical3A_807 = arith.constant 1 : i32
      %shift_right_logical3A_808 = vector.broadcast %shift_right_logical3A_807 : i32 to vector<16xi32>
      %shift_right_logical3A_809 = arith.shrui %add3A_806, %shift_right_logical3A_808 : vector<16xi32>
      %gather3A_810 = tpu.vector_load_idx %arg9[%shift_right_logical3A_809] : memref<100016xf32, #tpu.memory_space<vmem>>[vector<16xi32>], vector<16xf32>,
      %lt3A_811 = arith.cmpf olt, %gather3A_810, %get3A_101 : vector<16xf32>
      %add3A_812 = arith.constant 1 : i32
      %add3A_813 = vector.broadcast %add3A_812 : i32 to vector<16xi32>
      %add3A_814 = arith.addi %shift_right_logical3A_809, %add3A_813 : vector<16xi32>
      %select_n3A_815 = arith.select %lt3A_811, %add3A_814, %select_n3A_771 : vector<16xi1>, vector<16xi32>
      %select_n3A_816 = arith.select %lt3A_811, %select_n3A_772, %shift_right_logical3A_809 : vector<16xi1>, vector<16xi32>
      %add3A_817 = arith.addi %select_n3A_782, %select_n3A_783 : vector<16xi32>
      %shift_right_logical3A_818 = arith.constant 1 : i32
      %shift_right_logical3A_819 = vector.broadcast %shift_right_logical3A_818 : i32 to vector<16xi32>
      %shift_right_logical3A_820 = arith.shrui %add3A_817, %shift_right_logical3A_819 : vector<16xi32>
      %gather3A_821 = tpu.vector_load_idx %arg9[%shift_right_logical3A_820] : memref<100016xf32, #tpu.memory_space<vmem>>[vector<16xi32>], vector<16xf32>,
      %lt3A_822 = arith.cmpf olt, %gather3A_821, %get3A_89 : vector<16xf32>
      %add3A_823 = arith.constant 1 : i32
      %add3A_824 = vector.broadcast %add3A_823 : i32 to vector<16xi32>
      %add3A_825 = arith.addi %shift_right_logical3A_820, %add3A_824 : vector<16xi32>
      %select_n3A_826 = arith.select %lt3A_822, %add3A_825, %select_n3A_782 : vector<16xi1>, vector<16xi32>
      %select_n3A_827 = arith.select %lt3A_822, %select_n3A_783, %shift_right_logical3A_820 : vector<16xi1>, vector<16xi32>
      %add3A_828 = arith.addi %select_n3A_793, %select_n3A_794 : vector<16xi32>
      %shift_right_logical3A_829 = arith.constant 1 : i32
      %shift_right_logical3A_830 = vector.broadcast %shift_right_logical3A_829 : i32 to vector<16xi32>
      %shift_right_logical3A_831 = arith.shrui %add3A_828, %shift_right_logical3A_830 : vector<16xi32>
      %gather3A_832 = tpu.vector_load_idx %arg9[%shift_right_logical3A_831] : memref<100016xf32, #tpu.memory_space<vmem>>[vector<16xi32>], vector<16xf32>,
      %lt3A_833 = arith.cmpf olt, %gather3A_832, %get3A_93 : vector<16xf32>
      %add3A_834 = arith.constant 1 : i32
      %add3A_835 = vector.broadcast %add3A_834 : i32 to vector<16xi32>
      %add3A_836 = arith.addi %shift_right_logical3A_831, %add3A_835 : vector<16xi32>
      %select_n3A_837 = arith.select %lt3A_833, %add3A_836, %select_n3A_793 : vector<16xi1>, vector<16xi32>
      %select_n3A_838 = arith.select %lt3A_833, %select_n3A_794, %shift_right_logical3A_831 : vector<16xi1>, vector<16xi32>
      %add3A_839 = arith.addi %select_n3A_804, %select_n3A_805 : vector<16xi32>
      %shift_right_logical3A_840 = arith.constant 1 : i32
      %shift_right_logical3A_841 = vector.broadcast %shift_right_logical3A_840 : i32 to vector<16xi32>
      %shift_right_logical3A_842 = arith.shrui %add3A_839, %shift_right_logical3A_841 : vector<16xi32>
      %gather3A_843 = tpu.vector_load_idx %arg9[%shift_right_logical3A_842] : memref<100016xf32, #tpu.memory_space<vmem>>[vector<16xi32>], vector<16xf32>,
      %lt3A_844 = arith.cmpf olt, %gather3A_843, %get3A_97 : vector<16xf32>
      %add3A_845 = arith.constant 1 : i32
      %add3A_846 = vector.broadcast %add3A_845 : i32 to vector<16xi32>
      %add3A_847 = arith.addi %shift_right_logical3A_842, %add3A_846 : vector<16xi32>
      %select_n3A_848 = arith.select %lt3A_844, %add3A_847, %select_n3A_804 : vector<16xi1>, vector<16xi32>
      %select_n3A_849 = arith.select %lt3A_844, %select_n3A_805, %shift_right_logical3A_842 : vector<16xi1>, vector<16xi32>
      %add3A_850 = arith.addi %select_n3A_815, %select_n3A_816 : vector<16xi32>
      %shift_right_logical3A_851 = arith.constant 1 : i32
      %shift_right_logical3A_852 = vector.broadcast %shift_right_logical3A_851 : i32 to vector<16xi32>
      %shift_right_logical3A_853 = arith.shrui %add3A_850, %shift_right_logical3A_852 : vector<16xi32>
      %gather3A_854 = tpu.vector_load_idx %arg9[%shift_right_logical3A_853] : memref<100016xf32, #tpu.memory_space<vmem>>[vector<16xi32>], vector<16xf32>,
      %lt3A_855 = arith.cmpf olt, %gather3A_854, %get3A_101 : vector<16xf32>
      %add3A_856 = arith.constant 1 : i32
      %add3A_857 = vector.broadcast %add3A_856 : i32 to vector<16xi32>
      %add3A_858 = arith.addi %shift_right_logical3A_853, %add3A_857 : vector<16xi32>
      %select_n3A_859 = arith.select %lt3A_855, %add3A_858, %select_n3A_815 : vector<16xi1>, vector<16xi32>
      %select_n3A_860 = arith.select %lt3A_855, %select_n3A_816, %shift_right_logical3A_853 : vector<16xi1>, vector<16xi32>
      %add3A_861 = arith.constant 0 : i32
      %add3A_862 = arith.addi %mul3A_86, %add3A_861 : i32
      %swap3A = arith.index_cast %add3A_862 : i32 to index
      %swap3A_863 = tpu.vector_load %arg11[%swap3A] {strides = array<i32>} : memref<6400xi32, #tpu.memory_space<vmem>>, vector<16xi32>,
      tpu.vector_store %arg11[%swap3A], %select_n3A_826 {strides = array<i32>} : memref<6400xi32, #tpu.memory_space<vmem>>, vector<16xi32>,
      %add3A_864 = arith.constant 16 : i32
      %add3A_865 = arith.addi %mul3A_86, %add3A_864 : i32
      %swap3A_866 = arith.index_cast %add3A_865 : i32 to index
      %swap3A_867 = tpu.vector_load %arg11[%swap3A_866] {strides = array<i32>} : memref<6400xi32, #tpu.memory_space<vmem>>, vector<16xi32>,
      tpu.vector_store %arg11[%swap3A_866], %select_n3A_837 {strides = array<i32>} : memref<6400xi32, #tpu.memory_space<vmem>>, vector<16xi32>,
      %add3A_868 = arith.constant 32 : i32
      %add3A_869 = arith.addi %mul3A_86, %add3A_868 : i32
      %swap3A_870 = arith.index_cast %add3A_869 : i32 to index
      %swap3A_871 = tpu.vector_load %arg11[%swap3A_870] {strides = array<i32>} : memref<6400xi32, #tpu.memory_space<vmem>>, vector<16xi32>,
      tpu.vector_store %arg11[%swap3A_870], %select_n3A_848 {strides = array<i32>} : memref<6400xi32, #tpu.memory_space<vmem>>, vector<16xi32>,
      %add3A_872 = arith.constant 48 : i32
      %add3A_873 = arith.addi %mul3A_86, %add3A_872 : i32
      %swap3A_874 = arith.index_cast %add3A_873 : i32 to index
      %swap3A_875 = tpu.vector_load %arg11[%swap3A_874] {strides = array<i32>} : memref<6400xi32, #tpu.memory_space<vmem>>, vector<16xi32>,
      tpu.vector_store %arg11[%swap3A_874], %select_n3A_859 {strides = array<i32>} : memref<6400xi32, #tpu.memory_space<vmem>>, vector<16xi32>,
      %scan3A_876 = arith.constant 0 : i32
      scf.yield %scan3A_876 : i32
    }
    %scan3A_19 = arith.constant 100 : i32
    "tpu.region"() ({
      %run_scoped3A = tpu.sem_alloc : memref<!tpu.dma_semaphore, #tpu.memory_space<semaphore_mem>>
      %dma_start3A = tpu.memref_slice %arg6[%add3A_12] : memref<819200xi32, #tpu.memory_space<hbm>> -> memref<6400xi32, #tpu.memory_space<hbm>>
      %dma_start3A_83 = tpu.memref_slice %arg6[%add3A_12] : memref<819200xi32, #tpu.memory_space<hbm>> -> memref<6400xi32, #tpu.memory_space<hbm>>
      tpu.enqueue_dma source(%arg11 : memref<6400xi32, #tpu.memory_space<vmem>>) target(%dma_start3A_83 : memref<6400xi32, #tpu.memory_space<hbm>>) target_semaphore(%run_scoped3A : memref<!tpu.dma_semaphore, #tpu.memory_space<semaphore_mem>>)
      %dma_wait3A = tpu.memref_slice %arg6[%add3A_12] : memref<819200xi32, #tpu.memory_space<hbm>> -> memref<6400xi32, #tpu.memory_space<hbm>>
      %dma_wait3A_84 = tpu.memref_slice %arg6[%add3A_12] : memref<819200xi32, #tpu.memory_space<hbm>> -> memref<6400xi32, #tpu.memory_space<hbm>>
      tpu.wait_dma2 semaphore(%run_scoped3A : memref<!tpu.dma_semaphore, #tpu.memory_space<semaphore_mem>>) src(%arg11 : memref<6400xi32, #tpu.memory_space<vmem>>) dst(%dma_wait3A_84 : memref<6400xi32, #tpu.memory_space<hbm>>)
      tpu.yield
    }) : () -> ()
    %add3A_20 = arith.constant 12800 : i32
    %add3A_21 = arith.addi %mul3A_2, %add3A_20 : i32
    "tpu.region"() ({
      %run_scoped3A = tpu.sem_alloc : memref<!tpu.dma_semaphore, #tpu.memory_space<semaphore_mem>>
      %dma_start3A = tpu.memref_slice %arg4[%add3A_21] : memref<819200xf32, #tpu.memory_space<hbm>> -> memref<6400xf32, #tpu.memory_space<hbm>>
      %dma_start3A_83 = tpu.memref_slice %arg4[%add3A_21] : memref<819200xf32, #tpu.memory_space<hbm>> -> memref<6400xf32, #tpu.memory_space<hbm>>
      tpu.enqueue_dma source(%dma_start3A_83 : memref<6400xf32, #tpu.memory_space<hbm>>) target(%arg10 : memref<6400xf32, #tpu.memory_space<vmem>>) target_semaphore(%run_scoped3A : memref<!tpu.dma_semaphore, #tpu.memory_space<semaphore_mem>>)
      %dma_wait3A = tpu.memref_slice %arg4[%add3A_21] : memref<819200xf32, #tpu.memory_space<hbm>> -> memref<6400xf32, #tpu.memory_space<hbm>>
      %dma_wait3A_84 = tpu.memref_slice %arg4[%add3A_21] : memref<819200xf32, #tpu.memory_space<hbm>> -> memref<6400xf32, #tpu.memory_space<hbm>>
      tpu.wait_dma2 semaphore(%run_scoped3A : memref<!tpu.dma_semaphore, #tpu.memory_space<semaphore_mem>>) src(%dma_wait3A_84 : memref<6400xf32, #tpu.memory_space<hbm>>) dst(%arg10 : memref<6400xf32, #tpu.memory_space<vmem>>)
      tpu.yield
    }) : () -> ()
    %scan3A_22 = arith.constant 0 : i32
    %scan3A_23 = arith.constant 0 : i32
    %scan3A_24 = arith.constant 100 : i32
    %scan3A_25 = arith.addi %scan3A_23, %scan3A_24 : i32
    %scan3A_26 = arith.constant 1 : i32
    %scan3A_27 = scf.for %scan3A_83 = %scan3A_23 to %scan3A_25 step %scan3A_26 iter_args(%scan3A_84 = %scan3A_22) -> (i32)  : i32 {
      %mul3A_85 = arith.constant 64 : i32
      %mul3A_86 = arith.muli %scan3A_83, %mul3A_85 : i32
      %add3A_87 = arith.constant 0 : i32
      %add3A_88 = arith.addi %mul3A_86, %add3A_87 : i32
      %get3A = arith.index_cast %add3A_88 : i32 to index
      %get3A_89 = tpu.vector_load %arg10[%get3A] {strides = array<i32>} : memref<6400xf32, #tpu.memory_space<vmem>>, vector<16xf32>,
      %add3A_90 = arith.constant 16 : i32
      %add3A_91 = arith.addi %mul3A_86, %add3A_90 : i32
      %get3A_92 = arith.index_cast %add3A_91 : i32 to index
      %get3A_93 = tpu.vector_load %arg10[%get3A_92] {strides = array<i32>} : memref<6400xf32, #tpu.memory_space<vmem>>, vector<16xf32>,
      %add3A_94 = arith.constant 32 : i32
      %add3A_95 = arith.addi %mul3A_86, %add3A_94 : i32
      %get3A_96 = arith.index_cast %add3A_95 : i32 to index
      %get3A_97 = tpu.vector_load %arg10[%get3A_96] {strides = array<i32>} : memref<6400xf32, #tpu.memory_space<vmem>>, vector<16xf32>,
      %add3A_98 = arith.constant 48 : i32
      %add3A_99 = arith.addi %mul3A_86, %add3A_98 : i32
      %get3A_100 = arith.index_cast %add3A_99 : i32 to index
      %get3A_101 = tpu.vector_load %arg10[%get3A_100] {strides = array<i32>} : memref<6400xf32, #tpu.memory_space<vmem>>, vector<16xf32>,
      %broadcast_in_dim3A = arith.constant 0 : i32
      %broadcast_in_dim3A_102 = vector.broadcast %broadcast_in_dim3A : i32 to vector<16xi32>
      %broadcast_in_dim3A_103 = arith.constant 0 : i32
      %broadcast_in_dim3A_104 = vector.broadcast %broadcast_in_dim3A_103 : i32 to vector<16xi32>
      %broadcast_in_dim3A_105 = arith.constant 0 : i32
      %broadcast_in_dim3A_106 = vector.broadcast %broadcast_in_dim3A_105 : i32 to vector<16xi32>
      %broadcast_in_dim3A_107 = arith.constant 0 : i32
      %broadcast_in_dim3A_108 = vector.broadcast %broadcast_in_dim3A_107 : i32 to vector<16xi32>
      %broadcast_in_dim3A_109 = arith.constant 100001 : i32
      %broadcast_in_dim3A_110 = vector.broadcast %broadcast_in_dim3A_109 : i32 to vector<16xi32>
      %broadcast_in_dim3A_111 = arith.constant 100001 : i32
      %broadcast_in_dim3A_112 = vector.broadcast %broadcast_in_dim3A_111 : i32 to vector<16xi32>
      %broadcast_in_dim3A_113 = arith.constant 100001 : i32
      %broadcast_in_dim3A_114 = vector.broadcast %broadcast_in_dim3A_113 : i32 to vector<16xi32>
      %broadcast_in_dim3A_115 = arith.constant 100001 : i32
      %broadcast_in_dim3A_116 = vector.broadcast %broadcast_in_dim3A_115 : i32 to vector<16xi32>
      %add3A_117 = arith.addi %broadcast_in_dim3A_102, %broadcast_in_dim3A_110 : vector<16xi32>
      %shift_right_logical3A = arith.constant 1 : i32
      %shift_right_logical3A_118 = vector.broadcast %shift_right_logical3A : i32 to vector<16xi32>
      %shift_right_logical3A_119 = arith.shrui %add3A_117, %shift_right_logical3A_118 : vector<16xi32>
      %gather3A = tpu.vector_load_idx %arg9[%shift_right_logical3A_119] : memref<100016xf32, #tpu.memory_space<vmem>>[vector<16xi32>], vector<16xf32>,
      %lt3A = arith.cmpf olt, %gather3A, %get3A_89 : vector<16xf32>
      %add3A_120 = arith.constant 1 : i32
      %add3A_121 = vector.broadcast %add3A_120 : i32 to vector<16xi32>
      %add3A_122 = arith.addi %shift_right_logical3A_119, %add3A_121 : vector<16xi32>
      %select_n3A = arith.select %lt3A, %add3A_122, %broadcast_in_dim3A_102 : vector<16xi1>, vector<16xi32>
      %select_n3A_123 = arith.select %lt3A, %broadcast_in_dim3A_110, %shift_right_logical3A_119 : vector<16xi1>, vector<16xi32>
      %add3A_124 = arith.addi %broadcast_in_dim3A_104, %broadcast_in_dim3A_112 : vector<16xi32>
      %shift_right_logical3A_125 = arith.constant 1 : i32
      %shift_right_logical3A_126 = vector.broadcast %shift_right_logical3A_125 : i32 to vector<16xi32>
      %shift_right_logical3A_127 = arith.shrui %add3A_124, %shift_right_logical3A_126 : vector<16xi32>
      %gather3A_128 = tpu.vector_load_idx %arg9[%shift_right_logical3A_127] : memref<100016xf32, #tpu.memory_space<vmem>>[vector<16xi32>], vector<16xf32>,
      %lt3A_129 = arith.cmpf olt, %gather3A_128, %get3A_93 : vector<16xf32>
      %add3A_130 = arith.constant 1 : i32
      %add3A_131 = vector.broadcast %add3A_130 : i32 to vector<16xi32>
      %add3A_132 = arith.addi %shift_right_logical3A_127, %add3A_131 : vector<16xi32>
      %select_n3A_133 = arith.select %lt3A_129, %add3A_132, %broadcast_in_dim3A_104 : vector<16xi1>, vector<16xi32>
      %select_n3A_134 = arith.select %lt3A_129, %broadcast_in_dim3A_112, %shift_right_logical3A_127 : vector<16xi1>, vector<16xi32>
      %add3A_135 = arith.addi %broadcast_in_dim3A_106, %broadcast_in_dim3A_114 : vector<16xi32>
      %shift_right_logical3A_136 = arith.constant 1 : i32
      %shift_right_logical3A_137 = vector.broadcast %shift_right_logical3A_136 : i32 to vector<16xi32>
      %shift_right_logical3A_138 = arith.shrui %add3A_135, %shift_right_logical3A_137 : vector<16xi32>
      %gather3A_139 = tpu.vector_load_idx %arg9[%shift_right_logical3A_138] : memref<100016xf32, #tpu.memory_space<vmem>>[vector<16xi32>], vector<16xf32>,
      %lt3A_140 = arith.cmpf olt, %gather3A_139, %get3A_97 : vector<16xf32>
      %add3A_141 = arith.constant 1 : i32
      %add3A_142 = vector.broadcast %add3A_141 : i32 to vector<16xi32>
      %add3A_143 = arith.addi %shift_right_logical3A_138, %add3A_142 : vector<16xi32>
      %select_n3A_144 = arith.select %lt3A_140, %add3A_143, %broadcast_in_dim3A_106 : vector<16xi1>, vector<16xi32>
      %select_n3A_145 = arith.select %lt3A_140, %broadcast_in_dim3A_114, %shift_right_logical3A_138 : vector<16xi1>, vector<16xi32>
      %add3A_146 = arith.addi %broadcast_in_dim3A_108, %broadcast_in_dim3A_116 : vector<16xi32>
      %shift_right_logical3A_147 = arith.constant 1 : i32
      %shift_right_logical3A_148 = vector.broadcast %shift_right_logical3A_147 : i32 to vector<16xi32>
      %shift_right_logical3A_149 = arith.shrui %add3A_146, %shift_right_logical3A_148 : vector<16xi32>
      %gather3A_150 = tpu.vector_load_idx %arg9[%shift_right_logical3A_149] : memref<100016xf32, #tpu.memory_space<vmem>>[vector<16xi32>], vector<16xf32>,
      %lt3A_151 = arith.cmpf olt, %gather3A_150, %get3A_101 : vector<16xf32>
      %add3A_152 = arith.constant 1 : i32
      %add3A_153 = vector.broadcast %add3A_152 : i32 to vector<16xi32>
      %add3A_154 = arith.addi %shift_right_logical3A_149, %add3A_153 : vector<16xi32>
      %select_n3A_155 = arith.select %lt3A_151, %add3A_154, %broadcast_in_dim3A_108 : vector<16xi1>, vector<16xi32>
      %select_n3A_156 = arith.select %lt3A_151, %broadcast_in_dim3A_116, %shift_right_logical3A_149 : vector<16xi1>, vector<16xi32>
      %add3A_157 = arith.addi %select_n3A, %select_n3A_123 : vector<16xi32>
      %shift_right_logical3A_158 = arith.constant 1 : i32
      %shift_right_logical3A_159 = vector.broadcast %shift_right_logical3A_158 : i32 to vector<16xi32>
      %shift_right_logical3A_160 = arith.shrui %add3A_157, %shift_right_logical3A_159 : vector<16xi32>
      %gather3A_161 = tpu.vector_load_idx %arg9[%shift_right_logical3A_160] : memref<100016xf32, #tpu.memory_space<vmem>>[vector<16xi32>], vector<16xf32>,
      %lt3A_162 = arith.cmpf olt, %gather3A_161, %get3A_89 : vector<16xf32>
      %add3A_163 = arith.constant 1 : i32
      %add3A_164 = vector.broadcast %add3A_163 : i32 to vector<16xi32>
      %add3A_165 = arith.addi %shift_right_logical3A_160, %add3A_164 : vector<16xi32>
      %select_n3A_166 = arith.select %lt3A_162, %add3A_165, %select_n3A : vector<16xi1>, vector<16xi32>
      %select_n3A_167 = arith.select %lt3A_162, %select_n3A_123, %shift_right_logical3A_160 : vector<16xi1>, vector<16xi32>
      %add3A_168 = arith.addi %select_n3A_133, %select_n3A_134 : vector<16xi32>
      %shift_right_logical3A_169 = arith.constant 1 : i32
      %shift_right_logical3A_170 = vector.broadcast %shift_right_logical3A_169 : i32 to vector<16xi32>
      %shift_right_logical3A_171 = arith.shrui %add3A_168, %shift_right_logical3A_170 : vector<16xi32>
      %gather3A_172 = tpu.vector_load_idx %arg9[%shift_right_logical3A_171] : memref<100016xf32, #tpu.memory_space<vmem>>[vector<16xi32>], vector<16xf32>,
      %lt3A_173 = arith.cmpf olt, %gather3A_172, %get3A_93 : vector<16xf32>
      %add3A_174 = arith.constant 1 : i32
      %add3A_175 = vector.broadcast %add3A_174 : i32 to vector<16xi32>
      %add3A_176 = arith.addi %shift_right_logical3A_171, %add3A_175 : vector<16xi32>
      %select_n3A_177 = arith.select %lt3A_173, %add3A_176, %select_n3A_133 : vector<16xi1>, vector<16xi32>
      %select_n3A_178 = arith.select %lt3A_173, %select_n3A_134, %shift_right_logical3A_171 : vector<16xi1>, vector<16xi32>
      %add3A_179 = arith.addi %select_n3A_144, %select_n3A_145 : vector<16xi32>
      %shift_right_logical3A_180 = arith.constant 1 : i32
      %shift_right_logical3A_181 = vector.broadcast %shift_right_logical3A_180 : i32 to vector<16xi32>
      %shift_right_logical3A_182 = arith.shrui %add3A_179, %shift_right_logical3A_181 : vector<16xi32>
      %gather3A_183 = tpu.vector_load_idx %arg9[%shift_right_logical3A_182] : memref<100016xf32, #tpu.memory_space<vmem>>[vector<16xi32>], vector<16xf32>,
      %lt3A_184 = arith.cmpf olt, %gather3A_183, %get3A_97 : vector<16xf32>
      %add3A_185 = arith.constant 1 : i32
      %add3A_186 = vector.broadcast %add3A_185 : i32 to vector<16xi32>
      %add3A_187 = arith.addi %shift_right_logical3A_182, %add3A_186 : vector<16xi32>
      %select_n3A_188 = arith.select %lt3A_184, %add3A_187, %select_n3A_144 : vector<16xi1>, vector<16xi32>
      %select_n3A_189 = arith.select %lt3A_184, %select_n3A_145, %shift_right_logical3A_182 : vector<16xi1>, vector<16xi32>
      %add3A_190 = arith.addi %select_n3A_155, %select_n3A_156 : vector<16xi32>
      %shift_right_logical3A_191 = arith.constant 1 : i32
      %shift_right_logical3A_192 = vector.broadcast %shift_right_logical3A_191 : i32 to vector<16xi32>
      %shift_right_logical3A_193 = arith.shrui %add3A_190, %shift_right_logical3A_192 : vector<16xi32>
      %gather3A_194 = tpu.vector_load_idx %arg9[%shift_right_logical3A_193] : memref<100016xf32, #tpu.memory_space<vmem>>[vector<16xi32>], vector<16xf32>,
      %lt3A_195 = arith.cmpf olt, %gather3A_194, %get3A_101 : vector<16xf32>
      %add3A_196 = arith.constant 1 : i32
      %add3A_197 = vector.broadcast %add3A_196 : i32 to vector<16xi32>
      %add3A_198 = arith.addi %shift_right_logical3A_193, %add3A_197 : vector<16xi32>
      %select_n3A_199 = arith.select %lt3A_195, %add3A_198, %select_n3A_155 : vector<16xi1>, vector<16xi32>
      %select_n3A_200 = arith.select %lt3A_195, %select_n3A_156, %shift_right_logical3A_193 : vector<16xi1>, vector<16xi32>
      %add3A_201 = arith.addi %select_n3A_166, %select_n3A_167 : vector<16xi32>
      %shift_right_logical3A_202 = arith.constant 1 : i32
      %shift_right_logical3A_203 = vector.broadcast %shift_right_logical3A_202 : i32 to vector<16xi32>
      %shift_right_logical3A_204 = arith.shrui %add3A_201, %shift_right_logical3A_203 : vector<16xi32>
      %gather3A_205 = tpu.vector_load_idx %arg9[%shift_right_logical3A_204] : memref<100016xf32, #tpu.memory_space<vmem>>[vector<16xi32>], vector<16xf32>,
      %lt3A_206 = arith.cmpf olt, %gather3A_205, %get3A_89 : vector<16xf32>
      %add3A_207 = arith.constant 1 : i32
      %add3A_208 = vector.broadcast %add3A_207 : i32 to vector<16xi32>
      %add3A_209 = arith.addi %shift_right_logical3A_204, %add3A_208 : vector<16xi32>
      %select_n3A_210 = arith.select %lt3A_206, %add3A_209, %select_n3A_166 : vector<16xi1>, vector<16xi32>
      %select_n3A_211 = arith.select %lt3A_206, %select_n3A_167, %shift_right_logical3A_204 : vector<16xi1>, vector<16xi32>
      %add3A_212 = arith.addi %select_n3A_177, %select_n3A_178 : vector<16xi32>
      %shift_right_logical3A_213 = arith.constant 1 : i32
      %shift_right_logical3A_214 = vector.broadcast %shift_right_logical3A_213 : i32 to vector<16xi32>
      %shift_right_logical3A_215 = arith.shrui %add3A_212, %shift_right_logical3A_214 : vector<16xi32>
      %gather3A_216 = tpu.vector_load_idx %arg9[%shift_right_logical3A_215] : memref<100016xf32, #tpu.memory_space<vmem>>[vector<16xi32>], vector<16xf32>,
      %lt3A_217 = arith.cmpf olt, %gather3A_216, %get3A_93 : vector<16xf32>
      %add3A_218 = arith.constant 1 : i32
      %add3A_219 = vector.broadcast %add3A_218 : i32 to vector<16xi32>
      %add3A_220 = arith.addi %shift_right_logical3A_215, %add3A_219 : vector<16xi32>
      %select_n3A_221 = arith.select %lt3A_217, %add3A_220, %select_n3A_177 : vector<16xi1>, vector<16xi32>
      %select_n3A_222 = arith.select %lt3A_217, %select_n3A_178, %shift_right_logical3A_215 : vector<16xi1>, vector<16xi32>
      %add3A_223 = arith.addi %select_n3A_188, %select_n3A_189 : vector<16xi32>
      %shift_right_logical3A_224 = arith.constant 1 : i32
      %shift_right_logical3A_225 = vector.broadcast %shift_right_logical3A_224 : i32 to vector<16xi32>
      %shift_right_logical3A_226 = arith.shrui %add3A_223, %shift_right_logical3A_225 : vector<16xi32>
      %gather3A_227 = tpu.vector_load_idx %arg9[%shift_right_logical3A_226] : memref<100016xf32, #tpu.memory_space<vmem>>[vector<16xi32>], vector<16xf32>,
      %lt3A_228 = arith.cmpf olt, %gather3A_227, %get3A_97 : vector<16xf32>
      %add3A_229 = arith.constant 1 : i32
      %add3A_230 = vector.broadcast %add3A_229 : i32 to vector<16xi32>
      %add3A_231 = arith.addi %shift_right_logical3A_226, %add3A_230 : vector<16xi32>
      %select_n3A_232 = arith.select %lt3A_228, %add3A_231, %select_n3A_188 : vector<16xi1>, vector<16xi32>
      %select_n3A_233 = arith.select %lt3A_228, %select_n3A_189, %shift_right_logical3A_226 : vector<16xi1>, vector<16xi32>
      %add3A_234 = arith.addi %select_n3A_199, %select_n3A_200 : vector<16xi32>
      %shift_right_logical3A_235 = arith.constant 1 : i32
      %shift_right_logical3A_236 = vector.broadcast %shift_right_logical3A_235 : i32 to vector<16xi32>
      %shift_right_logical3A_237 = arith.shrui %add3A_234, %shift_right_logical3A_236 : vector<16xi32>
      %gather3A_238 = tpu.vector_load_idx %arg9[%shift_right_logical3A_237] : memref<100016xf32, #tpu.memory_space<vmem>>[vector<16xi32>], vector<16xf32>,
      %lt3A_239 = arith.cmpf olt, %gather3A_238, %get3A_101 : vector<16xf32>
      %add3A_240 = arith.constant 1 : i32
      %add3A_241 = vector.broadcast %add3A_240 : i32 to vector<16xi32>
      %add3A_242 = arith.addi %shift_right_logical3A_237, %add3A_241 : vector<16xi32>
      %select_n3A_243 = arith.select %lt3A_239, %add3A_242, %select_n3A_199 : vector<16xi1>, vector<16xi32>
      %select_n3A_244 = arith.select %lt3A_239, %select_n3A_200, %shift_right_logical3A_237 : vector<16xi1>, vector<16xi32>
      %add3A_245 = arith.addi %select_n3A_210, %select_n3A_211 : vector<16xi32>
      %shift_right_logical3A_246 = arith.constant 1 : i32
      %shift_right_logical3A_247 = vector.broadcast %shift_right_logical3A_246 : i32 to vector<16xi32>
      %shift_right_logical3A_248 = arith.shrui %add3A_245, %shift_right_logical3A_247 : vector<16xi32>
      %gather3A_249 = tpu.vector_load_idx %arg9[%shift_right_logical3A_248] : memref<100016xf32, #tpu.memory_space<vmem>>[vector<16xi32>], vector<16xf32>,
      %lt3A_250 = arith.cmpf olt, %gather3A_249, %get3A_89 : vector<16xf32>
      %add3A_251 = arith.constant 1 : i32
      %add3A_252 = vector.broadcast %add3A_251 : i32 to vector<16xi32>
      %add3A_253 = arith.addi %shift_right_logical3A_248, %add3A_252 : vector<16xi32>
      %select_n3A_254 = arith.select %lt3A_250, %add3A_253, %select_n3A_210 : vector<16xi1>, vector<16xi32>
      %select_n3A_255 = arith.select %lt3A_250, %select_n3A_211, %shift_right_logical3A_248 : vector<16xi1>, vector<16xi32>
      %add3A_256 = arith.addi %select_n3A_221, %select_n3A_222 : vector<16xi32>
      %shift_right_logical3A_257 = arith.constant 1 : i32
      %shift_right_logical3A_258 = vector.broadcast %shift_right_logical3A_257 : i32 to vector<16xi32>
      %shift_right_logical3A_259 = arith.shrui %add3A_256, %shift_right_logical3A_258 : vector<16xi32>
      %gather3A_260 = tpu.vector_load_idx %arg9[%shift_right_logical3A_259] : memref<100016xf32, #tpu.memory_space<vmem>>[vector<16xi32>], vector<16xf32>,
      %lt3A_261 = arith.cmpf olt, %gather3A_260, %get3A_93 : vector<16xf32>
      %add3A_262 = arith.constant 1 : i32
      %add3A_263 = vector.broadcast %add3A_262 : i32 to vector<16xi32>
      %add3A_264 = arith.addi %shift_right_logical3A_259, %add3A_263 : vector<16xi32>
      %select_n3A_265 = arith.select %lt3A_261, %add3A_264, %select_n3A_221 : vector<16xi1>, vector<16xi32>
      %select_n3A_266 = arith.select %lt3A_261, %select_n3A_222, %shift_right_logical3A_259 : vector<16xi1>, vector<16xi32>
      %add3A_267 = arith.addi %select_n3A_232, %select_n3A_233 : vector<16xi32>
      %shift_right_logical3A_268 = arith.constant 1 : i32
      %shift_right_logical3A_269 = vector.broadcast %shift_right_logical3A_268 : i32 to vector<16xi32>
      %shift_right_logical3A_270 = arith.shrui %add3A_267, %shift_right_logical3A_269 : vector<16xi32>
      %gather3A_271 = tpu.vector_load_idx %arg9[%shift_right_logical3A_270] : memref<100016xf32, #tpu.memory_space<vmem>>[vector<16xi32>], vector<16xf32>,
      %lt3A_272 = arith.cmpf olt, %gather3A_271, %get3A_97 : vector<16xf32>
      %add3A_273 = arith.constant 1 : i32
      %add3A_274 = vector.broadcast %add3A_273 : i32 to vector<16xi32>
      %add3A_275 = arith.addi %shift_right_logical3A_270, %add3A_274 : vector<16xi32>
      %select_n3A_276 = arith.select %lt3A_272, %add3A_275, %select_n3A_232 : vector<16xi1>, vector<16xi32>
      %select_n3A_277 = arith.select %lt3A_272, %select_n3A_233, %shift_right_logical3A_270 : vector<16xi1>, vector<16xi32>
      %add3A_278 = arith.addi %select_n3A_243, %select_n3A_244 : vector<16xi32>
      %shift_right_logical3A_279 = arith.constant 1 : i32
      %shift_right_logical3A_280 = vector.broadcast %shift_right_logical3A_279 : i32 to vector<16xi32>
      %shift_right_logical3A_281 = arith.shrui %add3A_278, %shift_right_logical3A_280 : vector<16xi32>
      %gather3A_282 = tpu.vector_load_idx %arg9[%shift_right_logical3A_281] : memref<100016xf32, #tpu.memory_space<vmem>>[vector<16xi32>], vector<16xf32>,
      %lt3A_283 = arith.cmpf olt, %gather3A_282, %get3A_101 : vector<16xf32>
      %add3A_284 = arith.constant 1 : i32
      %add3A_285 = vector.broadcast %add3A_284 : i32 to vector<16xi32>
      %add3A_286 = arith.addi %shift_right_logical3A_281, %add3A_285 : vector<16xi32>
      %select_n3A_287 = arith.select %lt3A_283, %add3A_286, %select_n3A_243 : vector<16xi1>, vector<16xi32>
      %select_n3A_288 = arith.select %lt3A_283, %select_n3A_244, %shift_right_logical3A_281 : vector<16xi1>, vector<16xi32>
      %add3A_289 = arith.addi %select_n3A_254, %select_n3A_255 : vector<16xi32>
      %shift_right_logical3A_290 = arith.constant 1 : i32
      %shift_right_logical3A_291 = vector.broadcast %shift_right_logical3A_290 : i32 to vector<16xi32>
      %shift_right_logical3A_292 = arith.shrui %add3A_289, %shift_right_logical3A_291 : vector<16xi32>
      %gather3A_293 = tpu.vector_load_idx %arg9[%shift_right_logical3A_292] : memref<100016xf32, #tpu.memory_space<vmem>>[vector<16xi32>], vector<16xf32>,
      %lt3A_294 = arith.cmpf olt, %gather3A_293, %get3A_89 : vector<16xf32>
      %add3A_295 = arith.constant 1 : i32
      %add3A_296 = vector.broadcast %add3A_295 : i32 to vector<16xi32>
      %add3A_297 = arith.addi %shift_right_logical3A_292, %add3A_296 : vector<16xi32>
      %select_n3A_298 = arith.select %lt3A_294, %add3A_297, %select_n3A_254 : vector<16xi1>, vector<16xi32>
      %select_n3A_299 = arith.select %lt3A_294, %select_n3A_255, %shift_right_logical3A_292 : vector<16xi1>, vector<16xi32>
      %add3A_300 = arith.addi %select_n3A_265, %select_n3A_266 : vector<16xi32>
      %shift_right_logical3A_301 = arith.constant 1 : i32
      %shift_right_logical3A_302 = vector.broadcast %shift_right_logical3A_301 : i32 to vector<16xi32>
      %shift_right_logical3A_303 = arith.shrui %add3A_300, %shift_right_logical3A_302 : vector<16xi32>
      %gather3A_304 = tpu.vector_load_idx %arg9[%shift_right_logical3A_303] : memref<100016xf32, #tpu.memory_space<vmem>>[vector<16xi32>], vector<16xf32>,
      %lt3A_305 = arith.cmpf olt, %gather3A_304, %get3A_93 : vector<16xf32>
      %add3A_306 = arith.constant 1 : i32
      %add3A_307 = vector.broadcast %add3A_306 : i32 to vector<16xi32>
      %add3A_308 = arith.addi %shift_right_logical3A_303, %add3A_307 : vector<16xi32>
      %select_n3A_309 = arith.select %lt3A_305, %add3A_308, %select_n3A_265 : vector<16xi1>, vector<16xi32>
      %select_n3A_310 = arith.select %lt3A_305, %select_n3A_266, %shift_right_logical3A_303 : vector<16xi1>, vector<16xi32>
      %add3A_311 = arith.addi %select_n3A_276, %select_n3A_277 : vector<16xi32>
      %shift_right_logical3A_312 = arith.constant 1 : i32
      %shift_right_logical3A_313 = vector.broadcast %shift_right_logical3A_312 : i32 to vector<16xi32>
      %shift_right_logical3A_314 = arith.shrui %add3A_311, %shift_right_logical3A_313 : vector<16xi32>
      %gather3A_315 = tpu.vector_load_idx %arg9[%shift_right_logical3A_314] : memref<100016xf32, #tpu.memory_space<vmem>>[vector<16xi32>], vector<16xf32>,
      %lt3A_316 = arith.cmpf olt, %gather3A_315, %get3A_97 : vector<16xf32>
      %add3A_317 = arith.constant 1 : i32
      %add3A_318 = vector.broadcast %add3A_317 : i32 to vector<16xi32>
      %add3A_319 = arith.addi %shift_right_logical3A_314, %add3A_318 : vector<16xi32>
      %select_n3A_320 = arith.select %lt3A_316, %add3A_319, %select_n3A_276 : vector<16xi1>, vector<16xi32>
      %select_n3A_321 = arith.select %lt3A_316, %select_n3A_277, %shift_right_logical3A_314 : vector<16xi1>, vector<16xi32>
      %add3A_322 = arith.addi %select_n3A_287, %select_n3A_288 : vector<16xi32>
      %shift_right_logical3A_323 = arith.constant 1 : i32
      %shift_right_logical3A_324 = vector.broadcast %shift_right_logical3A_323 : i32 to vector<16xi32>
      %shift_right_logical3A_325 = arith.shrui %add3A_322, %shift_right_logical3A_324 : vector<16xi32>
      %gather3A_326 = tpu.vector_load_idx %arg9[%shift_right_logical3A_325] : memref<100016xf32, #tpu.memory_space<vmem>>[vector<16xi32>], vector<16xf32>,
      %lt3A_327 = arith.cmpf olt, %gather3A_326, %get3A_101 : vector<16xf32>
      %add3A_328 = arith.constant 1 : i32
      %add3A_329 = vector.broadcast %add3A_328 : i32 to vector<16xi32>
      %add3A_330 = arith.addi %shift_right_logical3A_325, %add3A_329 : vector<16xi32>
      %select_n3A_331 = arith.select %lt3A_327, %add3A_330, %select_n3A_287 : vector<16xi1>, vector<16xi32>
      %select_n3A_332 = arith.select %lt3A_327, %select_n3A_288, %shift_right_logical3A_325 : vector<16xi1>, vector<16xi32>
      %add3A_333 = arith.addi %select_n3A_298, %select_n3A_299 : vector<16xi32>
      %shift_right_logical3A_334 = arith.constant 1 : i32
      %shift_right_logical3A_335 = vector.broadcast %shift_right_logical3A_334 : i32 to vector<16xi32>
      %shift_right_logical3A_336 = arith.shrui %add3A_333, %shift_right_logical3A_335 : vector<16xi32>
      %gather3A_337 = tpu.vector_load_idx %arg9[%shift_right_logical3A_336] : memref<100016xf32, #tpu.memory_space<vmem>>[vector<16xi32>], vector<16xf32>,
      %lt3A_338 = arith.cmpf olt, %gather3A_337, %get3A_89 : vector<16xf32>
      %add3A_339 = arith.constant 1 : i32
      %add3A_340 = vector.broadcast %add3A_339 : i32 to vector<16xi32>
      %add3A_341 = arith.addi %shift_right_logical3A_336, %add3A_340 : vector<16xi32>
      %select_n3A_342 = arith.select %lt3A_338, %add3A_341, %select_n3A_298 : vector<16xi1>, vector<16xi32>
      %select_n3A_343 = arith.select %lt3A_338, %select_n3A_299, %shift_right_logical3A_336 : vector<16xi1>, vector<16xi32>
      %add3A_344 = arith.addi %select_n3A_309, %select_n3A_310 : vector<16xi32>
      %shift_right_logical3A_345 = arith.constant 1 : i32
      %shift_right_logical3A_346 = vector.broadcast %shift_right_logical3A_345 : i32 to vector<16xi32>
      %shift_right_logical3A_347 = arith.shrui %add3A_344, %shift_right_logical3A_346 : vector<16xi32>
      %gather3A_348 = tpu.vector_load_idx %arg9[%shift_right_logical3A_347] : memref<100016xf32, #tpu.memory_space<vmem>>[vector<16xi32>], vector<16xf32>,
      %lt3A_349 = arith.cmpf olt, %gather3A_348, %get3A_93 : vector<16xf32>
      %add3A_350 = arith.constant 1 : i32
      %add3A_351 = vector.broadcast %add3A_350 : i32 to vector<16xi32>
      %add3A_352 = arith.addi %shift_right_logical3A_347, %add3A_351 : vector<16xi32>
      %select_n3A_353 = arith.select %lt3A_349, %add3A_352, %select_n3A_309 : vector<16xi1>, vector<16xi32>
      %select_n3A_354 = arith.select %lt3A_349, %select_n3A_310, %shift_right_logical3A_347 : vector<16xi1>, vector<16xi32>
      %add3A_355 = arith.addi %select_n3A_320, %select_n3A_321 : vector<16xi32>
      %shift_right_logical3A_356 = arith.constant 1 : i32
      %shift_right_logical3A_357 = vector.broadcast %shift_right_logical3A_356 : i32 to vector<16xi32>
      %shift_right_logical3A_358 = arith.shrui %add3A_355, %shift_right_logical3A_357 : vector<16xi32>
      %gather3A_359 = tpu.vector_load_idx %arg9[%shift_right_logical3A_358] : memref<100016xf32, #tpu.memory_space<vmem>>[vector<16xi32>], vector<16xf32>,
      %lt3A_360 = arith.cmpf olt, %gather3A_359, %get3A_97 : vector<16xf32>
      %add3A_361 = arith.constant 1 : i32
      %add3A_362 = vector.broadcast %add3A_361 : i32 to vector<16xi32>
      %add3A_363 = arith.addi %shift_right_logical3A_358, %add3A_362 : vector<16xi32>
      %select_n3A_364 = arith.select %lt3A_360, %add3A_363, %select_n3A_320 : vector<16xi1>, vector<16xi32>
      %select_n3A_365 = arith.select %lt3A_360, %select_n3A_321, %shift_right_logical3A_358 : vector<16xi1>, vector<16xi32>
      %add3A_366 = arith.addi %select_n3A_331, %select_n3A_332 : vector<16xi32>
      %shift_right_logical3A_367 = arith.constant 1 : i32
      %shift_right_logical3A_368 = vector.broadcast %shift_right_logical3A_367 : i32 to vector<16xi32>
      %shift_right_logical3A_369 = arith.shrui %add3A_366, %shift_right_logical3A_368 : vector<16xi32>
      %gather3A_370 = tpu.vector_load_idx %arg9[%shift_right_logical3A_369] : memref<100016xf32, #tpu.memory_space<vmem>>[vector<16xi32>], vector<16xf32>,
      %lt3A_371 = arith.cmpf olt, %gather3A_370, %get3A_101 : vector<16xf32>
      %add3A_372 = arith.constant 1 : i32
      %add3A_373 = vector.broadcast %add3A_372 : i32 to vector<16xi32>
      %add3A_374 = arith.addi %shift_right_logical3A_369, %add3A_373 : vector<16xi32>
      %select_n3A_375 = arith.select %lt3A_371, %add3A_374, %select_n3A_331 : vector<16xi1>, vector<16xi32>
      %select_n3A_376 = arith.select %lt3A_371, %select_n3A_332, %shift_right_logical3A_369 : vector<16xi1>, vector<16xi32>
      %add3A_377 = arith.addi %select_n3A_342, %select_n3A_343 : vector<16xi32>
      %shift_right_logical3A_378 = arith.constant 1 : i32
      %shift_right_logical3A_379 = vector.broadcast %shift_right_logical3A_378 : i32 to vector<16xi32>
      %shift_right_logical3A_380 = arith.shrui %add3A_377, %shift_right_logical3A_379 : vector<16xi32>
      %gather3A_381 = tpu.vector_load_idx %arg9[%shift_right_logical3A_380] : memref<100016xf32, #tpu.memory_space<vmem>>[vector<16xi32>], vector<16xf32>,
      %lt3A_382 = arith.cmpf olt, %gather3A_381, %get3A_89 : vector<16xf32>
      %add3A_383 = arith.constant 1 : i32
      %add3A_384 = vector.broadcast %add3A_383 : i32 to vector<16xi32>
      %add3A_385 = arith.addi %shift_right_logical3A_380, %add3A_384 : vector<16xi32>
      %select_n3A_386 = arith.select %lt3A_382, %add3A_385, %select_n3A_342 : vector<16xi1>, vector<16xi32>
      %select_n3A_387 = arith.select %lt3A_382, %select_n3A_343, %shift_right_logical3A_380 : vector<16xi1>, vector<16xi32>
      %add3A_388 = arith.addi %select_n3A_353, %select_n3A_354 : vector<16xi32>
      %shift_right_logical3A_389 = arith.constant 1 : i32
      %shift_right_logical3A_390 = vector.broadcast %shift_right_logical3A_389 : i32 to vector<16xi32>
      %shift_right_logical3A_391 = arith.shrui %add3A_388, %shift_right_logical3A_390 : vector<16xi32>
      %gather3A_392 = tpu.vector_load_idx %arg9[%shift_right_logical3A_391] : memref<100016xf32, #tpu.memory_space<vmem>>[vector<16xi32>], vector<16xf32>,
      %lt3A_393 = arith.cmpf olt, %gather3A_392, %get3A_93 : vector<16xf32>
      %add3A_394 = arith.constant 1 : i32
      %add3A_395 = vector.broadcast %add3A_394 : i32 to vector<16xi32>
      %add3A_396 = arith.addi %shift_right_logical3A_391, %add3A_395 : vector<16xi32>
      %select_n3A_397 = arith.select %lt3A_393, %add3A_396, %select_n3A_353 : vector<16xi1>, vector<16xi32>
      %select_n3A_398 = arith.select %lt3A_393, %select_n3A_354, %shift_right_logical3A_391 : vector<16xi1>, vector<16xi32>
      %add3A_399 = arith.addi %select_n3A_364, %select_n3A_365 : vector<16xi32>
      %shift_right_logical3A_400 = arith.constant 1 : i32
      %shift_right_logical3A_401 = vector.broadcast %shift_right_logical3A_400 : i32 to vector<16xi32>
      %shift_right_logical3A_402 = arith.shrui %add3A_399, %shift_right_logical3A_401 : vector<16xi32>
      %gather3A_403 = tpu.vector_load_idx %arg9[%shift_right_logical3A_402] : memref<100016xf32, #tpu.memory_space<vmem>>[vector<16xi32>], vector<16xf32>,
      %lt3A_404 = arith.cmpf olt, %gather3A_403, %get3A_97 : vector<16xf32>
      %add3A_405 = arith.constant 1 : i32
      %add3A_406 = vector.broadcast %add3A_405 : i32 to vector<16xi32>
      %add3A_407 = arith.addi %shift_right_logical3A_402, %add3A_406 : vector<16xi32>
      %select_n3A_408 = arith.select %lt3A_404, %add3A_407, %select_n3A_364 : vector<16xi1>, vector<16xi32>
      %select_n3A_409 = arith.select %lt3A_404, %select_n3A_365, %shift_right_logical3A_402 : vector<16xi1>, vector<16xi32>
      %add3A_410 = arith.addi %select_n3A_375, %select_n3A_376 : vector<16xi32>
      %shift_right_logical3A_411 = arith.constant 1 : i32
      %shift_right_logical3A_412 = vector.broadcast %shift_right_logical3A_411 : i32 to vector<16xi32>
      %shift_right_logical3A_413 = arith.shrui %add3A_410, %shift_right_logical3A_412 : vector<16xi32>
      %gather3A_414 = tpu.vector_load_idx %arg9[%shift_right_logical3A_413] : memref<100016xf32, #tpu.memory_space<vmem>>[vector<16xi32>], vector<16xf32>,
      %lt3A_415 = arith.cmpf olt, %gather3A_414, %get3A_101 : vector<16xf32>
      %add3A_416 = arith.constant 1 : i32
      %add3A_417 = vector.broadcast %add3A_416 : i32 to vector<16xi32>
      %add3A_418 = arith.addi %shift_right_logical3A_413, %add3A_417 : vector<16xi32>
      %select_n3A_419 = arith.select %lt3A_415, %add3A_418, %select_n3A_375 : vector<16xi1>, vector<16xi32>
      %select_n3A_420 = arith.select %lt3A_415, %select_n3A_376, %shift_right_logical3A_413 : vector<16xi1>, vector<16xi32>
      %add3A_421 = arith.addi %select_n3A_386, %select_n3A_387 : vector<16xi32>
      %shift_right_logical3A_422 = arith.constant 1 : i32
      %shift_right_logical3A_423 = vector.broadcast %shift_right_logical3A_422 : i32 to vector<16xi32>
      %shift_right_logical3A_424 = arith.shrui %add3A_421, %shift_right_logical3A_423 : vector<16xi32>
      %gather3A_425 = tpu.vector_load_idx %arg9[%shift_right_logical3A_424] : memref<100016xf32, #tpu.memory_space<vmem>>[vector<16xi32>], vector<16xf32>,
      %lt3A_426 = arith.cmpf olt, %gather3A_425, %get3A_89 : vector<16xf32>
      %add3A_427 = arith.constant 1 : i32
      %add3A_428 = vector.broadcast %add3A_427 : i32 to vector<16xi32>
      %add3A_429 = arith.addi %shift_right_logical3A_424, %add3A_428 : vector<16xi32>
      %select_n3A_430 = arith.select %lt3A_426, %add3A_429, %select_n3A_386 : vector<16xi1>, vector<16xi32>
      %select_n3A_431 = arith.select %lt3A_426, %select_n3A_387, %shift_right_logical3A_424 : vector<16xi1>, vector<16xi32>
      %add3A_432 = arith.addi %select_n3A_397, %select_n3A_398 : vector<16xi32>
      %shift_right_logical3A_433 = arith.constant 1 : i32
      %shift_right_logical3A_434 = vector.broadcast %shift_right_logical3A_433 : i32 to vector<16xi32>
      %shift_right_logical3A_435 = arith.shrui %add3A_432, %shift_right_logical3A_434 : vector<16xi32>
      %gather3A_436 = tpu.vector_load_idx %arg9[%shift_right_logical3A_435] : memref<100016xf32, #tpu.memory_space<vmem>>[vector<16xi32>], vector<16xf32>,
      %lt3A_437 = arith.cmpf olt, %gather3A_436, %get3A_93 : vector<16xf32>
      %add3A_438 = arith.constant 1 : i32
      %add3A_439 = vector.broadcast %add3A_438 : i32 to vector<16xi32>
      %add3A_440 = arith.addi %shift_right_logical3A_435, %add3A_439 : vector<16xi32>
      %select_n3A_441 = arith.select %lt3A_437, %add3A_440, %select_n3A_397 : vector<16xi1>, vector<16xi32>
      %select_n3A_442 = arith.select %lt3A_437, %select_n3A_398, %shift_right_logical3A_435 : vector<16xi1>, vector<16xi32>
      %add3A_443 = arith.addi %select_n3A_408, %select_n3A_409 : vector<16xi32>
      %shift_right_logical3A_444 = arith.constant 1 : i32
      %shift_right_logical3A_445 = vector.broadcast %shift_right_logical3A_444 : i32 to vector<16xi32>
      %shift_right_logical3A_446 = arith.shrui %add3A_443, %shift_right_logical3A_445 : vector<16xi32>
      %gather3A_447 = tpu.vector_load_idx %arg9[%shift_right_logical3A_446] : memref<100016xf32, #tpu.memory_space<vmem>>[vector<16xi32>], vector<16xf32>,
      %lt3A_448 = arith.cmpf olt, %gather3A_447, %get3A_97 : vector<16xf32>
      %add3A_449 = arith.constant 1 : i32
      %add3A_450 = vector.broadcast %add3A_449 : i32 to vector<16xi32>
      %add3A_451 = arith.addi %shift_right_logical3A_446, %add3A_450 : vector<16xi32>
      %select_n3A_452 = arith.select %lt3A_448, %add3A_451, %select_n3A_408 : vector<16xi1>, vector<16xi32>
      %select_n3A_453 = arith.select %lt3A_448, %select_n3A_409, %shift_right_logical3A_446 : vector<16xi1>, vector<16xi32>
      %add3A_454 = arith.addi %select_n3A_419, %select_n3A_420 : vector<16xi32>
      %shift_right_logical3A_455 = arith.constant 1 : i32
      %shift_right_logical3A_456 = vector.broadcast %shift_right_logical3A_455 : i32 to vector<16xi32>
      %shift_right_logical3A_457 = arith.shrui %add3A_454, %shift_right_logical3A_456 : vector<16xi32>
      %gather3A_458 = tpu.vector_load_idx %arg9[%shift_right_logical3A_457] : memref<100016xf32, #tpu.memory_space<vmem>>[vector<16xi32>], vector<16xf32>,
      %lt3A_459 = arith.cmpf olt, %gather3A_458, %get3A_101 : vector<16xf32>
      %add3A_460 = arith.constant 1 : i32
      %add3A_461 = vector.broadcast %add3A_460 : i32 to vector<16xi32>
      %add3A_462 = arith.addi %shift_right_logical3A_457, %add3A_461 : vector<16xi32>
      %select_n3A_463 = arith.select %lt3A_459, %add3A_462, %select_n3A_419 : vector<16xi1>, vector<16xi32>
      %select_n3A_464 = arith.select %lt3A_459, %select_n3A_420, %shift_right_logical3A_457 : vector<16xi1>, vector<16xi32>
      %add3A_465 = arith.addi %select_n3A_430, %select_n3A_431 : vector<16xi32>
      %shift_right_logical3A_466 = arith.constant 1 : i32
      %shift_right_logical3A_467 = vector.broadcast %shift_right_logical3A_466 : i32 to vector<16xi32>
      %shift_right_logical3A_468 = arith.shrui %add3A_465, %shift_right_logical3A_467 : vector<16xi32>
      %gather3A_469 = tpu.vector_load_idx %arg9[%shift_right_logical3A_468] : memref<100016xf32, #tpu.memory_space<vmem>>[vector<16xi32>], vector<16xf32>,
      %lt3A_470 = arith.cmpf olt, %gather3A_469, %get3A_89 : vector<16xf32>
      %add3A_471 = arith.constant 1 : i32
      %add3A_472 = vector.broadcast %add3A_471 : i32 to vector<16xi32>
      %add3A_473 = arith.addi %shift_right_logical3A_468, %add3A_472 : vector<16xi32>
      %select_n3A_474 = arith.select %lt3A_470, %add3A_473, %select_n3A_430 : vector<16xi1>, vector<16xi32>
      %select_n3A_475 = arith.select %lt3A_470, %select_n3A_431, %shift_right_logical3A_468 : vector<16xi1>, vector<16xi32>
      %add3A_476 = arith.addi %select_n3A_441, %select_n3A_442 : vector<16xi32>
      %shift_right_logical3A_477 = arith.constant 1 : i32
      %shift_right_logical3A_478 = vector.broadcast %shift_right_logical3A_477 : i32 to vector<16xi32>
      %shift_right_logical3A_479 = arith.shrui %add3A_476, %shift_right_logical3A_478 : vector<16xi32>
      %gather3A_480 = tpu.vector_load_idx %arg9[%shift_right_logical3A_479] : memref<100016xf32, #tpu.memory_space<vmem>>[vector<16xi32>], vector<16xf32>,
      %lt3A_481 = arith.cmpf olt, %gather3A_480, %get3A_93 : vector<16xf32>
      %add3A_482 = arith.constant 1 : i32
      %add3A_483 = vector.broadcast %add3A_482 : i32 to vector<16xi32>
      %add3A_484 = arith.addi %shift_right_logical3A_479, %add3A_483 : vector<16xi32>
      %select_n3A_485 = arith.select %lt3A_481, %add3A_484, %select_n3A_441 : vector<16xi1>, vector<16xi32>
      %select_n3A_486 = arith.select %lt3A_481, %select_n3A_442, %shift_right_logical3A_479 : vector<16xi1>, vector<16xi32>
      %add3A_487 = arith.addi %select_n3A_452, %select_n3A_453 : vector<16xi32>
      %shift_right_logical3A_488 = arith.constant 1 : i32
      %shift_right_logical3A_489 = vector.broadcast %shift_right_logical3A_488 : i32 to vector<16xi32>
      %shift_right_logical3A_490 = arith.shrui %add3A_487, %shift_right_logical3A_489 : vector<16xi32>
      %gather3A_491 = tpu.vector_load_idx %arg9[%shift_right_logical3A_490] : memref<100016xf32, #tpu.memory_space<vmem>>[vector<16xi32>], vector<16xf32>,
      %lt3A_492 = arith.cmpf olt, %gather3A_491, %get3A_97 : vector<16xf32>
      %add3A_493 = arith.constant 1 : i32
      %add3A_494 = vector.broadcast %add3A_493 : i32 to vector<16xi32>
      %add3A_495 = arith.addi %shift_right_logical3A_490, %add3A_494 : vector<16xi32>
      %select_n3A_496 = arith.select %lt3A_492, %add3A_495, %select_n3A_452 : vector<16xi1>, vector<16xi32>
      %select_n3A_497 = arith.select %lt3A_492, %select_n3A_453, %shift_right_logical3A_490 : vector<16xi1>, vector<16xi32>
      %add3A_498 = arith.addi %select_n3A_463, %select_n3A_464 : vector<16xi32>
      %shift_right_logical3A_499 = arith.constant 1 : i32
      %shift_right_logical3A_500 = vector.broadcast %shift_right_logical3A_499 : i32 to vector<16xi32>
      %shift_right_logical3A_501 = arith.shrui %add3A_498, %shift_right_logical3A_500 : vector<16xi32>
      %gather3A_502 = tpu.vector_load_idx %arg9[%shift_right_logical3A_501] : memref<100016xf32, #tpu.memory_space<vmem>>[vector<16xi32>], vector<16xf32>,
      %lt3A_503 = arith.cmpf olt, %gather3A_502, %get3A_101 : vector<16xf32>
      %add3A_504 = arith.constant 1 : i32
      %add3A_505 = vector.broadcast %add3A_504 : i32 to vector<16xi32>
      %add3A_506 = arith.addi %shift_right_logical3A_501, %add3A_505 : vector<16xi32>
      %select_n3A_507 = arith.select %lt3A_503, %add3A_506, %select_n3A_463 : vector<16xi1>, vector<16xi32>
      %select_n3A_508 = arith.select %lt3A_503, %select_n3A_464, %shift_right_logical3A_501 : vector<16xi1>, vector<16xi32>
      %add3A_509 = arith.addi %select_n3A_474, %select_n3A_475 : vector<16xi32>
      %shift_right_logical3A_510 = arith.constant 1 : i32
      %shift_right_logical3A_511 = vector.broadcast %shift_right_logical3A_510 : i32 to vector<16xi32>
      %shift_right_logical3A_512 = arith.shrui %add3A_509, %shift_right_logical3A_511 : vector<16xi32>
      %gather3A_513 = tpu.vector_load_idx %arg9[%shift_right_logical3A_512] : memref<100016xf32, #tpu.memory_space<vmem>>[vector<16xi32>], vector<16xf32>,
      %lt3A_514 = arith.cmpf olt, %gather3A_513, %get3A_89 : vector<16xf32>
      %add3A_515 = arith.constant 1 : i32
      %add3A_516 = vector.broadcast %add3A_515 : i32 to vector<16xi32>
      %add3A_517 = arith.addi %shift_right_logical3A_512, %add3A_516 : vector<16xi32>
      %select_n3A_518 = arith.select %lt3A_514, %add3A_517, %select_n3A_474 : vector<16xi1>, vector<16xi32>
      %select_n3A_519 = arith.select %lt3A_514, %select_n3A_475, %shift_right_logical3A_512 : vector<16xi1>, vector<16xi32>
      %add3A_520 = arith.addi %select_n3A_485, %select_n3A_486 : vector<16xi32>
      %shift_right_logical3A_521 = arith.constant 1 : i32
      %shift_right_logical3A_522 = vector.broadcast %shift_right_logical3A_521 : i32 to vector<16xi32>
      %shift_right_logical3A_523 = arith.shrui %add3A_520, %shift_right_logical3A_522 : vector<16xi32>
      %gather3A_524 = tpu.vector_load_idx %arg9[%shift_right_logical3A_523] : memref<100016xf32, #tpu.memory_space<vmem>>[vector<16xi32>], vector<16xf32>,
      %lt3A_525 = arith.cmpf olt, %gather3A_524, %get3A_93 : vector<16xf32>
      %add3A_526 = arith.constant 1 : i32
      %add3A_527 = vector.broadcast %add3A_526 : i32 to vector<16xi32>
      %add3A_528 = arith.addi %shift_right_logical3A_523, %add3A_527 : vector<16xi32>
      %select_n3A_529 = arith.select %lt3A_525, %add3A_528, %select_n3A_485 : vector<16xi1>, vector<16xi32>
      %select_n3A_530 = arith.select %lt3A_525, %select_n3A_486, %shift_right_logical3A_523 : vector<16xi1>, vector<16xi32>
      %add3A_531 = arith.addi %select_n3A_496, %select_n3A_497 : vector<16xi32>
      %shift_right_logical3A_532 = arith.constant 1 : i32
      %shift_right_logical3A_533 = vector.broadcast %shift_right_logical3A_532 : i32 to vector<16xi32>
      %shift_right_logical3A_534 = arith.shrui %add3A_531, %shift_right_logical3A_533 : vector<16xi32>
      %gather3A_535 = tpu.vector_load_idx %arg9[%shift_right_logical3A_534] : memref<100016xf32, #tpu.memory_space<vmem>>[vector<16xi32>], vector<16xf32>,
      %lt3A_536 = arith.cmpf olt, %gather3A_535, %get3A_97 : vector<16xf32>
      %add3A_537 = arith.constant 1 : i32
      %add3A_538 = vector.broadcast %add3A_537 : i32 to vector<16xi32>
      %add3A_539 = arith.addi %shift_right_logical3A_534, %add3A_538 : vector<16xi32>
      %select_n3A_540 = arith.select %lt3A_536, %add3A_539, %select_n3A_496 : vector<16xi1>, vector<16xi32>
      %select_n3A_541 = arith.select %lt3A_536, %select_n3A_497, %shift_right_logical3A_534 : vector<16xi1>, vector<16xi32>
      %add3A_542 = arith.addi %select_n3A_507, %select_n3A_508 : vector<16xi32>
      %shift_right_logical3A_543 = arith.constant 1 : i32
      %shift_right_logical3A_544 = vector.broadcast %shift_right_logical3A_543 : i32 to vector<16xi32>
      %shift_right_logical3A_545 = arith.shrui %add3A_542, %shift_right_logical3A_544 : vector<16xi32>
      %gather3A_546 = tpu.vector_load_idx %arg9[%shift_right_logical3A_545] : memref<100016xf32, #tpu.memory_space<vmem>>[vector<16xi32>], vector<16xf32>,
      %lt3A_547 = arith.cmpf olt, %gather3A_546, %get3A_101 : vector<16xf32>
      %add3A_548 = arith.constant 1 : i32
      %add3A_549 = vector.broadcast %add3A_548 : i32 to vector<16xi32>
      %add3A_550 = arith.addi %shift_right_logical3A_545, %add3A_549 : vector<16xi32>
      %select_n3A_551 = arith.select %lt3A_547, %add3A_550, %select_n3A_507 : vector<16xi1>, vector<16xi32>
      %select_n3A_552 = arith.select %lt3A_547, %select_n3A_508, %shift_right_logical3A_545 : vector<16xi1>, vector<16xi32>
      %add3A_553 = arith.addi %select_n3A_518, %select_n3A_519 : vector<16xi32>
      %shift_right_logical3A_554 = arith.constant 1 : i32
      %shift_right_logical3A_555 = vector.broadcast %shift_right_logical3A_554 : i32 to vector<16xi32>
      %shift_right_logical3A_556 = arith.shrui %add3A_553, %shift_right_logical3A_555 : vector<16xi32>
      %gather3A_557 = tpu.vector_load_idx %arg9[%shift_right_logical3A_556] : memref<100016xf32, #tpu.memory_space<vmem>>[vector<16xi32>], vector<16xf32>,
      %lt3A_558 = arith.cmpf olt, %gather3A_557, %get3A_89 : vector<16xf32>
      %add3A_559 = arith.constant 1 : i32
      %add3A_560 = vector.broadcast %add3A_559 : i32 to vector<16xi32>
      %add3A_561 = arith.addi %shift_right_logical3A_556, %add3A_560 : vector<16xi32>
      %select_n3A_562 = arith.select %lt3A_558, %add3A_561, %select_n3A_518 : vector<16xi1>, vector<16xi32>
      %select_n3A_563 = arith.select %lt3A_558, %select_n3A_519, %shift_right_logical3A_556 : vector<16xi1>, vector<16xi32>
      %add3A_564 = arith.addi %select_n3A_529, %select_n3A_530 : vector<16xi32>
      %shift_right_logical3A_565 = arith.constant 1 : i32
      %shift_right_logical3A_566 = vector.broadcast %shift_right_logical3A_565 : i32 to vector<16xi32>
      %shift_right_logical3A_567 = arith.shrui %add3A_564, %shift_right_logical3A_566 : vector<16xi32>
      %gather3A_568 = tpu.vector_load_idx %arg9[%shift_right_logical3A_567] : memref<100016xf32, #tpu.memory_space<vmem>>[vector<16xi32>], vector<16xf32>,
      %lt3A_569 = arith.cmpf olt, %gather3A_568, %get3A_93 : vector<16xf32>
      %add3A_570 = arith.constant 1 : i32
      %add3A_571 = vector.broadcast %add3A_570 : i32 to vector<16xi32>
      %add3A_572 = arith.addi %shift_right_logical3A_567, %add3A_571 : vector<16xi32>
      %select_n3A_573 = arith.select %lt3A_569, %add3A_572, %select_n3A_529 : vector<16xi1>, vector<16xi32>
      %select_n3A_574 = arith.select %lt3A_569, %select_n3A_530, %shift_right_logical3A_567 : vector<16xi1>, vector<16xi32>
      %add3A_575 = arith.addi %select_n3A_540, %select_n3A_541 : vector<16xi32>
      %shift_right_logical3A_576 = arith.constant 1 : i32
      %shift_right_logical3A_577 = vector.broadcast %shift_right_logical3A_576 : i32 to vector<16xi32>
      %shift_right_logical3A_578 = arith.shrui %add3A_575, %shift_right_logical3A_577 : vector<16xi32>
      %gather3A_579 = tpu.vector_load_idx %arg9[%shift_right_logical3A_578] : memref<100016xf32, #tpu.memory_space<vmem>>[vector<16xi32>], vector<16xf32>,
      %lt3A_580 = arith.cmpf olt, %gather3A_579, %get3A_97 : vector<16xf32>
      %add3A_581 = arith.constant 1 : i32
      %add3A_582 = vector.broadcast %add3A_581 : i32 to vector<16xi32>
      %add3A_583 = arith.addi %shift_right_logical3A_578, %add3A_582 : vector<16xi32>
      %select_n3A_584 = arith.select %lt3A_580, %add3A_583, %select_n3A_540 : vector<16xi1>, vector<16xi32>
      %select_n3A_585 = arith.select %lt3A_580, %select_n3A_541, %shift_right_logical3A_578 : vector<16xi1>, vector<16xi32>
      %add3A_586 = arith.addi %select_n3A_551, %select_n3A_552 : vector<16xi32>
      %shift_right_logical3A_587 = arith.constant 1 : i32
      %shift_right_logical3A_588 = vector.broadcast %shift_right_logical3A_587 : i32 to vector<16xi32>
      %shift_right_logical3A_589 = arith.shrui %add3A_586, %shift_right_logical3A_588 : vector<16xi32>
      %gather3A_590 = tpu.vector_load_idx %arg9[%shift_right_logical3A_589] : memref<100016xf32, #tpu.memory_space<vmem>>[vector<16xi32>], vector<16xf32>,
      %lt3A_591 = arith.cmpf olt, %gather3A_590, %get3A_101 : vector<16xf32>
      %add3A_592 = arith.constant 1 : i32
      %add3A_593 = vector.broadcast %add3A_592 : i32 to vector<16xi32>
      %add3A_594 = arith.addi %shift_right_logical3A_589, %add3A_593 : vector<16xi32>
      %select_n3A_595 = arith.select %lt3A_591, %add3A_594, %select_n3A_551 : vector<16xi1>, vector<16xi32>
      %select_n3A_596 = arith.select %lt3A_591, %select_n3A_552, %shift_right_logical3A_589 : vector<16xi1>, vector<16xi32>
      %add3A_597 = arith.addi %select_n3A_562, %select_n3A_563 : vector<16xi32>
      %shift_right_logical3A_598 = arith.constant 1 : i32
      %shift_right_logical3A_599 = vector.broadcast %shift_right_logical3A_598 : i32 to vector<16xi32>
      %shift_right_logical3A_600 = arith.shrui %add3A_597, %shift_right_logical3A_599 : vector<16xi32>
      %gather3A_601 = tpu.vector_load_idx %arg9[%shift_right_logical3A_600] : memref<100016xf32, #tpu.memory_space<vmem>>[vector<16xi32>], vector<16xf32>,
      %lt3A_602 = arith.cmpf olt, %gather3A_601, %get3A_89 : vector<16xf32>
      %add3A_603 = arith.constant 1 : i32
      %add3A_604 = vector.broadcast %add3A_603 : i32 to vector<16xi32>
      %add3A_605 = arith.addi %shift_right_logical3A_600, %add3A_604 : vector<16xi32>
      %select_n3A_606 = arith.select %lt3A_602, %add3A_605, %select_n3A_562 : vector<16xi1>, vector<16xi32>
      %select_n3A_607 = arith.select %lt3A_602, %select_n3A_563, %shift_right_logical3A_600 : vector<16xi1>, vector<16xi32>
      %add3A_608 = arith.addi %select_n3A_573, %select_n3A_574 : vector<16xi32>
      %shift_right_logical3A_609 = arith.constant 1 : i32
      %shift_right_logical3A_610 = vector.broadcast %shift_right_logical3A_609 : i32 to vector<16xi32>
      %shift_right_logical3A_611 = arith.shrui %add3A_608, %shift_right_logical3A_610 : vector<16xi32>
      %gather3A_612 = tpu.vector_load_idx %arg9[%shift_right_logical3A_611] : memref<100016xf32, #tpu.memory_space<vmem>>[vector<16xi32>], vector<16xf32>,
      %lt3A_613 = arith.cmpf olt, %gather3A_612, %get3A_93 : vector<16xf32>
      %add3A_614 = arith.constant 1 : i32
      %add3A_615 = vector.broadcast %add3A_614 : i32 to vector<16xi32>
      %add3A_616 = arith.addi %shift_right_logical3A_611, %add3A_615 : vector<16xi32>
      %select_n3A_617 = arith.select %lt3A_613, %add3A_616, %select_n3A_573 : vector<16xi1>, vector<16xi32>
      %select_n3A_618 = arith.select %lt3A_613, %select_n3A_574, %shift_right_logical3A_611 : vector<16xi1>, vector<16xi32>
      %add3A_619 = arith.addi %select_n3A_584, %select_n3A_585 : vector<16xi32>
      %shift_right_logical3A_620 = arith.constant 1 : i32
      %shift_right_logical3A_621 = vector.broadcast %shift_right_logical3A_620 : i32 to vector<16xi32>
      %shift_right_logical3A_622 = arith.shrui %add3A_619, %shift_right_logical3A_621 : vector<16xi32>
      %gather3A_623 = tpu.vector_load_idx %arg9[%shift_right_logical3A_622] : memref<100016xf32, #tpu.memory_space<vmem>>[vector<16xi32>], vector<16xf32>,
      %lt3A_624 = arith.cmpf olt, %gather3A_623, %get3A_97 : vector<16xf32>
      %add3A_625 = arith.constant 1 : i32
      %add3A_626 = vector.broadcast %add3A_625 : i32 to vector<16xi32>
      %add3A_627 = arith.addi %shift_right_logical3A_622, %add3A_626 : vector<16xi32>
      %select_n3A_628 = arith.select %lt3A_624, %add3A_627, %select_n3A_584 : vector<16xi1>, vector<16xi32>
      %select_n3A_629 = arith.select %lt3A_624, %select_n3A_585, %shift_right_logical3A_622 : vector<16xi1>, vector<16xi32>
      %add3A_630 = arith.addi %select_n3A_595, %select_n3A_596 : vector<16xi32>
      %shift_right_logical3A_631 = arith.constant 1 : i32
      %shift_right_logical3A_632 = vector.broadcast %shift_right_logical3A_631 : i32 to vector<16xi32>
      %shift_right_logical3A_633 = arith.shrui %add3A_630, %shift_right_logical3A_632 : vector<16xi32>
      %gather3A_634 = tpu.vector_load_idx %arg9[%shift_right_logical3A_633] : memref<100016xf32, #tpu.memory_space<vmem>>[vector<16xi32>], vector<16xf32>,
      %lt3A_635 = arith.cmpf olt, %gather3A_634, %get3A_101 : vector<16xf32>
      %add3A_636 = arith.constant 1 : i32
      %add3A_637 = vector.broadcast %add3A_636 : i32 to vector<16xi32>
      %add3A_638 = arith.addi %shift_right_logical3A_633, %add3A_637 : vector<16xi32>
      %select_n3A_639 = arith.select %lt3A_635, %add3A_638, %select_n3A_595 : vector<16xi1>, vector<16xi32>
      %select_n3A_640 = arith.select %lt3A_635, %select_n3A_596, %shift_right_logical3A_633 : vector<16xi1>, vector<16xi32>
      %add3A_641 = arith.addi %select_n3A_606, %select_n3A_607 : vector<16xi32>
      %shift_right_logical3A_642 = arith.constant 1 : i32
      %shift_right_logical3A_643 = vector.broadcast %shift_right_logical3A_642 : i32 to vector<16xi32>
      %shift_right_logical3A_644 = arith.shrui %add3A_641, %shift_right_logical3A_643 : vector<16xi32>
      %gather3A_645 = tpu.vector_load_idx %arg9[%shift_right_logical3A_644] : memref<100016xf32, #tpu.memory_space<vmem>>[vector<16xi32>], vector<16xf32>,
      %lt3A_646 = arith.cmpf olt, %gather3A_645, %get3A_89 : vector<16xf32>
      %add3A_647 = arith.constant 1 : i32
      %add3A_648 = vector.broadcast %add3A_647 : i32 to vector<16xi32>
      %add3A_649 = arith.addi %shift_right_logical3A_644, %add3A_648 : vector<16xi32>
      %select_n3A_650 = arith.select %lt3A_646, %add3A_649, %select_n3A_606 : vector<16xi1>, vector<16xi32>
      %select_n3A_651 = arith.select %lt3A_646, %select_n3A_607, %shift_right_logical3A_644 : vector<16xi1>, vector<16xi32>
      %add3A_652 = arith.addi %select_n3A_617, %select_n3A_618 : vector<16xi32>
      %shift_right_logical3A_653 = arith.constant 1 : i32
      %shift_right_logical3A_654 = vector.broadcast %shift_right_logical3A_653 : i32 to vector<16xi32>
      %shift_right_logical3A_655 = arith.shrui %add3A_652, %shift_right_logical3A_654 : vector<16xi32>
      %gather3A_656 = tpu.vector_load_idx %arg9[%shift_right_logical3A_655] : memref<100016xf32, #tpu.memory_space<vmem>>[vector<16xi32>], vector<16xf32>,
      %lt3A_657 = arith.cmpf olt, %gather3A_656, %get3A_93 : vector<16xf32>
      %add3A_658 = arith.constant 1 : i32
      %add3A_659 = vector.broadcast %add3A_658 : i32 to vector<16xi32>
      %add3A_660 = arith.addi %shift_right_logical3A_655, %add3A_659 : vector<16xi32>
      %select_n3A_661 = arith.select %lt3A_657, %add3A_660, %select_n3A_617 : vector<16xi1>, vector<16xi32>
      %select_n3A_662 = arith.select %lt3A_657, %select_n3A_618, %shift_right_logical3A_655 : vector<16xi1>, vector<16xi32>
      %add3A_663 = arith.addi %select_n3A_628, %select_n3A_629 : vector<16xi32>
      %shift_right_logical3A_664 = arith.constant 1 : i32
      %shift_right_logical3A_665 = vector.broadcast %shift_right_logical3A_664 : i32 to vector<16xi32>
      %shift_right_logical3A_666 = arith.shrui %add3A_663, %shift_right_logical3A_665 : vector<16xi32>
      %gather3A_667 = tpu.vector_load_idx %arg9[%shift_right_logical3A_666] : memref<100016xf32, #tpu.memory_space<vmem>>[vector<16xi32>], vector<16xf32>,
      %lt3A_668 = arith.cmpf olt, %gather3A_667, %get3A_97 : vector<16xf32>
      %add3A_669 = arith.constant 1 : i32
      %add3A_670 = vector.broadcast %add3A_669 : i32 to vector<16xi32>
      %add3A_671 = arith.addi %shift_right_logical3A_666, %add3A_670 : vector<16xi32>
      %select_n3A_672 = arith.select %lt3A_668, %add3A_671, %select_n3A_628 : vector<16xi1>, vector<16xi32>
      %select_n3A_673 = arith.select %lt3A_668, %select_n3A_629, %shift_right_logical3A_666 : vector<16xi1>, vector<16xi32>
      %add3A_674 = arith.addi %select_n3A_639, %select_n3A_640 : vector<16xi32>
      %shift_right_logical3A_675 = arith.constant 1 : i32
      %shift_right_logical3A_676 = vector.broadcast %shift_right_logical3A_675 : i32 to vector<16xi32>
      %shift_right_logical3A_677 = arith.shrui %add3A_674, %shift_right_logical3A_676 : vector<16xi32>
      %gather3A_678 = tpu.vector_load_idx %arg9[%shift_right_logical3A_677] : memref<100016xf32, #tpu.memory_space<vmem>>[vector<16xi32>], vector<16xf32>,
      %lt3A_679 = arith.cmpf olt, %gather3A_678, %get3A_101 : vector<16xf32>
      %add3A_680 = arith.constant 1 : i32
      %add3A_681 = vector.broadcast %add3A_680 : i32 to vector<16xi32>
      %add3A_682 = arith.addi %shift_right_logical3A_677, %add3A_681 : vector<16xi32>
      %select_n3A_683 = arith.select %lt3A_679, %add3A_682, %select_n3A_639 : vector<16xi1>, vector<16xi32>
      %select_n3A_684 = arith.select %lt3A_679, %select_n3A_640, %shift_right_logical3A_677 : vector<16xi1>, vector<16xi32>
      %add3A_685 = arith.addi %select_n3A_650, %select_n3A_651 : vector<16xi32>
      %shift_right_logical3A_686 = arith.constant 1 : i32
      %shift_right_logical3A_687 = vector.broadcast %shift_right_logical3A_686 : i32 to vector<16xi32>
      %shift_right_logical3A_688 = arith.shrui %add3A_685, %shift_right_logical3A_687 : vector<16xi32>
      %gather3A_689 = tpu.vector_load_idx %arg9[%shift_right_logical3A_688] : memref<100016xf32, #tpu.memory_space<vmem>>[vector<16xi32>], vector<16xf32>,
      %lt3A_690 = arith.cmpf olt, %gather3A_689, %get3A_89 : vector<16xf32>
      %add3A_691 = arith.constant 1 : i32
      %add3A_692 = vector.broadcast %add3A_691 : i32 to vector<16xi32>
      %add3A_693 = arith.addi %shift_right_logical3A_688, %add3A_692 : vector<16xi32>
      %select_n3A_694 = arith.select %lt3A_690, %add3A_693, %select_n3A_650 : vector<16xi1>, vector<16xi32>
      %select_n3A_695 = arith.select %lt3A_690, %select_n3A_651, %shift_right_logical3A_688 : vector<16xi1>, vector<16xi32>
      %add3A_696 = arith.addi %select_n3A_661, %select_n3A_662 : vector<16xi32>
      %shift_right_logical3A_697 = arith.constant 1 : i32
      %shift_right_logical3A_698 = vector.broadcast %shift_right_logical3A_697 : i32 to vector<16xi32>
      %shift_right_logical3A_699 = arith.shrui %add3A_696, %shift_right_logical3A_698 : vector<16xi32>
      %gather3A_700 = tpu.vector_load_idx %arg9[%shift_right_logical3A_699] : memref<100016xf32, #tpu.memory_space<vmem>>[vector<16xi32>], vector<16xf32>,
      %lt3A_701 = arith.cmpf olt, %gather3A_700, %get3A_93 : vector<16xf32>
      %add3A_702 = arith.constant 1 : i32
      %add3A_703 = vector.broadcast %add3A_702 : i32 to vector<16xi32>
      %add3A_704 = arith.addi %shift_right_logical3A_699, %add3A_703 : vector<16xi32>
      %select_n3A_705 = arith.select %lt3A_701, %add3A_704, %select_n3A_661 : vector<16xi1>, vector<16xi32>
      %select_n3A_706 = arith.select %lt3A_701, %select_n3A_662, %shift_right_logical3A_699 : vector<16xi1>, vector<16xi32>
      %add3A_707 = arith.addi %select_n3A_672, %select_n3A_673 : vector<16xi32>
      %shift_right_logical3A_708 = arith.constant 1 : i32
      %shift_right_logical3A_709 = vector.broadcast %shift_right_logical3A_708 : i32 to vector<16xi32>
      %shift_right_logical3A_710 = arith.shrui %add3A_707, %shift_right_logical3A_709 : vector<16xi32>
      %gather3A_711 = tpu.vector_load_idx %arg9[%shift_right_logical3A_710] : memref<100016xf32, #tpu.memory_space<vmem>>[vector<16xi32>], vector<16xf32>,
      %lt3A_712 = arith.cmpf olt, %gather3A_711, %get3A_97 : vector<16xf32>
      %add3A_713 = arith.constant 1 : i32
      %add3A_714 = vector.broadcast %add3A_713 : i32 to vector<16xi32>
      %add3A_715 = arith.addi %shift_right_logical3A_710, %add3A_714 : vector<16xi32>
      %select_n3A_716 = arith.select %lt3A_712, %add3A_715, %select_n3A_672 : vector<16xi1>, vector<16xi32>
      %select_n3A_717 = arith.select %lt3A_712, %select_n3A_673, %shift_right_logical3A_710 : vector<16xi1>, vector<16xi32>
      %add3A_718 = arith.addi %select_n3A_683, %select_n3A_684 : vector<16xi32>
      %shift_right_logical3A_719 = arith.constant 1 : i32
      %shift_right_logical3A_720 = vector.broadcast %shift_right_logical3A_719 : i32 to vector<16xi32>
      %shift_right_logical3A_721 = arith.shrui %add3A_718, %shift_right_logical3A_720 : vector<16xi32>
      %gather3A_722 = tpu.vector_load_idx %arg9[%shift_right_logical3A_721] : memref<100016xf32, #tpu.memory_space<vmem>>[vector<16xi32>], vector<16xf32>,
      %lt3A_723 = arith.cmpf olt, %gather3A_722, %get3A_101 : vector<16xf32>
      %add3A_724 = arith.constant 1 : i32
      %add3A_725 = vector.broadcast %add3A_724 : i32 to vector<16xi32>
      %add3A_726 = arith.addi %shift_right_logical3A_721, %add3A_725 : vector<16xi32>
      %select_n3A_727 = arith.select %lt3A_723, %add3A_726, %select_n3A_683 : vector<16xi1>, vector<16xi32>
      %select_n3A_728 = arith.select %lt3A_723, %select_n3A_684, %shift_right_logical3A_721 : vector<16xi1>, vector<16xi32>
      %add3A_729 = arith.addi %select_n3A_694, %select_n3A_695 : vector<16xi32>
      %shift_right_logical3A_730 = arith.constant 1 : i32
      %shift_right_logical3A_731 = vector.broadcast %shift_right_logical3A_730 : i32 to vector<16xi32>
      %shift_right_logical3A_732 = arith.shrui %add3A_729, %shift_right_logical3A_731 : vector<16xi32>
      %gather3A_733 = tpu.vector_load_idx %arg9[%shift_right_logical3A_732] : memref<100016xf32, #tpu.memory_space<vmem>>[vector<16xi32>], vector<16xf32>,
      %lt3A_734 = arith.cmpf olt, %gather3A_733, %get3A_89 : vector<16xf32>
      %add3A_735 = arith.constant 1 : i32
      %add3A_736 = vector.broadcast %add3A_735 : i32 to vector<16xi32>
      %add3A_737 = arith.addi %shift_right_logical3A_732, %add3A_736 : vector<16xi32>
      %select_n3A_738 = arith.select %lt3A_734, %add3A_737, %select_n3A_694 : vector<16xi1>, vector<16xi32>
      %select_n3A_739 = arith.select %lt3A_734, %select_n3A_695, %shift_right_logical3A_732 : vector<16xi1>, vector<16xi32>
      %add3A_740 = arith.addi %select_n3A_705, %select_n3A_706 : vector<16xi32>
      %shift_right_logical3A_741 = arith.constant 1 : i32
      %shift_right_logical3A_742 = vector.broadcast %shift_right_logical3A_741 : i32 to vector<16xi32>
      %shift_right_logical3A_743 = arith.shrui %add3A_740, %shift_right_logical3A_742 : vector<16xi32>
      %gather3A_744 = tpu.vector_load_idx %arg9[%shift_right_logical3A_743] : memref<100016xf32, #tpu.memory_space<vmem>>[vector<16xi32>], vector<16xf32>,
      %lt3A_745 = arith.cmpf olt, %gather3A_744, %get3A_93 : vector<16xf32>
      %add3A_746 = arith.constant 1 : i32
      %add3A_747 = vector.broadcast %add3A_746 : i32 to vector<16xi32>
      %add3A_748 = arith.addi %shift_right_logical3A_743, %add3A_747 : vector<16xi32>
      %select_n3A_749 = arith.select %lt3A_745, %add3A_748, %select_n3A_705 : vector<16xi1>, vector<16xi32>
      %select_n3A_750 = arith.select %lt3A_745, %select_n3A_706, %shift_right_logical3A_743 : vector<16xi1>, vector<16xi32>
      %add3A_751 = arith.addi %select_n3A_716, %select_n3A_717 : vector<16xi32>
      %shift_right_logical3A_752 = arith.constant 1 : i32
      %shift_right_logical3A_753 = vector.broadcast %shift_right_logical3A_752 : i32 to vector<16xi32>
      %shift_right_logical3A_754 = arith.shrui %add3A_751, %shift_right_logical3A_753 : vector<16xi32>
      %gather3A_755 = tpu.vector_load_idx %arg9[%shift_right_logical3A_754] : memref<100016xf32, #tpu.memory_space<vmem>>[vector<16xi32>], vector<16xf32>,
      %lt3A_756 = arith.cmpf olt, %gather3A_755, %get3A_97 : vector<16xf32>
      %add3A_757 = arith.constant 1 : i32
      %add3A_758 = vector.broadcast %add3A_757 : i32 to vector<16xi32>
      %add3A_759 = arith.addi %shift_right_logical3A_754, %add3A_758 : vector<16xi32>
      %select_n3A_760 = arith.select %lt3A_756, %add3A_759, %select_n3A_716 : vector<16xi1>, vector<16xi32>
      %select_n3A_761 = arith.select %lt3A_756, %select_n3A_717, %shift_right_logical3A_754 : vector<16xi1>, vector<16xi32>
      %add3A_762 = arith.addi %select_n3A_727, %select_n3A_728 : vector<16xi32>
      %shift_right_logical3A_763 = arith.constant 1 : i32
      %shift_right_logical3A_764 = vector.broadcast %shift_right_logical3A_763 : i32 to vector<16xi32>
      %shift_right_logical3A_765 = arith.shrui %add3A_762, %shift_right_logical3A_764 : vector<16xi32>
      %gather3A_766 = tpu.vector_load_idx %arg9[%shift_right_logical3A_765] : memref<100016xf32, #tpu.memory_space<vmem>>[vector<16xi32>], vector<16xf32>,
      %lt3A_767 = arith.cmpf olt, %gather3A_766, %get3A_101 : vector<16xf32>
      %add3A_768 = arith.constant 1 : i32
      %add3A_769 = vector.broadcast %add3A_768 : i32 to vector<16xi32>
      %add3A_770 = arith.addi %shift_right_logical3A_765, %add3A_769 : vector<16xi32>
      %select_n3A_771 = arith.select %lt3A_767, %add3A_770, %select_n3A_727 : vector<16xi1>, vector<16xi32>
      %select_n3A_772 = arith.select %lt3A_767, %select_n3A_728, %shift_right_logical3A_765 : vector<16xi1>, vector<16xi32>
      %add3A_773 = arith.addi %select_n3A_738, %select_n3A_739 : vector<16xi32>
      %shift_right_logical3A_774 = arith.constant 1 : i32
      %shift_right_logical3A_775 = vector.broadcast %shift_right_logical3A_774 : i32 to vector<16xi32>
      %shift_right_logical3A_776 = arith.shrui %add3A_773, %shift_right_logical3A_775 : vector<16xi32>
      %gather3A_777 = tpu.vector_load_idx %arg9[%shift_right_logical3A_776] : memref<100016xf32, #tpu.memory_space<vmem>>[vector<16xi32>], vector<16xf32>,
      %lt3A_778 = arith.cmpf olt, %gather3A_777, %get3A_89 : vector<16xf32>
      %add3A_779 = arith.constant 1 : i32
      %add3A_780 = vector.broadcast %add3A_779 : i32 to vector<16xi32>
      %add3A_781 = arith.addi %shift_right_logical3A_776, %add3A_780 : vector<16xi32>
      %select_n3A_782 = arith.select %lt3A_778, %add3A_781, %select_n3A_738 : vector<16xi1>, vector<16xi32>
      %select_n3A_783 = arith.select %lt3A_778, %select_n3A_739, %shift_right_logical3A_776 : vector<16xi1>, vector<16xi32>
      %add3A_784 = arith.addi %select_n3A_749, %select_n3A_750 : vector<16xi32>
      %shift_right_logical3A_785 = arith.constant 1 : i32
      %shift_right_logical3A_786 = vector.broadcast %shift_right_logical3A_785 : i32 to vector<16xi32>
      %shift_right_logical3A_787 = arith.shrui %add3A_784, %shift_right_logical3A_786 : vector<16xi32>
      %gather3A_788 = tpu.vector_load_idx %arg9[%shift_right_logical3A_787] : memref<100016xf32, #tpu.memory_space<vmem>>[vector<16xi32>], vector<16xf32>,
      %lt3A_789 = arith.cmpf olt, %gather3A_788, %get3A_93 : vector<16xf32>
      %add3A_790 = arith.constant 1 : i32
      %add3A_791 = vector.broadcast %add3A_790 : i32 to vector<16xi32>
      %add3A_792 = arith.addi %shift_right_logical3A_787, %add3A_791 : vector<16xi32>
      %select_n3A_793 = arith.select %lt3A_789, %add3A_792, %select_n3A_749 : vector<16xi1>, vector<16xi32>
      %select_n3A_794 = arith.select %lt3A_789, %select_n3A_750, %shift_right_logical3A_787 : vector<16xi1>, vector<16xi32>
      %add3A_795 = arith.addi %select_n3A_760, %select_n3A_761 : vector<16xi32>
      %shift_right_logical3A_796 = arith.constant 1 : i32
      %shift_right_logical3A_797 = vector.broadcast %shift_right_logical3A_796 : i32 to vector<16xi32>
      %shift_right_logical3A_798 = arith.shrui %add3A_795, %shift_right_logical3A_797 : vector<16xi32>
      %gather3A_799 = tpu.vector_load_idx %arg9[%shift_right_logical3A_798] : memref<100016xf32, #tpu.memory_space<vmem>>[vector<16xi32>], vector<16xf32>,
      %lt3A_800 = arith.cmpf olt, %gather3A_799, %get3A_97 : vector<16xf32>
      %add3A_801 = arith.constant 1 : i32
      %add3A_802 = vector.broadcast %add3A_801 : i32 to vector<16xi32>
      %add3A_803 = arith.addi %shift_right_logical3A_798, %add3A_802 : vector<16xi32>
      %select_n3A_804 = arith.select %lt3A_800, %add3A_803, %select_n3A_760 : vector<16xi1>, vector<16xi32>
      %select_n3A_805 = arith.select %lt3A_800, %select_n3A_761, %shift_right_logical3A_798 : vector<16xi1>, vector<16xi32>
      %add3A_806 = arith.addi %select_n3A_771, %select_n3A_772 : vector<16xi32>
      %shift_right_logical3A_807 = arith.constant 1 : i32
      %shift_right_logical3A_808 = vector.broadcast %shift_right_logical3A_807 : i32 to vector<16xi32>
      %shift_right_logical3A_809 = arith.shrui %add3A_806, %shift_right_logical3A_808 : vector<16xi32>
      %gather3A_810 = tpu.vector_load_idx %arg9[%shift_right_logical3A_809] : memref<100016xf32, #tpu.memory_space<vmem>>[vector<16xi32>], vector<16xf32>,
      %lt3A_811 = arith.cmpf olt, %gather3A_810, %get3A_101 : vector<16xf32>
      %add3A_812 = arith.constant 1 : i32
      %add3A_813 = vector.broadcast %add3A_812 : i32 to vector<16xi32>
      %add3A_814 = arith.addi %shift_right_logical3A_809, %add3A_813 : vector<16xi32>
      %select_n3A_815 = arith.select %lt3A_811, %add3A_814, %select_n3A_771 : vector<16xi1>, vector<16xi32>
      %select_n3A_816 = arith.select %lt3A_811, %select_n3A_772, %shift_right_logical3A_809 : vector<16xi1>, vector<16xi32>
      %add3A_817 = arith.addi %select_n3A_782, %select_n3A_783 : vector<16xi32>
      %shift_right_logical3A_818 = arith.constant 1 : i32
      %shift_right_logical3A_819 = vector.broadcast %shift_right_logical3A_818 : i32 to vector<16xi32>
      %shift_right_logical3A_820 = arith.shrui %add3A_817, %shift_right_logical3A_819 : vector<16xi32>
      %gather3A_821 = tpu.vector_load_idx %arg9[%shift_right_logical3A_820] : memref<100016xf32, #tpu.memory_space<vmem>>[vector<16xi32>], vector<16xf32>,
      %lt3A_822 = arith.cmpf olt, %gather3A_821, %get3A_89 : vector<16xf32>
      %add3A_823 = arith.constant 1 : i32
      %add3A_824 = vector.broadcast %add3A_823 : i32 to vector<16xi32>
      %add3A_825 = arith.addi %shift_right_logical3A_820, %add3A_824 : vector<16xi32>
      %select_n3A_826 = arith.select %lt3A_822, %add3A_825, %select_n3A_782 : vector<16xi1>, vector<16xi32>
      %select_n3A_827 = arith.select %lt3A_822, %select_n3A_783, %shift_right_logical3A_820 : vector<16xi1>, vector<16xi32>
      %add3A_828 = arith.addi %select_n3A_793, %select_n3A_794 : vector<16xi32>
      %shift_right_logical3A_829 = arith.constant 1 : i32
      %shift_right_logical3A_830 = vector.broadcast %shift_right_logical3A_829 : i32 to vector<16xi32>
      %shift_right_logical3A_831 = arith.shrui %add3A_828, %shift_right_logical3A_830 : vector<16xi32>
      %gather3A_832 = tpu.vector_load_idx %arg9[%shift_right_logical3A_831] : memref<100016xf32, #tpu.memory_space<vmem>>[vector<16xi32>], vector<16xf32>,
      %lt3A_833 = arith.cmpf olt, %gather3A_832, %get3A_93 : vector<16xf32>
      %add3A_834 = arith.constant 1 : i32
      %add3A_835 = vector.broadcast %add3A_834 : i32 to vector<16xi32>
      %add3A_836 = arith.addi %shift_right_logical3A_831, %add3A_835 : vector<16xi32>
      %select_n3A_837 = arith.select %lt3A_833, %add3A_836, %select_n3A_793 : vector<16xi1>, vector<16xi32>
      %select_n3A_838 = arith.select %lt3A_833, %select_n3A_794, %shift_right_logical3A_831 : vector<16xi1>, vector<16xi32>
      %add3A_839 = arith.addi %select_n3A_804, %select_n3A_805 : vector<16xi32>
      %shift_right_logical3A_840 = arith.constant 1 : i32
      %shift_right_logical3A_841 = vector.broadcast %shift_right_logical3A_840 : i32 to vector<16xi32>
      %shift_right_logical3A_842 = arith.shrui %add3A_839, %shift_right_logical3A_841 : vector<16xi32>
      %gather3A_843 = tpu.vector_load_idx %arg9[%shift_right_logical3A_842] : memref<100016xf32, #tpu.memory_space<vmem>>[vector<16xi32>], vector<16xf32>,
      %lt3A_844 = arith.cmpf olt, %gather3A_843, %get3A_97 : vector<16xf32>
      %add3A_845 = arith.constant 1 : i32
      %add3A_846 = vector.broadcast %add3A_845 : i32 to vector<16xi32>
      %add3A_847 = arith.addi %shift_right_logical3A_842, %add3A_846 : vector<16xi32>
      %select_n3A_848 = arith.select %lt3A_844, %add3A_847, %select_n3A_804 : vector<16xi1>, vector<16xi32>
      %select_n3A_849 = arith.select %lt3A_844, %select_n3A_805, %shift_right_logical3A_842 : vector<16xi1>, vector<16xi32>
      %add3A_850 = arith.addi %select_n3A_815, %select_n3A_816 : vector<16xi32>
      %shift_right_logical3A_851 = arith.constant 1 : i32
      %shift_right_logical3A_852 = vector.broadcast %shift_right_logical3A_851 : i32 to vector<16xi32>
      %shift_right_logical3A_853 = arith.shrui %add3A_850, %shift_right_logical3A_852 : vector<16xi32>
      %gather3A_854 = tpu.vector_load_idx %arg9[%shift_right_logical3A_853] : memref<100016xf32, #tpu.memory_space<vmem>>[vector<16xi32>], vector<16xf32>,
      %lt3A_855 = arith.cmpf olt, %gather3A_854, %get3A_101 : vector<16xf32>
      %add3A_856 = arith.constant 1 : i32
      %add3A_857 = vector.broadcast %add3A_856 : i32 to vector<16xi32>
      %add3A_858 = arith.addi %shift_right_logical3A_853, %add3A_857 : vector<16xi32>
      %select_n3A_859 = arith.select %lt3A_855, %add3A_858, %select_n3A_815 : vector<16xi1>, vector<16xi32>
      %select_n3A_860 = arith.select %lt3A_855, %select_n3A_816, %shift_right_logical3A_853 : vector<16xi1>, vector<16xi32>
      %add3A_861 = arith.constant 0 : i32
      %add3A_862 = arith.addi %mul3A_86, %add3A_861 : i32
      %swap3A = arith.index_cast %add3A_862 : i32 to index
      %swap3A_863 = tpu.vector_load %arg11[%swap3A] {strides = array<i32>} : memref<6400xi32, #tpu.memory_space<vmem>>, vector<16xi32>,
      tpu.vector_store %arg11[%swap3A], %select_n3A_826 {strides = array<i32>} : memref<6400xi32, #tpu.memory_space<vmem>>, vector<16xi32>,
      %add3A_864 = arith.constant 16 : i32
      %add3A_865 = arith.addi %mul3A_86, %add3A_864 : i32
      %swap3A_866 = arith.index_cast %add3A_865 : i32 to index
      %swap3A_867 = tpu.vector_load %arg11[%swap3A_866] {strides = array<i32>} : memref<6400xi32, #tpu.memory_space<vmem>>, vector<16xi32>,
      tpu.vector_store %arg11[%swap3A_866], %select_n3A_837 {strides = array<i32>} : memref<6400xi32, #tpu.memory_space<vmem>>, vector<16xi32>,
      %add3A_868 = arith.constant 32 : i32
      %add3A_869 = arith.addi %mul3A_86, %add3A_868 : i32
      %swap3A_870 = arith.index_cast %add3A_869 : i32 to index
      %swap3A_871 = tpu.vector_load %arg11[%swap3A_870] {strides = array<i32>} : memref<6400xi32, #tpu.memory_space<vmem>>, vector<16xi32>,
      tpu.vector_store %arg11[%swap3A_870], %select_n3A_848 {strides = array<i32>} : memref<6400xi32, #tpu.memory_space<vmem>>, vector<16xi32>,
      %add3A_872 = arith.constant 48 : i32
      %add3A_873 = arith.addi %mul3A_86, %add3A_872 : i32
      %swap3A_874 = arith.index_cast %add3A_873 : i32 to index
      %swap3A_875 = tpu.vector_load %arg11[%swap3A_874] {strides = array<i32>} : memref<6400xi32, #tpu.memory_space<vmem>>, vector<16xi32>,
      tpu.vector_store %arg11[%swap3A_874], %select_n3A_859 {strides = array<i32>} : memref<6400xi32, #tpu.memory_space<vmem>>, vector<16xi32>,
      %scan3A_876 = arith.constant 0 : i32
      scf.yield %scan3A_876 : i32
    }
    %scan3A_28 = arith.constant 100 : i32
    "tpu.region"() ({
      %run_scoped3A = tpu.sem_alloc : memref<!tpu.dma_semaphore, #tpu.memory_space<semaphore_mem>>
      %dma_start3A = tpu.memref_slice %arg6[%add3A_21] : memref<819200xi32, #tpu.memory_space<hbm>> -> memref<6400xi32, #tpu.memory_space<hbm>>
      %dma_start3A_83 = tpu.memref_slice %arg6[%add3A_21] : memref<819200xi32, #tpu.memory_space<hbm>> -> memref<6400xi32, #tpu.memory_space<hbm>>
      tpu.enqueue_dma source(%arg11 : memref<6400xi32, #tpu.memory_space<vmem>>) target(%dma_start3A_83 : memref<6400xi32, #tpu.memory_space<hbm>>) target_semaphore(%run_scoped3A : memref<!tpu.dma_semaphore, #tpu.memory_space<semaphore_mem>>)
      %dma_wait3A = tpu.memref_slice %arg6[%add3A_21] : memref<819200xi32, #tpu.memory_space<hbm>> -> memref<6400xi32, #tpu.memory_space<hbm>>
      %dma_wait3A_84 = tpu.memref_slice %arg6[%add3A_21] : memref<819200xi32, #tpu.memory_space<hbm>> -> memref<6400xi32, #tpu.memory_space<hbm>>
      tpu.wait_dma2 semaphore(%run_scoped3A : memref<!tpu.dma_semaphore, #tpu.memory_space<semaphore_mem>>) src(%arg11 : memref<6400xi32, #tpu.memory_space<vmem>>) dst(%dma_wait3A_84 : memref<6400xi32, #tpu.memory_space<hbm>>)
      tpu.yield
    }) : () -> ()
    %add3A_29 = arith.constant 19200 : i32
    %add3A_30 = arith.addi %mul3A_2, %add3A_29 : i32
    "tpu.region"() ({
      %run_scoped3A = tpu.sem_alloc : memref<!tpu.dma_semaphore, #tpu.memory_space<semaphore_mem>>
      %dma_start3A = tpu.memref_slice %arg4[%add3A_30] : memref<819200xf32, #tpu.memory_space<hbm>> -> memref<6400xf32, #tpu.memory_space<hbm>>
      %dma_start3A_83 = tpu.memref_slice %arg4[%add3A_30] : memref<819200xf32, #tpu.memory_space<hbm>> -> memref<6400xf32, #tpu.memory_space<hbm>>
      tpu.enqueue_dma source(%dma_start3A_83 : memref<6400xf32, #tpu.memory_space<hbm>>) target(%arg10 : memref<6400xf32, #tpu.memory_space<vmem>>) target_semaphore(%run_scoped3A : memref<!tpu.dma_semaphore, #tpu.memory_space<semaphore_mem>>)
      %dma_wait3A = tpu.memref_slice %arg4[%add3A_30] : memref<819200xf32, #tpu.memory_space<hbm>> -> memref<6400xf32, #tpu.memory_space<hbm>>
      %dma_wait3A_84 = tpu.memref_slice %arg4[%add3A_30] : memref<819200xf32, #tpu.memory_space<hbm>> -> memref<6400xf32, #tpu.memory_space<hbm>>
      tpu.wait_dma2 semaphore(%run_scoped3A : memref<!tpu.dma_semaphore, #tpu.memory_space<semaphore_mem>>) src(%dma_wait3A_84 : memref<6400xf32, #tpu.memory_space<hbm>>) dst(%arg10 : memref<6400xf32, #tpu.memory_space<vmem>>)
      tpu.yield
    }) : () -> ()
    %scan3A_31 = arith.constant 0 : i32
    %scan3A_32 = arith.constant 0 : i32
    %scan3A_33 = arith.constant 100 : i32
    %scan3A_34 = arith.addi %scan3A_32, %scan3A_33 : i32
    %scan3A_35 = arith.constant 1 : i32
    %scan3A_36 = scf.for %scan3A_83 = %scan3A_32 to %scan3A_34 step %scan3A_35 iter_args(%scan3A_84 = %scan3A_31) -> (i32)  : i32 {
      %mul3A_85 = arith.constant 64 : i32
      %mul3A_86 = arith.muli %scan3A_83, %mul3A_85 : i32
      %add3A_87 = arith.constant 0 : i32
      %add3A_88 = arith.addi %mul3A_86, %add3A_87 : i32
      %get3A = arith.index_cast %add3A_88 : i32 to index
      %get3A_89 = tpu.vector_load %arg10[%get3A] {strides = array<i32>} : memref<6400xf32, #tpu.memory_space<vmem>>, vector<16xf32>,
      %add3A_90 = arith.constant 16 : i32
      %add3A_91 = arith.addi %mul3A_86, %add3A_90 : i32
      %get3A_92 = arith.index_cast %add3A_91 : i32 to index
      %get3A_93 = tpu.vector_load %arg10[%get3A_92] {strides = array<i32>} : memref<6400xf32, #tpu.memory_space<vmem>>, vector<16xf32>,
      %add3A_94 = arith.constant 32 : i32
      %add3A_95 = arith.addi %mul3A_86, %add3A_94 : i32
      %get3A_96 = arith.index_cast %add3A_95 : i32 to index
      %get3A_97 = tpu.vector_load %arg10[%get3A_96] {strides = array<i32>} : memref<6400xf32, #tpu.memory_space<vmem>>, vector<16xf32>,
      %add3A_98 = arith.constant 48 : i32
      %add3A_99 = arith.addi %mul3A_86, %add3A_98 : i32
      %get3A_100 = arith.index_cast %add3A_99 : i32 to index
      %get3A_101 = tpu.vector_load %arg10[%get3A_100] {strides = array<i32>} : memref<6400xf32, #tpu.memory_space<vmem>>, vector<16xf32>,
      %broadcast_in_dim3A = arith.constant 0 : i32
      %broadcast_in_dim3A_102 = vector.broadcast %broadcast_in_dim3A : i32 to vector<16xi32>
      %broadcast_in_dim3A_103 = arith.constant 0 : i32
      %broadcast_in_dim3A_104 = vector.broadcast %broadcast_in_dim3A_103 : i32 to vector<16xi32>
      %broadcast_in_dim3A_105 = arith.constant 0 : i32
      %broadcast_in_dim3A_106 = vector.broadcast %broadcast_in_dim3A_105 : i32 to vector<16xi32>
      %broadcast_in_dim3A_107 = arith.constant 0 : i32
      %broadcast_in_dim3A_108 = vector.broadcast %broadcast_in_dim3A_107 : i32 to vector<16xi32>
      %broadcast_in_dim3A_109 = arith.constant 100001 : i32
      %broadcast_in_dim3A_110 = vector.broadcast %broadcast_in_dim3A_109 : i32 to vector<16xi32>
      %broadcast_in_dim3A_111 = arith.constant 100001 : i32
      %broadcast_in_dim3A_112 = vector.broadcast %broadcast_in_dim3A_111 : i32 to vector<16xi32>
      %broadcast_in_dim3A_113 = arith.constant 100001 : i32
      %broadcast_in_dim3A_114 = vector.broadcast %broadcast_in_dim3A_113 : i32 to vector<16xi32>
      %broadcast_in_dim3A_115 = arith.constant 100001 : i32
      %broadcast_in_dim3A_116 = vector.broadcast %broadcast_in_dim3A_115 : i32 to vector<16xi32>
      %add3A_117 = arith.addi %broadcast_in_dim3A_102, %broadcast_in_dim3A_110 : vector<16xi32>
      %shift_right_logical3A = arith.constant 1 : i32
      %shift_right_logical3A_118 = vector.broadcast %shift_right_logical3A : i32 to vector<16xi32>
      %shift_right_logical3A_119 = arith.shrui %add3A_117, %shift_right_logical3A_118 : vector<16xi32>
      %gather3A = tpu.vector_load_idx %arg9[%shift_right_logical3A_119] : memref<100016xf32, #tpu.memory_space<vmem>>[vector<16xi32>], vector<16xf32>,
      %lt3A = arith.cmpf olt, %gather3A, %get3A_89 : vector<16xf32>
      %add3A_120 = arith.constant 1 : i32
      %add3A_121 = vector.broadcast %add3A_120 : i32 to vector<16xi32>
      %add3A_122 = arith.addi %shift_right_logical3A_119, %add3A_121 : vector<16xi32>
      %select_n3A = arith.select %lt3A, %add3A_122, %broadcast_in_dim3A_102 : vector<16xi1>, vector<16xi32>
      %select_n3A_123 = arith.select %lt3A, %broadcast_in_dim3A_110, %shift_right_logical3A_119 : vector<16xi1>, vector<16xi32>
      %add3A_124 = arith.addi %broadcast_in_dim3A_104, %broadcast_in_dim3A_112 : vector<16xi32>
      %shift_right_logical3A_125 = arith.constant 1 : i32
      %shift_right_logical3A_126 = vector.broadcast %shift_right_logical3A_125 : i32 to vector<16xi32>
      %shift_right_logical3A_127 = arith.shrui %add3A_124, %shift_right_logical3A_126 : vector<16xi32>
      %gather3A_128 = tpu.vector_load_idx %arg9[%shift_right_logical3A_127] : memref<100016xf32, #tpu.memory_space<vmem>>[vector<16xi32>], vector<16xf32>,
      %lt3A_129 = arith.cmpf olt, %gather3A_128, %get3A_93 : vector<16xf32>
      %add3A_130 = arith.constant 1 : i32
      %add3A_131 = vector.broadcast %add3A_130 : i32 to vector<16xi32>
      %add3A_132 = arith.addi %shift_right_logical3A_127, %add3A_131 : vector<16xi32>
      %select_n3A_133 = arith.select %lt3A_129, %add3A_132, %broadcast_in_dim3A_104 : vector<16xi1>, vector<16xi32>
      %select_n3A_134 = arith.select %lt3A_129, %broadcast_in_dim3A_112, %shift_right_logical3A_127 : vector<16xi1>, vector<16xi32>
      %add3A_135 = arith.addi %broadcast_in_dim3A_106, %broadcast_in_dim3A_114 : vector<16xi32>
      %shift_right_logical3A_136 = arith.constant 1 : i32
      %shift_right_logical3A_137 = vector.broadcast %shift_right_logical3A_136 : i32 to vector<16xi32>
      %shift_right_logical3A_138 = arith.shrui %add3A_135, %shift_right_logical3A_137 : vector<16xi32>
      %gather3A_139 = tpu.vector_load_idx %arg9[%shift_right_logical3A_138] : memref<100016xf32, #tpu.memory_space<vmem>>[vector<16xi32>], vector<16xf32>,
      %lt3A_140 = arith.cmpf olt, %gather3A_139, %get3A_97 : vector<16xf32>
      %add3A_141 = arith.constant 1 : i32
      %add3A_142 = vector.broadcast %add3A_141 : i32 to vector<16xi32>
      %add3A_143 = arith.addi %shift_right_logical3A_138, %add3A_142 : vector<16xi32>
      %select_n3A_144 = arith.select %lt3A_140, %add3A_143, %broadcast_in_dim3A_106 : vector<16xi1>, vector<16xi32>
      %select_n3A_145 = arith.select %lt3A_140, %broadcast_in_dim3A_114, %shift_right_logical3A_138 : vector<16xi1>, vector<16xi32>
      %add3A_146 = arith.addi %broadcast_in_dim3A_108, %broadcast_in_dim3A_116 : vector<16xi32>
      %shift_right_logical3A_147 = arith.constant 1 : i32
      %shift_right_logical3A_148 = vector.broadcast %shift_right_logical3A_147 : i32 to vector<16xi32>
      %shift_right_logical3A_149 = arith.shrui %add3A_146, %shift_right_logical3A_148 : vector<16xi32>
      %gather3A_150 = tpu.vector_load_idx %arg9[%shift_right_logical3A_149] : memref<100016xf32, #tpu.memory_space<vmem>>[vector<16xi32>], vector<16xf32>,
      %lt3A_151 = arith.cmpf olt, %gather3A_150, %get3A_101 : vector<16xf32>
      %add3A_152 = arith.constant 1 : i32
      %add3A_153 = vector.broadcast %add3A_152 : i32 to vector<16xi32>
      %add3A_154 = arith.addi %shift_right_logical3A_149, %add3A_153 : vector<16xi32>
      %select_n3A_155 = arith.select %lt3A_151, %add3A_154, %broadcast_in_dim3A_108 : vector<16xi1>, vector<16xi32>
      %select_n3A_156 = arith.select %lt3A_151, %broadcast_in_dim3A_116, %shift_right_logical3A_149 : vector<16xi1>, vector<16xi32>
      %add3A_157 = arith.addi %select_n3A, %select_n3A_123 : vector<16xi32>
      %shift_right_logical3A_158 = arith.constant 1 : i32
      %shift_right_logical3A_159 = vector.broadcast %shift_right_logical3A_158 : i32 to vector<16xi32>
      %shift_right_logical3A_160 = arith.shrui %add3A_157, %shift_right_logical3A_159 : vector<16xi32>
      %gather3A_161 = tpu.vector_load_idx %arg9[%shift_right_logical3A_160] : memref<100016xf32, #tpu.memory_space<vmem>>[vector<16xi32>], vector<16xf32>,
      %lt3A_162 = arith.cmpf olt, %gather3A_161, %get3A_89 : vector<16xf32>
      %add3A_163 = arith.constant 1 : i32
      %add3A_164 = vector.broadcast %add3A_163 : i32 to vector<16xi32>
      %add3A_165 = arith.addi %shift_right_logical3A_160, %add3A_164 : vector<16xi32>
      %select_n3A_166 = arith.select %lt3A_162, %add3A_165, %select_n3A : vector<16xi1>, vector<16xi32>
      %select_n3A_167 = arith.select %lt3A_162, %select_n3A_123, %shift_right_logical3A_160 : vector<16xi1>, vector<16xi32>
      %add3A_168 = arith.addi %select_n3A_133, %select_n3A_134 : vector<16xi32>
      %shift_right_logical3A_169 = arith.constant 1 : i32
      %shift_right_logical3A_170 = vector.broadcast %shift_right_logical3A_169 : i32 to vector<16xi32>
      %shift_right_logical3A_171 = arith.shrui %add3A_168, %shift_right_logical3A_170 : vector<16xi32>
      %gather3A_172 = tpu.vector_load_idx %arg9[%shift_right_logical3A_171] : memref<100016xf32, #tpu.memory_space<vmem>>[vector<16xi32>], vector<16xf32>,
      %lt3A_173 = arith.cmpf olt, %gather3A_172, %get3A_93 : vector<16xf32>
      %add3A_174 = arith.constant 1 : i32
      %add3A_175 = vector.broadcast %add3A_174 : i32 to vector<16xi32>
      %add3A_176 = arith.addi %shift_right_logical3A_171, %add3A_175 : vector<16xi32>
      %select_n3A_177 = arith.select %lt3A_173, %add3A_176, %select_n3A_133 : vector<16xi1>, vector<16xi32>
      %select_n3A_178 = arith.select %lt3A_173, %select_n3A_134, %shift_right_logical3A_171 : vector<16xi1>, vector<16xi32>
      %add3A_179 = arith.addi %select_n3A_144, %select_n3A_145 : vector<16xi32>
      %shift_right_logical3A_180 = arith.constant 1 : i32
      %shift_right_logical3A_181 = vector.broadcast %shift_right_logical3A_180 : i32 to vector<16xi32>
      %shift_right_logical3A_182 = arith.shrui %add3A_179, %shift_right_logical3A_181 : vector<16xi32>
      %gather3A_183 = tpu.vector_load_idx %arg9[%shift_right_logical3A_182] : memref<100016xf32, #tpu.memory_space<vmem>>[vector<16xi32>], vector<16xf32>,
      %lt3A_184 = arith.cmpf olt, %gather3A_183, %get3A_97 : vector<16xf32>
      %add3A_185 = arith.constant 1 : i32
      %add3A_186 = vector.broadcast %add3A_185 : i32 to vector<16xi32>
      %add3A_187 = arith.addi %shift_right_logical3A_182, %add3A_186 : vector<16xi32>
      %select_n3A_188 = arith.select %lt3A_184, %add3A_187, %select_n3A_144 : vector<16xi1>, vector<16xi32>
      %select_n3A_189 = arith.select %lt3A_184, %select_n3A_145, %shift_right_logical3A_182 : vector<16xi1>, vector<16xi32>
      %add3A_190 = arith.addi %select_n3A_155, %select_n3A_156 : vector<16xi32>
      %shift_right_logical3A_191 = arith.constant 1 : i32
      %shift_right_logical3A_192 = vector.broadcast %shift_right_logical3A_191 : i32 to vector<16xi32>
      %shift_right_logical3A_193 = arith.shrui %add3A_190, %shift_right_logical3A_192 : vector<16xi32>
      %gather3A_194 = tpu.vector_load_idx %arg9[%shift_right_logical3A_193] : memref<100016xf32, #tpu.memory_space<vmem>>[vector<16xi32>], vector<16xf32>,
      %lt3A_195 = arith.cmpf olt, %gather3A_194, %get3A_101 : vector<16xf32>
      %add3A_196 = arith.constant 1 : i32
      %add3A_197 = vector.broadcast %add3A_196 : i32 to vector<16xi32>
      %add3A_198 = arith.addi %shift_right_logical3A_193, %add3A_197 : vector<16xi32>
      %select_n3A_199 = arith.select %lt3A_195, %add3A_198, %select_n3A_155 : vector<16xi1>, vector<16xi32>
      %select_n3A_200 = arith.select %lt3A_195, %select_n3A_156, %shift_right_logical3A_193 : vector<16xi1>, vector<16xi32>
      %add3A_201 = arith.addi %select_n3A_166, %select_n3A_167 : vector<16xi32>
      %shift_right_logical3A_202 = arith.constant 1 : i32
      %shift_right_logical3A_203 = vector.broadcast %shift_right_logical3A_202 : i32 to vector<16xi32>
      %shift_right_logical3A_204 = arith.shrui %add3A_201, %shift_right_logical3A_203 : vector<16xi32>
      %gather3A_205 = tpu.vector_load_idx %arg9[%shift_right_logical3A_204] : memref<100016xf32, #tpu.memory_space<vmem>>[vector<16xi32>], vector<16xf32>,
      %lt3A_206 = arith.cmpf olt, %gather3A_205, %get3A_89 : vector<16xf32>
      %add3A_207 = arith.constant 1 : i32
      %add3A_208 = vector.broadcast %add3A_207 : i32 to vector<16xi32>
      %add3A_209 = arith.addi %shift_right_logical3A_204, %add3A_208 : vector<16xi32>
      %select_n3A_210 = arith.select %lt3A_206, %add3A_209, %select_n3A_166 : vector<16xi1>, vector<16xi32>
      %select_n3A_211 = arith.select %lt3A_206, %select_n3A_167, %shift_right_logical3A_204 : vector<16xi1>, vector<16xi32>
      %add3A_212 = arith.addi %select_n3A_177, %select_n3A_178 : vector<16xi32>
      %shift_right_logical3A_213 = arith.constant 1 : i32
      %shift_right_logical3A_214 = vector.broadcast %shift_right_logical3A_213 : i32 to vector<16xi32>
      %shift_right_logical3A_215 = arith.shrui %add3A_212, %shift_right_logical3A_214 : vector<16xi32>
      %gather3A_216 = tpu.vector_load_idx %arg9[%shift_right_logical3A_215] : memref<100016xf32, #tpu.memory_space<vmem>>[vector<16xi32>], vector<16xf32>,
      %lt3A_217 = arith.cmpf olt, %gather3A_216, %get3A_93 : vector<16xf32>
      %add3A_218 = arith.constant 1 : i32
      %add3A_219 = vector.broadcast %add3A_218 : i32 to vector<16xi32>
      %add3A_220 = arith.addi %shift_right_logical3A_215, %add3A_219 : vector<16xi32>
      %select_n3A_221 = arith.select %lt3A_217, %add3A_220, %select_n3A_177 : vector<16xi1>, vector<16xi32>
      %select_n3A_222 = arith.select %lt3A_217, %select_n3A_178, %shift_right_logical3A_215 : vector<16xi1>, vector<16xi32>
      %add3A_223 = arith.addi %select_n3A_188, %select_n3A_189 : vector<16xi32>
      %shift_right_logical3A_224 = arith.constant 1 : i32
      %shift_right_logical3A_225 = vector.broadcast %shift_right_logical3A_224 : i32 to vector<16xi32>
      %shift_right_logical3A_226 = arith.shrui %add3A_223, %shift_right_logical3A_225 : vector<16xi32>
      %gather3A_227 = tpu.vector_load_idx %arg9[%shift_right_logical3A_226] : memref<100016xf32, #tpu.memory_space<vmem>>[vector<16xi32>], vector<16xf32>,
      %lt3A_228 = arith.cmpf olt, %gather3A_227, %get3A_97 : vector<16xf32>
      %add3A_229 = arith.constant 1 : i32
      %add3A_230 = vector.broadcast %add3A_229 : i32 to vector<16xi32>
      %add3A_231 = arith.addi %shift_right_logical3A_226, %add3A_230 : vector<16xi32>
      %select_n3A_232 = arith.select %lt3A_228, %add3A_231, %select_n3A_188 : vector<16xi1>, vector<16xi32>
      %select_n3A_233 = arith.select %lt3A_228, %select_n3A_189, %shift_right_logical3A_226 : vector<16xi1>, vector<16xi32>
      %add3A_234 = arith.addi %select_n3A_199, %select_n3A_200 : vector<16xi32>
      %shift_right_logical3A_235 = arith.constant 1 : i32
      %shift_right_logical3A_236 = vector.broadcast %shift_right_logical3A_235 : i32 to vector<16xi32>
      %shift_right_logical3A_237 = arith.shrui %add3A_234, %shift_right_logical3A_236 : vector<16xi32>
      %gather3A_238 = tpu.vector_load_idx %arg9[%shift_right_logical3A_237] : memref<100016xf32, #tpu.memory_space<vmem>>[vector<16xi32>], vector<16xf32>,
      %lt3A_239 = arith.cmpf olt, %gather3A_238, %get3A_101 : vector<16xf32>
      %add3A_240 = arith.constant 1 : i32
      %add3A_241 = vector.broadcast %add3A_240 : i32 to vector<16xi32>
      %add3A_242 = arith.addi %shift_right_logical3A_237, %add3A_241 : vector<16xi32>
      %select_n3A_243 = arith.select %lt3A_239, %add3A_242, %select_n3A_199 : vector<16xi1>, vector<16xi32>
      %select_n3A_244 = arith.select %lt3A_239, %select_n3A_200, %shift_right_logical3A_237 : vector<16xi1>, vector<16xi32>
      %add3A_245 = arith.addi %select_n3A_210, %select_n3A_211 : vector<16xi32>
      %shift_right_logical3A_246 = arith.constant 1 : i32
      %shift_right_logical3A_247 = vector.broadcast %shift_right_logical3A_246 : i32 to vector<16xi32>
      %shift_right_logical3A_248 = arith.shrui %add3A_245, %shift_right_logical3A_247 : vector<16xi32>
      %gather3A_249 = tpu.vector_load_idx %arg9[%shift_right_logical3A_248] : memref<100016xf32, #tpu.memory_space<vmem>>[vector<16xi32>], vector<16xf32>,
      %lt3A_250 = arith.cmpf olt, %gather3A_249, %get3A_89 : vector<16xf32>
      %add3A_251 = arith.constant 1 : i32
      %add3A_252 = vector.broadcast %add3A_251 : i32 to vector<16xi32>
      %add3A_253 = arith.addi %shift_right_logical3A_248, %add3A_252 : vector<16xi32>
      %select_n3A_254 = arith.select %lt3A_250, %add3A_253, %select_n3A_210 : vector<16xi1>, vector<16xi32>
      %select_n3A_255 = arith.select %lt3A_250, %select_n3A_211, %shift_right_logical3A_248 : vector<16xi1>, vector<16xi32>
      %add3A_256 = arith.addi %select_n3A_221, %select_n3A_222 : vector<16xi32>
      %shift_right_logical3A_257 = arith.constant 1 : i32
      %shift_right_logical3A_258 = vector.broadcast %shift_right_logical3A_257 : i32 to vector<16xi32>
      %shift_right_logical3A_259 = arith.shrui %add3A_256, %shift_right_logical3A_258 : vector<16xi32>
      %gather3A_260 = tpu.vector_load_idx %arg9[%shift_right_logical3A_259] : memref<100016xf32, #tpu.memory_space<vmem>>[vector<16xi32>], vector<16xf32>,
      %lt3A_261 = arith.cmpf olt, %gather3A_260, %get3A_93 : vector<16xf32>
      %add3A_262 = arith.constant 1 : i32
      %add3A_263 = vector.broadcast %add3A_262 : i32 to vector<16xi32>
      %add3A_264 = arith.addi %shift_right_logical3A_259, %add3A_263 : vector<16xi32>
      %select_n3A_265 = arith.select %lt3A_261, %add3A_264, %select_n3A_221 : vector<16xi1>, vector<16xi32>
      %select_n3A_266 = arith.select %lt3A_261, %select_n3A_222, %shift_right_logical3A_259 : vector<16xi1>, vector<16xi32>
      %add3A_267 = arith.addi %select_n3A_232, %select_n3A_233 : vector<16xi32>
      %shift_right_logical3A_268 = arith.constant 1 : i32
      %shift_right_logical3A_269 = vector.broadcast %shift_right_logical3A_268 : i32 to vector<16xi32>
      %shift_right_logical3A_270 = arith.shrui %add3A_267, %shift_right_logical3A_269 : vector<16xi32>
      %gather3A_271 = tpu.vector_load_idx %arg9[%shift_right_logical3A_270] : memref<100016xf32, #tpu.memory_space<vmem>>[vector<16xi32>], vector<16xf32>,
      %lt3A_272 = arith.cmpf olt, %gather3A_271, %get3A_97 : vector<16xf32>
      %add3A_273 = arith.constant 1 : i32
      %add3A_274 = vector.broadcast %add3A_273 : i32 to vector<16xi32>
      %add3A_275 = arith.addi %shift_right_logical3A_270, %add3A_274 : vector<16xi32>
      %select_n3A_276 = arith.select %lt3A_272, %add3A_275, %select_n3A_232 : vector<16xi1>, vector<16xi32>
      %select_n3A_277 = arith.select %lt3A_272, %select_n3A_233, %shift_right_logical3A_270 : vector<16xi1>, vector<16xi32>
      %add3A_278 = arith.addi %select_n3A_243, %select_n3A_244 : vector<16xi32>
      %shift_right_logical3A_279 = arith.constant 1 : i32
      %shift_right_logical3A_280 = vector.broadcast %shift_right_logical3A_279 : i32 to vector<16xi32>
      %shift_right_logical3A_281 = arith.shrui %add3A_278, %shift_right_logical3A_280 : vector<16xi32>
      %gather3A_282 = tpu.vector_load_idx %arg9[%shift_right_logical3A_281] : memref<100016xf32, #tpu.memory_space<vmem>>[vector<16xi32>], vector<16xf32>,
      %lt3A_283 = arith.cmpf olt, %gather3A_282, %get3A_101 : vector<16xf32>
      %add3A_284 = arith.constant 1 : i32
      %add3A_285 = vector.broadcast %add3A_284 : i32 to vector<16xi32>
      %add3A_286 = arith.addi %shift_right_logical3A_281, %add3A_285 : vector<16xi32>
      %select_n3A_287 = arith.select %lt3A_283, %add3A_286, %select_n3A_243 : vector<16xi1>, vector<16xi32>
      %select_n3A_288 = arith.select %lt3A_283, %select_n3A_244, %shift_right_logical3A_281 : vector<16xi1>, vector<16xi32>
      %add3A_289 = arith.addi %select_n3A_254, %select_n3A_255 : vector<16xi32>
      %shift_right_logical3A_290 = arith.constant 1 : i32
      %shift_right_logical3A_291 = vector.broadcast %shift_right_logical3A_290 : i32 to vector<16xi32>
      %shift_right_logical3A_292 = arith.shrui %add3A_289, %shift_right_logical3A_291 : vector<16xi32>
      %gather3A_293 = tpu.vector_load_idx %arg9[%shift_right_logical3A_292] : memref<100016xf32, #tpu.memory_space<vmem>>[vector<16xi32>], vector<16xf32>,
      %lt3A_294 = arith.cmpf olt, %gather3A_293, %get3A_89 : vector<16xf32>
      %add3A_295 = arith.constant 1 : i32
      %add3A_296 = vector.broadcast %add3A_295 : i32 to vector<16xi32>
      %add3A_297 = arith.addi %shift_right_logical3A_292, %add3A_296 : vector<16xi32>
      %select_n3A_298 = arith.select %lt3A_294, %add3A_297, %select_n3A_254 : vector<16xi1>, vector<16xi32>
      %select_n3A_299 = arith.select %lt3A_294, %select_n3A_255, %shift_right_logical3A_292 : vector<16xi1>, vector<16xi32>
      %add3A_300 = arith.addi %select_n3A_265, %select_n3A_266 : vector<16xi32>
      %shift_right_logical3A_301 = arith.constant 1 : i32
      %shift_right_logical3A_302 = vector.broadcast %shift_right_logical3A_301 : i32 to vector<16xi32>
      %shift_right_logical3A_303 = arith.shrui %add3A_300, %shift_right_logical3A_302 : vector<16xi32>
      %gather3A_304 = tpu.vector_load_idx %arg9[%shift_right_logical3A_303] : memref<100016xf32, #tpu.memory_space<vmem>>[vector<16xi32>], vector<16xf32>,
      %lt3A_305 = arith.cmpf olt, %gather3A_304, %get3A_93 : vector<16xf32>
      %add3A_306 = arith.constant 1 : i32
      %add3A_307 = vector.broadcast %add3A_306 : i32 to vector<16xi32>
      %add3A_308 = arith.addi %shift_right_logical3A_303, %add3A_307 : vector<16xi32>
      %select_n3A_309 = arith.select %lt3A_305, %add3A_308, %select_n3A_265 : vector<16xi1>, vector<16xi32>
      %select_n3A_310 = arith.select %lt3A_305, %select_n3A_266, %shift_right_logical3A_303 : vector<16xi1>, vector<16xi32>
      %add3A_311 = arith.addi %select_n3A_276, %select_n3A_277 : vector<16xi32>
      %shift_right_logical3A_312 = arith.constant 1 : i32
      %shift_right_logical3A_313 = vector.broadcast %shift_right_logical3A_312 : i32 to vector<16xi32>
      %shift_right_logical3A_314 = arith.shrui %add3A_311, %shift_right_logical3A_313 : vector<16xi32>
      %gather3A_315 = tpu.vector_load_idx %arg9[%shift_right_logical3A_314] : memref<100016xf32, #tpu.memory_space<vmem>>[vector<16xi32>], vector<16xf32>,
      %lt3A_316 = arith.cmpf olt, %gather3A_315, %get3A_97 : vector<16xf32>
      %add3A_317 = arith.constant 1 : i32
      %add3A_318 = vector.broadcast %add3A_317 : i32 to vector<16xi32>
      %add3A_319 = arith.addi %shift_right_logical3A_314, %add3A_318 : vector<16xi32>
      %select_n3A_320 = arith.select %lt3A_316, %add3A_319, %select_n3A_276 : vector<16xi1>, vector<16xi32>
      %select_n3A_321 = arith.select %lt3A_316, %select_n3A_277, %shift_right_logical3A_314 : vector<16xi1>, vector<16xi32>
      %add3A_322 = arith.addi %select_n3A_287, %select_n3A_288 : vector<16xi32>
      %shift_right_logical3A_323 = arith.constant 1 : i32
      %shift_right_logical3A_324 = vector.broadcast %shift_right_logical3A_323 : i32 to vector<16xi32>
      %shift_right_logical3A_325 = arith.shrui %add3A_322, %shift_right_logical3A_324 : vector<16xi32>
      %gather3A_326 = tpu.vector_load_idx %arg9[%shift_right_logical3A_325] : memref<100016xf32, #tpu.memory_space<vmem>>[vector<16xi32>], vector<16xf32>,
      %lt3A_327 = arith.cmpf olt, %gather3A_326, %get3A_101 : vector<16xf32>
      %add3A_328 = arith.constant 1 : i32
      %add3A_329 = vector.broadcast %add3A_328 : i32 to vector<16xi32>
      %add3A_330 = arith.addi %shift_right_logical3A_325, %add3A_329 : vector<16xi32>
      %select_n3A_331 = arith.select %lt3A_327, %add3A_330, %select_n3A_287 : vector<16xi1>, vector<16xi32>
      %select_n3A_332 = arith.select %lt3A_327, %select_n3A_288, %shift_right_logical3A_325 : vector<16xi1>, vector<16xi32>
      %add3A_333 = arith.addi %select_n3A_298, %select_n3A_299 : vector<16xi32>
      %shift_right_logical3A_334 = arith.constant 1 : i32
      %shift_right_logical3A_335 = vector.broadcast %shift_right_logical3A_334 : i32 to vector<16xi32>
      %shift_right_logical3A_336 = arith.shrui %add3A_333, %shift_right_logical3A_335 : vector<16xi32>
      %gather3A_337 = tpu.vector_load_idx %arg9[%shift_right_logical3A_336] : memref<100016xf32, #tpu.memory_space<vmem>>[vector<16xi32>], vector<16xf32>,
      %lt3A_338 = arith.cmpf olt, %gather3A_337, %get3A_89 : vector<16xf32>
      %add3A_339 = arith.constant 1 : i32
      %add3A_340 = vector.broadcast %add3A_339 : i32 to vector<16xi32>
      %add3A_341 = arith.addi %shift_right_logical3A_336, %add3A_340 : vector<16xi32>
      %select_n3A_342 = arith.select %lt3A_338, %add3A_341, %select_n3A_298 : vector<16xi1>, vector<16xi32>
      %select_n3A_343 = arith.select %lt3A_338, %select_n3A_299, %shift_right_logical3A_336 : vector<16xi1>, vector<16xi32>
      %add3A_344 = arith.addi %select_n3A_309, %select_n3A_310 : vector<16xi32>
      %shift_right_logical3A_345 = arith.constant 1 : i32
      %shift_right_logical3A_346 = vector.broadcast %shift_right_logical3A_345 : i32 to vector<16xi32>
      %shift_right_logical3A_347 = arith.shrui %add3A_344, %shift_right_logical3A_346 : vector<16xi32>
      %gather3A_348 = tpu.vector_load_idx %arg9[%shift_right_logical3A_347] : memref<100016xf32, #tpu.memory_space<vmem>>[vector<16xi32>], vector<16xf32>,
      %lt3A_349 = arith.cmpf olt, %gather3A_348, %get3A_93 : vector<16xf32>
      %add3A_350 = arith.constant 1 : i32
      %add3A_351 = vector.broadcast %add3A_350 : i32 to vector<16xi32>
      %add3A_352 = arith.addi %shift_right_logical3A_347, %add3A_351 : vector<16xi32>
      %select_n3A_353 = arith.select %lt3A_349, %add3A_352, %select_n3A_309 : vector<16xi1>, vector<16xi32>
      %select_n3A_354 = arith.select %lt3A_349, %select_n3A_310, %shift_right_logical3A_347 : vector<16xi1>, vector<16xi32>
      %add3A_355 = arith.addi %select_n3A_320, %select_n3A_321 : vector<16xi32>
      %shift_right_logical3A_356 = arith.constant 1 : i32
      %shift_right_logical3A_357 = vector.broadcast %shift_right_logical3A_356 : i32 to vector<16xi32>
      %shift_right_logical3A_358 = arith.shrui %add3A_355, %shift_right_logical3A_357 : vector<16xi32>
      %gather3A_359 = tpu.vector_load_idx %arg9[%shift_right_logical3A_358] : memref<100016xf32, #tpu.memory_space<vmem>>[vector<16xi32>], vector<16xf32>,
      %lt3A_360 = arith.cmpf olt, %gather3A_359, %get3A_97 : vector<16xf32>
      %add3A_361 = arith.constant 1 : i32
      %add3A_362 = vector.broadcast %add3A_361 : i32 to vector<16xi32>
      %add3A_363 = arith.addi %shift_right_logical3A_358, %add3A_362 : vector<16xi32>
      %select_n3A_364 = arith.select %lt3A_360, %add3A_363, %select_n3A_320 : vector<16xi1>, vector<16xi32>
      %select_n3A_365 = arith.select %lt3A_360, %select_n3A_321, %shift_right_logical3A_358 : vector<16xi1>, vector<16xi32>
      %add3A_366 = arith.addi %select_n3A_331, %select_n3A_332 : vector<16xi32>
      %shift_right_logical3A_367 = arith.constant 1 : i32
      %shift_right_logical3A_368 = vector.broadcast %shift_right_logical3A_367 : i32 to vector<16xi32>
      %shift_right_logical3A_369 = arith.shrui %add3A_366, %shift_right_logical3A_368 : vector<16xi32>
      %gather3A_370 = tpu.vector_load_idx %arg9[%shift_right_logical3A_369] : memref<100016xf32, #tpu.memory_space<vmem>>[vector<16xi32>], vector<16xf32>,
      %lt3A_371 = arith.cmpf olt, %gather3A_370, %get3A_101 : vector<16xf32>
      %add3A_372 = arith.constant 1 : i32
      %add3A_373 = vector.broadcast %add3A_372 : i32 to vector<16xi32>
      %add3A_374 = arith.addi %shift_right_logical3A_369, %add3A_373 : vector<16xi32>
      %select_n3A_375 = arith.select %lt3A_371, %add3A_374, %select_n3A_331 : vector<16xi1>, vector<16xi32>
      %select_n3A_376 = arith.select %lt3A_371, %select_n3A_332, %shift_right_logical3A_369 : vector<16xi1>, vector<16xi32>
      %add3A_377 = arith.addi %select_n3A_342, %select_n3A_343 : vector<16xi32>
      %shift_right_logical3A_378 = arith.constant 1 : i32
      %shift_right_logical3A_379 = vector.broadcast %shift_right_logical3A_378 : i32 to vector<16xi32>
      %shift_right_logical3A_380 = arith.shrui %add3A_377, %shift_right_logical3A_379 : vector<16xi32>
      %gather3A_381 = tpu.vector_load_idx %arg9[%shift_right_logical3A_380] : memref<100016xf32, #tpu.memory_space<vmem>>[vector<16xi32>], vector<16xf32>,
      %lt3A_382 = arith.cmpf olt, %gather3A_381, %get3A_89 : vector<16xf32>
      %add3A_383 = arith.constant 1 : i32
      %add3A_384 = vector.broadcast %add3A_383 : i32 to vector<16xi32>
      %add3A_385 = arith.addi %shift_right_logical3A_380, %add3A_384 : vector<16xi32>
      %select_n3A_386 = arith.select %lt3A_382, %add3A_385, %select_n3A_342 : vector<16xi1>, vector<16xi32>
      %select_n3A_387 = arith.select %lt3A_382, %select_n3A_343, %shift_right_logical3A_380 : vector<16xi1>, vector<16xi32>
      %add3A_388 = arith.addi %select_n3A_353, %select_n3A_354 : vector<16xi32>
      %shift_right_logical3A_389 = arith.constant 1 : i32
      %shift_right_logical3A_390 = vector.broadcast %shift_right_logical3A_389 : i32 to vector<16xi32>
      %shift_right_logical3A_391 = arith.shrui %add3A_388, %shift_right_logical3A_390 : vector<16xi32>
      %gather3A_392 = tpu.vector_load_idx %arg9[%shift_right_logical3A_391] : memref<100016xf32, #tpu.memory_space<vmem>>[vector<16xi32>], vector<16xf32>,
      %lt3A_393 = arith.cmpf olt, %gather3A_392, %get3A_93 : vector<16xf32>
      %add3A_394 = arith.constant 1 : i32
      %add3A_395 = vector.broadcast %add3A_394 : i32 to vector<16xi32>
      %add3A_396 = arith.addi %shift_right_logical3A_391, %add3A_395 : vector<16xi32>
      %select_n3A_397 = arith.select %lt3A_393, %add3A_396, %select_n3A_353 : vector<16xi1>, vector<16xi32>
      %select_n3A_398 = arith.select %lt3A_393, %select_n3A_354, %shift_right_logical3A_391 : vector<16xi1>, vector<16xi32>
      %add3A_399 = arith.addi %select_n3A_364, %select_n3A_365 : vector<16xi32>
      %shift_right_logical3A_400 = arith.constant 1 : i32
      %shift_right_logical3A_401 = vector.broadcast %shift_right_logical3A_400 : i32 to vector<16xi32>
      %shift_right_logical3A_402 = arith.shrui %add3A_399, %shift_right_logical3A_401 : vector<16xi32>
      %gather3A_403 = tpu.vector_load_idx %arg9[%shift_right_logical3A_402] : memref<100016xf32, #tpu.memory_space<vmem>>[vector<16xi32>], vector<16xf32>,
      %lt3A_404 = arith.cmpf olt, %gather3A_403, %get3A_97 : vector<16xf32>
      %add3A_405 = arith.constant 1 : i32
      %add3A_406 = vector.broadcast %add3A_405 : i32 to vector<16xi32>
      %add3A_407 = arith.addi %shift_right_logical3A_402, %add3A_406 : vector<16xi32>
      %select_n3A_408 = arith.select %lt3A_404, %add3A_407, %select_n3A_364 : vector<16xi1>, vector<16xi32>
      %select_n3A_409 = arith.select %lt3A_404, %select_n3A_365, %shift_right_logical3A_402 : vector<16xi1>, vector<16xi32>
      %add3A_410 = arith.addi %select_n3A_375, %select_n3A_376 : vector<16xi32>
      %shift_right_logical3A_411 = arith.constant 1 : i32
      %shift_right_logical3A_412 = vector.broadcast %shift_right_logical3A_411 : i32 to vector<16xi32>
      %shift_right_logical3A_413 = arith.shrui %add3A_410, %shift_right_logical3A_412 : vector<16xi32>
      %gather3A_414 = tpu.vector_load_idx %arg9[%shift_right_logical3A_413] : memref<100016xf32, #tpu.memory_space<vmem>>[vector<16xi32>], vector<16xf32>,
      %lt3A_415 = arith.cmpf olt, %gather3A_414, %get3A_101 : vector<16xf32>
      %add3A_416 = arith.constant 1 : i32
      %add3A_417 = vector.broadcast %add3A_416 : i32 to vector<16xi32>
      %add3A_418 = arith.addi %shift_right_logical3A_413, %add3A_417 : vector<16xi32>
      %select_n3A_419 = arith.select %lt3A_415, %add3A_418, %select_n3A_375 : vector<16xi1>, vector<16xi32>
      %select_n3A_420 = arith.select %lt3A_415, %select_n3A_376, %shift_right_logical3A_413 : vector<16xi1>, vector<16xi32>
      %add3A_421 = arith.addi %select_n3A_386, %select_n3A_387 : vector<16xi32>
      %shift_right_logical3A_422 = arith.constant 1 : i32
      %shift_right_logical3A_423 = vector.broadcast %shift_right_logical3A_422 : i32 to vector<16xi32>
      %shift_right_logical3A_424 = arith.shrui %add3A_421, %shift_right_logical3A_423 : vector<16xi32>
      %gather3A_425 = tpu.vector_load_idx %arg9[%shift_right_logical3A_424] : memref<100016xf32, #tpu.memory_space<vmem>>[vector<16xi32>], vector<16xf32>,
      %lt3A_426 = arith.cmpf olt, %gather3A_425, %get3A_89 : vector<16xf32>
      %add3A_427 = arith.constant 1 : i32
      %add3A_428 = vector.broadcast %add3A_427 : i32 to vector<16xi32>
      %add3A_429 = arith.addi %shift_right_logical3A_424, %add3A_428 : vector<16xi32>
      %select_n3A_430 = arith.select %lt3A_426, %add3A_429, %select_n3A_386 : vector<16xi1>, vector<16xi32>
      %select_n3A_431 = arith.select %lt3A_426, %select_n3A_387, %shift_right_logical3A_424 : vector<16xi1>, vector<16xi32>
      %add3A_432 = arith.addi %select_n3A_397, %select_n3A_398 : vector<16xi32>
      %shift_right_logical3A_433 = arith.constant 1 : i32
      %shift_right_logical3A_434 = vector.broadcast %shift_right_logical3A_433 : i32 to vector<16xi32>
      %shift_right_logical3A_435 = arith.shrui %add3A_432, %shift_right_logical3A_434 : vector<16xi32>
      %gather3A_436 = tpu.vector_load_idx %arg9[%shift_right_logical3A_435] : memref<100016xf32, #tpu.memory_space<vmem>>[vector<16xi32>], vector<16xf32>,
      %lt3A_437 = arith.cmpf olt, %gather3A_436, %get3A_93 : vector<16xf32>
      %add3A_438 = arith.constant 1 : i32
      %add3A_439 = vector.broadcast %add3A_438 : i32 to vector<16xi32>
      %add3A_440 = arith.addi %shift_right_logical3A_435, %add3A_439 : vector<16xi32>
      %select_n3A_441 = arith.select %lt3A_437, %add3A_440, %select_n3A_397 : vector<16xi1>, vector<16xi32>
      %select_n3A_442 = arith.select %lt3A_437, %select_n3A_398, %shift_right_logical3A_435 : vector<16xi1>, vector<16xi32>
      %add3A_443 = arith.addi %select_n3A_408, %select_n3A_409 : vector<16xi32>
      %shift_right_logical3A_444 = arith.constant 1 : i32
      %shift_right_logical3A_445 = vector.broadcast %shift_right_logical3A_444 : i32 to vector<16xi32>
      %shift_right_logical3A_446 = arith.shrui %add3A_443, %shift_right_logical3A_445 : vector<16xi32>
      %gather3A_447 = tpu.vector_load_idx %arg9[%shift_right_logical3A_446] : memref<100016xf32, #tpu.memory_space<vmem>>[vector<16xi32>], vector<16xf32>,
      %lt3A_448 = arith.cmpf olt, %gather3A_447, %get3A_97 : vector<16xf32>
      %add3A_449 = arith.constant 1 : i32
      %add3A_450 = vector.broadcast %add3A_449 : i32 to vector<16xi32>
      %add3A_451 = arith.addi %shift_right_logical3A_446, %add3A_450 : vector<16xi32>
      %select_n3A_452 = arith.select %lt3A_448, %add3A_451, %select_n3A_408 : vector<16xi1>, vector<16xi32>
      %select_n3A_453 = arith.select %lt3A_448, %select_n3A_409, %shift_right_logical3A_446 : vector<16xi1>, vector<16xi32>
      %add3A_454 = arith.addi %select_n3A_419, %select_n3A_420 : vector<16xi32>
      %shift_right_logical3A_455 = arith.constant 1 : i32
      %shift_right_logical3A_456 = vector.broadcast %shift_right_logical3A_455 : i32 to vector<16xi32>
      %shift_right_logical3A_457 = arith.shrui %add3A_454, %shift_right_logical3A_456 : vector<16xi32>
      %gather3A_458 = tpu.vector_load_idx %arg9[%shift_right_logical3A_457] : memref<100016xf32, #tpu.memory_space<vmem>>[vector<16xi32>], vector<16xf32>,
      %lt3A_459 = arith.cmpf olt, %gather3A_458, %get3A_101 : vector<16xf32>
      %add3A_460 = arith.constant 1 : i32
      %add3A_461 = vector.broadcast %add3A_460 : i32 to vector<16xi32>
      %add3A_462 = arith.addi %shift_right_logical3A_457, %add3A_461 : vector<16xi32>
      %select_n3A_463 = arith.select %lt3A_459, %add3A_462, %select_n3A_419 : vector<16xi1>, vector<16xi32>
      %select_n3A_464 = arith.select %lt3A_459, %select_n3A_420, %shift_right_logical3A_457 : vector<16xi1>, vector<16xi32>
      %add3A_465 = arith.addi %select_n3A_430, %select_n3A_431 : vector<16xi32>
      %shift_right_logical3A_466 = arith.constant 1 : i32
      %shift_right_logical3A_467 = vector.broadcast %shift_right_logical3A_466 : i32 to vector<16xi32>
      %shift_right_logical3A_468 = arith.shrui %add3A_465, %shift_right_logical3A_467 : vector<16xi32>
      %gather3A_469 = tpu.vector_load_idx %arg9[%shift_right_logical3A_468] : memref<100016xf32, #tpu.memory_space<vmem>>[vector<16xi32>], vector<16xf32>,
      %lt3A_470 = arith.cmpf olt, %gather3A_469, %get3A_89 : vector<16xf32>
      %add3A_471 = arith.constant 1 : i32
      %add3A_472 = vector.broadcast %add3A_471 : i32 to vector<16xi32>
      %add3A_473 = arith.addi %shift_right_logical3A_468, %add3A_472 : vector<16xi32>
      %select_n3A_474 = arith.select %lt3A_470, %add3A_473, %select_n3A_430 : vector<16xi1>, vector<16xi32>
      %select_n3A_475 = arith.select %lt3A_470, %select_n3A_431, %shift_right_logical3A_468 : vector<16xi1>, vector<16xi32>
      %add3A_476 = arith.addi %select_n3A_441, %select_n3A_442 : vector<16xi32>
      %shift_right_logical3A_477 = arith.constant 1 : i32
      %shift_right_logical3A_478 = vector.broadcast %shift_right_logical3A_477 : i32 to vector<16xi32>
      %shift_right_logical3A_479 = arith.shrui %add3A_476, %shift_right_logical3A_478 : vector<16xi32>
      %gather3A_480 = tpu.vector_load_idx %arg9[%shift_right_logical3A_479] : memref<100016xf32, #tpu.memory_space<vmem>>[vector<16xi32>], vector<16xf32>,
      %lt3A_481 = arith.cmpf olt, %gather3A_480, %get3A_93 : vector<16xf32>
      %add3A_482 = arith.constant 1 : i32
      %add3A_483 = vector.broadcast %add3A_482 : i32 to vector<16xi32>
      %add3A_484 = arith.addi %shift_right_logical3A_479, %add3A_483 : vector<16xi32>
      %select_n3A_485 = arith.select %lt3A_481, %add3A_484, %select_n3A_441 : vector<16xi1>, vector<16xi32>
      %select_n3A_486 = arith.select %lt3A_481, %select_n3A_442, %shift_right_logical3A_479 : vector<16xi1>, vector<16xi32>
      %add3A_487 = arith.addi %select_n3A_452, %select_n3A_453 : vector<16xi32>
      %shift_right_logical3A_488 = arith.constant 1 : i32
      %shift_right_logical3A_489 = vector.broadcast %shift_right_logical3A_488 : i32 to vector<16xi32>
      %shift_right_logical3A_490 = arith.shrui %add3A_487, %shift_right_logical3A_489 : vector<16xi32>
      %gather3A_491 = tpu.vector_load_idx %arg9[%shift_right_logical3A_490] : memref<100016xf32, #tpu.memory_space<vmem>>[vector<16xi32>], vector<16xf32>,
      %lt3A_492 = arith.cmpf olt, %gather3A_491, %get3A_97 : vector<16xf32>
      %add3A_493 = arith.constant 1 : i32
      %add3A_494 = vector.broadcast %add3A_493 : i32 to vector<16xi32>
      %add3A_495 = arith.addi %shift_right_logical3A_490, %add3A_494 : vector<16xi32>
      %select_n3A_496 = arith.select %lt3A_492, %add3A_495, %select_n3A_452 : vector<16xi1>, vector<16xi32>
      %select_n3A_497 = arith.select %lt3A_492, %select_n3A_453, %shift_right_logical3A_490 : vector<16xi1>, vector<16xi32>
      %add3A_498 = arith.addi %select_n3A_463, %select_n3A_464 : vector<16xi32>
      %shift_right_logical3A_499 = arith.constant 1 : i32
      %shift_right_logical3A_500 = vector.broadcast %shift_right_logical3A_499 : i32 to vector<16xi32>
      %shift_right_logical3A_501 = arith.shrui %add3A_498, %shift_right_logical3A_500 : vector<16xi32>
      %gather3A_502 = tpu.vector_load_idx %arg9[%shift_right_logical3A_501] : memref<100016xf32, #tpu.memory_space<vmem>>[vector<16xi32>], vector<16xf32>,
      %lt3A_503 = arith.cmpf olt, %gather3A_502, %get3A_101 : vector<16xf32>
      %add3A_504 = arith.constant 1 : i32
      %add3A_505 = vector.broadcast %add3A_504 : i32 to vector<16xi32>
      %add3A_506 = arith.addi %shift_right_logical3A_501, %add3A_505 : vector<16xi32>
      %select_n3A_507 = arith.select %lt3A_503, %add3A_506, %select_n3A_463 : vector<16xi1>, vector<16xi32>
      %select_n3A_508 = arith.select %lt3A_503, %select_n3A_464, %shift_right_logical3A_501 : vector<16xi1>, vector<16xi32>
      %add3A_509 = arith.addi %select_n3A_474, %select_n3A_475 : vector<16xi32>
      %shift_right_logical3A_510 = arith.constant 1 : i32
      %shift_right_logical3A_511 = vector.broadcast %shift_right_logical3A_510 : i32 to vector<16xi32>
      %shift_right_logical3A_512 = arith.shrui %add3A_509, %shift_right_logical3A_511 : vector<16xi32>
      %gather3A_513 = tpu.vector_load_idx %arg9[%shift_right_logical3A_512] : memref<100016xf32, #tpu.memory_space<vmem>>[vector<16xi32>], vector<16xf32>,
      %lt3A_514 = arith.cmpf olt, %gather3A_513, %get3A_89 : vector<16xf32>
      %add3A_515 = arith.constant 1 : i32
      %add3A_516 = vector.broadcast %add3A_515 : i32 to vector<16xi32>
      %add3A_517 = arith.addi %shift_right_logical3A_512, %add3A_516 : vector<16xi32>
      %select_n3A_518 = arith.select %lt3A_514, %add3A_517, %select_n3A_474 : vector<16xi1>, vector<16xi32>
      %select_n3A_519 = arith.select %lt3A_514, %select_n3A_475, %shift_right_logical3A_512 : vector<16xi1>, vector<16xi32>
      %add3A_520 = arith.addi %select_n3A_485, %select_n3A_486 : vector<16xi32>
      %shift_right_logical3A_521 = arith.constant 1 : i32
      %shift_right_logical3A_522 = vector.broadcast %shift_right_logical3A_521 : i32 to vector<16xi32>
      %shift_right_logical3A_523 = arith.shrui %add3A_520, %shift_right_logical3A_522 : vector<16xi32>
      %gather3A_524 = tpu.vector_load_idx %arg9[%shift_right_logical3A_523] : memref<100016xf32, #tpu.memory_space<vmem>>[vector<16xi32>], vector<16xf32>,
      %lt3A_525 = arith.cmpf olt, %gather3A_524, %get3A_93 : vector<16xf32>
      %add3A_526 = arith.constant 1 : i32
      %add3A_527 = vector.broadcast %add3A_526 : i32 to vector<16xi32>
      %add3A_528 = arith.addi %shift_right_logical3A_523, %add3A_527 : vector<16xi32>
      %select_n3A_529 = arith.select %lt3A_525, %add3A_528, %select_n3A_485 : vector<16xi1>, vector<16xi32>
      %select_n3A_530 = arith.select %lt3A_525, %select_n3A_486, %shift_right_logical3A_523 : vector<16xi1>, vector<16xi32>
      %add3A_531 = arith.addi %select_n3A_496, %select_n3A_497 : vector<16xi32>
      %shift_right_logical3A_532 = arith.constant 1 : i32
      %shift_right_logical3A_533 = vector.broadcast %shift_right_logical3A_532 : i32 to vector<16xi32>
      %shift_right_logical3A_534 = arith.shrui %add3A_531, %shift_right_logical3A_533 : vector<16xi32>
      %gather3A_535 = tpu.vector_load_idx %arg9[%shift_right_logical3A_534] : memref<100016xf32, #tpu.memory_space<vmem>>[vector<16xi32>], vector<16xf32>,
      %lt3A_536 = arith.cmpf olt, %gather3A_535, %get3A_97 : vector<16xf32>
      %add3A_537 = arith.constant 1 : i32
      %add3A_538 = vector.broadcast %add3A_537 : i32 to vector<16xi32>
      %add3A_539 = arith.addi %shift_right_logical3A_534, %add3A_538 : vector<16xi32>
      %select_n3A_540 = arith.select %lt3A_536, %add3A_539, %select_n3A_496 : vector<16xi1>, vector<16xi32>
      %select_n3A_541 = arith.select %lt3A_536, %select_n3A_497, %shift_right_logical3A_534 : vector<16xi1>, vector<16xi32>
      %add3A_542 = arith.addi %select_n3A_507, %select_n3A_508 : vector<16xi32>
      %shift_right_logical3A_543 = arith.constant 1 : i32
      %shift_right_logical3A_544 = vector.broadcast %shift_right_logical3A_543 : i32 to vector<16xi32>
      %shift_right_logical3A_545 = arith.shrui %add3A_542, %shift_right_logical3A_544 : vector<16xi32>
      %gather3A_546 = tpu.vector_load_idx %arg9[%shift_right_logical3A_545] : memref<100016xf32, #tpu.memory_space<vmem>>[vector<16xi32>], vector<16xf32>,
      %lt3A_547 = arith.cmpf olt, %gather3A_546, %get3A_101 : vector<16xf32>
      %add3A_548 = arith.constant 1 : i32
      %add3A_549 = vector.broadcast %add3A_548 : i32 to vector<16xi32>
      %add3A_550 = arith.addi %shift_right_logical3A_545, %add3A_549 : vector<16xi32>
      %select_n3A_551 = arith.select %lt3A_547, %add3A_550, %select_n3A_507 : vector<16xi1>, vector<16xi32>
      %select_n3A_552 = arith.select %lt3A_547, %select_n3A_508, %shift_right_logical3A_545 : vector<16xi1>, vector<16xi32>
      %add3A_553 = arith.addi %select_n3A_518, %select_n3A_519 : vector<16xi32>
      %shift_right_logical3A_554 = arith.constant 1 : i32
      %shift_right_logical3A_555 = vector.broadcast %shift_right_logical3A_554 : i32 to vector<16xi32>
      %shift_right_logical3A_556 = arith.shrui %add3A_553, %shift_right_logical3A_555 : vector<16xi32>
      %gather3A_557 = tpu.vector_load_idx %arg9[%shift_right_logical3A_556] : memref<100016xf32, #tpu.memory_space<vmem>>[vector<16xi32>], vector<16xf32>,
      %lt3A_558 = arith.cmpf olt, %gather3A_557, %get3A_89 : vector<16xf32>
      %add3A_559 = arith.constant 1 : i32
      %add3A_560 = vector.broadcast %add3A_559 : i32 to vector<16xi32>
      %add3A_561 = arith.addi %shift_right_logical3A_556, %add3A_560 : vector<16xi32>
      %select_n3A_562 = arith.select %lt3A_558, %add3A_561, %select_n3A_518 : vector<16xi1>, vector<16xi32>
      %select_n3A_563 = arith.select %lt3A_558, %select_n3A_519, %shift_right_logical3A_556 : vector<16xi1>, vector<16xi32>
      %add3A_564 = arith.addi %select_n3A_529, %select_n3A_530 : vector<16xi32>
      %shift_right_logical3A_565 = arith.constant 1 : i32
      %shift_right_logical3A_566 = vector.broadcast %shift_right_logical3A_565 : i32 to vector<16xi32>
      %shift_right_logical3A_567 = arith.shrui %add3A_564, %shift_right_logical3A_566 : vector<16xi32>
      %gather3A_568 = tpu.vector_load_idx %arg9[%shift_right_logical3A_567] : memref<100016xf32, #tpu.memory_space<vmem>>[vector<16xi32>], vector<16xf32>,
      %lt3A_569 = arith.cmpf olt, %gather3A_568, %get3A_93 : vector<16xf32>
      %add3A_570 = arith.constant 1 : i32
      %add3A_571 = vector.broadcast %add3A_570 : i32 to vector<16xi32>
      %add3A_572 = arith.addi %shift_right_logical3A_567, %add3A_571 : vector<16xi32>
      %select_n3A_573 = arith.select %lt3A_569, %add3A_572, %select_n3A_529 : vector<16xi1>, vector<16xi32>
      %select_n3A_574 = arith.select %lt3A_569, %select_n3A_530, %shift_right_logical3A_567 : vector<16xi1>, vector<16xi32>
      %add3A_575 = arith.addi %select_n3A_540, %select_n3A_541 : vector<16xi32>
      %shift_right_logical3A_576 = arith.constant 1 : i32
      %shift_right_logical3A_577 = vector.broadcast %shift_right_logical3A_576 : i32 to vector<16xi32>
      %shift_right_logical3A_578 = arith.shrui %add3A_575, %shift_right_logical3A_577 : vector<16xi32>
      %gather3A_579 = tpu.vector_load_idx %arg9[%shift_right_logical3A_578] : memref<100016xf32, #tpu.memory_space<vmem>>[vector<16xi32>], vector<16xf32>,
      %lt3A_580 = arith.cmpf olt, %gather3A_579, %get3A_97 : vector<16xf32>
      %add3A_581 = arith.constant 1 : i32
      %add3A_582 = vector.broadcast %add3A_581 : i32 to vector<16xi32>
      %add3A_583 = arith.addi %shift_right_logical3A_578, %add3A_582 : vector<16xi32>
      %select_n3A_584 = arith.select %lt3A_580, %add3A_583, %select_n3A_540 : vector<16xi1>, vector<16xi32>
      %select_n3A_585 = arith.select %lt3A_580, %select_n3A_541, %shift_right_logical3A_578 : vector<16xi1>, vector<16xi32>
      %add3A_586 = arith.addi %select_n3A_551, %select_n3A_552 : vector<16xi32>
      %shift_right_logical3A_587 = arith.constant 1 : i32
      %shift_right_logical3A_588 = vector.broadcast %shift_right_logical3A_587 : i32 to vector<16xi32>
      %shift_right_logical3A_589 = arith.shrui %add3A_586, %shift_right_logical3A_588 : vector<16xi32>
      %gather3A_590 = tpu.vector_load_idx %arg9[%shift_right_logical3A_589] : memref<100016xf32, #tpu.memory_space<vmem>>[vector<16xi32>], vector<16xf32>,
      %lt3A_591 = arith.cmpf olt, %gather3A_590, %get3A_101 : vector<16xf32>
      %add3A_592 = arith.constant 1 : i32
      %add3A_593 = vector.broadcast %add3A_592 : i32 to vector<16xi32>
      %add3A_594 = arith.addi %shift_right_logical3A_589, %add3A_593 : vector<16xi32>
      %select_n3A_595 = arith.select %lt3A_591, %add3A_594, %select_n3A_551 : vector<16xi1>, vector<16xi32>
      %select_n3A_596 = arith.select %lt3A_591, %select_n3A_552, %shift_right_logical3A_589 : vector<16xi1>, vector<16xi32>
      %add3A_597 = arith.addi %select_n3A_562, %select_n3A_563 : vector<16xi32>
      %shift_right_logical3A_598 = arith.constant 1 : i32
      %shift_right_logical3A_599 = vector.broadcast %shift_right_logical3A_598 : i32 to vector<16xi32>
      %shift_right_logical3A_600 = arith.shrui %add3A_597, %shift_right_logical3A_599 : vector<16xi32>
      %gather3A_601 = tpu.vector_load_idx %arg9[%shift_right_logical3A_600] : memref<100016xf32, #tpu.memory_space<vmem>>[vector<16xi32>], vector<16xf32>,
      %lt3A_602 = arith.cmpf olt, %gather3A_601, %get3A_89 : vector<16xf32>
      %add3A_603 = arith.constant 1 : i32
      %add3A_604 = vector.broadcast %add3A_603 : i32 to vector<16xi32>
      %add3A_605 = arith.addi %shift_right_logical3A_600, %add3A_604 : vector<16xi32>
      %select_n3A_606 = arith.select %lt3A_602, %add3A_605, %select_n3A_562 : vector<16xi1>, vector<16xi32>
      %select_n3A_607 = arith.select %lt3A_602, %select_n3A_563, %shift_right_logical3A_600 : vector<16xi1>, vector<16xi32>
      %add3A_608 = arith.addi %select_n3A_573, %select_n3A_574 : vector<16xi32>
      %shift_right_logical3A_609 = arith.constant 1 : i32
      %shift_right_logical3A_610 = vector.broadcast %shift_right_logical3A_609 : i32 to vector<16xi32>
      %shift_right_logical3A_611 = arith.shrui %add3A_608, %shift_right_logical3A_610 : vector<16xi32>
      %gather3A_612 = tpu.vector_load_idx %arg9[%shift_right_logical3A_611] : memref<100016xf32, #tpu.memory_space<vmem>>[vector<16xi32>], vector<16xf32>,
      %lt3A_613 = arith.cmpf olt, %gather3A_612, %get3A_93 : vector<16xf32>
      %add3A_614 = arith.constant 1 : i32
      %add3A_615 = vector.broadcast %add3A_614 : i32 to vector<16xi32>
      %add3A_616 = arith.addi %shift_right_logical3A_611, %add3A_615 : vector<16xi32>
      %select_n3A_617 = arith.select %lt3A_613, %add3A_616, %select_n3A_573 : vector<16xi1>, vector<16xi32>
      %select_n3A_618 = arith.select %lt3A_613, %select_n3A_574, %shift_right_logical3A_611 : vector<16xi1>, vector<16xi32>
      %add3A_619 = arith.addi %select_n3A_584, %select_n3A_585 : vector<16xi32>
      %shift_right_logical3A_620 = arith.constant 1 : i32
      %shift_right_logical3A_621 = vector.broadcast %shift_right_logical3A_620 : i32 to vector<16xi32>
      %shift_right_logical3A_622 = arith.shrui %add3A_619, %shift_right_logical3A_621 : vector<16xi32>
      %gather3A_623 = tpu.vector_load_idx %arg9[%shift_right_logical3A_622] : memref<100016xf32, #tpu.memory_space<vmem>>[vector<16xi32>], vector<16xf32>,
      %lt3A_624 = arith.cmpf olt, %gather3A_623, %get3A_97 : vector<16xf32>
      %add3A_625 = arith.constant 1 : i32
      %add3A_626 = vector.broadcast %add3A_625 : i32 to vector<16xi32>
      %add3A_627 = arith.addi %shift_right_logical3A_622, %add3A_626 : vector<16xi32>
      %select_n3A_628 = arith.select %lt3A_624, %add3A_627, %select_n3A_584 : vector<16xi1>, vector<16xi32>
      %select_n3A_629 = arith.select %lt3A_624, %select_n3A_585, %shift_right_logical3A_622 : vector<16xi1>, vector<16xi32>
      %add3A_630 = arith.addi %select_n3A_595, %select_n3A_596 : vector<16xi32>
      %shift_right_logical3A_631 = arith.constant 1 : i32
      %shift_right_logical3A_632 = vector.broadcast %shift_right_logical3A_631 : i32 to vector<16xi32>
      %shift_right_logical3A_633 = arith.shrui %add3A_630, %shift_right_logical3A_632 : vector<16xi32>
      %gather3A_634 = tpu.vector_load_idx %arg9[%shift_right_logical3A_633] : memref<100016xf32, #tpu.memory_space<vmem>>[vector<16xi32>], vector<16xf32>,
      %lt3A_635 = arith.cmpf olt, %gather3A_634, %get3A_101 : vector<16xf32>
      %add3A_636 = arith.constant 1 : i32
      %add3A_637 = vector.broadcast %add3A_636 : i32 to vector<16xi32>
      %add3A_638 = arith.addi %shift_right_logical3A_633, %add3A_637 : vector<16xi32>
      %select_n3A_639 = arith.select %lt3A_635, %add3A_638, %select_n3A_595 : vector<16xi1>, vector<16xi32>
      %select_n3A_640 = arith.select %lt3A_635, %select_n3A_596, %shift_right_logical3A_633 : vector<16xi1>, vector<16xi32>
      %add3A_641 = arith.addi %select_n3A_606, %select_n3A_607 : vector<16xi32>
      %shift_right_logical3A_642 = arith.constant 1 : i32
      %shift_right_logical3A_643 = vector.broadcast %shift_right_logical3A_642 : i32 to vector<16xi32>
      %shift_right_logical3A_644 = arith.shrui %add3A_641, %shift_right_logical3A_643 : vector<16xi32>
      %gather3A_645 = tpu.vector_load_idx %arg9[%shift_right_logical3A_644] : memref<100016xf32, #tpu.memory_space<vmem>>[vector<16xi32>], vector<16xf32>,
      %lt3A_646 = arith.cmpf olt, %gather3A_645, %get3A_89 : vector<16xf32>
      %add3A_647 = arith.constant 1 : i32
      %add3A_648 = vector.broadcast %add3A_647 : i32 to vector<16xi32>
      %add3A_649 = arith.addi %shift_right_logical3A_644, %add3A_648 : vector<16xi32>
      %select_n3A_650 = arith.select %lt3A_646, %add3A_649, %select_n3A_606 : vector<16xi1>, vector<16xi32>
      %select_n3A_651 = arith.select %lt3A_646, %select_n3A_607, %shift_right_logical3A_644 : vector<16xi1>, vector<16xi32>
      %add3A_652 = arith.addi %select_n3A_617, %select_n3A_618 : vector<16xi32>
      %shift_right_logical3A_653 = arith.constant 1 : i32
      %shift_right_logical3A_654 = vector.broadcast %shift_right_logical3A_653 : i32 to vector<16xi32>
      %shift_right_logical3A_655 = arith.shrui %add3A_652, %shift_right_logical3A_654 : vector<16xi32>
      %gather3A_656 = tpu.vector_load_idx %arg9[%shift_right_logical3A_655] : memref<100016xf32, #tpu.memory_space<vmem>>[vector<16xi32>], vector<16xf32>,
      %lt3A_657 = arith.cmpf olt, %gather3A_656, %get3A_93 : vector<16xf32>
      %add3A_658 = arith.constant 1 : i32
      %add3A_659 = vector.broadcast %add3A_658 : i32 to vector<16xi32>
      %add3A_660 = arith.addi %shift_right_logical3A_655, %add3A_659 : vector<16xi32>
      %select_n3A_661 = arith.select %lt3A_657, %add3A_660, %select_n3A_617 : vector<16xi1>, vector<16xi32>
      %select_n3A_662 = arith.select %lt3A_657, %select_n3A_618, %shift_right_logical3A_655 : vector<16xi1>, vector<16xi32>
      %add3A_663 = arith.addi %select_n3A_628, %select_n3A_629 : vector<16xi32>
      %shift_right_logical3A_664 = arith.constant 1 : i32
      %shift_right_logical3A_665 = vector.broadcast %shift_right_logical3A_664 : i32 to vector<16xi32>
      %shift_right_logical3A_666 = arith.shrui %add3A_663, %shift_right_logical3A_665 : vector<16xi32>
      %gather3A_667 = tpu.vector_load_idx %arg9[%shift_right_logical3A_666] : memref<100016xf32, #tpu.memory_space<vmem>>[vector<16xi32>], vector<16xf32>,
      %lt3A_668 = arith.cmpf olt, %gather3A_667, %get3A_97 : vector<16xf32>
      %add3A_669 = arith.constant 1 : i32
      %add3A_670 = vector.broadcast %add3A_669 : i32 to vector<16xi32>
      %add3A_671 = arith.addi %shift_right_logical3A_666, %add3A_670 : vector<16xi32>
      %select_n3A_672 = arith.select %lt3A_668, %add3A_671, %select_n3A_628 : vector<16xi1>, vector<16xi32>
      %select_n3A_673 = arith.select %lt3A_668, %select_n3A_629, %shift_right_logical3A_666 : vector<16xi1>, vector<16xi32>
      %add3A_674 = arith.addi %select_n3A_639, %select_n3A_640 : vector<16xi32>
      %shift_right_logical3A_675 = arith.constant 1 : i32
      %shift_right_logical3A_676 = vector.broadcast %shift_right_logical3A_675 : i32 to vector<16xi32>
      %shift_right_logical3A_677 = arith.shrui %add3A_674, %shift_right_logical3A_676 : vector<16xi32>
      %gather3A_678 = tpu.vector_load_idx %arg9[%shift_right_logical3A_677] : memref<100016xf32, #tpu.memory_space<vmem>>[vector<16xi32>], vector<16xf32>,
      %lt3A_679 = arith.cmpf olt, %gather3A_678, %get3A_101 : vector<16xf32>
      %add3A_680 = arith.constant 1 : i32
      %add3A_681 = vector.broadcast %add3A_680 : i32 to vector<16xi32>
      %add3A_682 = arith.addi %shift_right_logical3A_677, %add3A_681 : vector<16xi32>
      %select_n3A_683 = arith.select %lt3A_679, %add3A_682, %select_n3A_639 : vector<16xi1>, vector<16xi32>
      %select_n3A_684 = arith.select %lt3A_679, %select_n3A_640, %shift_right_logical3A_677 : vector<16xi1>, vector<16xi32>
      %add3A_685 = arith.addi %select_n3A_650, %select_n3A_651 : vector<16xi32>
      %shift_right_logical3A_686 = arith.constant 1 : i32
      %shift_right_logical3A_687 = vector.broadcast %shift_right_logical3A_686 : i32 to vector<16xi32>
      %shift_right_logical3A_688 = arith.shrui %add3A_685, %shift_right_logical3A_687 : vector<16xi32>
      %gather3A_689 = tpu.vector_load_idx %arg9[%shift_right_logical3A_688] : memref<100016xf32, #tpu.memory_space<vmem>>[vector<16xi32>], vector<16xf32>,
      %lt3A_690 = arith.cmpf olt, %gather3A_689, %get3A_89 : vector<16xf32>
      %add3A_691 = arith.constant 1 : i32
      %add3A_692 = vector.broadcast %add3A_691 : i32 to vector<16xi32>
      %add3A_693 = arith.addi %shift_right_logical3A_688, %add3A_692 : vector<16xi32>
      %select_n3A_694 = arith.select %lt3A_690, %add3A_693, %select_n3A_650 : vector<16xi1>, vector<16xi32>
      %select_n3A_695 = arith.select %lt3A_690, %select_n3A_651, %shift_right_logical3A_688 : vector<16xi1>, vector<16xi32>
      %add3A_696 = arith.addi %select_n3A_661, %select_n3A_662 : vector<16xi32>
      %shift_right_logical3A_697 = arith.constant 1 : i32
      %shift_right_logical3A_698 = vector.broadcast %shift_right_logical3A_697 : i32 to vector<16xi32>
      %shift_right_logical3A_699 = arith.shrui %add3A_696, %shift_right_logical3A_698 : vector<16xi32>
      %gather3A_700 = tpu.vector_load_idx %arg9[%shift_right_logical3A_699] : memref<100016xf32, #tpu.memory_space<vmem>>[vector<16xi32>], vector<16xf32>,
      %lt3A_701 = arith.cmpf olt, %gather3A_700, %get3A_93 : vector<16xf32>
      %add3A_702 = arith.constant 1 : i32
      %add3A_703 = vector.broadcast %add3A_702 : i32 to vector<16xi32>
      %add3A_704 = arith.addi %shift_right_logical3A_699, %add3A_703 : vector<16xi32>
      %select_n3A_705 = arith.select %lt3A_701, %add3A_704, %select_n3A_661 : vector<16xi1>, vector<16xi32>
      %select_n3A_706 = arith.select %lt3A_701, %select_n3A_662, %shift_right_logical3A_699 : vector<16xi1>, vector<16xi32>
      %add3A_707 = arith.addi %select_n3A_672, %select_n3A_673 : vector<16xi32>
      %shift_right_logical3A_708 = arith.constant 1 : i32
      %shift_right_logical3A_709 = vector.broadcast %shift_right_logical3A_708 : i32 to vector<16xi32>
      %shift_right_logical3A_710 = arith.shrui %add3A_707, %shift_right_logical3A_709 : vector<16xi32>
      %gather3A_711 = tpu.vector_load_idx %arg9[%shift_right_logical3A_710] : memref<100016xf32, #tpu.memory_space<vmem>>[vector<16xi32>], vector<16xf32>,
      %lt3A_712 = arith.cmpf olt, %gather3A_711, %get3A_97 : vector<16xf32>
      %add3A_713 = arith.constant 1 : i32
      %add3A_714 = vector.broadcast %add3A_713 : i32 to vector<16xi32>
      %add3A_715 = arith.addi %shift_right_logical3A_710, %add3A_714 : vector<16xi32>
      %select_n3A_716 = arith.select %lt3A_712, %add3A_715, %select_n3A_672 : vector<16xi1>, vector<16xi32>
      %select_n3A_717 = arith.select %lt3A_712, %select_n3A_673, %shift_right_logical3A_710 : vector<16xi1>, vector<16xi32>
      %add3A_718 = arith.addi %select_n3A_683, %select_n3A_684 : vector<16xi32>
      %shift_right_logical3A_719 = arith.constant 1 : i32
      %shift_right_logical3A_720 = vector.broadcast %shift_right_logical3A_719 : i32 to vector<16xi32>
      %shift_right_logical3A_721 = arith.shrui %add3A_718, %shift_right_logical3A_720 : vector<16xi32>
      %gather3A_722 = tpu.vector_load_idx %arg9[%shift_right_logical3A_721] : memref<100016xf32, #tpu.memory_space<vmem>>[vector<16xi32>], vector<16xf32>,
      %lt3A_723 = arith.cmpf olt, %gather3A_722, %get3A_101 : vector<16xf32>
      %add3A_724 = arith.constant 1 : i32
      %add3A_725 = vector.broadcast %add3A_724 : i32 to vector<16xi32>
      %add3A_726 = arith.addi %shift_right_logical3A_721, %add3A_725 : vector<16xi32>
      %select_n3A_727 = arith.select %lt3A_723, %add3A_726, %select_n3A_683 : vector<16xi1>, vector<16xi32>
      %select_n3A_728 = arith.select %lt3A_723, %select_n3A_684, %shift_right_logical3A_721 : vector<16xi1>, vector<16xi32>
      %add3A_729 = arith.addi %select_n3A_694, %select_n3A_695 : vector<16xi32>
      %shift_right_logical3A_730 = arith.constant 1 : i32
      %shift_right_logical3A_731 = vector.broadcast %shift_right_logical3A_730 : i32 to vector<16xi32>
      %shift_right_logical3A_732 = arith.shrui %add3A_729, %shift_right_logical3A_731 : vector<16xi32>
      %gather3A_733 = tpu.vector_load_idx %arg9[%shift_right_logical3A_732] : memref<100016xf32, #tpu.memory_space<vmem>>[vector<16xi32>], vector<16xf32>,
      %lt3A_734 = arith.cmpf olt, %gather3A_733, %get3A_89 : vector<16xf32>
      %add3A_735 = arith.constant 1 : i32
      %add3A_736 = vector.broadcast %add3A_735 : i32 to vector<16xi32>
      %add3A_737 = arith.addi %shift_right_logical3A_732, %add3A_736 : vector<16xi32>
      %select_n3A_738 = arith.select %lt3A_734, %add3A_737, %select_n3A_694 : vector<16xi1>, vector<16xi32>
      %select_n3A_739 = arith.select %lt3A_734, %select_n3A_695, %shift_right_logical3A_732 : vector<16xi1>, vector<16xi32>
      %add3A_740 = arith.addi %select_n3A_705, %select_n3A_706 : vector<16xi32>
      %shift_right_logical3A_741 = arith.constant 1 : i32
      %shift_right_logical3A_742 = vector.broadcast %shift_right_logical3A_741 : i32 to vector<16xi32>
      %shift_right_logical3A_743 = arith.shrui %add3A_740, %shift_right_logical3A_742 : vector<16xi32>
      %gather3A_744 = tpu.vector_load_idx %arg9[%shift_right_logical3A_743] : memref<100016xf32, #tpu.memory_space<vmem>>[vector<16xi32>], vector<16xf32>,
      %lt3A_745 = arith.cmpf olt, %gather3A_744, %get3A_93 : vector<16xf32>
      %add3A_746 = arith.constant 1 : i32
      %add3A_747 = vector.broadcast %add3A_746 : i32 to vector<16xi32>
      %add3A_748 = arith.addi %shift_right_logical3A_743, %add3A_747 : vector<16xi32>
      %select_n3A_749 = arith.select %lt3A_745, %add3A_748, %select_n3A_705 : vector<16xi1>, vector<16xi32>
      %select_n3A_750 = arith.select %lt3A_745, %select_n3A_706, %shift_right_logical3A_743 : vector<16xi1>, vector<16xi32>
      %add3A_751 = arith.addi %select_n3A_716, %select_n3A_717 : vector<16xi32>
      %shift_right_logical3A_752 = arith.constant 1 : i32
      %shift_right_logical3A_753 = vector.broadcast %shift_right_logical3A_752 : i32 to vector<16xi32>
      %shift_right_logical3A_754 = arith.shrui %add3A_751, %shift_right_logical3A_753 : vector<16xi32>
      %gather3A_755 = tpu.vector_load_idx %arg9[%shift_right_logical3A_754] : memref<100016xf32, #tpu.memory_space<vmem>>[vector<16xi32>], vector<16xf32>,
      %lt3A_756 = arith.cmpf olt, %gather3A_755, %get3A_97 : vector<16xf32>
      %add3A_757 = arith.constant 1 : i32
      %add3A_758 = vector.broadcast %add3A_757 : i32 to vector<16xi32>
      %add3A_759 = arith.addi %shift_right_logical3A_754, %add3A_758 : vector<16xi32>
      %select_n3A_760 = arith.select %lt3A_756, %add3A_759, %select_n3A_716 : vector<16xi1>, vector<16xi32>
      %select_n3A_761 = arith.select %lt3A_756, %select_n3A_717, %shift_right_logical3A_754 : vector<16xi1>, vector<16xi32>
      %add3A_762 = arith.addi %select_n3A_727, %select_n3A_728 : vector<16xi32>
      %shift_right_logical3A_763 = arith.constant 1 : i32
      %shift_right_logical3A_764 = vector.broadcast %shift_right_logical3A_763 : i32 to vector<16xi32>
      %shift_right_logical3A_765 = arith.shrui %add3A_762, %shift_right_logical3A_764 : vector<16xi32>
      %gather3A_766 = tpu.vector_load_idx %arg9[%shift_right_logical3A_765] : memref<100016xf32, #tpu.memory_space<vmem>>[vector<16xi32>], vector<16xf32>,
      %lt3A_767 = arith.cmpf olt, %gather3A_766, %get3A_101 : vector<16xf32>
      %add3A_768 = arith.constant 1 : i32
      %add3A_769 = vector.broadcast %add3A_768 : i32 to vector<16xi32>
      %add3A_770 = arith.addi %shift_right_logical3A_765, %add3A_769 : vector<16xi32>
      %select_n3A_771 = arith.select %lt3A_767, %add3A_770, %select_n3A_727 : vector<16xi1>, vector<16xi32>
      %select_n3A_772 = arith.select %lt3A_767, %select_n3A_728, %shift_right_logical3A_765 : vector<16xi1>, vector<16xi32>
      %add3A_773 = arith.addi %select_n3A_738, %select_n3A_739 : vector<16xi32>
      %shift_right_logical3A_774 = arith.constant 1 : i32
      %shift_right_logical3A_775 = vector.broadcast %shift_right_logical3A_774 : i32 to vector<16xi32>
      %shift_right_logical3A_776 = arith.shrui %add3A_773, %shift_right_logical3A_775 : vector<16xi32>
      %gather3A_777 = tpu.vector_load_idx %arg9[%shift_right_logical3A_776] : memref<100016xf32, #tpu.memory_space<vmem>>[vector<16xi32>], vector<16xf32>,
      %lt3A_778 = arith.cmpf olt, %gather3A_777, %get3A_89 : vector<16xf32>
      %add3A_779 = arith.constant 1 : i32
      %add3A_780 = vector.broadcast %add3A_779 : i32 to vector<16xi32>
      %add3A_781 = arith.addi %shift_right_logical3A_776, %add3A_780 : vector<16xi32>
      %select_n3A_782 = arith.select %lt3A_778, %add3A_781, %select_n3A_738 : vector<16xi1>, vector<16xi32>
      %select_n3A_783 = arith.select %lt3A_778, %select_n3A_739, %shift_right_logical3A_776 : vector<16xi1>, vector<16xi32>
      %add3A_784 = arith.addi %select_n3A_749, %select_n3A_750 : vector<16xi32>
      %shift_right_logical3A_785 = arith.constant 1 : i32
      %shift_right_logical3A_786 = vector.broadcast %shift_right_logical3A_785 : i32 to vector<16xi32>
      %shift_right_logical3A_787 = arith.shrui %add3A_784, %shift_right_logical3A_786 : vector<16xi32>
      %gather3A_788 = tpu.vector_load_idx %arg9[%shift_right_logical3A_787] : memref<100016xf32, #tpu.memory_space<vmem>>[vector<16xi32>], vector<16xf32>,
      %lt3A_789 = arith.cmpf olt, %gather3A_788, %get3A_93 : vector<16xf32>
      %add3A_790 = arith.constant 1 : i32
      %add3A_791 = vector.broadcast %add3A_790 : i32 to vector<16xi32>
      %add3A_792 = arith.addi %shift_right_logical3A_787, %add3A_791 : vector<16xi32>
      %select_n3A_793 = arith.select %lt3A_789, %add3A_792, %select_n3A_749 : vector<16xi1>, vector<16xi32>
      %select_n3A_794 = arith.select %lt3A_789, %select_n3A_750, %shift_right_logical3A_787 : vector<16xi1>, vector<16xi32>
      %add3A_795 = arith.addi %select_n3A_760, %select_n3A_761 : vector<16xi32>
      %shift_right_logical3A_796 = arith.constant 1 : i32
      %shift_right_logical3A_797 = vector.broadcast %shift_right_logical3A_796 : i32 to vector<16xi32>
      %shift_right_logical3A_798 = arith.shrui %add3A_795, %shift_right_logical3A_797 : vector<16xi32>
      %gather3A_799 = tpu.vector_load_idx %arg9[%shift_right_logical3A_798] : memref<100016xf32, #tpu.memory_space<vmem>>[vector<16xi32>], vector<16xf32>,
      %lt3A_800 = arith.cmpf olt, %gather3A_799, %get3A_97 : vector<16xf32>
      %add3A_801 = arith.constant 1 : i32
      %add3A_802 = vector.broadcast %add3A_801 : i32 to vector<16xi32>
      %add3A_803 = arith.addi %shift_right_logical3A_798, %add3A_802 : vector<16xi32>
      %select_n3A_804 = arith.select %lt3A_800, %add3A_803, %select_n3A_760 : vector<16xi1>, vector<16xi32>
      %select_n3A_805 = arith.select %lt3A_800, %select_n3A_761, %shift_right_logical3A_798 : vector<16xi1>, vector<16xi32>
      %add3A_806 = arith.addi %select_n3A_771, %select_n3A_772 : vector<16xi32>
      %shift_right_logical3A_807 = arith.constant 1 : i32
      %shift_right_logical3A_808 = vector.broadcast %shift_right_logical3A_807 : i32 to vector<16xi32>
      %shift_right_logical3A_809 = arith.shrui %add3A_806, %shift_right_logical3A_808 : vector<16xi32>
      %gather3A_810 = tpu.vector_load_idx %arg9[%shift_right_logical3A_809] : memref<100016xf32, #tpu.memory_space<vmem>>[vector<16xi32>], vector<16xf32>,
      %lt3A_811 = arith.cmpf olt, %gather3A_810, %get3A_101 : vector<16xf32>
      %add3A_812 = arith.constant 1 : i32
      %add3A_813 = vector.broadcast %add3A_812 : i32 to vector<16xi32>
      %add3A_814 = arith.addi %shift_right_logical3A_809, %add3A_813 : vector<16xi32>
      %select_n3A_815 = arith.select %lt3A_811, %add3A_814, %select_n3A_771 : vector<16xi1>, vector<16xi32>
      %select_n3A_816 = arith.select %lt3A_811, %select_n3A_772, %shift_right_logical3A_809 : vector<16xi1>, vector<16xi32>
      %add3A_817 = arith.addi %select_n3A_782, %select_n3A_783 : vector<16xi32>
      %shift_right_logical3A_818 = arith.constant 1 : i32
      %shift_right_logical3A_819 = vector.broadcast %shift_right_logical3A_818 : i32 to vector<16xi32>
      %shift_right_logical3A_820 = arith.shrui %add3A_817, %shift_right_logical3A_819 : vector<16xi32>
      %gather3A_821 = tpu.vector_load_idx %arg9[%shift_right_logical3A_820] : memref<100016xf32, #tpu.memory_space<vmem>>[vector<16xi32>], vector<16xf32>,
      %lt3A_822 = arith.cmpf olt, %gather3A_821, %get3A_89 : vector<16xf32>
      %add3A_823 = arith.constant 1 : i32
      %add3A_824 = vector.broadcast %add3A_823 : i32 to vector<16xi32>
      %add3A_825 = arith.addi %shift_right_logical3A_820, %add3A_824 : vector<16xi32>
      %select_n3A_826 = arith.select %lt3A_822, %add3A_825, %select_n3A_782 : vector<16xi1>, vector<16xi32>
      %select_n3A_827 = arith.select %lt3A_822, %select_n3A_783, %shift_right_logical3A_820 : vector<16xi1>, vector<16xi32>
      %add3A_828 = arith.addi %select_n3A_793, %select_n3A_794 : vector<16xi32>
      %shift_right_logical3A_829 = arith.constant 1 : i32
      %shift_right_logical3A_830 = vector.broadcast %shift_right_logical3A_829 : i32 to vector<16xi32>
      %shift_right_logical3A_831 = arith.shrui %add3A_828, %shift_right_logical3A_830 : vector<16xi32>
      %gather3A_832 = tpu.vector_load_idx %arg9[%shift_right_logical3A_831] : memref<100016xf32, #tpu.memory_space<vmem>>[vector<16xi32>], vector<16xf32>,
      %lt3A_833 = arith.cmpf olt, %gather3A_832, %get3A_93 : vector<16xf32>
      %add3A_834 = arith.constant 1 : i32
      %add3A_835 = vector.broadcast %add3A_834 : i32 to vector<16xi32>
      %add3A_836 = arith.addi %shift_right_logical3A_831, %add3A_835 : vector<16xi32>
      %select_n3A_837 = arith.select %lt3A_833, %add3A_836, %select_n3A_793 : vector<16xi1>, vector<16xi32>
      %select_n3A_838 = arith.select %lt3A_833, %select_n3A_794, %shift_right_logical3A_831 : vector<16xi1>, vector<16xi32>
      %add3A_839 = arith.addi %select_n3A_804, %select_n3A_805 : vector<16xi32>
      %shift_right_logical3A_840 = arith.constant 1 : i32
      %shift_right_logical3A_841 = vector.broadcast %shift_right_logical3A_840 : i32 to vector<16xi32>
      %shift_right_logical3A_842 = arith.shrui %add3A_839, %shift_right_logical3A_841 : vector<16xi32>
      %gather3A_843 = tpu.vector_load_idx %arg9[%shift_right_logical3A_842] : memref<100016xf32, #tpu.memory_space<vmem>>[vector<16xi32>], vector<16xf32>,
      %lt3A_844 = arith.cmpf olt, %gather3A_843, %get3A_97 : vector<16xf32>
      %add3A_845 = arith.constant 1 : i32
      %add3A_846 = vector.broadcast %add3A_845 : i32 to vector<16xi32>
      %add3A_847 = arith.addi %shift_right_logical3A_842, %add3A_846 : vector<16xi32>
      %select_n3A_848 = arith.select %lt3A_844, %add3A_847, %select_n3A_804 : vector<16xi1>, vector<16xi32>
      %select_n3A_849 = arith.select %lt3A_844, %select_n3A_805, %shift_right_logical3A_842 : vector<16xi1>, vector<16xi32>
      %add3A_850 = arith.addi %select_n3A_815, %select_n3A_816 : vector<16xi32>
      %shift_right_logical3A_851 = arith.constant 1 : i32
      %shift_right_logical3A_852 = vector.broadcast %shift_right_logical3A_851 : i32 to vector<16xi32>
      %shift_right_logical3A_853 = arith.shrui %add3A_850, %shift_right_logical3A_852 : vector<16xi32>
      %gather3A_854 = tpu.vector_load_idx %arg9[%shift_right_logical3A_853] : memref<100016xf32, #tpu.memory_space<vmem>>[vector<16xi32>], vector<16xf32>,
      %lt3A_855 = arith.cmpf olt, %gather3A_854, %get3A_101 : vector<16xf32>
      %add3A_856 = arith.constant 1 : i32
      %add3A_857 = vector.broadcast %add3A_856 : i32 to vector<16xi32>
      %add3A_858 = arith.addi %shift_right_logical3A_853, %add3A_857 : vector<16xi32>
      %select_n3A_859 = arith.select %lt3A_855, %add3A_858, %select_n3A_815 : vector<16xi1>, vector<16xi32>
      %select_n3A_860 = arith.select %lt3A_855, %select_n3A_816, %shift_right_logical3A_853 : vector<16xi1>, vector<16xi32>
      %add3A_861 = arith.constant 0 : i32
      %add3A_862 = arith.addi %mul3A_86, %add3A_861 : i32
      %swap3A = arith.index_cast %add3A_862 : i32 to index
      %swap3A_863 = tpu.vector_load %arg11[%swap3A] {strides = array<i32>} : memref<6400xi32, #tpu.memory_space<vmem>>, vector<16xi32>,
      tpu.vector_store %arg11[%swap3A], %select_n3A_826 {strides = array<i32>} : memref<6400xi32, #tpu.memory_space<vmem>>, vector<16xi32>,
      %add3A_864 = arith.constant 16 : i32
      %add3A_865 = arith.addi %mul3A_86, %add3A_864 : i32
      %swap3A_866 = arith.index_cast %add3A_865 : i32 to index
      %swap3A_867 = tpu.vector_load %arg11[%swap3A_866] {strides = array<i32>} : memref<6400xi32, #tpu.memory_space<vmem>>, vector<16xi32>,
      tpu.vector_store %arg11[%swap3A_866], %select_n3A_837 {strides = array<i32>} : memref<6400xi32, #tpu.memory_space<vmem>>, vector<16xi32>,
      %add3A_868 = arith.constant 32 : i32
      %add3A_869 = arith.addi %mul3A_86, %add3A_868 : i32
      %swap3A_870 = arith.index_cast %add3A_869 : i32 to index
      %swap3A_871 = tpu.vector_load %arg11[%swap3A_870] {strides = array<i32>} : memref<6400xi32, #tpu.memory_space<vmem>>, vector<16xi32>,
      tpu.vector_store %arg11[%swap3A_870], %select_n3A_848 {strides = array<i32>} : memref<6400xi32, #tpu.memory_space<vmem>>, vector<16xi32>,
      %add3A_872 = arith.constant 48 : i32
      %add3A_873 = arith.addi %mul3A_86, %add3A_872 : i32
      %swap3A_874 = arith.index_cast %add3A_873 : i32 to index
      %swap3A_875 = tpu.vector_load %arg11[%swap3A_874] {strides = array<i32>} : memref<6400xi32, #tpu.memory_space<vmem>>, vector<16xi32>,
      tpu.vector_store %arg11[%swap3A_874], %select_n3A_859 {strides = array<i32>} : memref<6400xi32, #tpu.memory_space<vmem>>, vector<16xi32>,
      %scan3A_876 = arith.constant 0 : i32
      scf.yield %scan3A_876 : i32
    }
    %scan3A_37 = arith.constant 100 : i32
    "tpu.region"() ({
      %run_scoped3A = tpu.sem_alloc : memref<!tpu.dma_semaphore, #tpu.memory_space<semaphore_mem>>
      %dma_start3A = tpu.memref_slice %arg6[%add3A_30] : memref<819200xi32, #tpu.memory_space<hbm>> -> memref<6400xi32, #tpu.memory_space<hbm>>
      %dma_start3A_83 = tpu.memref_slice %arg6[%add3A_30] : memref<819200xi32, #tpu.memory_space<hbm>> -> memref<6400xi32, #tpu.memory_space<hbm>>
      tpu.enqueue_dma source(%arg11 : memref<6400xi32, #tpu.memory_space<vmem>>) target(%dma_start3A_83 : memref<6400xi32, #tpu.memory_space<hbm>>) target_semaphore(%run_scoped3A : memref<!tpu.dma_semaphore, #tpu.memory_space<semaphore_mem>>)
      %dma_wait3A = tpu.memref_slice %arg6[%add3A_30] : memref<819200xi32, #tpu.memory_space<hbm>> -> memref<6400xi32, #tpu.memory_space<hbm>>
      %dma_wait3A_84 = tpu.memref_slice %arg6[%add3A_30] : memref<819200xi32, #tpu.memory_space<hbm>> -> memref<6400xi32, #tpu.memory_space<hbm>>
      tpu.wait_dma2 semaphore(%run_scoped3A : memref<!tpu.dma_semaphore, #tpu.memory_space<semaphore_mem>>) src(%arg11 : memref<6400xi32, #tpu.memory_space<vmem>>) dst(%dma_wait3A_84 : memref<6400xi32, #tpu.memory_space<hbm>>)
      tpu.yield
    }) : () -> ()
    "tpu.region"() ({
      %run_scoped3A = tpu.sem_alloc : memref<!tpu.dma_semaphore, #tpu.memory_space<semaphore_mem>>
      tpu.enqueue_dma source(%arg3 : memref<100016xf32, #tpu.memory_space<hbm>>) target(%arg9 : memref<100016xf32, #tpu.memory_space<vmem>>) target_semaphore(%run_scoped3A : memref<!tpu.dma_semaphore, #tpu.memory_space<semaphore_mem>>)
      tpu.wait_dma2 semaphore(%run_scoped3A : memref<!tpu.dma_semaphore, #tpu.memory_space<semaphore_mem>>) src(%arg3 : memref<100016xf32, #tpu.memory_space<hbm>>) dst(%arg9 : memref<100016xf32, #tpu.memory_space<vmem>>)
      tpu.yield
    }) : () -> ()
    %add3A_38 = arith.constant 0 : i32
    %add3A_39 = arith.addi %mul3A_2, %add3A_38 : i32
    "tpu.region"() ({
      %run_scoped3A = tpu.sem_alloc : memref<!tpu.dma_semaphore, #tpu.memory_space<semaphore_mem>>
      %dma_start3A = tpu.memref_slice %arg6[%add3A_39] : memref<819200xi32, #tpu.memory_space<hbm>> -> memref<6400xi32, #tpu.memory_space<hbm>>
      %dma_start3A_83 = tpu.memref_slice %arg6[%add3A_39] : memref<819200xi32, #tpu.memory_space<hbm>> -> memref<6400xi32, #tpu.memory_space<hbm>>
      tpu.enqueue_dma source(%dma_start3A_83 : memref<6400xi32, #tpu.memory_space<hbm>>) target(%arg11 : memref<6400xi32, #tpu.memory_space<vmem>>) target_semaphore(%run_scoped3A : memref<!tpu.dma_semaphore, #tpu.memory_space<semaphore_mem>>)
      %dma_wait3A = tpu.memref_slice %arg6[%add3A_39] : memref<819200xi32, #tpu.memory_space<hbm>> -> memref<6400xi32, #tpu.memory_space<hbm>>
      %dma_wait3A_84 = tpu.memref_slice %arg6[%add3A_39] : memref<819200xi32, #tpu.memory_space<hbm>> -> memref<6400xi32, #tpu.memory_space<hbm>>
      tpu.wait_dma2 semaphore(%run_scoped3A : memref<!tpu.dma_semaphore, #tpu.memory_space<semaphore_mem>>) src(%dma_wait3A_84 : memref<6400xi32, #tpu.memory_space<hbm>>) dst(%arg11 : memref<6400xi32, #tpu.memory_space<vmem>>)
      tpu.yield
    }) : () -> ()
    %scan3A_40 = arith.constant 0 : i32
    %scan3A_41 = arith.constant 0 : i32
    %scan3A_42 = arith.constant 100 : i32
    %scan3A_43 = arith.addi %scan3A_41, %scan3A_42 : i32
    %scan3A_44 = arith.constant 1 : i32
    %scan3A_45 = scf.for %scan3A_83 = %scan3A_41 to %scan3A_43 step %scan3A_44 iter_args(%scan3A_84 = %scan3A_40) -> (i32)  : i32 {
      %mul3A_85 = arith.constant 64 : i32
      %mul3A_86 = arith.muli %scan3A_83, %mul3A_85 : i32
      %add3A_87 = arith.constant 0 : i32
      %add3A_88 = arith.addi %mul3A_86, %add3A_87 : i32
      %get3A = arith.index_cast %add3A_88 : i32 to index
      %get3A_89 = tpu.vector_load %arg11[%get3A] {strides = array<i32>} : memref<6400xi32, #tpu.memory_space<vmem>>, vector<16xi32>,
      %gather3A = tpu.vector_load_idx %arg9[%get3A_89] : memref<100016xf32, #tpu.memory_space<vmem>>[vector<16xi32>], vector<16xf32>,
      %add3A_90 = arith.constant 0 : i32
      %add3A_91 = arith.addi %mul3A_86, %add3A_90 : i32
      %swap3A = arith.index_cast %add3A_91 : i32 to index
      %swap3A_92 = tpu.vector_load %arg12[%swap3A] {strides = array<i32>} : memref<6400xf32, #tpu.memory_space<vmem>>, vector<16xf32>,
      tpu.vector_store %arg12[%swap3A], %gather3A {strides = array<i32>} : memref<6400xf32, #tpu.memory_space<vmem>>, vector<16xf32>,
      %add3A_93 = arith.constant 16 : i32
      %add3A_94 = arith.addi %mul3A_86, %add3A_93 : i32
      %get3A_95 = arith.index_cast %add3A_94 : i32 to index
      %get3A_96 = tpu.vector_load %arg11[%get3A_95] {strides = array<i32>} : memref<6400xi32, #tpu.memory_space<vmem>>, vector<16xi32>,
      %gather3A_97 = tpu.vector_load_idx %arg9[%get3A_96] : memref<100016xf32, #tpu.memory_space<vmem>>[vector<16xi32>], vector<16xf32>,
      %add3A_98 = arith.constant 16 : i32
      %add3A_99 = arith.addi %mul3A_86, %add3A_98 : i32
      %swap3A_100 = arith.index_cast %add3A_99 : i32 to index
      %swap3A_101 = tpu.vector_load %arg12[%swap3A_100] {strides = array<i32>} : memref<6400xf32, #tpu.memory_space<vmem>>, vector<16xf32>,
      tpu.vector_store %arg12[%swap3A_100], %gather3A_97 {strides = array<i32>} : memref<6400xf32, #tpu.memory_space<vmem>>, vector<16xf32>,
      %add3A_102 = arith.constant 32 : i32
      %add3A_103 = arith.addi %mul3A_86, %add3A_102 : i32
      %get3A_104 = arith.index_cast %add3A_103 : i32 to index
      %get3A_105 = tpu.vector_load %arg11[%get3A_104] {strides = array<i32>} : memref<6400xi32, #tpu.memory_space<vmem>>, vector<16xi32>,
      %gather3A_106 = tpu.vector_load_idx %arg9[%get3A_105] : memref<100016xf32, #tpu.memory_space<vmem>>[vector<16xi32>], vector<16xf32>,
      %add3A_107 = arith.constant 32 : i32
      %add3A_108 = arith.addi %mul3A_86, %add3A_107 : i32
      %swap3A_109 = arith.index_cast %add3A_108 : i32 to index
      %swap3A_110 = tpu.vector_load %arg12[%swap3A_109] {strides = array<i32>} : memref<6400xf32, #tpu.memory_space<vmem>>, vector<16xf32>,
      tpu.vector_store %arg12[%swap3A_109], %gather3A_106 {strides = array<i32>} : memref<6400xf32, #tpu.memory_space<vmem>>, vector<16xf32>,
      %add3A_111 = arith.constant 48 : i32
      %add3A_112 = arith.addi %mul3A_86, %add3A_111 : i32
      %get3A_113 = arith.index_cast %add3A_112 : i32 to index
      %get3A_114 = tpu.vector_load %arg11[%get3A_113] {strides = array<i32>} : memref<6400xi32, #tpu.memory_space<vmem>>, vector<16xi32>,
      %gather3A_115 = tpu.vector_load_idx %arg9[%get3A_114] : memref<100016xf32, #tpu.memory_space<vmem>>[vector<16xi32>], vector<16xf32>,
      %add3A_116 = arith.constant 48 : i32
      %add3A_117 = arith.addi %mul3A_86, %add3A_116 : i32
      %swap3A_118 = arith.index_cast %add3A_117 : i32 to index
      %swap3A_119 = tpu.vector_load %arg12[%swap3A_118] {strides = array<i32>} : memref<6400xf32, #tpu.memory_space<vmem>>, vector<16xf32>,
      tpu.vector_store %arg12[%swap3A_118], %gather3A_115 {strides = array<i32>} : memref<6400xf32, #tpu.memory_space<vmem>>, vector<16xf32>,
      %scan3A_120 = arith.constant 0 : i32
      scf.yield %scan3A_120 : i32
    }
    %scan3A_46 = arith.constant 100 : i32
    "tpu.region"() ({
      %run_scoped3A = tpu.sem_alloc : memref<!tpu.dma_semaphore, #tpu.memory_space<semaphore_mem>>
      %dma_start3A = tpu.memref_slice %arg7[%add3A_39] : memref<819200xf32, #tpu.memory_space<hbm>> -> memref<6400xf32, #tpu.memory_space<hbm>>
      %dma_start3A_83 = tpu.memref_slice %arg7[%add3A_39] : memref<819200xf32, #tpu.memory_space<hbm>> -> memref<6400xf32, #tpu.memory_space<hbm>>
      tpu.enqueue_dma source(%arg12 : memref<6400xf32, #tpu.memory_space<vmem>>) target(%dma_start3A_83 : memref<6400xf32, #tpu.memory_space<hbm>>) target_semaphore(%run_scoped3A : memref<!tpu.dma_semaphore, #tpu.memory_space<semaphore_mem>>)
      %dma_wait3A = tpu.memref_slice %arg7[%add3A_39] : memref<819200xf32, #tpu.memory_space<hbm>> -> memref<6400xf32, #tpu.memory_space<hbm>>
      %dma_wait3A_84 = tpu.memref_slice %arg7[%add3A_39] : memref<819200xf32, #tpu.memory_space<hbm>> -> memref<6400xf32, #tpu.memory_space<hbm>>
      tpu.wait_dma2 semaphore(%run_scoped3A : memref<!tpu.dma_semaphore, #tpu.memory_space<semaphore_mem>>) src(%arg12 : memref<6400xf32, #tpu.memory_space<vmem>>) dst(%dma_wait3A_84 : memref<6400xf32, #tpu.memory_space<hbm>>)
      tpu.yield
    }) : () -> ()
    %add3A_47 = arith.constant 6400 : i32
    %add3A_48 = arith.addi %mul3A_2, %add3A_47 : i32
    "tpu.region"() ({
      %run_scoped3A = tpu.sem_alloc : memref<!tpu.dma_semaphore, #tpu.memory_space<semaphore_mem>>
      %dma_start3A = tpu.memref_slice %arg6[%add3A_48] : memref<819200xi32, #tpu.memory_space<hbm>> -> memref<6400xi32, #tpu.memory_space<hbm>>
      %dma_start3A_83 = tpu.memref_slice %arg6[%add3A_48] : memref<819200xi32, #tpu.memory_space<hbm>> -> memref<6400xi32, #tpu.memory_space<hbm>>
      tpu.enqueue_dma source(%dma_start3A_83 : memref<6400xi32, #tpu.memory_space<hbm>>) target(%arg11 : memref<6400xi32, #tpu.memory_space<vmem>>) target_semaphore(%run_scoped3A : memref<!tpu.dma_semaphore, #tpu.memory_space<semaphore_mem>>)
      %dma_wait3A = tpu.memref_slice %arg6[%add3A_48] : memref<819200xi32, #tpu.memory_space<hbm>> -> memref<6400xi32, #tpu.memory_space<hbm>>
      %dma_wait3A_84 = tpu.memref_slice %arg6[%add3A_48] : memref<819200xi32, #tpu.memory_space<hbm>> -> memref<6400xi32, #tpu.memory_space<hbm>>
      tpu.wait_dma2 semaphore(%run_scoped3A : memref<!tpu.dma_semaphore, #tpu.memory_space<semaphore_mem>>) src(%dma_wait3A_84 : memref<6400xi32, #tpu.memory_space<hbm>>) dst(%arg11 : memref<6400xi32, #tpu.memory_space<vmem>>)
      tpu.yield
    }) : () -> ()
    %scan3A_49 = arith.constant 0 : i32
    %scan3A_50 = arith.constant 0 : i32
    %scan3A_51 = arith.constant 100 : i32
    %scan3A_52 = arith.addi %scan3A_50, %scan3A_51 : i32
    %scan3A_53 = arith.constant 1 : i32
    %scan3A_54 = scf.for %scan3A_83 = %scan3A_50 to %scan3A_52 step %scan3A_53 iter_args(%scan3A_84 = %scan3A_49) -> (i32)  : i32 {
      %mul3A_85 = arith.constant 64 : i32
      %mul3A_86 = arith.muli %scan3A_83, %mul3A_85 : i32
      %add3A_87 = arith.constant 0 : i32
      %add3A_88 = arith.addi %mul3A_86, %add3A_87 : i32
      %get3A = arith.index_cast %add3A_88 : i32 to index
      %get3A_89 = tpu.vector_load %arg11[%get3A] {strides = array<i32>} : memref<6400xi32, #tpu.memory_space<vmem>>, vector<16xi32>,
      %gather3A = tpu.vector_load_idx %arg9[%get3A_89] : memref<100016xf32, #tpu.memory_space<vmem>>[vector<16xi32>], vector<16xf32>,
      %add3A_90 = arith.constant 0 : i32
      %add3A_91 = arith.addi %mul3A_86, %add3A_90 : i32
      %swap3A = arith.index_cast %add3A_91 : i32 to index
      %swap3A_92 = tpu.vector_load %arg12[%swap3A] {strides = array<i32>} : memref<6400xf32, #tpu.memory_space<vmem>>, vector<16xf32>,
      tpu.vector_store %arg12[%swap3A], %gather3A {strides = array<i32>} : memref<6400xf32, #tpu.memory_space<vmem>>, vector<16xf32>,
      %add3A_93 = arith.constant 16 : i32
      %add3A_94 = arith.addi %mul3A_86, %add3A_93 : i32
      %get3A_95 = arith.index_cast %add3A_94 : i32 to index
      %get3A_96 = tpu.vector_load %arg11[%get3A_95] {strides = array<i32>} : memref<6400xi32, #tpu.memory_space<vmem>>, vector<16xi32>,
      %gather3A_97 = tpu.vector_load_idx %arg9[%get3A_96] : memref<100016xf32, #tpu.memory_space<vmem>>[vector<16xi32>], vector<16xf32>,
      %add3A_98 = arith.constant 16 : i32
      %add3A_99 = arith.addi %mul3A_86, %add3A_98 : i32
      %swap3A_100 = arith.index_cast %add3A_99 : i32 to index
      %swap3A_101 = tpu.vector_load %arg12[%swap3A_100] {strides = array<i32>} : memref<6400xf32, #tpu.memory_space<vmem>>, vector<16xf32>,
      tpu.vector_store %arg12[%swap3A_100], %gather3A_97 {strides = array<i32>} : memref<6400xf32, #tpu.memory_space<vmem>>, vector<16xf32>,
      %add3A_102 = arith.constant 32 : i32
      %add3A_103 = arith.addi %mul3A_86, %add3A_102 : i32
      %get3A_104 = arith.index_cast %add3A_103 : i32 to index
      %get3A_105 = tpu.vector_load %arg11[%get3A_104] {strides = array<i32>} : memref<6400xi32, #tpu.memory_space<vmem>>, vector<16xi32>,
      %gather3A_106 = tpu.vector_load_idx %arg9[%get3A_105] : memref<100016xf32, #tpu.memory_space<vmem>>[vector<16xi32>], vector<16xf32>,
      %add3A_107 = arith.constant 32 : i32
      %add3A_108 = arith.addi %mul3A_86, %add3A_107 : i32
      %swap3A_109 = arith.index_cast %add3A_108 : i32 to index
      %swap3A_110 = tpu.vector_load %arg12[%swap3A_109] {strides = array<i32>} : memref<6400xf32, #tpu.memory_space<vmem>>, vector<16xf32>,
      tpu.vector_store %arg12[%swap3A_109], %gather3A_106 {strides = array<i32>} : memref<6400xf32, #tpu.memory_space<vmem>>, vector<16xf32>,
      %add3A_111 = arith.constant 48 : i32
      %add3A_112 = arith.addi %mul3A_86, %add3A_111 : i32
      %get3A_113 = arith.index_cast %add3A_112 : i32 to index
      %get3A_114 = tpu.vector_load %arg11[%get3A_113] {strides = array<i32>} : memref<6400xi32, #tpu.memory_space<vmem>>, vector<16xi32>,
      %gather3A_115 = tpu.vector_load_idx %arg9[%get3A_114] : memref<100016xf32, #tpu.memory_space<vmem>>[vector<16xi32>], vector<16xf32>,
      %add3A_116 = arith.constant 48 : i32
      %add3A_117 = arith.addi %mul3A_86, %add3A_116 : i32
      %swap3A_118 = arith.index_cast %add3A_117 : i32 to index
      %swap3A_119 = tpu.vector_load %arg12[%swap3A_118] {strides = array<i32>} : memref<6400xf32, #tpu.memory_space<vmem>>, vector<16xf32>,
      tpu.vector_store %arg12[%swap3A_118], %gather3A_115 {strides = array<i32>} : memref<6400xf32, #tpu.memory_space<vmem>>, vector<16xf32>,
      %scan3A_120 = arith.constant 0 : i32
      scf.yield %scan3A_120 : i32
    }
    %scan3A_55 = arith.constant 100 : i32
    "tpu.region"() ({
      %run_scoped3A = tpu.sem_alloc : memref<!tpu.dma_semaphore, #tpu.memory_space<semaphore_mem>>
      %dma_start3A = tpu.memref_slice %arg7[%add3A_48] : memref<819200xf32, #tpu.memory_space<hbm>> -> memref<6400xf32, #tpu.memory_space<hbm>>
      %dma_start3A_83 = tpu.memref_slice %arg7[%add3A_48] : memref<819200xf32, #tpu.memory_space<hbm>> -> memref<6400xf32, #tpu.memory_space<hbm>>
      tpu.enqueue_dma source(%arg12 : memref<6400xf32, #tpu.memory_space<vmem>>) target(%dma_start3A_83 : memref<6400xf32, #tpu.memory_space<hbm>>) target_semaphore(%run_scoped3A : memref<!tpu.dma_semaphore, #tpu.memory_space<semaphore_mem>>)
      %dma_wait3A = tpu.memref_slice %arg7[%add3A_48] : memref<819200xf32, #tpu.memory_space<hbm>> -> memref<6400xf32, #tpu.memory_space<hbm>>
      %dma_wait3A_84 = tpu.memref_slice %arg7[%add3A_48] : memref<819200xf32, #tpu.memory_space<hbm>> -> memref<6400xf32, #tpu.memory_space<hbm>>
      tpu.wait_dma2 semaphore(%run_scoped3A : memref<!tpu.dma_semaphore, #tpu.memory_space<semaphore_mem>>) src(%arg12 : memref<6400xf32, #tpu.memory_space<vmem>>) dst(%dma_wait3A_84 : memref<6400xf32, #tpu.memory_space<hbm>>)
      tpu.yield
    }) : () -> ()
    %add3A_56 = arith.constant 12800 : i32
    %add3A_57 = arith.addi %mul3A_2, %add3A_56 : i32
    "tpu.region"() ({
      %run_scoped3A = tpu.sem_alloc : memref<!tpu.dma_semaphore, #tpu.memory_space<semaphore_mem>>
      %dma_start3A = tpu.memref_slice %arg6[%add3A_57] : memref<819200xi32, #tpu.memory_space<hbm>> -> memref<6400xi32, #tpu.memory_space<hbm>>
      %dma_start3A_83 = tpu.memref_slice %arg6[%add3A_57] : memref<819200xi32, #tpu.memory_space<hbm>> -> memref<6400xi32, #tpu.memory_space<hbm>>
      tpu.enqueue_dma source(%dma_start3A_83 : memref<6400xi32, #tpu.memory_space<hbm>>) target(%arg11 : memref<6400xi32, #tpu.memory_space<vmem>>) target_semaphore(%run_scoped3A : memref<!tpu.dma_semaphore, #tpu.memory_space<semaphore_mem>>)
      %dma_wait3A = tpu.memref_slice %arg6[%add3A_57] : memref<819200xi32, #tpu.memory_space<hbm>> -> memref<6400xi32, #tpu.memory_space<hbm>>
      %dma_wait3A_84 = tpu.memref_slice %arg6[%add3A_57] : memref<819200xi32, #tpu.memory_space<hbm>> -> memref<6400xi32, #tpu.memory_space<hbm>>
      tpu.wait_dma2 semaphore(%run_scoped3A : memref<!tpu.dma_semaphore, #tpu.memory_space<semaphore_mem>>) src(%dma_wait3A_84 : memref<6400xi32, #tpu.memory_space<hbm>>) dst(%arg11 : memref<6400xi32, #tpu.memory_space<vmem>>)
      tpu.yield
    }) : () -> ()
    %scan3A_58 = arith.constant 0 : i32
    %scan3A_59 = arith.constant 0 : i32
    %scan3A_60 = arith.constant 100 : i32
    %scan3A_61 = arith.addi %scan3A_59, %scan3A_60 : i32
    %scan3A_62 = arith.constant 1 : i32
    %scan3A_63 = scf.for %scan3A_83 = %scan3A_59 to %scan3A_61 step %scan3A_62 iter_args(%scan3A_84 = %scan3A_58) -> (i32)  : i32 {
      %mul3A_85 = arith.constant 64 : i32
      %mul3A_86 = arith.muli %scan3A_83, %mul3A_85 : i32
      %add3A_87 = arith.constant 0 : i32
      %add3A_88 = arith.addi %mul3A_86, %add3A_87 : i32
      %get3A = arith.index_cast %add3A_88 : i32 to index
      %get3A_89 = tpu.vector_load %arg11[%get3A] {strides = array<i32>} : memref<6400xi32, #tpu.memory_space<vmem>>, vector<16xi32>,
      %gather3A = tpu.vector_load_idx %arg9[%get3A_89] : memref<100016xf32, #tpu.memory_space<vmem>>[vector<16xi32>], vector<16xf32>,
      %add3A_90 = arith.constant 0 : i32
      %add3A_91 = arith.addi %mul3A_86, %add3A_90 : i32
      %swap3A = arith.index_cast %add3A_91 : i32 to index
      %swap3A_92 = tpu.vector_load %arg12[%swap3A] {strides = array<i32>} : memref<6400xf32, #tpu.memory_space<vmem>>, vector<16xf32>,
      tpu.vector_store %arg12[%swap3A], %gather3A {strides = array<i32>} : memref<6400xf32, #tpu.memory_space<vmem>>, vector<16xf32>,
      %add3A_93 = arith.constant 16 : i32
      %add3A_94 = arith.addi %mul3A_86, %add3A_93 : i32
      %get3A_95 = arith.index_cast %add3A_94 : i32 to index
      %get3A_96 = tpu.vector_load %arg11[%get3A_95] {strides = array<i32>} : memref<6400xi32, #tpu.memory_space<vmem>>, vector<16xi32>,
      %gather3A_97 = tpu.vector_load_idx %arg9[%get3A_96] : memref<100016xf32, #tpu.memory_space<vmem>>[vector<16xi32>], vector<16xf32>,
      %add3A_98 = arith.constant 16 : i32
      %add3A_99 = arith.addi %mul3A_86, %add3A_98 : i32
      %swap3A_100 = arith.index_cast %add3A_99 : i32 to index
      %swap3A_101 = tpu.vector_load %arg12[%swap3A_100] {strides = array<i32>} : memref<6400xf32, #tpu.memory_space<vmem>>, vector<16xf32>,
      tpu.vector_store %arg12[%swap3A_100], %gather3A_97 {strides = array<i32>} : memref<6400xf32, #tpu.memory_space<vmem>>, vector<16xf32>,
      %add3A_102 = arith.constant 32 : i32
      %add3A_103 = arith.addi %mul3A_86, %add3A_102 : i32
      %get3A_104 = arith.index_cast %add3A_103 : i32 to index
      %get3A_105 = tpu.vector_load %arg11[%get3A_104] {strides = array<i32>} : memref<6400xi32, #tpu.memory_space<vmem>>, vector<16xi32>,
      %gather3A_106 = tpu.vector_load_idx %arg9[%get3A_105] : memref<100016xf32, #tpu.memory_space<vmem>>[vector<16xi32>], vector<16xf32>,
      %add3A_107 = arith.constant 32 : i32
      %add3A_108 = arith.addi %mul3A_86, %add3A_107 : i32
      %swap3A_109 = arith.index_cast %add3A_108 : i32 to index
      %swap3A_110 = tpu.vector_load %arg12[%swap3A_109] {strides = array<i32>} : memref<6400xf32, #tpu.memory_space<vmem>>, vector<16xf32>,
      tpu.vector_store %arg12[%swap3A_109], %gather3A_106 {strides = array<i32>} : memref<6400xf32, #tpu.memory_space<vmem>>, vector<16xf32>,
      %add3A_111 = arith.constant 48 : i32
      %add3A_112 = arith.addi %mul3A_86, %add3A_111 : i32
      %get3A_113 = arith.index_cast %add3A_112 : i32 to index
      %get3A_114 = tpu.vector_load %arg11[%get3A_113] {strides = array<i32>} : memref<6400xi32, #tpu.memory_space<vmem>>, vector<16xi32>,
      %gather3A_115 = tpu.vector_load_idx %arg9[%get3A_114] : memref<100016xf32, #tpu.memory_space<vmem>>[vector<16xi32>], vector<16xf32>,
      %add3A_116 = arith.constant 48 : i32
      %add3A_117 = arith.addi %mul3A_86, %add3A_116 : i32
      %swap3A_118 = arith.index_cast %add3A_117 : i32 to index
      %swap3A_119 = tpu.vector_load %arg12[%swap3A_118] {strides = array<i32>} : memref<6400xf32, #tpu.memory_space<vmem>>, vector<16xf32>,
      tpu.vector_store %arg12[%swap3A_118], %gather3A_115 {strides = array<i32>} : memref<6400xf32, #tpu.memory_space<vmem>>, vector<16xf32>,
      %scan3A_120 = arith.constant 0 : i32
      scf.yield %scan3A_120 : i32
    }
    %scan3A_64 = arith.constant 100 : i32
    "tpu.region"() ({
      %run_scoped3A = tpu.sem_alloc : memref<!tpu.dma_semaphore, #tpu.memory_space<semaphore_mem>>
      %dma_start3A = tpu.memref_slice %arg7[%add3A_57] : memref<819200xf32, #tpu.memory_space<hbm>> -> memref<6400xf32, #tpu.memory_space<hbm>>
      %dma_start3A_83 = tpu.memref_slice %arg7[%add3A_57] : memref<819200xf32, #tpu.memory_space<hbm>> -> memref<6400xf32, #tpu.memory_space<hbm>>
      tpu.enqueue_dma source(%arg12 : memref<6400xf32, #tpu.memory_space<vmem>>) target(%dma_start3A_83 : memref<6400xf32, #tpu.memory_space<hbm>>) target_semaphore(%run_scoped3A : memref<!tpu.dma_semaphore, #tpu.memory_space<semaphore_mem>>)
      %dma_wait3A = tpu.memref_slice %arg7[%add3A_57] : memref<819200xf32, #tpu.memory_space<hbm>> -> memref<6400xf32, #tpu.memory_space<hbm>>
      %dma_wait3A_84 = tpu.memref_slice %arg7[%add3A_57] : memref<819200xf32, #tpu.memory_space<hbm>> -> memref<6400xf32, #tpu.memory_space<hbm>>
      tpu.wait_dma2 semaphore(%run_scoped3A : memref<!tpu.dma_semaphore, #tpu.memory_space<semaphore_mem>>) src(%arg12 : memref<6400xf32, #tpu.memory_space<vmem>>) dst(%dma_wait3A_84 : memref<6400xf32, #tpu.memory_space<hbm>>)
      tpu.yield
    }) : () -> ()
    %add3A_65 = arith.constant 19200 : i32
    %add3A_66 = arith.addi %mul3A_2, %add3A_65 : i32
    "tpu.region"() ({
      %run_scoped3A = tpu.sem_alloc : memref<!tpu.dma_semaphore, #tpu.memory_space<semaphore_mem>>
      %dma_start3A = tpu.memref_slice %arg6[%add3A_66] : memref<819200xi32, #tpu.memory_space<hbm>> -> memref<6400xi32, #tpu.memory_space<hbm>>
      %dma_start3A_83 = tpu.memref_slice %arg6[%add3A_66] : memref<819200xi32, #tpu.memory_space<hbm>> -> memref<6400xi32, #tpu.memory_space<hbm>>
      tpu.enqueue_dma source(%dma_start3A_83 : memref<6400xi32, #tpu.memory_space<hbm>>) target(%arg11 : memref<6400xi32, #tpu.memory_space<vmem>>) target_semaphore(%run_scoped3A : memref<!tpu.dma_semaphore, #tpu.memory_space<semaphore_mem>>)
      %dma_wait3A = tpu.memref_slice %arg6[%add3A_66] : memref<819200xi32, #tpu.memory_space<hbm>> -> memref<6400xi32, #tpu.memory_space<hbm>>
      %dma_wait3A_84 = tpu.memref_slice %arg6[%add3A_66] : memref<819200xi32, #tpu.memory_space<hbm>> -> memref<6400xi32, #tpu.memory_space<hbm>>
      tpu.wait_dma2 semaphore(%run_scoped3A : memref<!tpu.dma_semaphore, #tpu.memory_space<semaphore_mem>>) src(%dma_wait3A_84 : memref<6400xi32, #tpu.memory_space<hbm>>) dst(%arg11 : memref<6400xi32, #tpu.memory_space<vmem>>)
      tpu.yield
    }) : () -> ()
    %scan3A_67 = arith.constant 0 : i32
    %scan3A_68 = arith.constant 0 : i32
    %scan3A_69 = arith.constant 100 : i32
    %scan3A_70 = arith.addi %scan3A_68, %scan3A_69 : i32
    %scan3A_71 = arith.constant 1 : i32
    %scan3A_72 = scf.for %scan3A_83 = %scan3A_68 to %scan3A_70 step %scan3A_71 iter_args(%scan3A_84 = %scan3A_67) -> (i32)  : i32 {
      %mul3A_85 = arith.constant 64 : i32
      %mul3A_86 = arith.muli %scan3A_83, %mul3A_85 : i32
      %add3A_87 = arith.constant 0 : i32
      %add3A_88 = arith.addi %mul3A_86, %add3A_87 : i32
      %get3A = arith.index_cast %add3A_88 : i32 to index
      %get3A_89 = tpu.vector_load %arg11[%get3A] {strides = array<i32>} : memref<6400xi32, #tpu.memory_space<vmem>>, vector<16xi32>,
      %gather3A = tpu.vector_load_idx %arg9[%get3A_89] : memref<100016xf32, #tpu.memory_space<vmem>>[vector<16xi32>], vector<16xf32>,
      %add3A_90 = arith.constant 0 : i32
      %add3A_91 = arith.addi %mul3A_86, %add3A_90 : i32
      %swap3A = arith.index_cast %add3A_91 : i32 to index
      %swap3A_92 = tpu.vector_load %arg12[%swap3A] {strides = array<i32>} : memref<6400xf32, #tpu.memory_space<vmem>>, vector<16xf32>,
      tpu.vector_store %arg12[%swap3A], %gather3A {strides = array<i32>} : memref<6400xf32, #tpu.memory_space<vmem>>, vector<16xf32>,
      %add3A_93 = arith.constant 16 : i32
      %add3A_94 = arith.addi %mul3A_86, %add3A_93 : i32
      %get3A_95 = arith.index_cast %add3A_94 : i32 to index
      %get3A_96 = tpu.vector_load %arg11[%get3A_95] {strides = array<i32>} : memref<6400xi32, #tpu.memory_space<vmem>>, vector<16xi32>,
      %gather3A_97 = tpu.vector_load_idx %arg9[%get3A_96] : memref<100016xf32, #tpu.memory_space<vmem>>[vector<16xi32>], vector<16xf32>,
      %add3A_98 = arith.constant 16 : i32
      %add3A_99 = arith.addi %mul3A_86, %add3A_98 : i32
      %swap3A_100 = arith.index_cast %add3A_99 : i32 to index
      %swap3A_101 = tpu.vector_load %arg12[%swap3A_100] {strides = array<i32>} : memref<6400xf32, #tpu.memory_space<vmem>>, vector<16xf32>,
      tpu.vector_store %arg12[%swap3A_100], %gather3A_97 {strides = array<i32>} : memref<6400xf32, #tpu.memory_space<vmem>>, vector<16xf32>,
      %add3A_102 = arith.constant 32 : i32
      %add3A_103 = arith.addi %mul3A_86, %add3A_102 : i32
      %get3A_104 = arith.index_cast %add3A_103 : i32 to index
      %get3A_105 = tpu.vector_load %arg11[%get3A_104] {strides = array<i32>} : memref<6400xi32, #tpu.memory_space<vmem>>, vector<16xi32>,
      %gather3A_106 = tpu.vector_load_idx %arg9[%get3A_105] : memref<100016xf32, #tpu.memory_space<vmem>>[vector<16xi32>], vector<16xf32>,
      %add3A_107 = arith.constant 32 : i32
      %add3A_108 = arith.addi %mul3A_86, %add3A_107 : i32
      %swap3A_109 = arith.index_cast %add3A_108 : i32 to index
      %swap3A_110 = tpu.vector_load %arg12[%swap3A_109] {strides = array<i32>} : memref<6400xf32, #tpu.memory_space<vmem>>, vector<16xf32>,
      tpu.vector_store %arg12[%swap3A_109], %gather3A_106 {strides = array<i32>} : memref<6400xf32, #tpu.memory_space<vmem>>, vector<16xf32>,
      %add3A_111 = arith.constant 48 : i32
      %add3A_112 = arith.addi %mul3A_86, %add3A_111 : i32
      %get3A_113 = arith.index_cast %add3A_112 : i32 to index
      %get3A_114 = tpu.vector_load %arg11[%get3A_113] {strides = array<i32>} : memref<6400xi32, #tpu.memory_space<vmem>>, vector<16xi32>,
      %gather3A_115 = tpu.vector_load_idx %arg9[%get3A_114] : memref<100016xf32, #tpu.memory_space<vmem>>[vector<16xi32>], vector<16xf32>,
      %add3A_116 = arith.constant 48 : i32
      %add3A_117 = arith.addi %mul3A_86, %add3A_116 : i32
      %swap3A_118 = arith.index_cast %add3A_117 : i32 to index
      %swap3A_119 = tpu.vector_load %arg12[%swap3A_118] {strides = array<i32>} : memref<6400xf32, #tpu.memory_space<vmem>>, vector<16xf32>,
      tpu.vector_store %arg12[%swap3A_118], %gather3A_115 {strides = array<i32>} : memref<6400xf32, #tpu.memory_space<vmem>>, vector<16xf32>,
      %scan3A_120 = arith.constant 0 : i32
      scf.yield %scan3A_120 : i32
    }
    %scan3A_73 = arith.constant 100 : i32
    "tpu.region"() ({
      %run_scoped3A = tpu.sem_alloc : memref<!tpu.dma_semaphore, #tpu.memory_space<semaphore_mem>>
      %dma_start3A = tpu.memref_slice %arg7[%add3A_66] : memref<819200xf32, #tpu.memory_space<hbm>> -> memref<6400xf32, #tpu.memory_space<hbm>>
      %dma_start3A_83 = tpu.memref_slice %arg7[%add3A_66] : memref<819200xf32, #tpu.memory_space<hbm>> -> memref<6400xf32, #tpu.memory_space<hbm>>
      tpu.enqueue_dma source(%arg12 : memref<6400xf32, #tpu.memory_space<vmem>>) target(%dma_start3A_83 : memref<6400xf32, #tpu.memory_space<hbm>>) target_semaphore(%run_scoped3A : memref<!tpu.dma_semaphore, #tpu.memory_space<semaphore_mem>>)
      %dma_wait3A = tpu.memref_slice %arg7[%add3A_66] : memref<819200xf32, #tpu.memory_space<hbm>> -> memref<6400xf32, #tpu.memory_space<hbm>>
      %dma_wait3A_84 = tpu.memref_slice %arg7[%add3A_66] : memref<819200xf32, #tpu.memory_space<hbm>> -> memref<6400xf32, #tpu.memory_space<hbm>>
      tpu.wait_dma2 semaphore(%run_scoped3A : memref<!tpu.dma_semaphore, #tpu.memory_space<semaphore_mem>>) src(%arg12 : memref<6400xf32, #tpu.memory_space<vmem>>) dst(%dma_wait3A_84 : memref<6400xf32, #tpu.memory_space<hbm>>)
      tpu.yield
    }) : () -> ()
    %mul3A_74 = arith.constant 128 : i32
    %mul3A_75 = arith.muli %add3A, %mul3A_74 : i32
    "tpu.region"() ({
      %run_scoped3A = tpu.sem_alloc : memref<!tpu.dma_semaphore, #tpu.memory_space<semaphore_mem>>
      %dma_start3A = tpu.memref_slice %arg5[%mul3A_75] : memref<4096xi32, #tpu.memory_space<hbm>> -> memref<128xi32, #tpu.memory_space<hbm>>
      %dma_start3A_83 = tpu.memref_slice %arg5[%mul3A_75] : memref<4096xi32, #tpu.memory_space<hbm>> -> memref<128xi32, #tpu.memory_space<hbm>>
      tpu.enqueue_dma source(%dma_start3A_83 : memref<128xi32, #tpu.memory_space<hbm>>) target(%arg13 : memref<128xi32, #tpu.memory_space<vmem>>) target_semaphore(%run_scoped3A : memref<!tpu.dma_semaphore, #tpu.memory_space<semaphore_mem>>)
      %dma_wait3A = tpu.memref_slice %arg5[%mul3A_75] : memref<4096xi32, #tpu.memory_space<hbm>> -> memref<128xi32, #tpu.memory_space<hbm>>
      %dma_wait3A_84 = tpu.memref_slice %arg5[%mul3A_75] : memref<4096xi32, #tpu.memory_space<hbm>> -> memref<128xi32, #tpu.memory_space<hbm>>
      tpu.wait_dma2 semaphore(%run_scoped3A : memref<!tpu.dma_semaphore, #tpu.memory_space<semaphore_mem>>) src(%dma_wait3A_84 : memref<128xi32, #tpu.memory_space<hbm>>) dst(%arg13 : memref<128xi32, #tpu.memory_space<vmem>>)
      tpu.yield
    }) : () -> ()
    %scan3A_76 = arith.constant 0 : i32
    %scan3A_77 = arith.constant 0 : i32
    %scan3A_78 = arith.constant 8 : i32
    %scan3A_79 = arith.addi %scan3A_77, %scan3A_78 : i32
    %scan3A_80 = arith.constant 1 : i32
    %scan3A_81 = scf.for %scan3A_83 = %scan3A_77 to %scan3A_79 step %scan3A_80 iter_args(%scan3A_84 = %scan3A_76) -> (i32)  : i32 {
      %mul3A_85 = arith.constant 16 : i32
      %mul3A_86 = arith.muli %scan3A_83, %mul3A_85 : i32
      %get3A = arith.index_cast %mul3A_86 : i32 to index
      %get3A_87 = tpu.vector_load %arg13[%get3A] {strides = array<i32>} : memref<128xi32, #tpu.memory_space<vmem>>, vector<16xi32>,
      %gather3A = tpu.vector_load_idx %arg9[%get3A_87] : memref<100016xf32, #tpu.memory_space<vmem>>[vector<16xi32>], vector<16xf32>,
      %mul3A_88 = arith.constant 16 : i32
      %mul3A_89 = arith.muli %scan3A_83, %mul3A_88 : i32
      %swap3A = arith.index_cast %mul3A_89 : i32 to index
      %swap3A_90 = tpu.vector_load %arg14[%swap3A] {strides = array<i32>} : memref<128xf32, #tpu.memory_space<vmem>>, vector<16xf32>,
      tpu.vector_store %arg14[%swap3A], %gather3A {strides = array<i32>} : memref<128xf32, #tpu.memory_space<vmem>>, vector<16xf32>,
      %scan3A_91 = arith.constant 0 : i32
      scf.yield %scan3A_91 : i32
    }
    %scan3A_82 = arith.constant 8 : i32
    "tpu.region"() ({
      %run_scoped3A = tpu.sem_alloc : memref<!tpu.dma_semaphore, #tpu.memory_space<semaphore_mem>>
      %dma_start3A = tpu.memref_slice %arg8[%mul3A_75] : memref<4096xf32, #tpu.memory_space<hbm>> -> memref<128xf32, #tpu.memory_space<hbm>>
      %dma_start3A_83 = tpu.memref_slice %arg8[%mul3A_75] : memref<4096xf32, #tpu.memory_space<hbm>> -> memref<128xf32, #tpu.memory_space<hbm>>
      tpu.enqueue_dma source(%arg14 : memref<128xf32, #tpu.memory_space<vmem>>) target(%dma_start3A_83 : memref<128xf32, #tpu.memory_space<hbm>>) target_semaphore(%run_scoped3A : memref<!tpu.dma_semaphore, #tpu.memory_space<semaphore_mem>>)
      %dma_wait3A = tpu.memref_slice %arg8[%mul3A_75] : memref<4096xf32, #tpu.memory_space<hbm>> -> memref<128xf32, #tpu.memory_space<hbm>>
      %dma_wait3A_84 = tpu.memref_slice %arg8[%mul3A_75] : memref<4096xf32, #tpu.memory_space<hbm>> -> memref<128xf32, #tpu.memory_space<hbm>>
      tpu.wait_dma2 semaphore(%run_scoped3A : memref<!tpu.dma_semaphore, #tpu.memory_space<semaphore_mem>>) src(%arg14 : memref<128xf32, #tpu.memory_space<vmem>>) dst(%dma_wait3A_84 : memref<128xf32, #tpu.memory_space<hbm>>)
      tpu.yield
    }) : () -> ()
    return
  }
}

</mosaic_0001>

<sc_bundles>
// kernel: kernel.3.cloned.1.call-start
scs
__scs_entry_jumppad:
0x0: {  	(pc) =	sbr.rel $0x88, $3  }
0x1: {  	(tag) =	ssettag $0x0;
	lr =	simm.s32 $0x1  }
0x2: {  	[smem:$0x3F9E] =	sst lr;
	_ =	strace $0xD0000000  }
0x3: {  	_ = 	snop  }
0x4: {  	_ = 	snop  }
0x5: {  	_ = 	snop  }
0x6: {  	_ = 	snop  }
0x7: {  	_ = 	snop  }
__scs_overlays_trampoline_lowered:
0x8: {  	[smem:$0x3FAD] =	sst s0  }
0x9: {  	[smem:$0x3FAE] =	sst s1  }
0xa: {  	[smem:$0x3FAF] =	sst s2  }
0xb: {  	[smem:$0x3FB0] =	sst s3  }
0xc: {  	[smem:$0x3FB1] =	sst s4  }
0xd: {  	[smem:$0x3FB2] =	sst s5  }
0xe: {  	[smem:$0x3FB3] =	sst s6  }
0xf: {  	[smem:$0x3FB4] =	sst s7  }
0x10: {  	[smem:$0x3FB5] =	sst s8  }
0x11: {  	[smem:$0x3FB6] =	sst s9;
	s0 =	simm.s32 @!p0 $0x0  }
0x12: {  	s1 =	sld [smem:$0x3F9C];
	s0 =	simm.s32 @p0 $0x1  }
0x13: {  	[smem:$0x3FB7] =	sst s0;
	s0 =	simm.s32 @!p1 $0x0  }
0x14: {  	s2 =	sld [smem:$0x3F9B];
	s0 =	simm.s32 @p1 $0x1  }
0x15: {  	[smem:$0x3FB8] =	sst s0;
	s0 =	simm.s32 @!p2 $0x0  }
0x16: {  	s3 =	sld [smem:$0x3FDB];
	s0 =	simm.s32 @p2 $0x1  }
0x17: {  	s4 =	simm.s32 $0x1BF5;
	[smem:$0x3FBA] =	sst s0  }
0x18: {  	s0 =	sld [smem:$0x3F9D];
	_ =	swait.ge [sflag:s4], $0x0  }
0x19: {  	s7 =	sld [smem:$0x3F9E]  }
0x1a: {  	s8 =	sadd.s32 $0xFFFFE003, lr  }
0x1b: {  	s9 =	sadd.s32 $0xFFFFFEF7, lr;
	s5 =	simm.s32 $0xFFFFFFFF;
	p2 =	slt.u32 s8, $0xFFFFF086  }
0x1c: {  	p1 =	slt.u32 s9, $0xF7A;
	s5 =	simm.s32 @!p2 $0x0  }
0x1d: {  	s5 =	simm.s32 @p1 $0x1;
	p0 =	seq.s32 s7, s2  }
0x1e: {  	s7 =	smul.u32 @!p0 $0xF7A, s2;
	p2 =	seq.s32 @!p0 s5, $0x0  }
0x1f: {  	s9 =	smul.u32 $0xF7A, s1;
	s8 =	simm.s32 @!p0 $0x1BF5;
	p2 =	por !p2, p0  }
0x20: {  	[sflag:s8] =	ssyncset.s32 @!p0 $0xFFFFF086;
	s6 =	sadd.s32 @!p0 s3, s7;
	s7 =	simm.s32 @!p0 $0x108  }
0x21: {  	s3 =	sadd.s32 s3, s9;
	s6 =	sadd.s32 @!p0 $0x88, s6;
	s7 =	simm.s32 @p2 $0x1082  }
0x22: {  	[simem:s7], [sflag:s8] =	dma.local @!p0 [hbm:s6], $0xF7A  }
0x23: {  	s9 =	sor.u32 $0xD0000000, s2;
	s6 =	simm.s32 $0x108;
	_ =	swait.ge @!p0 [sflag:s8], $0x0  }
0x24: {  	s3 =	sadd.s32 $0x88, s3;
	s6 =	simm.s32 @!p1 $0x1082;
	[sflag:s4] =	ssyncset.s32 $0xFFFFF086  }
0x25: {  	[simem:s6], [sflag:s4] =	dma.local [hbm:s3], $0xF7A  }
0x26: {  	[smem:$0x3F9E] =	sst s1;
	(tag) =	ssettag s2;
	_ =	strace s9  }
0x27: {  	s1 =	sld [smem:$0x3FAE]  }
0x28: {  	s2 =	sld [smem:$0x3FAF]  }
0x29: {  	s4 =	sld [smem:$0x3FB1]  }
0x2a: {  	p0 =	seq.s32 s5, $0x0;
	s5 =	sld [smem:$0x3FB2]  }
0x2b: {  	s6 =	sld [smem:$0x3FB3]  }
0x2c: {  	s7 =	sld [smem:$0x3FB4]  }
0x2d: {  	s3 =	simm.s32 $0x108;
	s8 =	sld [smem:$0x3FB5]  }
0x2e: {  	s3 =	simm.s32 @!p0 $0x1082;
	s9 =	sld [smem:$0x3FB6]  }
0x2f: {  	lr =	sadd.s32 s0, s3;
	s0 =	sld [smem:$0x3FAD]  }
0x30: {  	s3 =	sld [smem:$0x3FB0]  }
0x31: {  	[smem:$0x3FB9] =	sst s10  }
0x32: {  	s10 =	sld [smem:$0x3FB7];
	_ =	sdelay $0x3  }
0x33: {  	p0 =	seq.s32 s10, $0x1;
	s10 =	sld [smem:$0x3FB9];
	_ =	sdelay $0x3  }
0x34: {  	[smem:$0x3FB9] =	sst s10  }
0x35: {  	s10 =	sld [smem:$0x3FB8];
	_ =	sdelay $0x3  }
0x36: {  	p1 =	seq.s32 s10, $0x1;
	s10 =	sld [smem:$0x3FB9];
	_ =	sdelay $0x3  }
0x37: {  	[smem:$0x3FB9] =	sst s10  }
0x38: {  	s10 =	sld [smem:$0x3FBA]  }
0x39: {  	_ = 	snop;
	(pc) =	sbr.ind lr, $3  }
0x3a: {  	_ = 	snop  }
0x3b: {  	_ = 	snop  }
0x3c: {  	p2 =	seq.s32 s10, $0x1;
	s10 =	sld [smem:$0x3FB9]  }
0x3d: {  	_ =	shalt  }
0x3e: {  	_ =	shalt  }
0x3f: {  	_ =	shalt  }
0x40: {  	_ =	shalt  }
0x41: {  	_ =	shalt  }
0x42: {  	_ =	shalt  }
0x43: {  	_ =	shalt  }
0x44: {  	_ =	shalt  }
0x45: {  	_ =	shalt  }
0x46: {  	_ =	shalt  }
0x47: {  	_ =	shalt  }
0x48: {  	_ =	shalt  }
0x49: {  	_ =	shalt  }
0x4a: {  	_ =	shalt  }
0x4b: {  	_ =	shalt  }
0x4c: {  	_ =	shalt  }
0x4d: {  	_ =	shalt  }
0x4e: {  	_ =	shalt  }
0x4f: {  	_ =	shalt  }
0x50: {  	_ =	shalt  }
0x51: {  	_ =	shalt  }
0x52: {  	_ =	shalt  }
0x53: {  	_ =	shalt  }
0x54: {  	_ =	shalt  }
0x55: {  	_ =	shalt  }
0x56: {  	_ =	shalt  }
0x57: {  	_ =	shalt  }
0x58: {  	_ =	shalt  }
0x59: {  	_ =	shalt  }
0x5a: {  	_ =	shalt  }
0x5b: {  	_ =	shalt  }
0x5c: {  	_ =	shalt  }
0x5d: {  	_ =	shalt  }
0x5e: {  	_ =	shalt  }
0x5f: {  	_ =	shalt  }
0x60: {  	_ =	shalt  }
0x61: {  	_ =	shalt  }
0x62: {  	_ =	shalt  }
0x63: {  	_ =	shalt  }
0x64: {  	_ =	shalt  }
0x65: {  	_ =	shalt  }
0x66: {  	_ =	shalt  }
0x67: {  	_ =	shalt  }
0x68: {  	_ =	shalt  }
0x69: {  	_ =	shalt  }
0x6a: {  	_ =	shalt  }
0x6b: {  	_ =	shalt  }
0x6c: {  	_ =	shalt  }
0x6d: {  	_ =	shalt  }
0x6e: {  	_ =	shalt  }
0x6f: {  	_ =	shalt  }
0x70: {  	_ =	shalt  }
0x71: {  	_ =	shalt  }
0x72: {  	_ =	shalt  }
0x73: {  	_ =	shalt  }
0x74: {  	_ =	shalt  }
0x75: {  	_ =	shalt  }
0x76: {  	_ =	shalt  }
0x77: {  	_ =	shalt  }
0x78: {  	_ =	shalt  }
0x79: {  	_ =	shalt  }
0x7a: {  	_ =	shalt  }
0x7b: {  	_ =	shalt  }
0x7c: {  	_ =	shalt  }
0x7d: {  	_ =	shalt  }
0x7e: {  	_ =	shalt  }
0x7f: {  	_ =	shalt  }
0x80: {  	_ =	shalt  }
0x81: {  	_ =	shalt  }
0x82: {  	_ =	shalt  }
0x83: {  	_ =	shalt  }
0x84: {  	_ =	shalt  }
0x85: {  	_ =	shalt  }
0x86: {  	_ =	shalt  }
0x87: {  	_ =	shalt  }
.Lfunc_end0:
.L_simem_size_0:
called_computation_lowered:
.L_overlay_start_0:
0x88: {  	s2 =	sld [smem:$0x3FD9]  }
0x89: {  	s3 =	sld [smem:$0x3FFE];
	_ =	sdelay $0x1  }
0x8a: {  	s1 =	srdreg.scid  }
0x8b: {  	s0 =	sand.u32 $0x1, s1  }
0x8c: {  	s14 =	sshll.u32 s0, $0xA;
	s2 =	sadd.s32 s3, s2  }
0x8d: {  	s2 =	sadd.s32 s2, s14  }
0x8e: {  	[smem:$0x3FC5] =	sst s2  }
0x8f: {  	_ = 	snop  }
0x90: {  	s2 =	sld [smem:$0x3FD0];
	_ =	sdelay $0x2  }
0x91: {  	s4 =	simm.s32 $0xA;
	s5 =	simm.s32 $0x10;
	s15 =	sld [smem:$0x3FC9]  }
0x92: {  	[smem:s5], [sflag:s4] =	dma.local [hbm:s2], $0x1  }
0x93: {  	_ =	swait.eq [sflag:s4], $0x1  }
0x94: {  	s16 =	sld [smem:$0x10];
	[sflag:s4] =	ssyncset.done $0x0  }
0x95: {  	s17 =	sld [smem:$0x11];
	[sflag:s4] =	ssyncadd.s32 $0xFFFFFFFF  }
0x96: {  	s18 =	sld [smem:$0x12];
	(tm) =	ssettm $0x1  }
0x97: {  	s6 =	sld [smem:$0x3FFB];
	_ =	sdelay $0x3  }
0x98: {  	_ =	strace s6  }
0x99: {  	s6 =	sld [smem:$0x3FFC];
	_ =	sdelay $0x3  }
0x9a: {  	_ =	strace s6  }
0x9b: {  	s6 =	sld [smem:$0x3FFD];
	_ =	sdelay $0x3  }
0x9c: {  	_ =	strace s6  }
0x9d: {  	_ =	strace $0x8FFFFFFF  }
0x9e: {  	s19 =	sld [smem:$0x3FDB];
	_ =	sdelay $0x1  }
0x9f: {  	s7 =	simm.s32 $_scs_section_size  }
0xa0: {  	s8 =	simm.s32 $_size__tile_overlayer_lowered;
	s9 =	simm.s32 $_tile_overlayer_lowered  }
0xa1: {  	s22 =	simm.s32 $0x1BFF;
	s21 =	sshll.u32 s9, $0x1;
	s6 =	sadd.s32 s7, s19  }
0xa2: {  	s10 =	simm.s32 $0x0;
	s20 =	sshll.u32 s8, $0x1;
	s8 =	sadd.s32 s21, s6  }
0xa3: {  	[timem:s10], [sflag:s22] =	dma.local [hbm:s8], s20  }
0xa4: {  	_ =	swait.ge [sflag:s22], s20  }
0xa5: {  	s7 =	ssub.s32 $0x0, s20;
	[sflag:s22] =	ssyncset.done $0x0  }
0xa6: {  	[sflag:s22] =	ssyncadd.s32 s7;
	_ =	sdelay $0x1  }
0xa7: {  	s23 =	simm.s32 $0x1B8B  }
0xa8: {  	_ =	swait.ge [sflag:s23], $0x1  }
0xa9: {  	[sflag:s23] =	ssyncset.done $0x0  }
0xaa: {  	s25 =	simm.s32 $0x1B8E;
	s24 =	sld [smem:$0x3FFE];
	[sflag:s23] =	ssyncadd.s32 $0xFFFFFFFF  }
0xab: {  	s26 =	simm.s32 $execute0_lowered;
	[smem:$0x3FD2] =	sst s25  }
0xac: {  	s8 =	sshll.u32 s26, $0x1;
	_ =	strace $0x80000046;
	[dreg:$0x1] =	wrdreg $0xFFFFFFFF  }
0xad: {  	s28 =	simm.s32 $_size_execute0_lowered;
	s6 =	sadd.s32 s6, s8;
	[dreg:$0x0] =	wrdreg $0x0  }
0xae: {  	s8 =	sshll.u32 s28, $0x1;
	[dreg:$0x2] =	wrdreg s6  }
0xaf: {  	[dreg:$0x3] =	wrdreg s8  }
0xb0: {  	[dreg:$0x4] =	wrdreg $0xC0  }
0xb1: {  	_ =	task [dreg:s10], $0x5FFFF  }
0xb2: {  	[dreg:$0x1] =	wrdreg $0xFFFFFFFF  }
0xb3: {  	[dreg:$0x0] =	wrdreg $0x60  }
0xb4: {  	[dreg:$0x2] =	wrdreg s24  }
0xb5: {  	[dreg:$0x3] =	wrdreg s18  }
0xb6: {  	[dreg:$0x4] =	wrdreg s15  }
0xb7: {  	[dreg:$0x5] =	wrdreg s17  }
0xb8: {  	[dreg:$0x6] =	wrdreg s16  }
0xb9: {  	[dreg:$0x7] =	wrdreg $0x9  }
0xba: {  	_ =	task.clear_ibuf [dreg:s10], $0x8FFFF;
	_ =	strace $0x90000046  }
0xbb: {  	s29 =	simm.s32 $0x9;
	_ =	strace $0x80000048  }
0xbc: {  	_ =	swait.ge [sflag:s29], $0x1  }
0xbd: {  	[sflag:s29] =	ssyncadd.s32 $0xFFFFFFFF  }
0xbe: {  	_ =	strace $0x90000048  }
0xbf: {  	_ =	sfence  }
0xc0: {  	s30 =	sld [smem:$0x0];
	_ =	sdelay $0x2  }
0xc1: {  	s31 =	sshll.u32 s1, $0xD;
	s1 =	sshrl.u32 s1, $0x2  }
0xc2: {  	s3 =	sand.u32 $0x4000, s31;
	s1 =	sadd.s32 s1, s30  }
0xc3: {  	s0 =	sor.u32 s3, s0;
	s1 =	sshll.u32 s1, $0x11  }
0xc4: {  	s0 =	sor.u32 s1, s0  }
0xc5: {  	s0 =	sadd.s32 $0x8F2B, s0  }
0xc6: {  	[sflag:s0] =	ssyncadd.remote.s32 $0x1  }
0xc7: {  	_ =	sfence.sel $0xFFFF  }
0xc8: {  	[dreg:$0x0] =	wrdreg $0xFFFFFFFF;
	(pc) =	sbr.abs _section_cstart, $3  }
0xc9: {  	[dreg:$0x1] =	wrdreg $0xFFFFFFFF  }
0xca: {  	_ =	task.clear_ibuf [dreg:s10], $0x2FFFF;
	_ =	strace $0x9FFFFFFF  }
0xcb: {  	(tm) =	ssettm $0x7FFFFFFF  }
tec
execute0_lowered:
.L_overlay_start_1:
0x0: {  	(tag) =	ssettag $0x1  }
0x1: {  	s0 =	rddreg [dreg:$0x0]  }
0x2: {  	s11 =	rddreg [dreg:$0x1]  }
0x3: {  	s17 =	rddreg [dreg:$0x2]  }
0x4: {  	s12 =	rddreg [dreg:$0x3];
	s2 =	srdreg.scid  }
0x5: {  	s1 =	stileid.u32;
	s18 =	rddreg [dreg:$0x4];
	s3 =	simm.s32 $0x0  }
0x6: {  	s23 =	simm.s32 $0x1B900;
	s24 =	simm.s32 $0x1D200;
	s25 =	simm.s32 $0x1D280  }
0x7: {  	s26 =	simm.s32 $0x0;
	s5 =	sand.u32 $0x1, s2;
	s2 =	rddreg [dreg:$0x5]  }
0x8: {  	s4 =	sshll.u32 s1, $0x1;
	[smem:$0x7FF] =	sst s3;
	s16 =	sadd.s32 $0x6400, s0  }
0x9: {  	s15 =	sor.u32 s5, s4;
	_ =	strace $0x80000047;
	s5 =	ssub.s32 $0x2, s5  }
0xa: {  	s6 =	smul.u32 $0x6400, s15;
	s7 =	sshrl.u32 s5, $0x1;
	s22 =	sshll.u32 s15, $0x4  }
0xb: {  	s4 =	sadd.s32 $0x3200, s0;
	s19 =	ssub.s32 s5, s7;
	s17 =	sadd.s32 s17, s22  }
0xc: {  	s18 =	sadd.s32 s18, s22;
	s22 =	simm.s32 $0x1A000;
	s13 =	sshrl.u32 s6, $0x3  }
0xd: {  	s19 =	smax.u32 s19, $0x1;
	s5 =	sadd.s32 s11, s13;
	s14 =	sadd.s32 $0x320, s13  }
0xe: {  	v0 =	vimm.s32 $0xC350;
	s6 =	sadd.s32 s12, s13;
	s20 =	sadd.s32 $0x640, s13;
	s21 =	sadd.s32 $0x960, s13  }
0xf: {  	s13 =	sadd.s32 s16, s13;
	s7 =	sadd.s32 s11, s14;
	s8 =	sadd.s32 s12, s14  }
0x10: {  	s9 =	sadd.s32 s11, s20;
	s10 =	sadd.s32 s12, s20;
	s11 =	sadd.s32 s11, s21  }
0x11: {  	s12 =	sadd.s32 s12, s21;
	s14 =	sadd.s32 s16, s14;
	s15 =	sadd.s32 s16, s20  }
0x12: {  	v1 =	vimm.s32 $0x0;
	v2 =	vimm.s32 $0x61A8;
	s16 =	sadd.s32 s16, s21;
	s20 =	simm.s32 $0x1;
	s21 =	simm.s32 $0x18700  }
.LBB2_1:
0x13: {  	[tilespmem:s3], [sflag:$0x1] =	stream.linear.gather [hbm4b:s4+s3], $0x18700, $0x38;
	[tilespmem:$0x1D300] =	vst v63  }
0x14: {  	_ =	swait.ge [sflag:s20], $0x18700  }
0x15: {  	[sflag:s20] =	ssyncset.done $0x0  }
0x16: {  	[sflag:s20] =	ssyncadd.s32 $0xFFFE7900  }
0x17: {  	[tilespmem:s21], [sflag:$0x1] =	stream.linear.gather [hbm4b:s5+s3], $0x1900, $0x38;
	[tilespmem:$0x1D300] =	vst v63  }
0x18: {  	_ =	swait.ge [sflag:s20], $0x1900  }
0x19: {  	[sflag:s20] =	ssyncset.done $0x0  }
0x1a: {  	s28 =	simm.s32 $0x0;
	[sflag:s20] =	ssyncadd.s32 $0xFFFFE700  }
.LBB2_2:
0x1b: {  	s29 =	sshra.s32 s28, $0x2;
	v7 =	vld.idx.msk [tilespmem:v0+s3+$0x0], $0xffff  }
0x1c: {  	v5 =	vld [tilespmem:s29+$0x18700]  }
0x1d: {  	v4 =	vld [tilespmem:s29+$0x18710]  }
0x1e: {  	v6 =	vld [tilespmem:s29+$0x18720];
	_ =	sdelay $0x2  }
0x1f: {  	vm0 =	vlt.f32 v7, v5  }
0x20: {  	vm1 =	vlt.f32 v7, v4;
	v8 =	vsel vm0, $0x124F9, v2  }
0x21: {  	vm12 =	vlt.f32 v7, v6;
	v9 =	vsel vm1, $0x124F9, v2  }
0x22: {  	v3 =	vld [tilespmem:s29+$0x18730];
	v54 =	vsel vm12, $0x124F9, v2;
	_ =	sdelay $0x2  }
0x23: {  	v10 =	vld.idx.msk [tilespmem:v8+s3+$0x0], $0xffff  }
0x24: {  	v11 =	vld.idx.msk [tilespmem:v9+s3+$0x0], $0xffff  }
0x25: {  	vm13 =	vlt.f32 v7, v3;
	v16 =	vld.idx.msk [tilespmem:v54+s3+$0x0], $0xffff  }
0x26: {  	v12 =	vsel vm0, $0xC351, v1;
	v13 =	vsel vm0, $0x186A1, v0;
	v14 =	vsel vm1, $0xC351, v1  }
0x27: {  	v15 =	vsel vm1, $0x186A1, v0;
	v57 =	vsel vm13, $0x124F9, v2;
	v17 =	vsel vm12, $0xC351, v1  }
0x28: {  	v18 =	vsel vm12, $0x186A1, v0;
	v53 =	vadd.s32 $0x1, v8;
	v55 =	vadd.s32 $0x1, v9  }
0x29: {  	v20 =	vadd.s32 $0x1, v54;
	vm2 =	vlt.f32 v10, v5;
	vm3 =	vlt.f32 v11, v4  }
0x2a: {  	vm14 =	vlt.f32 v16, v6;
	v8 =	vsel vm2, v13, v8;
	v7 =	vsel vm2, v53, v12  }
0x2b: {  	v11 =	vsel vm3, v55, v14;
	v9 =	vsel vm3, v15, v9;
	v10 =	vsel vm14, v18, v54  }
0x2c: {  	v17 =	vsel vm14, v20, v17;
	v56 =	vadd.s32 $0xFFFFFFFF, v8;
	v15 =	vadd.s32 $0xFFFFFFFF, v9  }
0x2d: {  	v21 =	vadd.s32 $0xFFFFFFFF, v10;
	v58 =	vxor.u32 v56, v7;
	v12 =	vor.u32 v56, v7  }
0x2e: {  	v59 =	vxor.u32 v15, v11;
	v22 =	vxor.u32 v21, v17;
	v14 =	vshrl.u32 v58, $0x1  }
0x2f: {  	v25 =	vor.u32 v21, v17;
	v26 =	vshrl.u32 v22, $0x1;
	v12 =	vsub.s32 v12, v14  }
0x30: {  	v60 =	vld.idx.msk [tilespmem:v57+s3+$0x0], $0xffff;
	v15 =	vor.u32 v15, v11;
	v14 =	vshrl.u32 v59, $0x1;
	v18 =	vsub.s32 v25, v26  }
0x31: {  	v14 =	vsub.s32 v15, v14;
	_ =	sdelay $0x2  }
0x32: {  	v61 =	vld.idx.msk [tilespmem:v12+s3+$0x0], $0xffff  }
0x33: {  	v62 =	vsel vm13, $0x186A1, v0;
	vm15 =	vlt.f32 v60, v3;
	v32 =	vld.idx.msk [tilespmem:v18+s3+$0x0], $0xffff  }
0x34: {  	v19 =	vsel vm13, $0xC351, v1;
	v24 =	vadd.s32 $0x1, v57;
	v13 =	vsel vm15, v62, v57;
	v63 =	vld.idx.msk [tilespmem:v14+s3+$0x0], $0xffff  }
0x35: {  	v28 =	vadd.s32 $0xFFFFFFFF, v13;
	v15 =	vsel vm15, v24, v19  }
0x36: {  	v27 =	vadd.s32 $0x1, v12;
	v37 =	vadd.s32 $0x1, v18;
	v29 =	vxor.u32 v28, v15  }
0x37: {  	v30 =	vadd.s32 $0x1, v14;
	v16 =	vor.u32 v28, v15;
	vm4 =	vlt.f32 v61, v5  }
0x38: {  	vm6 =	vlt.f32 v32, v6;
	v7 =	vsel vm4, v27, v7;
	v8 =	vsel vm4, v8, v12  }
0x39: {  	vm5 =	vlt.f32 v63, v4;
	v12 =	vshrl.u32 v29, $0x1;
	v10 =	vsel vm6, v10, v18  }
0x3a: {  	v11 =	vsel vm5, v30, v11;
	v12 =	vsub.s32 v16, v12;
	v31 =	vxor.u32 v8, v7  }
0x3b: {  	v9 =	vsel vm5, v9, v14;
	v33 =	vand.u32 v8, v7;
	v16 =	vshrl.u32 v31, $0x1  }
0x3c: {  	v14 =	vsel vm6, v37, v17;
	v34 =	vxor.u32 v9, v11;
	v16 =	vadd.s32 v16, v33  }
0x3d: {  	v35 =	vand.u32 v9, v11;
	v18 =	vxor.u32 v10, v14;
	v19 =	vshrl.u32 v34, $0x1  }
0x3e: {  	v40 =	vand.u32 v10, v14;
	v18 =	vshrl.u32 v18, $0x1;
	v19 =	vadd.s32 v19, v35  }
0x3f: {  	v18 =	vadd.s32 v18, v40  }
0x40: {  	v36 =	vld.idx.msk [tilespmem:v12+s3+$0x0], $0xffff  }
0x41: {  	v38 =	vld.idx.msk [tilespmem:v16+s3+$0x0], $0xffff;
	_ =	sdelay $0x1  }
0x42: {  	v39 =	vld.idx.msk [tilespmem:v19+s3+$0x0], $0xffff  }
0x43: {  	v41 =	vadd.s32 $0x1, v12;
	v42 =	vadd.s32 $0x1, v16;
	v46 =	vld.idx.msk [tilespmem:v18+s3+$0x0], $0xffff  }
0x44: {  	v45 =	vadd.s32 $0x1, v19;
	v48 =	vadd.s32 $0x1, v18;
	vm7 =	vlt.f32 v36, v3  }
0x45: {  	v15 =	vsel vm7, v41, v15;
	v12 =	vsel vm7, v13, v12;
	vm8 =	vlt.f32 v38, v5  }
0x46: {  	v43 =	vxor.u32 v12, v15;
	v44 =	vand.u32 v12, v15;
	v7 =	vsel vm8, v42, v7  }
0x47: {  	v8 =	vsel vm8, v8, v16;
	vm9 =	vlt.f32 v39, v4;
	v13 =	vshrl.u32 v43, $0x1  }
0x48: {  	vm10 =	vlt.f32 v46, v6;
	v13 =	vadd.s32 v13, v44;
	v47 =	vadd.s32 v8, v7  }
0x49: {  	v11 =	vsel vm9, v45, v11;
	v9 =	vsel vm9, v9, v19;
	v16 =	vshrl.u32 v47, $0x1  }
0x4a: {  	v14 =	vsel vm10, v48, v14;
	v10 =	vsel vm10, v10, v18;
	v17 =	vadd.s32 v9, v11  }
0x4b: {  	v19 =	vadd.s32 v10, v14;
	v17 =	vshrl.u32 v17, $0x1  }
0x4c: {  	v19 =	vshrl.u32 v19, $0x1  }
0x4d: {  	v49 =	vld.idx.msk [tilespmem:v13+s3+$0x0], $0xffff  }
0x4e: {  	v50 =	vld.idx.msk [tilespmem:v16+s3+$0x0], $0xffff;
	_ =	sdelay $0x1  }
0x4f: {  	v51 =	vld.idx.msk [tilespmem:v17+s3+$0x0], $0xffff  }
0x50: {  	v54 =	vld.idx.msk [tilespmem:v19+s3+$0x0], $0xffff  }
0x51: {  	v52 =	vadd.s32 $0x1, v13;
	v53 =	vadd.s32 $0x1, v16;
	v56 =	vadd.s32 $0x1, v17  }
0x52: {  	v59 =	vadd.s32 $0x1, v19;
	vm11 =	vlt.f32 v49, v3;
	vm12 =	vlt.f32 v50, v5  }
0x53: {  	v15 =	vsel vm11, v52, v15;
	v12 =	vsel vm11, v12, v13;
	v7 =	vsel vm12, v53, v7  }
0x54: {  	v8 =	vsel vm12, v8, v16;
	vm13 =	vlt.f32 v51, v4;
	v55 =	vadd.s32 v12, v15  }
0x55: {  	vm14 =	vlt.f32 v54, v6;
	v16 =	vshrl.u32 v55, $0x1;
	v57 =	vadd.s32 v8, v7  }
0x56: {  	v11 =	vsel vm13, v56, v11;
	v9 =	vsel vm13, v9, v17;
	v58 =	vshrl.u32 v57, $0x1  }
0x57: {  	v13 =	vsel vm14, v59, v14;
	v10 =	vsel vm14, v10, v19;
	v18 =	vadd.s32 v9, v11  }
0x58: {  	v62 =	vadd.s32 v10, v13;
	v18 =	vshrl.u32 v18, $0x1  }
0x59: {  	v20 =	vshrl.u32 v62, $0x1  }
0x5a: {  	v60 =	vld.idx.msk [tilespmem:v16+s3+$0x0], $0xffff  }
0x5b: {  	v61 =	vld.idx.msk [tilespmem:v58+s3+$0x0], $0xffff;
	_ =	sdelay $0x1  }
0x5c: {  	v63 =	vld.idx.msk [tilespmem:v18+s3+$0x0], $0xffff  }
0x5d: {  	v26 =	vld.idx.msk [tilespmem:v20+s3+$0x0], $0xffff  }
0x5e: {  	v24 =	vadd.s32 $0x1, v16;
	v25 =	vadd.s32 $0x1, v58;
	v27 =	vadd.s32 $0x1, v18  }
0x5f: {  	v29 =	vadd.s32 $0x1, v20;
	vm15 =	vlt.f32 v60, v3;
	vm4 =	vlt.f32 v61, v5  }
0x60: {  	v14 =	vsel vm15, v24, v15;
	v12 =	vsel vm15, v12, v16;
	v7 =	vsel vm4, v25, v7  }
0x61: {  	v8 =	vsel vm4, v8, v58;
	vm5 =	vlt.f32 v63, v4;
	v16 =	vadd.s32 v12, v14  }
0x62: {  	vm6 =	vlt.f32 v26, v6;
	v16 =	vshrl.u32 v16, $0x1;
	v19 =	vadd.s32 v8, v7  }
0x63: {  	v11 =	vsel vm5, v27, v11;
	v9 =	vsel vm5, v9, v18;
	v28 =	vshrl.u32 v19, $0x1  }
0x64: {  	v13 =	vsel vm6, v29, v13;
	v10 =	vsel vm6, v10, v20;
	v18 =	vadd.s32 v9, v11  }
0x65: {  	v31 =	vadd.s32 v10, v13;
	v18 =	vshrl.u32 v18, $0x1  }
0x66: {  	v19 =	vshrl.u32 v31, $0x1  }
0x67: {  	v30 =	vld.idx.msk [tilespmem:v16+s3+$0x0], $0xffff  }
0x68: {  	v32 =	vld.idx.msk [tilespmem:v28+s3+$0x0], $0xffff;
	_ =	sdelay $0x1  }
0x69: {  	v33 =	vld.idx.msk [tilespmem:v18+s3+$0x0], $0xffff  }
0x6a: {  	v36 =	vld.idx.msk [tilespmem:v19+s3+$0x0], $0xffff  }
0x6b: {  	v34 =	vadd.s32 $0x1, v16;
	v35 =	vadd.s32 $0x1, v28;
	v37 =	vadd.s32 $0x1, v18  }
0x6c: {  	v39 =	vadd.s32 $0x1, v19;
	vm7 =	vlt.f32 v30, v3;
	vm8 =	vlt.f32 v32, v5  }
0x6d: {  	v14 =	vsel vm7, v34, v14;
	v12 =	vsel vm7, v12, v16;
	v7 =	vsel vm8, v35, v7  }
0x6e: {  	v8 =	vsel vm8, v8, v28;
	vm9 =	vlt.f32 v33, v4;
	v15 =	vadd.s32 v12, v14  }
0x6f: {  	vm10 =	vlt.f32 v36, v6;
	v15 =	vshrl.u32 v15, $0x1;
	v17 =	vadd.s32 v8, v7  }
0x70: {  	v11 =	vsel vm9, v37, v11;
	v9 =	vsel vm9, v9, v18;
	v38 =	vshrl.u32 v17, $0x1  }
0x71: {  	v13 =	vsel vm10, v39, v13;
	v10 =	vsel vm10, v10, v19;
	v18 =	vadd.s32 v9, v11  }
0x72: {  	v41 =	vadd.s32 v10, v13;
	v40 =	vshrl.u32 v18, $0x1  }
0x73: {  	v18 =	vshrl.u32 v41, $0x1  }
0x74: {  	v42 =	vld.idx.msk [tilespmem:v15+s3+$0x0], $0xffff  }
0x75: {  	v43 =	vld.idx.msk [tilespmem:v38+s3+$0x0], $0xffff;
	_ =	sdelay $0x1  }
0x76: {  	v44 =	vld.idx.msk [tilespmem:v40+s3+$0x0], $0xffff  }
0x77: {  	v45 =	vld.idx.msk [tilespmem:v18+s3+$0x0], $0xffff  }
0x78: {  	v46 =	vadd.s32 $0x1, v15;
	v47 =	vadd.s32 $0x1, v38;
	v48 =	vadd.s32 $0x1, v40  }
0x79: {  	v51 =	vadd.s32 $0x1, v18;
	vm11 =	vlt.f32 v42, v3;
	vm12 =	vlt.f32 v43, v5  }
0x7a: {  	v14 =	vsel vm11, v46, v14;
	v12 =	vsel vm11, v12, v15;
	v7 =	vsel vm12, v47, v7  }
0x7b: {  	vm13 =	vlt.f32 v44, v4;
	v49 =	vadd.s32 v12, v14;
	v8 =	vsel vm12, v8, v38  }
0x7c: {  	vm14 =	vlt.f32 v45, v6;
	v11 =	vsel vm13, v48, v11;
	v50 =	vshrl.u32 v49, $0x1  }
0x7d: {  	v9 =	vsel vm13, v9, v40;
	v16 =	vadd.s32 v8, v7;
	v13 =	vsel vm14, v51, v13  }
0x7e: {  	v10 =	vsel vm14, v10, v18;
	v16 =	vshrl.u32 v16, $0x1;
	v52 =	vadd.s32 v9, v11  }
0x7f: {  	v18 =	vadd.s32 v10, v13;
	v53 =	vshrl.u32 v52, $0x1  }
0x80: {  	v18 =	vshrl.u32 v18, $0x1  }
0x81: {  	v54 =	vld.idx.msk [tilespmem:v50+s3+$0x0], $0xffff;
	_ =	sdelay $0x1  }
0x82: {  	v55 =	vld.idx.msk [tilespmem:v16+s3+$0x0], $0xffff  }
0x83: {  	v56 =	vld.idx.msk [tilespmem:v53+s3+$0x0], $0xffff  }
0x84: {  	v58 =	vld.idx.msk [tilespmem:v18+s3+$0x0], $0xffff  }
0x85: {  	v57 =	vadd.s32 $0x1, v50;
	v59 =	vadd.s32 $0x1, v16;
	vm15 =	vlt.f32 v54, v3  }
0x86: {  	v60 =	vadd.s32 $0x1, v53;
	v14 =	vsel vm15, v57, v14;
	v12 =	vsel vm15, v12, v50  }
0x87: {  	v61 =	vadd.s32 $0x1, v18;
	vm4 =	vlt.f32 v55, v5;
	v19 =	vadd.s32 v12, v14  }
0x88: {  	vm5 =	vlt.f32 v56, v4;
	v7 =	vsel vm4, v59, v7;
	v8 =	vsel vm4, v8, v16  }
0x89: {  	vm6 =	vlt.f32 v58, v6;
	v19 =	vshrl.u32 v19, $0x1;
	v11 =	vsel vm5, v60, v11  }
0x8a: {  	v9 =	vsel vm5, v9, v53;
	v15 =	vadd.s32 v8, v7;
	v13 =	vsel vm6, v61, v13  }
0x8b: {  	v10 =	vsel vm6, v10, v18;
	v15 =	vshrl.u32 v15, $0x1;
	v17 =	vadd.s32 v9, v11  }
0x8c: {  	v18 =	vadd.s32 v10, v13;
	v62 =	vshrl.u32 v17, $0x1  }
0x8d: {  	v18 =	vshrl.u32 v18, $0x1  }
0x8e: {  	v63 =	vld.idx.msk [tilespmem:v19+s3+$0x0], $0xffff;
	_ =	sdelay $0x1  }
0x8f: {  	v24 =	vld.idx.msk [tilespmem:v15+s3+$0x0], $0xffff  }
0x90: {  	v25 =	vld.idx.msk [tilespmem:v62+s3+$0x0], $0xffff  }
0x91: {  	v27 =	vld.idx.msk [tilespmem:v18+s3+$0x0], $0xffff  }
0x92: {  	v26 =	vadd.s32 $0x1, v19;
	v28 =	vadd.s32 $0x1, v15;
	vm7 =	vlt.f32 v63, v3  }
0x93: {  	v29 =	vadd.s32 $0x1, v62;
	v14 =	vsel vm7, v26, v14;
	v12 =	vsel vm7, v12, v19  }
0x94: {  	v30 =	vadd.s32 $0x1, v18;
	vm8 =	vlt.f32 v24, v5;
	v19 =	vadd.s32 v12, v14  }
0x95: {  	vm9 =	vlt.f32 v25, v4;
	v7 =	vsel vm8, v28, v7;
	v19 =	vshrl.u32 v19, $0x1  }
0x96: {  	v8 =	vsel vm8, v8, v15;
	vm10 =	vlt.f32 v27, v6;
	v11 =	vsel vm9, v29, v11  }
0x97: {  	v9 =	vsel vm9, v9, v62;
	v15 =	vadd.s32 v8, v7;
	v13 =	vsel vm10, v30, v13  }
0x98: {  	v10 =	vsel vm10, v10, v18;
	v15 =	vshrl.u32 v15, $0x1;
	v31 =	vadd.s32 v9, v11  }
0x99: {  	v18 =	vadd.s32 v10, v13;
	v17 =	vshrl.u32 v31, $0x1  }
0x9a: {  	v18 =	vshrl.u32 v18, $0x1;
	v32 =	vld.idx.msk [tilespmem:v19+s3+$0x0], $0xffff;
	_ =	sdelay $0x2  }
0x9b: {  	v33 =	vld.idx.msk [tilespmem:v15+s3+$0x0], $0xffff  }
0x9c: {  	v35 =	vld.idx.msk [tilespmem:v17+s3+$0x0], $0xffff  }
0x9d: {  	v34 =	vadd.s32 $0x1, v19;
	v36 =	vld.idx.msk [tilespmem:v18+s3+$0x0], $0xffff;
	vm11 =	vlt.f32 v32, v3  }
0x9e: {  	v14 =	vsel vm11, v34, v14;
	v12 =	vsel vm11, v12, v19  }
0x9f: {  	v37 =	vadd.s32 $0x1, v15;
	v19 =	vadd.s32 v12, v14  }
0xa0: {  	v38 =	vadd.s32 $0x1, v17;
	vm12 =	vlt.f32 v33, v5;
	v19 =	vshrl.u32 v19, $0x1  }
0xa1: {  	v39 =	vadd.s32 $0x1, v18;
	vm13 =	vlt.f32 v35, v4;
	v7 =	vsel vm12, v37, v7  }
0xa2: {  	v8 =	vsel vm12, v8, v15;
	vm14 =	vlt.f32 v36, v6;
	v11 =	vsel vm13, v38, v11  }
0xa3: {  	v9 =	vsel vm13, v9, v17;
	v15 =	vadd.s32 v8, v7;
	v13 =	vsel vm14, v39, v13  }
0xa4: {  	v10 =	vsel vm14, v10, v18;
	v15 =	vshrl.u32 v15, $0x1;
	v41 =	vadd.s32 v9, v11  }
0xa5: {  	v18 =	vadd.s32 v10, v13;
	v42 =	vshrl.u32 v41, $0x1;
	v40 =	vld.idx.msk [tilespmem:v19+s3+$0x0], $0xffff  }
0xa6: {  	v18 =	vshrl.u32 v18, $0x1;
	_ =	sdelay $0x2  }
0xa7: {  	v44 =	vld.idx.msk [tilespmem:v15+s3+$0x0], $0xffff  }
0xa8: {  	v43 =	vadd.s32 $0x1, v19;
	v45 =	vld.idx.msk [tilespmem:v42+s3+$0x0], $0xffff;
	vm15 =	vlt.f32 v40, v3  }
0xa9: {  	v46 =	vld.idx.msk [tilespmem:v18+s3+$0x0], $0xffff;
	v14 =	vsel vm15, v43, v14;
	v12 =	vsel vm15, v12, v19  }
0xaa: {  	v19 =	vadd.s32 v12, v14  }
0xab: {  	v19 =	vshrl.u32 v19, $0x1  }
0xac: {  	v47 =	vadd.s32 $0x1, v15;
	v48 =	vadd.s32 $0x1, v42;
	vm4 =	vlt.f32 v44, v5  }
0xad: {  	v51 =	vadd.s32 $0x1, v18;
	vm5 =	vlt.f32 v45, v4;
	v7 =	vsel vm4, v47, v7  }
0xae: {  	v8 =	vsel vm4, v8, v15;
	vm6 =	vlt.f32 v46, v6;
	v11 =	vsel vm5, v48, v11  }
0xaf: {  	v9 =	vsel vm5, v9, v42;
	v50 =	vadd.s32 v8, v7;
	v13 =	vsel vm6, v51, v13  }
0xb0: {  	v10 =	vsel vm6, v10, v18;
	v16 =	vshrl.u32 v50, $0x1;
	v52 =	vadd.s32 v9, v11;
	v49 =	vld.idx.msk [tilespmem:v19+s3+$0x0], $0xffff  }
0xb1: {  	v18 =	vadd.s32 v10, v13;
	v53 =	vshrl.u32 v52, $0x1  }
0xb2: {  	v18 =	vshrl.u32 v18, $0x1;
	_ =	sdelay $0x2  }
0xb3: {  	v54 =	vadd.s32 $0x1, v19;
	v55 =	vld.idx.msk [tilespmem:v16+s3+$0x0], $0xffff;
	vm7 =	vlt.f32 v49, v3  }
0xb4: {  	v56 =	vld.idx.msk [tilespmem:v53+s3+$0x0], $0xffff;
	v14 =	vsel vm7, v54, v14;
	v12 =	vsel vm7, v12, v19  }
0xb5: {  	v58 =	vld.idx.msk [tilespmem:v18+s3+$0x0], $0xffff;
	v57 =	vadd.s32 v12, v14  }
0xb6: {  	v20 =	vshrl.u32 v57, $0x1;
	_ =	sdelay $0x1  }
0xb7: {  	v59 =	vadd.s32 $0x1, v16;
	v60 =	vadd.s32 $0x1, v53;
	vm8 =	vlt.f32 v55, v5  }
0xb8: {  	v62 =	vadd.s32 $0x1, v18;
	vm9 =	vlt.f32 v56, v4;
	v7 =	vsel vm8, v59, v7  }
0xb9: {  	v8 =	vsel vm8, v8, v16;
	vm10 =	vlt.f32 v58, v6;
	v11 =	vsel vm9, v60, v11  }
0xba: {  	v9 =	vsel vm9, v9, v53;
	v16 =	vadd.s32 v8, v7;
	v13 =	vsel vm10, v62, v13;
	v61 =	vld.idx.msk [tilespmem:v20+s3+$0x0], $0xffff  }
0xbb: {  	v10 =	vsel vm10, v10, v18;
	v16 =	vshrl.u32 v16, $0x1;
	v19 =	vadd.s32 v9, v11  }
0xbc: {  	v18 =	vadd.s32 v10, v13;
	v63 =	vshrl.u32 v19, $0x1  }
0xbd: {  	v18 =	vshrl.u32 v18, $0x1;
	_ =	sdelay $0x1  }
0xbe: {  	v23 =	vadd.s32 $0x1, v20;
	vm11 =	vlt.f32 v61, v3  }
0xbf: {  	v24 =	vld.idx.msk [tilespmem:v16+s3+$0x0], $0xffff;
	v14 =	vsel vm11, v23, v14;
	v12 =	vsel vm11, v12, v20  }
0xc0: {  	v26 =	vld.idx.msk [tilespmem:v63+s3+$0x0], $0xffff;
	v25 =	vadd.s32 v12, v14  }
0xc1: {  	v27 =	vld.idx.msk [tilespmem:v18+s3+$0x0], $0xffff;
	v19 =	vshrl.u32 v25, $0x1;
	_ =	sdelay $0x2  }
0xc2: {  	v28 =	vadd.s32 $0x1, v16;
	v29 =	vadd.s32 $0x1, v63;
	vm12 =	vlt.f32 v24, v5  }
0xc3: {  	v31 =	vadd.s32 $0x1, v18;
	vm13 =	vlt.f32 v26, v4;
	v7 =	vsel vm12, v28, v7  }
0xc4: {  	v8 =	vsel vm12, v8, v16;
	vm14 =	vlt.f32 v27, v6;
	v11 =	vsel vm13, v29, v11;
	v30 =	vld.idx.msk [tilespmem:v19+s3+$0x0], $0xffff  }
0xc5: {  	v9 =	vsel vm13, v9, v63;
	v15 =	vadd.s32 v8, v7;
	v13 =	vsel vm14, v31, v13  }
0xc6: {  	v10 =	vsel vm14, v10, v18;
	v15 =	vshrl.u32 v15, $0x1;
	v17 =	vadd.s32 v9, v11  }
0xc7: {  	v18 =	vadd.s32 v10, v13;
	v32 =	vshrl.u32 v17, $0x1  }
0xc8: {  	v34 =	vshrl.u32 v18, $0x1  }
0xc9: {  	v33 =	vadd.s32 $0x1, v19;
	vm15 =	vlt.f32 v30, v3  }
0xca: {  	v14 =	vsel vm15, v33, v14;
	v12 =	vsel vm15, v12, v19  }
0xcb: {  	v36 =	vld.idx.msk [tilespmem:v15+s3+$0x0], $0xffff;
	v35 =	vadd.s32 v12, v14  }
0xcc: {  	v37 =	vld.idx.msk [tilespmem:v32+s3+$0x0], $0xffff;
	v18 =	vshrl.u32 v35, $0x1  }
0xcd: {  	v38 =	vld.idx.msk [tilespmem:v34+s3+$0x0], $0xffff;
	_ =	sdelay $0x2  }
0xce: {  	v40 =	vadd.s32 $0x1, v15;
	v41 =	vadd.s32 $0x1, v32;
	vm4 =	vlt.f32 v36, v5  }
0xcf: {  	v42 =	vadd.s32 $0x1, v34;
	vm5 =	vlt.f32 v37, v4;
	v7 =	vsel vm4, v40, v7;
	v39 =	vld.idx.msk [tilespmem:v18+s3+$0x0], $0xffff  }
0xd0: {  	v8 =	vsel vm4, v8, v15;
	vm6 =	vlt.f32 v38, v6;
	v11 =	vsel vm5, v41, v11  }
0xd1: {  	v43 =	vadd.s32 v8, v7;
	v9 =	vsel vm5, v9, v32;
	v13 =	vsel vm6, v42, v13  }
0xd2: {  	v10 =	vsel vm6, v10, v34;
	v44 =	vshrl.u32 v43, $0x1;
	v16 =	vadd.s32 v9, v11  }
0xd3: {  	v46 =	vadd.s32 v10, v13;
	v16 =	vshrl.u32 v16, $0x1  }
0xd4: {  	v45 =	vadd.s32 $0x1, v18;
	v47 =	vshrl.u32 v46, $0x1;
	vm7 =	vlt.f32 v39, v3  }
0xd5: {  	v14 =	vsel vm7, v45, v14;
	v12 =	vsel vm7, v12, v18  }
0xd6: {  	v18 =	vadd.s32 v12, v14  }
0xd7: {  	v48 =	vld.idx.msk [tilespmem:v44+s3+$0x0], $0xffff;
	v18 =	vshrl.u32 v18, $0x1  }
0xd8: {  	v49 =	vld.idx.msk [tilespmem:v16+s3+$0x0], $0xffff  }
0xd9: {  	v50 =	vld.idx.msk [tilespmem:v47+s3+$0x0], $0xffff;
	_ =	sdelay $0x2  }
0xda: {  	v51 =	vadd.s32 $0x1, v44;
	v53 =	vadd.s32 $0x1, v16;
	vm8 =	vlt.f32 v48, v5;
	v52 =	vld.idx.msk [tilespmem:v18+s3+$0x0], $0xffff  }
0xdb: {  	v54 =	vadd.s32 $0x1, v47;
	v7 =	vsel vm8, v51, v7;
	vm9 =	vlt.f32 v49, v4  }
0xdc: {  	v8 =	vsel vm8, v8, v44;
	vm10 =	vlt.f32 v50, v6;
	v11 =	vsel vm9, v53, v11  }
0xdd: {  	v9 =	vsel vm9, v9, v16;
	v13 =	vsel vm10, v54, v13;
	v8 =	vadd.s32 v8, v7  }
0xde: {  	v10 =	vsel vm10, v10, v47;
	v55 =	vadd.s32 $0x1, v18;
	v8 =	vshrl.u32 v8, $0x1  }
0xdf: {  	v9 =	vadd.s32 v9, v11;
	v10 =	vadd.s32 v10, v13;
	vm11 =	vlt.f32 v52, v3  }
0xe0: {  	v9 =	vshrl.u32 v9, $0x1;
	v14 =	vsel vm11, v55, v14;
	v12 =	vsel vm11, v12, v18  }
0xe1: {  	v10 =	vshrl.u32 v10, $0x1;
	v12 =	vadd.s32 v12, v14  }
0xe2: {  	v12 =	vshrl.u32 v12, $0x1;
	_ =	sdelay $0x1  }
0xe3: {  	v56 =	vld.idx.msk [tilespmem:v8+s3+$0x0], $0xffff  }
0xe4: {  	v57 =	vld.idx.msk [tilespmem:v9+s3+$0x0], $0xffff  }
0xe5: {  	v58 =	vld.idx.msk [tilespmem:v10+s3+$0x0], $0xffff  }
0xe6: {  	v59 =	vld.idx.msk [tilespmem:v12+s3+$0x0], $0xffff;
	_ =	sdelay $0x1  }
0xe7: {  	p0 =	sne.s32 s28, $0x6300;
	v60 =	vadd.s32 $0x1, v8;
	vm12 =	vlt.f32 v56, v5  }
.Ltmp0:
0xe8: {  	v61 =	vadd.s32 $0x1, v9;
	v5 =	vsel vm12, v60, v7;
	vm13 =	vlt.f32 v57, v4;
	(pc) =	sbr.rel @p0 .LBB2_2-.Ltmp0, $4  }
0xe9: {  	v62 =	vadd.s32 $0x1, v10;
	vm14 =	vlt.f32 v58, v6;
	v4 =	vsel vm13, v61, v11;
	[tilespmem:s29+$0x1A000] =	vst v5  }
0xea: {  	v63 =	vsel vm14, v62, v13;
	[tilespmem:s29+$0x1A010] =	vst v4;
	vm15 =	vlt.f32 v59, v3;
	v3 =	vadd.s32 $0x1, v12  }
0xeb: {  	[tilespmem:s29+$0x1A020] =	vst v63;
	v3 =	vsel vm15, v3, v14  }
0xec: {  	s28 =	sadd.s32 $0x100, s28;
	[tilespmem:s29+$0x1A030] =	vst v3  }
0xed: {  	s28 =	simm.s32 $0x0  }
0xee: {  	[hbm4b:s6+s28] =	stream.linear.scatter [tilespmem:s22], [sflag:$0x1], $0x1900, $0x38;
	[tilespmem:$0x1D300] =	vst v63  }
0xef: {  	_ =	swait.ge [sflag:s20], $0x1900  }
0xf0: {  	[sflag:s20] =	ssyncset.done $0x0  }
0xf1: {  	[sflag:s20] =	ssyncadd.s32 $0xFFFFE700  }
0xf2: {  	[tilespmem:s21], [sflag:$0x1] =	stream.linear.gather [hbm4b:s7+s28], $0x1900, $0x38;
	[tilespmem:$0x1D300] =	vst v63  }
0xf3: {  	_ =	swait.ge [sflag:s20], $0x1900  }
0xf4: {  	[sflag:s20] =	ssyncset.done $0x0  }
0xf5: {  	[sflag:s20] =	ssyncadd.s32 $0xFFFFE700  }
.LBB2_4:
0xf6: {  	s29 =	sshra.s32 s28, $0x2;
	v7 =	vld.idx.msk [tilespmem:v0+s3+$0x0], $0xffff  }
0xf7: {  	v5 =	vld [tilespmem:s29+$0x18700]  }
0xf8: {  	v4 =	vld [tilespmem:s29+$0x18710]  }
0xf9: {  	v6 =	vld [tilespmem:s29+$0x18720];
	_ =	sdelay $0x2  }
0xfa: {  	vm0 =	vlt.f32 v7, v5  }
0xfb: {  	vm1 =	vlt.f32 v7, v4;
	v8 =	vsel vm0, $0x124F9, v2  }
0xfc: {  	vm12 =	vlt.f32 v7, v6;
	v9 =	vsel vm1, $0x124F9, v2  }
0xfd: {  	v3 =	vld [tilespmem:s29+$0x18730];
	v54 =	vsel vm12, $0x124F9, v2;
	_ =	sdelay $0x2  }
0xfe: {  	v10 =	vld.idx.msk [tilespmem:v8+s3+$0x0], $0xffff  }
0xff: {  	v11 =	vld.idx.msk [tilespmem:v9+s3+$0x0], $0xffff  }
0x100: {  	vm13 =	vlt.f32 v7, v3;
	v16 =	vld.idx.msk [tilespmem:v54+s3+$0x0], $0xffff  }
0x101: {  	v12 =	vsel vm0, $0xC351, v1;
	v13 =	vsel vm0, $0x186A1, v0;
	v14 =	vsel vm1, $0xC351, v1  }
0x102: {  	v15 =	vsel vm1, $0x186A1, v0;
	v57 =	vsel vm13, $0x124F9, v2;
	v17 =	vsel vm12, $0xC351, v1  }
0x103: {  	v18 =	vsel vm12, $0x186A1, v0;
	v53 =	vadd.s32 $0x1, v8;
	v55 =	vadd.s32 $0x1, v9  }
0x104: {  	v20 =	vadd.s32 $0x1, v54;
	vm2 =	vlt.f32 v10, v5;
	vm3 =	vlt.f32 v11, v4  }
0x105: {  	vm14 =	vlt.f32 v16, v6;
	v8 =	vsel vm2, v13, v8;
	v7 =	vsel vm2, v53, v12  }
0x106: {  	v11 =	vsel vm3, v55, v14;
	v9 =	vsel vm3, v15, v9;
	v10 =	vsel vm14, v18, v54  }
0x107: {  	v17 =	vsel vm14, v20, v17;
	v56 =	vadd.s32 $0xFFFFFFFF, v8;
	v15 =	vadd.s32 $0xFFFFFFFF, v9  }
0x108: {  	v21 =	vadd.s32 $0xFFFFFFFF, v10;
	v58 =	vxor.u32 v56, v7;
	v12 =	vor.u32 v56, v7  }
0x109: {  	v59 =	vxor.u32 v15, v11;
	v22 =	vxor.u32 v21, v17;
	v14 =	vshrl.u32 v58, $0x1  }
0x10a: {  	v25 =	vor.u32 v21, v17;
	v26 =	vshrl.u32 v22, $0x1;
	v12 =	vsub.s32 v12, v14  }
0x10b: {  	v60 =	vld.idx.msk [tilespmem:v57+s3+$0x0], $0xffff;
	v15 =	vor.u32 v15, v11;
	v14 =	vshrl.u32 v59, $0x1;
	v18 =	vsub.s32 v25, v26  }
0x10c: {  	v14 =	vsub.s32 v15, v14;
	_ =	sdelay $0x2  }
0x10d: {  	v61 =	vld.idx.msk [tilespmem:v12+s3+$0x0], $0xffff  }
0x10e: {  	v62 =	vsel vm13, $0x186A1, v0;
	vm15 =	vlt.f32 v60, v3;
	v32 =	vld.idx.msk [tilespmem:v18+s3+$0x0], $0xffff  }
0x10f: {  	v19 =	vsel vm13, $0xC351, v1;
	v24 =	vadd.s32 $0x1, v57;
	v13 =	vsel vm15, v62, v57;
	v63 =	vld.idx.msk [tilespmem:v14+s3+$0x0], $0xffff  }
0x110: {  	v28 =	vadd.s32 $0xFFFFFFFF, v13;
	v15 =	vsel vm15, v24, v19  }
0x111: {  	v27 =	vadd.s32 $0x1, v12;
	v37 =	vadd.s32 $0x1, v18;
	v29 =	vxor.u32 v28, v15  }
0x112: {  	v30 =	vadd.s32 $0x1, v14;
	v16 =	vor.u32 v28, v15;
	vm4 =	vlt.f32 v61, v5  }
0x113: {  	vm6 =	vlt.f32 v32, v6;
	v7 =	vsel vm4, v27, v7;
	v8 =	vsel vm4, v8, v12  }
0x114: {  	vm5 =	vlt.f32 v63, v4;
	v12 =	vshrl.u32 v29, $0x1;
	v10 =	vsel vm6, v10, v18  }
0x115: {  	v11 =	vsel vm5, v30, v11;
	v12 =	vsub.s32 v16, v12;
	v31 =	vxor.u32 v8, v7  }
0x116: {  	v9 =	vsel vm5, v9, v14;
	v33 =	vand.u32 v8, v7;
	v16 =	vshrl.u32 v31, $0x1  }
0x117: {  	v14 =	vsel vm6, v37, v17;
	v34 =	vxor.u32 v9, v11;
	v16 =	vadd.s32 v16, v33  }
0x118: {  	v35 =	vand.u32 v9, v11;
	v18 =	vxor.u32 v10, v14;
	v19 =	vshrl.u32 v34, $0x1  }
0x119: {  	v40 =	vand.u32 v10, v14;
	v18 =	vshrl.u32 v18, $0x1;
	v19 =	vadd.s32 v19, v35  }
0x11a: {  	v18 =	vadd.s32 v18, v40  }
0x11b: {  	v36 =	vld.idx.msk [tilespmem:v12+s3+$0x0], $0xffff  }
0x11c: {  	v38 =	vld.idx.msk [tilespmem:v16+s3+$0x0], $0xffff;
	_ =	sdelay $0x1  }
0x11d: {  	v39 =	vld.idx.msk [tilespmem:v19+s3+$0x0], $0xffff  }
0x11e: {  	v41 =	vadd.s32 $0x1, v12;
	v42 =	vadd.s32 $0x1, v16;
	v46 =	vld.idx.msk [tilespmem:v18+s3+$0x0], $0xffff  }
0x11f: {  	v45 =	vadd.s32 $0x1, v19;
	v48 =	vadd.s32 $0x1, v18;
	vm7 =	vlt.f32 v36, v3  }
0x120: {  	v15 =	vsel vm7, v41, v15;
	v12 =	vsel vm7, v13, v12;
	vm8 =	vlt.f32 v38, v5  }
0x121: {  	v43 =	vxor.u32 v12, v15;
	v44 =	vand.u32 v12, v15;
	v7 =	vsel vm8, v42, v7  }
0x122: {  	v8 =	vsel vm8, v8, v16;
	vm9 =	vlt.f32 v39, v4;
	v13 =	vshrl.u32 v43, $0x1  }
0x123: {  	vm10 =	vlt.f32 v46, v6;
	v13 =	vadd.s32 v13, v44;
	v47 =	vadd.s32 v8, v7  }
0x124: {  	v11 =	vsel vm9, v45, v11;
	v9 =	vsel vm9, v9, v19;
	v16 =	vshrl.u32 v47, $0x1  }
0x125: {  	v14 =	vsel vm10, v48, v14;
	v10 =	vsel vm10, v10, v18;
	v17 =	vadd.s32 v9, v11  }
0x126: {  	v19 =	vadd.s32 v10, v14;
	v17 =	vshrl.u32 v17, $0x1  }
0x127: {  	v19 =	vshrl.u32 v19, $0x1  }
0x128: {  	v49 =	vld.idx.msk [tilespmem:v13+s3+$0x0], $0xffff  }
0x129: {  	v50 =	vld.idx.msk [tilespmem:v16+s3+$0x0], $0xffff;
	_ =	sdelay $0x1  }
0x12a: {  	v51 =	vld.idx.msk [tilespmem:v17+s3+$0x0], $0xffff  }
0x12b: {  	v54 =	vld.idx.msk [tilespmem:v19+s3+$0x0], $0xffff  }
0x12c: {  	v52 =	vadd.s32 $0x1, v13;
	v53 =	vadd.s32 $0x1, v16;
	v56 =	vadd.s32 $0x1, v17  }
0x12d: {  	v59 =	vadd.s32 $0x1, v19;
	vm11 =	vlt.f32 v49, v3;
	vm12 =	vlt.f32 v50, v5  }
0x12e: {  	v15 =	vsel vm11, v52, v15;
	v12 =	vsel vm11, v12, v13;
	v7 =	vsel vm12, v53, v7  }
0x12f: {  	v8 =	vsel vm12, v8, v16;
	vm13 =	vlt.f32 v51, v4;
	v55 =	vadd.s32 v12, v15  }
0x130: {  	vm14 =	vlt.f32 v54, v6;
	v16 =	vshrl.u32 v55, $0x1;
	v57 =	vadd.s32 v8, v7  }
0x131: {  	v11 =	vsel vm13, v56, v11;
	v9 =	vsel vm13, v9, v17;
	v58 =	vshrl.u32 v57, $0x1  }
0x132: {  	v13 =	vsel vm14, v59, v14;
	v10 =	vsel vm14, v10, v19;
	v18 =	vadd.s32 v9, v11  }
0x133: {  	v62 =	vadd.s32 v10, v13;
	v18 =	vshrl.u32 v18, $0x1  }
0x134: {  	v20 =	vshrl.u32 v62, $0x1  }
0x135: {  	v60 =	vld.idx.msk [tilespmem:v16+s3+$0x0], $0xffff  }
0x136: {  	v61 =	vld.idx.msk [tilespmem:v58+s3+$0x0], $0xffff;
	_ =	sdelay $0x1  }
0x137: {  	v63 =	vld.idx.msk [tilespmem:v18+s3+$0x0], $0xffff  }
0x138: {  	v26 =	vld.idx.msk [tilespmem:v20+s3+$0x0], $0xffff  }
0x139: {  	v24 =	vadd.s32 $0x1, v16;
	v25 =	vadd.s32 $0x1, v58;
	v27 =	vadd.s32 $0x1, v18  }
0x13a: {  	v29 =	vadd.s32 $0x1, v20;
	vm15 =	vlt.f32 v60, v3;
	vm4 =	vlt.f32 v61, v5  }
0x13b: {  	v14 =	vsel vm15, v24, v15;
	v12 =	vsel vm15, v12, v16;
	v7 =	vsel vm4, v25, v7  }
0x13c: {  	v8 =	vsel vm4, v8, v58;
	vm5 =	vlt.f32 v63, v4;
	v16 =	vadd.s32 v12, v14  }
0x13d: {  	vm6 =	vlt.f32 v26, v6;
	v16 =	vshrl.u32 v16, $0x1;
	v19 =	vadd.s32 v8, v7  }
0x13e: {  	v11 =	vsel vm5, v27, v11;
	v9 =	vsel vm5, v9, v18;
	v28 =	vshrl.u32 v19, $0x1  }
0x13f: {  	v13 =	vsel vm6, v29, v13;
	v10 =	vsel vm6, v10, v20;
	v18 =	vadd.s32 v9, v11  }
0x140: {  	v31 =	vadd.s32 v10, v13;
	v18 =	vshrl.u32 v18, $0x1  }
0x141: {  	v19 =	vshrl.u32 v31, $0x1  }
0x142: {  	v30 =	vld.idx.msk [tilespmem:v16+s3+$0x0], $0xffff  }
0x143: {  	v32 =	vld.idx.msk [tilespmem:v28+s3+$0x0], $0xffff;
	_ =	sdelay $0x1  }
0x144: {  	v33 =	vld.idx.msk [tilespmem:v18+s3+$0x0], $0xffff  }
0x145: {  	v36 =	vld.idx.msk [tilespmem:v19+s3+$0x0], $0xffff  }
0x146: {  	v34 =	vadd.s32 $0x1, v16;
	v35 =	vadd.s32 $0x1, v28;
	v37 =	vadd.s32 $0x1, v18  }
0x147: {  	v39 =	vadd.s32 $0x1, v19;
	vm7 =	vlt.f32 v30, v3;
	vm8 =	vlt.f32 v32, v5  }
0x148: {  	v14 =	vsel vm7, v34, v14;
	v12 =	vsel vm7, v12, v16;
	v7 =	vsel vm8, v35, v7  }
0x149: {  	v8 =	vsel vm8, v8, v28;
	vm9 =	vlt.f32 v33, v4;
	v15 =	vadd.s32 v12, v14  }
0x14a: {  	vm10 =	vlt.f32 v36, v6;
	v15 =	vshrl.u32 v15, $0x1;
	v17 =	vadd.s32 v8, v7  }
0x14b: {  	v11 =	vsel vm9, v37, v11;
	v9 =	vsel vm9, v9, v18;
	v38 =	vshrl.u32 v17, $0x1  }
0x14c: {  	v13 =	vsel vm10, v39, v13;
	v10 =	vsel vm10, v10, v19;
	v18 =	vadd.s32 v9, v11  }
0x14d: {  	v41 =	vadd.s32 v10, v13;
	v40 =	vshrl.u32 v18, $0x1  }
0x14e: {  	v18 =	vshrl.u32 v41, $0x1  }
0x14f: {  	v42 =	vld.idx.msk [tilespmem:v15+s3+$0x0], $0xffff  }
0x150: {  	v43 =	vld.idx.msk [tilespmem:v38+s3+$0x0], $0xffff;
	_ =	sdelay $0x1  }
0x151: {  	v44 =	vld.idx.msk [tilespmem:v40+s3+$0x0], $0xffff  }
0x152: {  	v45 =	vld.idx.msk [tilespmem:v18+s3+$0x0], $0xffff  }
0x153: {  	v46 =	vadd.s32 $0x1, v15;
	v47 =	vadd.s32 $0x1, v38;
	v48 =	vadd.s32 $0x1, v40  }
0x154: {  	v51 =	vadd.s32 $0x1, v18;
	vm11 =	vlt.f32 v42, v3;
	vm12 =	vlt.f32 v43, v5  }
0x155: {  	v14 =	vsel vm11, v46, v14;
	v12 =	vsel vm11, v12, v15;
	v7 =	vsel vm12, v47, v7  }
0x156: {  	vm13 =	vlt.f32 v44, v4;
	v49 =	vadd.s32 v12, v14;
	v8 =	vsel vm12, v8, v38  }
0x157: {  	vm14 =	vlt.f32 v45, v6;
	v11 =	vsel vm13, v48, v11;
	v50 =	vshrl.u32 v49, $0x1  }
0x158: {  	v9 =	vsel vm13, v9, v40;
	v16 =	vadd.s32 v8, v7;
	v13 =	vsel vm14, v51, v13  }
0x159: {  	v10 =	vsel vm14, v10, v18;
	v16 =	vshrl.u32 v16, $0x1;
	v52 =	vadd.s32 v9, v11  }
0x15a: {  	v18 =	vadd.s32 v10, v13;
	v53 =	vshrl.u32 v52, $0x1  }
0x15b: {  	v18 =	vshrl.u32 v18, $0x1  }
0x15c: {  	v54 =	vld.idx.msk [tilespmem:v50+s3+$0x0], $0xffff;
	_ =	sdelay $0x1  }
0x15d: {  	v55 =	vld.idx.msk [tilespmem:v16+s3+$0x0], $0xffff  }
0x15e: {  	v56 =	vld.idx.msk [tilespmem:v53+s3+$0x0], $0xffff  }
0x15f: {  	v58 =	vld.idx.msk [tilespmem:v18+s3+$0x0], $0xffff  }
0x160: {  	v57 =	vadd.s32 $0x1, v50;
	v59 =	vadd.s32 $0x1, v16;
	vm15 =	vlt.f32 v54, v3  }
0x161: {  	v60 =	vadd.s32 $0x1, v53;
	v14 =	vsel vm15, v57, v14;
	v12 =	vsel vm15, v12, v50  }
0x162: {  	v61 =	vadd.s32 $0x1, v18;
	vm4 =	vlt.f32 v55, v5;
	v19 =	vadd.s32 v12, v14  }
0x163: {  	vm5 =	vlt.f32 v56, v4;
	v7 =	vsel vm4, v59, v7;
	v8 =	vsel vm4, v8, v16  }
0x164: {  	vm6 =	vlt.f32 v58, v6;
	v19 =	vshrl.u32 v19, $0x1;
	v11 =	vsel vm5, v60, v11  }
0x165: {  	v9 =	vsel vm5, v9, v53;
	v15 =	vadd.s32 v8, v7;
	v13 =	vsel vm6, v61, v13  }
0x166: {  	v10 =	vsel vm6, v10, v18;
	v15 =	vshrl.u32 v15, $0x1;
	v17 =	vadd.s32 v9, v11  }
0x167: {  	v18 =	vadd.s32 v10, v13;
	v62 =	vshrl.u32 v17, $0x1  }
0x168: {  	v18 =	vshrl.u32 v18, $0x1  }
0x169: {  	v63 =	vld.idx.msk [tilespmem:v19+s3+$0x0], $0xffff;
	_ =	sdelay $0x1  }
0x16a: {  	v24 =	vld.idx.msk [tilespmem:v15+s3+$0x0], $0xffff  }
0x16b: {  	v25 =	vld.idx.msk [tilespmem:v62+s3+$0x0], $0xffff  }
0x16c: {  	v27 =	vld.idx.msk [tilespmem:v18+s3+$0x0], $0xffff  }
0x16d: {  	v26 =	vadd.s32 $0x1, v19;
	v28 =	vadd.s32 $0x1, v15;
	vm7 =	vlt.f32 v63, v3  }
0x16e: {  	v29 =	vadd.s32 $0x1, v62;
	v14 =	vsel vm7, v26, v14;
	v12 =	vsel vm7, v12, v19  }
0x16f: {  	v30 =	vadd.s32 $0x1, v18;
	vm8 =	vlt.f32 v24, v5;
	v19 =	vadd.s32 v12, v14  }
0x170: {  	vm9 =	vlt.f32 v25, v4;
	v7 =	vsel vm8, v28, v7;
	v19 =	vshrl.u32 v19, $0x1  }
0x171: {  	v8 =	vsel vm8, v8, v15;
	vm10 =	vlt.f32 v27, v6;
	v11 =	vsel vm9, v29, v11  }
0x172: {  	v9 =	vsel vm9, v9, v62;
	v15 =	vadd.s32 v8, v7;
	v13 =	vsel vm10, v30, v13  }
0x173: {  	v10 =	vsel vm10, v10, v18;
	v15 =	vshrl.u32 v15, $0x1;
	v31 =	vadd.s32 v9, v11  }
0x174: {  	v18 =	vadd.s32 v10, v13;
	v17 =	vshrl.u32 v31, $0x1  }
0x175: {  	v18 =	vshrl.u32 v18, $0x1;
	v32 =	vld.idx.msk [tilespmem:v19+s3+$0x0], $0xffff;
	_ =	sdelay $0x2  }
0x176: {  	v33 =	vld.idx.msk [tilespmem:v15+s3+$0x0], $0xffff  }
0x177: {  	v35 =	vld.idx.msk [tilespmem:v17+s3+$0x0], $0xffff  }
0x178: {  	v34 =	vadd.s32 $0x1, v19;
	v36 =	vld.idx.msk [tilespmem:v18+s3+$0x0], $0xffff;
	vm11 =	vlt.f32 v32, v3  }
0x179: {  	v14 =	vsel vm11, v34, v14;
	v12 =	vsel vm11, v12, v19  }
0x17a: {  	v37 =	vadd.s32 $0x1, v15;
	v19 =	vadd.s32 v12, v14  }
0x17b: {  	v38 =	vadd.s32 $0x1, v17;
	vm12 =	vlt.f32 v33, v5;
	v19 =	vshrl.u32 v19, $0x1  }
0x17c: {  	v39 =	vadd.s32 $0x1, v18;
	vm13 =	vlt.f32 v35, v4;
	v7 =	vsel vm12, v37, v7  }
0x17d: {  	v8 =	vsel vm12, v8, v15;
	vm14 =	vlt.f32 v36, v6;
	v11 =	vsel vm13, v38, v11  }
0x17e: {  	v9 =	vsel vm13, v9, v17;
	v15 =	vadd.s32 v8, v7;
	v13 =	vsel vm14, v39, v13  }
0x17f: {  	v10 =	vsel vm14, v10, v18;
	v15 =	vshrl.u32 v15, $0x1;
	v41 =	vadd.s32 v9, v11  }
0x180: {  	v18 =	vadd.s32 v10, v13;
	v42 =	vshrl.u32 v41, $0x1;
	v40 =	vld.idx.msk [tilespmem:v19+s3+$0x0], $0xffff  }
0x181: {  	v18 =	vshrl.u32 v18, $0x1;
	_ =	sdelay $0x2  }
0x182: {  	v44 =	vld.idx.msk [tilespmem:v15+s3+$0x0], $0xffff  }
0x183: {  	v43 =	vadd.s32 $0x1, v19;
	v45 =	vld.idx.msk [tilespmem:v42+s3+$0x0], $0xffff;
	vm15 =	vlt.f32 v40, v3  }
0x184: {  	v46 =	vld.idx.msk [tilespmem:v18+s3+$0x0], $0xffff;
	v14 =	vsel vm15, v43, v14;
	v12 =	vsel vm15, v12, v19  }
0x185: {  	v19 =	vadd.s32 v12, v14  }
0x186: {  	v19 =	vshrl.u32 v19, $0x1  }
0x187: {  	v47 =	vadd.s32 $0x1, v15;
	v48 =	vadd.s32 $0x1, v42;
	vm4 =	vlt.f32 v44, v5  }
0x188: {  	v51 =	vadd.s32 $0x1, v18;
	vm5 =	vlt.f32 v45, v4;
	v7 =	vsel vm4, v47, v7  }
0x189: {  	v8 =	vsel vm4, v8, v15;
	vm6 =	vlt.f32 v46, v6;
	v11 =	vsel vm5, v48, v11  }
0x18a: {  	v9 =	vsel vm5, v9, v42;
	v50 =	vadd.s32 v8, v7;
	v13 =	vsel vm6, v51, v13  }
0x18b: {  	v10 =	vsel vm6, v10, v18;
	v16 =	vshrl.u32 v50, $0x1;
	v52 =	vadd.s32 v9, v11;
	v49 =	vld.idx.msk [tilespmem:v19+s3+$0x0], $0xffff  }
0x18c: {  	v18 =	vadd.s32 v10, v13;
	v53 =	vshrl.u32 v52, $0x1  }
0x18d: {  	v18 =	vshrl.u32 v18, $0x1;
	_ =	sdelay $0x2  }
0x18e: {  	v54 =	vadd.s32 $0x1, v19;
	v55 =	vld.idx.msk [tilespmem:v16+s3+$0x0], $0xffff;
	vm7 =	vlt.f32 v49, v3  }
0x18f: {  	v56 =	vld.idx.msk [tilespmem:v53+s3+$0x0], $0xffff;
	v14 =	vsel vm7, v54, v14;
	v12 =	vsel vm7, v12, v19  }
0x190: {  	v58 =	vld.idx.msk [tilespmem:v18+s3+$0x0], $0xffff;
	v57 =	vadd.s32 v12, v14  }
0x191: {  	v20 =	vshrl.u32 v57, $0x1;
	_ =	sdelay $0x1  }
0x192: {  	v59 =	vadd.s32 $0x1, v16;
	v60 =	vadd.s32 $0x1, v53;
	vm8 =	vlt.f32 v55, v5  }
0x193: {  	v62 =	vadd.s32 $0x1, v18;
	vm9 =	vlt.f32 v56, v4;
	v7 =	vsel vm8, v59, v7  }
0x194: {  	v8 =	vsel vm8, v8, v16;
	vm10 =	vlt.f32 v58, v6;
	v11 =	vsel vm9, v60, v11  }
0x195: {  	v9 =	vsel vm9, v9, v53;
	v16 =	vadd.s32 v8, v7;
	v13 =	vsel vm10, v62, v13;
	v61 =	vld.idx.msk [tilespmem:v20+s3+$0x0], $0xffff  }
0x196: {  	v10 =	vsel vm10, v10, v18;
	v16 =	vshrl.u32 v16, $0x1;
	v19 =	vadd.s32 v9, v11  }
0x197: {  	v18 =	vadd.s32 v10, v13;
	v63 =	vshrl.u32 v19, $0x1  }
0x198: {  	v18 =	vshrl.u32 v18, $0x1;
	_ =	sdelay $0x1  }
0x199: {  	v23 =	vadd.s32 $0x1, v20;
	vm11 =	vlt.f32 v61, v3  }
0x19a: {  	v24 =	vld.idx.msk [tilespmem:v16+s3+$0x0], $0xffff;
	v14 =	vsel vm11, v23, v14;
	v12 =	vsel vm11, v12, v20  }
0x19b: {  	v26 =	vld.idx.msk [tilespmem:v63+s3+$0x0], $0xffff;
	v25 =	vadd.s32 v12, v14  }
0x19c: {  	v27 =	vld.idx.msk [tilespmem:v18+s3+$0x0], $0xffff;
	v19 =	vshrl.u32 v25, $0x1;
	_ =	sdelay $0x2  }
0x19d: {  	v28 =	vadd.s32 $0x1, v16;
	v29 =	vadd.s32 $0x1, v63;
	vm12 =	vlt.f32 v24, v5  }
0x19e: {  	v31 =	vadd.s32 $0x1, v18;
	vm13 =	vlt.f32 v26, v4;
	v7 =	vsel vm12, v28, v7  }
0x19f: {  	v8 =	vsel vm12, v8, v16;
	vm14 =	vlt.f32 v27, v6;
	v11 =	vsel vm13, v29, v11;
	v30 =	vld.idx.msk [tilespmem:v19+s3+$0x0], $0xffff  }
0x1a0: {  	v9 =	vsel vm13, v9, v63;
	v15 =	vadd.s32 v8, v7;
	v13 =	vsel vm14, v31, v13  }
0x1a1: {  	v10 =	vsel vm14, v10, v18;
	v15 =	vshrl.u32 v15, $0x1;
	v17 =	vadd.s32 v9, v11  }
0x1a2: {  	v18 =	vadd.s32 v10, v13;
	v32 =	vshrl.u32 v17, $0x1  }
0x1a3: {  	v34 =	vshrl.u32 v18, $0x1  }
0x1a4: {  	v33 =	vadd.s32 $0x1, v19;
	vm15 =	vlt.f32 v30, v3  }
0x1a5: {  	v14 =	vsel vm15, v33, v14;
	v12 =	vsel vm15, v12, v19  }
0x1a6: {  	v36 =	vld.idx.msk [tilespmem:v15+s3+$0x0], $0xffff;
	v35 =	vadd.s32 v12, v14  }
0x1a7: {  	v37 =	vld.idx.msk [tilespmem:v32+s3+$0x0], $0xffff;
	v18 =	vshrl.u32 v35, $0x1  }
0x1a8: {  	v38 =	vld.idx.msk [tilespmem:v34+s3+$0x0], $0xffff;
	_ =	sdelay $0x2  }
0x1a9: {  	v40 =	vadd.s32 $0x1, v15;
	v41 =	vadd.s32 $0x1, v32;
	vm4 =	vlt.f32 v36, v5  }
0x1aa: {  	v42 =	vadd.s32 $0x1, v34;
	vm5 =	vlt.f32 v37, v4;
	v7 =	vsel vm4, v40, v7;
	v39 =	vld.idx.msk [tilespmem:v18+s3+$0x0], $0xffff  }
0x1ab: {  	v8 =	vsel vm4, v8, v15;
	vm6 =	vlt.f32 v38, v6;
	v11 =	vsel vm5, v41, v11  }
0x1ac: {  	v43 =	vadd.s32 v8, v7;
	v9 =	vsel vm5, v9, v32;
	v13 =	vsel vm6, v42, v13  }
0x1ad: {  	v10 =	vsel vm6, v10, v34;
	v44 =	vshrl.u32 v43, $0x1;
	v16 =	vadd.s32 v9, v11  }
0x1ae: {  	v46 =	vadd.s32 v10, v13;
	v16 =	vshrl.u32 v16, $0x1  }
0x1af: {  	v45 =	vadd.s32 $0x1, v18;
	v47 =	vshrl.u32 v46, $0x1;
	vm7 =	vlt.f32 v39, v3  }
0x1b0: {  	v14 =	vsel vm7, v45, v14;
	v12 =	vsel vm7, v12, v18  }
0x1b1: {  	v18 =	vadd.s32 v12, v14  }
0x1b2: {  	v48 =	vld.idx.msk [tilespmem:v44+s3+$0x0], $0xffff;
	v18 =	vshrl.u32 v18, $0x1  }
0x1b3: {  	v49 =	vld.idx.msk [tilespmem:v16+s3+$0x0], $0xffff  }
0x1b4: {  	v50 =	vld.idx.msk [tilespmem:v47+s3+$0x0], $0xffff;
	_ =	sdelay $0x2  }
0x1b5: {  	v51 =	vadd.s32 $0x1, v44;
	v53 =	vadd.s32 $0x1, v16;
	vm8 =	vlt.f32 v48, v5;
	v52 =	vld.idx.msk [tilespmem:v18+s3+$0x0], $0xffff  }
0x1b6: {  	v54 =	vadd.s32 $0x1, v47;
	v7 =	vsel vm8, v51, v7;
	vm9 =	vlt.f32 v49, v4  }
0x1b7: {  	v8 =	vsel vm8, v8, v44;
	vm10 =	vlt.f32 v50, v6;
	v11 =	vsel vm9, v53, v11  }
0x1b8: {  	v9 =	vsel vm9, v9, v16;
	v13 =	vsel vm10, v54, v13;
	v8 =	vadd.s32 v8, v7  }
0x1b9: {  	v10 =	vsel vm10, v10, v47;
	v55 =	vadd.s32 $0x1, v18;
	v8 =	vshrl.u32 v8, $0x1  }
0x1ba: {  	v9 =	vadd.s32 v9, v11;
	v10 =	vadd.s32 v10, v13;
	vm11 =	vlt.f32 v52, v3  }
0x1bb: {  	v9 =	vshrl.u32 v9, $0x1;
	v14 =	vsel vm11, v55, v14;
	v12 =	vsel vm11, v12, v18  }
0x1bc: {  	v10 =	vshrl.u32 v10, $0x1;
	v12 =	vadd.s32 v12, v14  }
0x1bd: {  	v12 =	vshrl.u32 v12, $0x1;
	_ =	sdelay $0x1  }
0x1be: {  	v56 =	vld.idx.msk [tilespmem:v8+s3+$0x0], $0xffff  }
0x1bf: {  	v57 =	vld.idx.msk [tilespmem:v9+s3+$0x0], $0xffff  }
0x1c0: {  	v58 =	vld.idx.msk [tilespmem:v10+s3+$0x0], $0xffff  }
0x1c1: {  	v59 =	vld.idx.msk [tilespmem:v12+s3+$0x0], $0xffff;
	_ =	sdelay $0x1  }
0x1c2: {  	p0 =	sne.s32 s28, $0x6300;
	v60 =	vadd.s32 $0x1, v8;
	vm12 =	vlt.f32 v56, v5  }
.Ltmp1:
0x1c3: {  	v61 =	vadd.s32 $0x1, v9;
	v5 =	vsel vm12, v60, v7;
	vm13 =	vlt.f32 v57, v4;
	(pc) =	sbr.rel @p0 .LBB2_4-.Ltmp1, $4  }
0x1c4: {  	v62 =	vadd.s32 $0x1, v10;
	vm14 =	vlt.f32 v58, v6;
	v4 =	vsel vm13, v61, v11;
	[tilespmem:s29+$0x1A000] =	vst v5  }
0x1c5: {  	v63 =	vsel vm14, v62, v13;
	[tilespmem:s29+$0x1A010] =	vst v4;
	vm15 =	vlt.f32 v59, v3;
	v3 =	vadd.s32 $0x1, v12  }
0x1c6: {  	[tilespmem:s29+$0x1A020] =	vst v63;
	v3 =	vsel vm15, v3, v14  }
0x1c7: {  	s28 =	sadd.s32 $0x100, s28;
	[tilespmem:s29+$0x1A030] =	vst v3  }
0x1c8: {  	s28 =	simm.s32 $0x0  }
0x1c9: {  	[hbm4b:s8+s28] =	stream.linear.scatter [tilespmem:s22], [sflag:$0x1], $0x1900, $0x38;
	[tilespmem:$0x1D300] =	vst v63  }
0x1ca: {  	_ =	swait.ge [sflag:s20], $0x1900  }
0x1cb: {  	[sflag:s20] =	ssyncset.done $0x0  }
0x1cc: {  	[sflag:s20] =	ssyncadd.s32 $0xFFFFE700  }
0x1cd: {  	[tilespmem:s21], [sflag:$0x1] =	stream.linear.gather [hbm4b:s9+s28], $0x1900, $0x38;
	[tilespmem:$0x1D300] =	vst v63  }
0x1ce: {  	_ =	swait.ge [sflag:s20], $0x1900  }
0x1cf: {  	[sflag:s20] =	ssyncset.done $0x0  }
0x1d0: {  	[sflag:s20] =	ssyncadd.s32 $0xFFFFE700  }
.LBB2_6:
0x1d1: {  	s29 =	sshra.s32 s28, $0x2;
	v7 =	vld.idx.msk [tilespmem:v0+s3+$0x0], $0xffff  }
0x1d2: {  	v5 =	vld [tilespmem:s29+$0x18700]  }
0x1d3: {  	v4 =	vld [tilespmem:s29+$0x18710]  }
0x1d4: {  	v6 =	vld [tilespmem:s29+$0x18720];
	_ =	sdelay $0x2  }
0x1d5: {  	vm0 =	vlt.f32 v7, v5  }
0x1d6: {  	vm1 =	vlt.f32 v7, v4;
	v8 =	vsel vm0, $0x124F9, v2  }
0x1d7: {  	vm12 =	vlt.f32 v7, v6;
	v9 =	vsel vm1, $0x124F9, v2  }
0x1d8: {  	v3 =	vld [tilespmem:s29+$0x18730];
	v54 =	vsel vm12, $0x124F9, v2;
	_ =	sdelay $0x2  }
0x1d9: {  	v10 =	vld.idx.msk [tilespmem:v8+s3+$0x0], $0xffff  }
0x1da: {  	v11 =	vld.idx.msk [tilespmem:v9+s3+$0x0], $0xffff  }
0x1db: {  	vm13 =	vlt.f32 v7, v3;
	v16 =	vld.idx.msk [tilespmem:v54+s3+$0x0], $0xffff  }
0x1dc: {  	v12 =	vsel vm0, $0xC351, v1;
	v13 =	vsel vm0, $0x186A1, v0;
	v14 =	vsel vm1, $0xC351, v1  }
0x1dd: {  	v15 =	vsel vm1, $0x186A1, v0;
	v57 =	vsel vm13, $0x124F9, v2;
	v17 =	vsel vm12, $0xC351, v1  }
0x1de: {  	v18 =	vsel vm12, $0x186A1, v0;
	v53 =	vadd.s32 $0x1, v8;
	v55 =	vadd.s32 $0x1, v9  }
0x1df: {  	v20 =	vadd.s32 $0x1, v54;
	vm2 =	vlt.f32 v10, v5;
	vm3 =	vlt.f32 v11, v4  }
0x1e0: {  	vm14 =	vlt.f32 v16, v6;
	v8 =	vsel vm2, v13, v8;
	v7 =	vsel vm2, v53, v12  }
0x1e1: {  	v11 =	vsel vm3, v55, v14;
	v9 =	vsel vm3, v15, v9;
	v10 =	vsel vm14, v18, v54  }
0x1e2: {  	v17 =	vsel vm14, v20, v17;
	v56 =	vadd.s32 $0xFFFFFFFF, v8;
	v15 =	vadd.s32 $0xFFFFFFFF, v9  }
0x1e3: {  	v21 =	vadd.s32 $0xFFFFFFFF, v10;
	v58 =	vxor.u32 v56, v7;
	v12 =	vor.u32 v56, v7  }
0x1e4: {  	v59 =	vxor.u32 v15, v11;
	v22 =	vxor.u32 v21, v17;
	v14 =	vshrl.u32 v58, $0x1  }
0x1e5: {  	v25 =	vor.u32 v21, v17;
	v26 =	vshrl.u32 v22, $0x1;
	v12 =	vsub.s32 v12, v14  }
0x1e6: {  	v60 =	vld.idx.msk [tilespmem:v57+s3+$0x0], $0xffff;
	v15 =	vor.u32 v15, v11;
	v14 =	vshrl.u32 v59, $0x1;
	v18 =	vsub.s32 v25, v26  }
0x1e7: {  	v14 =	vsub.s32 v15, v14;
	_ =	sdelay $0x2  }
0x1e8: {  	v61 =	vld.idx.msk [tilespmem:v12+s3+$0x0], $0xffff  }
0x1e9: {  	v62 =	vsel vm13, $0x186A1, v0;
	vm15 =	vlt.f32 v60, v3;
	v32 =	vld.idx.msk [tilespmem:v18+s3+$0x0], $0xffff  }
0x1ea: {  	v19 =	vsel vm13, $0xC351, v1;
	v24 =	vadd.s32 $0x1, v57;
	v13 =	vsel vm15, v62, v57;
	v63 =	vld.idx.msk [tilespmem:v14+s3+$0x0], $0xffff  }
0x1eb: {  	v28 =	vadd.s32 $0xFFFFFFFF, v13;
	v15 =	vsel vm15, v24, v19  }
0x1ec: {  	v27 =	vadd.s32 $0x1, v12;
	v37 =	vadd.s32 $0x1, v18;
	v29 =	vxor.u32 v28, v15  }
0x1ed: {  	v30 =	vadd.s32 $0x1, v14;
	v16 =	vor.u32 v28, v15;
	vm4 =	vlt.f32 v61, v5  }
0x1ee: {  	vm6 =	vlt.f32 v32, v6;
	v7 =	vsel vm4, v27, v7;
	v8 =	vsel vm4, v8, v12  }
0x1ef: {  	vm5 =	vlt.f32 v63, v4;
	v12 =	vshrl.u32 v29, $0x1;
	v10 =	vsel vm6, v10, v18  }
0x1f0: {  	v11 =	vsel vm5, v30, v11;
	v12 =	vsub.s32 v16, v12;
	v31 =	vxor.u32 v8, v7  }
0x1f1: {  	v9 =	vsel vm5, v9, v14;
	v33 =	vand.u32 v8, v7;
	v16 =	vshrl.u32 v31, $0x1  }
0x1f2: {  	v14 =	vsel vm6, v37, v17;
	v34 =	vxor.u32 v9, v11;
	v16 =	vadd.s32 v16, v33  }
0x1f3: {  	v35 =	vand.u32 v9, v11;
	v18 =	vxor.u32 v10, v14;
	v19 =	vshrl.u32 v34, $0x1  }
0x1f4: {  	v40 =	vand.u32 v10, v14;
	v18 =	vshrl.u32 v18, $0x1;
	v19 =	vadd.s32 v19, v35  }
0x1f5: {  	v18 =	vadd.s32 v18, v40  }
0x1f6: {  	v36 =	vld.idx.msk [tilespmem:v12+s3+$0x0], $0xffff  }
0x1f7: {  	v38 =	vld.idx.msk [tilespmem:v16+s3+$0x0], $0xffff;
	_ =	sdelay $0x1  }
0x1f8: {  	v39 =	vld.idx.msk [tilespmem:v19+s3+$0x0], $0xffff  }
0x1f9: {  	v41 =	vadd.s32 $0x1, v12;
	v42 =	vadd.s32 $0x1, v16;
	v46 =	vld.idx.msk [tilespmem:v18+s3+$0x0], $0xffff  }
0x1fa: {  	v45 =	vadd.s32 $0x1, v19;
	v48 =	vadd.s32 $0x1, v18;
	vm7 =	vlt.f32 v36, v3  }
0x1fb: {  	v15 =	vsel vm7, v41, v15;
	v12 =	vsel vm7, v13, v12;
	vm8 =	vlt.f32 v38, v5  }
0x1fc: {  	v43 =	vxor.u32 v12, v15;
	v44 =	vand.u32 v12, v15;
	v7 =	vsel vm8, v42, v7  }
0x1fd: {  	v8 =	vsel vm8, v8, v16;
	vm9 =	vlt.f32 v39, v4;
	v13 =	vshrl.u32 v43, $0x1  }
0x1fe: {  	vm10 =	vlt.f32 v46, v6;
	v13 =	vadd.s32 v13, v44;
	v47 =	vadd.s32 v8, v7  }
0x1ff: {  	v11 =	vsel vm9, v45, v11;
	v9 =	vsel vm9, v9, v19;
	v16 =	vshrl.u32 v47, $0x1  }
0x200: {  	v14 =	vsel vm10, v48, v14;
	v10 =	vsel vm10, v10, v18;
	v17 =	vadd.s32 v9, v11  }
0x201: {  	v19 =	vadd.s32 v10, v14;
	v17 =	vshrl.u32 v17, $0x1  }
0x202: {  	v19 =	vshrl.u32 v19, $0x1  }
0x203: {  	v49 =	vld.idx.msk [tilespmem:v13+s3+$0x0], $0xffff  }
0x204: {  	v50 =	vld.idx.msk [tilespmem:v16+s3+$0x0], $0xffff;
	_ =	sdelay $0x1  }
0x205: {  	v51 =	vld.idx.msk [tilespmem:v17+s3+$0x0], $0xffff  }
0x206: {  	v54 =	vld.idx.msk [tilespmem:v19+s3+$0x0], $0xffff  }
0x207: {  	v52 =	vadd.s32 $0x1, v13;
	v53 =	vadd.s32 $0x1, v16;
	v56 =	vadd.s32 $0x1, v17  }
0x208: {  	v59 =	vadd.s32 $0x1, v19;
	vm11 =	vlt.f32 v49, v3;
	vm12 =	vlt.f32 v50, v5  }
0x209: {  	v15 =	vsel vm11, v52, v15;
	v12 =	vsel vm11, v12, v13;
	v7 =	vsel vm12, v53, v7  }
0x20a: {  	v8 =	vsel vm12, v8, v16;
	vm13 =	vlt.f32 v51, v4;
	v55 =	vadd.s32 v12, v15  }
0x20b: {  	vm14 =	vlt.f32 v54, v6;
	v16 =	vshrl.u32 v55, $0x1;
	v57 =	vadd.s32 v8, v7  }
0x20c: {  	v11 =	vsel vm13, v56, v11;
	v9 =	vsel vm13, v9, v17;
	v58 =	vshrl.u32 v57, $0x1  }
0x20d: {  	v13 =	vsel vm14, v59, v14;
	v10 =	vsel vm14, v10, v19;
	v18 =	vadd.s32 v9, v11  }
0x20e: {  	v62 =	vadd.s32 v10, v13;
	v18 =	vshrl.u32 v18, $0x1  }
0x20f: {  	v20 =	vshrl.u32 v62, $0x1  }
0x210: {  	v60 =	vld.idx.msk [tilespmem:v16+s3+$0x0], $0xffff  }
0x211: {  	v61 =	vld.idx.msk [tilespmem:v58+s3+$0x0], $0xffff;
	_ =	sdelay $0x1  }
0x212: {  	v63 =	vld.idx.msk [tilespmem:v18+s3+$0x0], $0xffff  }
0x213: {  	v26 =	vld.idx.msk [tilespmem:v20+s3+$0x0], $0xffff  }
0x214: {  	v24 =	vadd.s32 $0x1, v16;
	v25 =	vadd.s32 $0x1, v58;
	v27 =	vadd.s32 $0x1, v18  }
0x215: {  	v29 =	vadd.s32 $0x1, v20;
	vm15 =	vlt.f32 v60, v3;
	vm4 =	vlt.f32 v61, v5  }
0x216: {  	v14 =	vsel vm15, v24, v15;
	v12 =	vsel vm15, v12, v16;
	v7 =	vsel vm4, v25, v7  }
0x217: {  	v8 =	vsel vm4, v8, v58;
	vm5 =	vlt.f32 v63, v4;
	v16 =	vadd.s32 v12, v14  }
0x218: {  	vm6 =	vlt.f32 v26, v6;
	v16 =	vshrl.u32 v16, $0x1;
	v19 =	vadd.s32 v8, v7  }
0x219: {  	v11 =	vsel vm5, v27, v11;
	v9 =	vsel vm5, v9, v18;
	v28 =	vshrl.u32 v19, $0x1  }
0x21a: {  	v13 =	vsel vm6, v29, v13;
	v10 =	vsel vm6, v10, v20;
	v18 =	vadd.s32 v9, v11  }
0x21b: {  	v31 =	vadd.s32 v10, v13;
	v18 =	vshrl.u32 v18, $0x1  }
0x21c: {  	v19 =	vshrl.u32 v31, $0x1  }
0x21d: {  	v30 =	vld.idx.msk [tilespmem:v16+s3+$0x0], $0xffff  }
0x21e: {  	v32 =	vld.idx.msk [tilespmem:v28+s3+$0x0], $0xffff;
	_ =	sdelay $0x1  }
0x21f: {  	v33 =	vld.idx.msk [tilespmem:v18+s3+$0x0], $0xffff  }
0x220: {  	v36 =	vld.idx.msk [tilespmem:v19+s3+$0x0], $0xffff  }
0x221: {  	v34 =	vadd.s32 $0x1, v16;
	v35 =	vadd.s32 $0x1, v28;
	v37 =	vadd.s32 $0x1, v18  }
0x222: {  	v39 =	vadd.s32 $0x1, v19;
	vm7 =	vlt.f32 v30, v3;
	vm8 =	vlt.f32 v32, v5  }
0x223: {  	v14 =	vsel vm7, v34, v14;
	v12 =	vsel vm7, v12, v16;
	v7 =	vsel vm8, v35, v7  }
0x224: {  	v8 =	vsel vm8, v8, v28;
	vm9 =	vlt.f32 v33, v4;
	v15 =	vadd.s32 v12, v14  }
0x225: {  	vm10 =	vlt.f32 v36, v6;
	v15 =	vshrl.u32 v15, $0x1;
	v17 =	vadd.s32 v8, v7  }
0x226: {  	v11 =	vsel vm9, v37, v11;
	v9 =	vsel vm9, v9, v18;
	v38 =	vshrl.u32 v17, $0x1  }
0x227: {  	v13 =	vsel vm10, v39, v13;
	v10 =	vsel vm10, v10, v19;
	v18 =	vadd.s32 v9, v11  }
0x228: {  	v41 =	vadd.s32 v10, v13;
	v40 =	vshrl.u32 v18, $0x1  }
0x229: {  	v18 =	vshrl.u32 v41, $0x1  }
0x22a: {  	v42 =	vld.idx.msk [tilespmem:v15+s3+$0x0], $0xffff  }
0x22b: {  	v43 =	vld.idx.msk [tilespmem:v38+s3+$0x0], $0xffff;
	_ =	sdelay $0x1  }
0x22c: {  	v44 =	vld.idx.msk [tilespmem:v40+s3+$0x0], $0xffff  }
0x22d: {  	v45 =	vld.idx.msk [tilespmem:v18+s3+$0x0], $0xffff  }
0x22e: {  	v46 =	vadd.s32 $0x1, v15;
	v47 =	vadd.s32 $0x1, v38;
	v48 =	vadd.s32 $0x1, v40  }
0x22f: {  	v51 =	vadd.s32 $0x1, v18;
	vm11 =	vlt.f32 v42, v3;
	vm12 =	vlt.f32 v43, v5  }
0x230: {  	v14 =	vsel vm11, v46, v14;
	v12 =	vsel vm11, v12, v15;
	v7 =	vsel vm12, v47, v7  }
0x231: {  	vm13 =	vlt.f32 v44, v4;
	v49 =	vadd.s32 v12, v14;
	v8 =	vsel vm12, v8, v38  }
0x232: {  	vm14 =	vlt.f32 v45, v6;
	v11 =	vsel vm13, v48, v11;
	v50 =	vshrl.u32 v49, $0x1  }
0x233: {  	v9 =	vsel vm13, v9, v40;
	v16 =	vadd.s32 v8, v7;
	v13 =	vsel vm14, v51, v13  }
0x234: {  	v10 =	vsel vm14, v10, v18;
	v16 =	vshrl.u32 v16, $0x1;
	v52 =	vadd.s32 v9, v11  }
0x235: {  	v18 =	vadd.s32 v10, v13;
	v53 =	vshrl.u32 v52, $0x1  }
0x236: {  	v18 =	vshrl.u32 v18, $0x1  }
0x237: {  	v54 =	vld.idx.msk [tilespmem:v50+s3+$0x0], $0xffff;
	_ =	sdelay $0x1  }
0x238: {  	v55 =	vld.idx.msk [tilespmem:v16+s3+$0x0], $0xffff  }
0x239: {  	v56 =	vld.idx.msk [tilespmem:v53+s3+$0x0], $0xffff  }
0x23a: {  	v58 =	vld.idx.msk [tilespmem:v18+s3+$0x0], $0xffff  }
0x23b: {  	v57 =	vadd.s32 $0x1, v50;
	v59 =	vadd.s32 $0x1, v16;
	vm15 =	vlt.f32 v54, v3  }
0x23c: {  	v60 =	vadd.s32 $0x1, v53;
	v14 =	vsel vm15, v57, v14;
	v12 =	vsel vm15, v12, v50  }
0x23d: {  	v61 =	vadd.s32 $0x1, v18;
	vm4 =	vlt.f32 v55, v5;
	v19 =	vadd.s32 v12, v14  }
0x23e: {  	vm5 =	vlt.f32 v56, v4;
	v7 =	vsel vm4, v59, v7;
	v8 =	vsel vm4, v8, v16  }
0x23f: {  	vm6 =	vlt.f32 v58, v6;
	v19 =	vshrl.u32 v19, $0x1;
	v11 =	vsel vm5, v60, v11  }
0x240: {  	v9 =	vsel vm5, v9, v53;
	v15 =	vadd.s32 v8, v7;
	v13 =	vsel vm6, v61, v13  }
0x241: {  	v10 =	vsel vm6, v10, v18;
	v15 =	vshrl.u32 v15, $0x1;
	v17 =	vadd.s32 v9, v11  }
0x242: {  	v18 =	vadd.s32 v10, v13;
	v62 =	vshrl.u32 v17, $0x1  }
0x243: {  	v18 =	vshrl.u32 v18, $0x1  }
0x244: {  	v63 =	vld.idx.msk [tilespmem:v19+s3+$0x0], $0xffff;
	_ =	sdelay $0x1  }
0x245: {  	v24 =	vld.idx.msk [tilespmem:v15+s3+$0x0], $0xffff  }
0x246: {  	v25 =	vld.idx.msk [tilespmem:v62+s3+$0x0], $0xffff  }
0x247: {  	v27 =	vld.idx.msk [tilespmem:v18+s3+$0x0], $0xffff  }
0x248: {  	v26 =	vadd.s32 $0x1, v19;
	v28 =	vadd.s32 $0x1, v15;
	vm7 =	vlt.f32 v63, v3  }
0x249: {  	v29 =	vadd.s32 $0x1, v62;
	v14 =	vsel vm7, v26, v14;
	v12 =	vsel vm7, v12, v19  }
0x24a: {  	v30 =	vadd.s32 $0x1, v18;
	vm8 =	vlt.f32 v24, v5;
	v19 =	vadd.s32 v12, v14  }
0x24b: {  	vm9 =	vlt.f32 v25, v4;
	v7 =	vsel vm8, v28, v7;
	v19 =	vshrl.u32 v19, $0x1  }
0x24c: {  	v8 =	vsel vm8, v8, v15;
	vm10 =	vlt.f32 v27, v6;
	v11 =	vsel vm9, v29, v11  }
0x24d: {  	v9 =	vsel vm9, v9, v62;
	v15 =	vadd.s32 v8, v7;
	v13 =	vsel vm10, v30, v13  }
0x24e: {  	v10 =	vsel vm10, v10, v18;
	v15 =	vshrl.u32 v15, $0x1;
	v31 =	vadd.s32 v9, v11  }
0x24f: {  	v18 =	vadd.s32 v10, v13;
	v17 =	vshrl.u32 v31, $0x1  }
0x250: {  	v18 =	vshrl.u32 v18, $0x1;
	v32 =	vld.idx.msk [tilespmem:v19+s3+$0x0], $0xffff;
	_ =	sdelay $0x2  }
0x251: {  	v33 =	vld.idx.msk [tilespmem:v15+s3+$0x0], $0xffff  }
0x252: {  	v35 =	vld.idx.msk [tilespmem:v17+s3+$0x0], $0xffff  }
0x253: {  	v34 =	vadd.s32 $0x1, v19;
	v36 =	vld.idx.msk [tilespmem:v18+s3+$0x0], $0xffff;
	vm11 =	vlt.f32 v32, v3  }
0x254: {  	v14 =	vsel vm11, v34, v14;
	v12 =	vsel vm11, v12, v19  }
0x255: {  	v37 =	vadd.s32 $0x1, v15;
	v19 =	vadd.s32 v12, v14  }
0x256: {  	v38 =	vadd.s32 $0x1, v17;
	vm12 =	vlt.f32 v33, v5;
	v19 =	vshrl.u32 v19, $0x1  }
0x257: {  	v39 =	vadd.s32 $0x1, v18;
	vm13 =	vlt.f32 v35, v4;
	v7 =	vsel vm12, v37, v7  }
0x258: {  	v8 =	vsel vm12, v8, v15;
	vm14 =	vlt.f32 v36, v6;
	v11 =	vsel vm13, v38, v11  }
0x259: {  	v9 =	vsel vm13, v9, v17;
	v15 =	vadd.s32 v8, v7;
	v13 =	vsel vm14, v39, v13  }
0x25a: {  	v10 =	vsel vm14, v10, v18;
	v15 =	vshrl.u32 v15, $0x1;
	v41 =	vadd.s32 v9, v11  }
0x25b: {  	v18 =	vadd.s32 v10, v13;
	v42 =	vshrl.u32 v41, $0x1;
	v40 =	vld.idx.msk [tilespmem:v19+s3+$0x0], $0xffff  }
0x25c: {  	v18 =	vshrl.u32 v18, $0x1;
	_ =	sdelay $0x2  }
0x25d: {  	v44 =	vld.idx.msk [tilespmem:v15+s3+$0x0], $0xffff  }
0x25e: {  	v43 =	vadd.s32 $0x1, v19;
	v45 =	vld.idx.msk [tilespmem:v42+s3+$0x0], $0xffff;
	vm15 =	vlt.f32 v40, v3  }
0x25f: {  	v46 =	vld.idx.msk [tilespmem:v18+s3+$0x0], $0xffff;
	v14 =	vsel vm15, v43, v14;
	v12 =	vsel vm15, v12, v19  }
0x260: {  	v19 =	vadd.s32 v12, v14  }
0x261: {  	v19 =	vshrl.u32 v19, $0x1  }
0x262: {  	v47 =	vadd.s32 $0x1, v15;
	v48 =	vadd.s32 $0x1, v42;
	vm4 =	vlt.f32 v44, v5  }
0x263: {  	v51 =	vadd.s32 $0x1, v18;
	vm5 =	vlt.f32 v45, v4;
	v7 =	vsel vm4, v47, v7  }
0x264: {  	v8 =	vsel vm4, v8, v15;
	vm6 =	vlt.f32 v46, v6;
	v11 =	vsel vm5, v48, v11  }
0x265: {  	v9 =	vsel vm5, v9, v42;
	v50 =	vadd.s32 v8, v7;
	v13 =	vsel vm6, v51, v13  }
0x266: {  	v10 =	vsel vm6, v10, v18;
	v16 =	vshrl.u32 v50, $0x1;
	v52 =	vadd.s32 v9, v11;
	v49 =	vld.idx.msk [tilespmem:v19+s3+$0x0], $0xffff  }
0x267: {  	v18 =	vadd.s32 v10, v13;
	v53 =	vshrl.u32 v52, $0x1  }
0x268: {  	v18 =	vshrl.u32 v18, $0x1;
	_ =	sdelay $0x2  }
0x269: {  	v54 =	vadd.s32 $0x1, v19;
	v55 =	vld.idx.msk [tilespmem:v16+s3+$0x0], $0xffff;
	vm7 =	vlt.f32 v49, v3  }
0x26a: {  	v56 =	vld.idx.msk [tilespmem:v53+s3+$0x0], $0xffff;
	v14 =	vsel vm7, v54, v14;
	v12 =	vsel vm7, v12, v19  }
0x26b: {  	v58 =	vld.idx.msk [tilespmem:v18+s3+$0x0], $0xffff;
	v57 =	vadd.s32 v12, v14  }
0x26c: {  	v20 =	vshrl.u32 v57, $0x1;
	_ =	sdelay $0x1  }
0x26d: {  	v59 =	vadd.s32 $0x1, v16;
	v60 =	vadd.s32 $0x1, v53;
	vm8 =	vlt.f32 v55, v5  }
0x26e: {  	v62 =	vadd.s32 $0x1, v18;
	vm9 =	vlt.f32 v56, v4;
	v7 =	vsel vm8, v59, v7  }
0x26f: {  	v8 =	vsel vm8, v8, v16;
	vm10 =	vlt.f32 v58, v6;
	v11 =	vsel vm9, v60, v11  }
0x270: {  	v9 =	vsel vm9, v9, v53;
	v16 =	vadd.s32 v8, v7;
	v13 =	vsel vm10, v62, v13;
	v61 =	vld.idx.msk [tilespmem:v20+s3+$0x0], $0xffff  }
0x271: {  	v10 =	vsel vm10, v10, v18;
	v16 =	vshrl.u32 v16, $0x1;
	v19 =	vadd.s32 v9, v11  }
0x272: {  	v18 =	vadd.s32 v10, v13;
	v63 =	vshrl.u32 v19, $0x1  }
0x273: {  	v18 =	vshrl.u32 v18, $0x1;
	_ =	sdelay $0x1  }
0x274: {  	v23 =	vadd.s32 $0x1, v20;
	vm11 =	vlt.f32 v61, v3  }
0x275: {  	v24 =	vld.idx.msk [tilespmem:v16+s3+$0x0], $0xffff;
	v14 =	vsel vm11, v23, v14;
	v12 =	vsel vm11, v12, v20  }
0x276: {  	v26 =	vld.idx.msk [tilespmem:v63+s3+$0x0], $0xffff;
	v25 =	vadd.s32 v12, v14  }
0x277: {  	v27 =	vld.idx.msk [tilespmem:v18+s3+$0x0], $0xffff;
	v19 =	vshrl.u32 v25, $0x1;
	_ =	sdelay $0x2  }
0x278: {  	v28 =	vadd.s32 $0x1, v16;
	v29 =	vadd.s32 $0x1, v63;
	vm12 =	vlt.f32 v24, v5  }
0x279: {  	v31 =	vadd.s32 $0x1, v18;
	vm13 =	vlt.f32 v26, v4;
	v7 =	vsel vm12, v28, v7  }
0x27a: {  	v8 =	vsel vm12, v8, v16;
	vm14 =	vlt.f32 v27, v6;
	v11 =	vsel vm13, v29, v11;
	v30 =	vld.idx.msk [tilespmem:v19+s3+$0x0], $0xffff  }
0x27b: {  	v9 =	vsel vm13, v9, v63;
	v15 =	vadd.s32 v8, v7;
	v13 =	vsel vm14, v31, v13  }
0x27c: {  	v10 =	vsel vm14, v10, v18;
	v15 =	vshrl.u32 v15, $0x1;
	v17 =	vadd.s32 v9, v11  }
0x27d: {  	v18 =	vadd.s32 v10, v13;
	v32 =	vshrl.u32 v17, $0x1  }
0x27e: {  	v34 =	vshrl.u32 v18, $0x1  }
0x27f: {  	v33 =	vadd.s32 $0x1, v19;
	vm15 =	vlt.f32 v30, v3  }
0x280: {  	v14 =	vsel vm15, v33, v14;
	v12 =	vsel vm15, v12, v19  }
0x281: {  	v36 =	vld.idx.msk [tilespmem:v15+s3+$0x0], $0xffff;
	v35 =	vadd.s32 v12, v14  }
0x282: {  	v37 =	vld.idx.msk [tilespmem:v32+s3+$0x0], $0xffff;
	v18 =	vshrl.u32 v35, $0x1  }
0x283: {  	v38 =	vld.idx.msk [tilespmem:v34+s3+$0x0], $0xffff;
	_ =	sdelay $0x2  }
0x284: {  	v40 =	vadd.s32 $0x1, v15;
	v41 =	vadd.s32 $0x1, v32;
	vm4 =	vlt.f32 v36, v5  }
0x285: {  	v42 =	vadd.s32 $0x1, v34;
	vm5 =	vlt.f32 v37, v4;
	v7 =	vsel vm4, v40, v7;
	v39 =	vld.idx.msk [tilespmem:v18+s3+$0x0], $0xffff  }
0x286: {  	v8 =	vsel vm4, v8, v15;
	vm6 =	vlt.f32 v38, v6;
	v11 =	vsel vm5, v41, v11  }
0x287: {  	v43 =	vadd.s32 v8, v7;
	v9 =	vsel vm5, v9, v32;
	v13 =	vsel vm6, v42, v13  }
0x288: {  	v10 =	vsel vm6, v10, v34;
	v44 =	vshrl.u32 v43, $0x1;
	v16 =	vadd.s32 v9, v11  }
0x289: {  	v46 =	vadd.s32 v10, v13;
	v16 =	vshrl.u32 v16, $0x1  }
0x28a: {  	v45 =	vadd.s32 $0x1, v18;
	v47 =	vshrl.u32 v46, $0x1;
	vm7 =	vlt.f32 v39, v3  }
0x28b: {  	v14 =	vsel vm7, v45, v14;
	v12 =	vsel vm7, v12, v18  }
0x28c: {  	v18 =	vadd.s32 v12, v14  }
0x28d: {  	v48 =	vld.idx.msk [tilespmem:v44+s3+$0x0], $0xffff;
	v18 =	vshrl.u32 v18, $0x1  }
0x28e: {  	v49 =	vld.idx.msk [tilespmem:v16+s3+$0x0], $0xffff  }
0x28f: {  	v50 =	vld.idx.msk [tilespmem:v47+s3+$0x0], $0xffff;
	_ =	sdelay $0x2  }
0x290: {  	v51 =	vadd.s32 $0x1, v44;
	v53 =	vadd.s32 $0x1, v16;
	vm8 =	vlt.f32 v48, v5;
	v52 =	vld.idx.msk [tilespmem:v18+s3+$0x0], $0xffff  }
0x291: {  	v54 =	vadd.s32 $0x1, v47;
	v7 =	vsel vm8, v51, v7;
	vm9 =	vlt.f32 v49, v4  }
0x292: {  	v8 =	vsel vm8, v8, v44;
	vm10 =	vlt.f32 v50, v6;
	v11 =	vsel vm9, v53, v11  }
0x293: {  	v9 =	vsel vm9, v9, v16;
	v13 =	vsel vm10, v54, v13;
	v8 =	vadd.s32 v8, v7  }
0x294: {  	v10 =	vsel vm10, v10, v47;
	v55 =	vadd.s32 $0x1, v18;
	v8 =	vshrl.u32 v8, $0x1  }
0x295: {  	v9 =	vadd.s32 v9, v11;
	v10 =	vadd.s32 v10, v13;
	vm11 =	vlt.f32 v52, v3  }
0x296: {  	v9 =	vshrl.u32 v9, $0x1;
	v14 =	vsel vm11, v55, v14;
	v12 =	vsel vm11, v12, v18  }
0x297: {  	v10 =	vshrl.u32 v10, $0x1;
	v12 =	vadd.s32 v12, v14  }
0x298: {  	v12 =	vshrl.u32 v12, $0x1;
	_ =	sdelay $0x1  }
0x299: {  	v56 =	vld.idx.msk [tilespmem:v8+s3+$0x0], $0xffff  }
0x29a: {  	v57 =	vld.idx.msk [tilespmem:v9+s3+$0x0], $0xffff  }
0x29b: {  	v58 =	vld.idx.msk [tilespmem:v10+s3+$0x0], $0xffff  }
0x29c: {  	v59 =	vld.idx.msk [tilespmem:v12+s3+$0x0], $0xffff;
	_ =	sdelay $0x1  }
0x29d: {  	p0 =	sne.s32 s28, $0x6300;
	v60 =	vadd.s32 $0x1, v8;
	vm12 =	vlt.f32 v56, v5  }
.Ltmp2:
0x29e: {  	v61 =	vadd.s32 $0x1, v9;
	v5 =	vsel vm12, v60, v7;
	vm13 =	vlt.f32 v57, v4;
	(pc) =	sbr.rel @p0 .LBB2_6-.Ltmp2, $4  }
0x29f: {  	v62 =	vadd.s32 $0x1, v10;
	vm14 =	vlt.f32 v58, v6;
	v4 =	vsel vm13, v61, v11;
	[tilespmem:s29+$0x1A000] =	vst v5  }
0x2a0: {  	v63 =	vsel vm14, v62, v13;
	[tilespmem:s29+$0x1A010] =	vst v4;
	vm15 =	vlt.f32 v59, v3;
	v3 =	vadd.s32 $0x1, v12  }
0x2a1: {  	[tilespmem:s29+$0x1A020] =	vst v63;
	v3 =	vsel vm15, v3, v14  }
0x2a2: {  	s28 =	sadd.s32 $0x100, s28;
	[tilespmem:s29+$0x1A030] =	vst v3  }
0x2a3: {  	s28 =	simm.s32 $0x0  }
0x2a4: {  	[hbm4b:s10+s28] =	stream.linear.scatter [tilespmem:s22], [sflag:$0x1], $0x1900, $0x38;
	[tilespmem:$0x1D300] =	vst v63  }
0x2a5: {  	_ =	swait.ge [sflag:s20], $0x1900  }
0x2a6: {  	[sflag:s20] =	ssyncset.done $0x0  }
0x2a7: {  	[sflag:s20] =	ssyncadd.s32 $0xFFFFE700  }
0x2a8: {  	[tilespmem:s21], [sflag:$0x1] =	stream.linear.gather [hbm4b:s11+s28], $0x1900, $0x38;
	[tilespmem:$0x1D300] =	vst v63  }
0x2a9: {  	_ =	swait.ge [sflag:s20], $0x1900  }
0x2aa: {  	[sflag:s20] =	ssyncset.done $0x0  }
0x2ab: {  	[sflag:s20] =	ssyncadd.s32 $0xFFFFE700  }
.LBB2_8:
0x2ac: {  	s29 =	sshra.s32 s28, $0x2;
	v7 =	vld.idx.msk [tilespmem:v0+s3+$0x0], $0xffff  }
0x2ad: {  	v5 =	vld [tilespmem:s29+$0x18700]  }
0x2ae: {  	v4 =	vld [tilespmem:s29+$0x18710]  }
0x2af: {  	v6 =	vld [tilespmem:s29+$0x18720];
	_ =	sdelay $0x2  }
0x2b0: {  	vm0 =	vlt.f32 v7, v5  }
0x2b1: {  	vm1 =	vlt.f32 v7, v4;
	v8 =	vsel vm0, $0x124F9, v2  }
0x2b2: {  	vm12 =	vlt.f32 v7, v6;
	v9 =	vsel vm1, $0x124F9, v2  }
0x2b3: {  	v3 =	vld [tilespmem:s29+$0x18730];
	v54 =	vsel vm12, $0x124F9, v2;
	_ =	sdelay $0x2  }
0x2b4: {  	v10 =	vld.idx.msk [tilespmem:v8+s3+$0x0], $0xffff  }
0x2b5: {  	v11 =	vld.idx.msk [tilespmem:v9+s3+$0x0], $0xffff  }
0x2b6: {  	vm13 =	vlt.f32 v7, v3;
	v16 =	vld.idx.msk [tilespmem:v54+s3+$0x0], $0xffff  }
0x2b7: {  	v12 =	vsel vm0, $0xC351, v1;
	v13 =	vsel vm0, $0x186A1, v0;
	v14 =	vsel vm1, $0xC351, v1  }
0x2b8: {  	v15 =	vsel vm1, $0x186A1, v0;
	v57 =	vsel vm13, $0x124F9, v2;
	v17 =	vsel vm12, $0xC351, v1  }
0x2b9: {  	v18 =	vsel vm12, $0x186A1, v0;
	v53 =	vadd.s32 $0x1, v8;
	v55 =	vadd.s32 $0x1, v9  }
0x2ba: {  	v20 =	vadd.s32 $0x1, v54;
	vm2 =	vlt.f32 v10, v5;
	vm3 =	vlt.f32 v11, v4  }
0x2bb: {  	vm14 =	vlt.f32 v16, v6;
	v8 =	vsel vm2, v13, v8;
	v7 =	vsel vm2, v53, v12  }
0x2bc: {  	v11 =	vsel vm3, v55, v14;
	v9 =	vsel vm3, v15, v9;
	v10 =	vsel vm14, v18, v54  }
0x2bd: {  	v17 =	vsel vm14, v20, v17;
	v56 =	vadd.s32 $0xFFFFFFFF, v8;
	v15 =	vadd.s32 $0xFFFFFFFF, v9  }
0x2be: {  	v21 =	vadd.s32 $0xFFFFFFFF, v10;
	v58 =	vxor.u32 v56, v7;
	v12 =	vor.u32 v56, v7  }
0x2bf: {  	v59 =	vxor.u32 v15, v11;
	v22 =	vxor.u32 v21, v17;
	v14 =	vshrl.u32 v58, $0x1  }
0x2c0: {  	v25 =	vor.u32 v21, v17;
	v26 =	vshrl.u32 v22, $0x1;
	v12 =	vsub.s32 v12, v14  }
0x2c1: {  	v60 =	vld.idx.msk [tilespmem:v57+s3+$0x0], $0xffff;
	v15 =	vor.u32 v15, v11;
	v14 =	vshrl.u32 v59, $0x1;
	v18 =	vsub.s32 v25, v26  }
0x2c2: {  	v14 =	vsub.s32 v15, v14;
	_ =	sdelay $0x2  }
0x2c3: {  	v61 =	vld.idx.msk [tilespmem:v12+s3+$0x0], $0xffff  }
0x2c4: {  	v62 =	vsel vm13, $0x186A1, v0;
	vm15 =	vlt.f32 v60, v3;
	v32 =	vld.idx.msk [tilespmem:v18+s3+$0x0], $0xffff  }
0x2c5: {  	v19 =	vsel vm13, $0xC351, v1;
	v24 =	vadd.s32 $0x1, v57;
	v13 =	vsel vm15, v62, v57;
	v63 =	vld.idx.msk [tilespmem:v14+s3+$0x0], $0xffff  }
0x2c6: {  	v28 =	vadd.s32 $0xFFFFFFFF, v13;
	v15 =	vsel vm15, v24, v19  }
0x2c7: {  	v27 =	vadd.s32 $0x1, v12;
	v37 =	vadd.s32 $0x1, v18;
	v29 =	vxor.u32 v28, v15  }
0x2c8: {  	v30 =	vadd.s32 $0x1, v14;
	v16 =	vor.u32 v28, v15;
	vm4 =	vlt.f32 v61, v5  }
0x2c9: {  	vm6 =	vlt.f32 v32, v6;
	v7 =	vsel vm4, v27, v7;
	v8 =	vsel vm4, v8, v12  }
0x2ca: {  	vm5 =	vlt.f32 v63, v4;
	v12 =	vshrl.u32 v29, $0x1;
	v10 =	vsel vm6, v10, v18  }
0x2cb: {  	v11 =	vsel vm5, v30, v11;
	v12 =	vsub.s32 v16, v12;
	v31 =	vxor.u32 v8, v7  }
0x2cc: {  	v9 =	vsel vm5, v9, v14;
	v33 =	vand.u32 v8, v7;
	v16 =	vshrl.u32 v31, $0x1  }
0x2cd: {  	v14 =	vsel vm6, v37, v17;
	v34 =	vxor.u32 v9, v11;
	v16 =	vadd.s32 v16, v33  }
0x2ce: {  	v35 =	vand.u32 v9, v11;
	v18 =	vxor.u32 v10, v14;
	v19 =	vshrl.u32 v34, $0x1  }
0x2cf: {  	v40 =	vand.u32 v10, v14;
	v18 =	vshrl.u32 v18, $0x1;
	v19 =	vadd.s32 v19, v35  }
0x2d0: {  	v18 =	vadd.s32 v18, v40  }
0x2d1: {  	v36 =	vld.idx.msk [tilespmem:v12+s3+$0x0], $0xffff  }
0x2d2: {  	v38 =	vld.idx.msk [tilespmem:v16+s3+$0x0], $0xffff;
	_ =	sdelay $0x1  }
0x2d3: {  	v39 =	vld.idx.msk [tilespmem:v19+s3+$0x0], $0xffff  }
0x2d4: {  	v41 =	vadd.s32 $0x1, v12;
	v42 =	vadd.s32 $0x1, v16;
	v46 =	vld.idx.msk [tilespmem:v18+s3+$0x0], $0xffff  }
0x2d5: {  	v45 =	vadd.s32 $0x1, v19;
	v48 =	vadd.s32 $0x1, v18;
	vm7 =	vlt.f32 v36, v3  }
0x2d6: {  	v15 =	vsel vm7, v41, v15;
	v12 =	vsel vm7, v13, v12;
	vm8 =	vlt.f32 v38, v5  }
0x2d7: {  	v43 =	vxor.u32 v12, v15;
	v44 =	vand.u32 v12, v15;
	v7 =	vsel vm8, v42, v7  }
0x2d8: {  	v8 =	vsel vm8, v8, v16;
	vm9 =	vlt.f32 v39, v4;
	v13 =	vshrl.u32 v43, $0x1  }
0x2d9: {  	vm10 =	vlt.f32 v46, v6;
	v13 =	vadd.s32 v13, v44;
	v47 =	vadd.s32 v8, v7  }
0x2da: {  	v11 =	vsel vm9, v45, v11;
	v9 =	vsel vm9, v9, v19;
	v16 =	vshrl.u32 v47, $0x1  }
0x2db: {  	v14 =	vsel vm10, v48, v14;
	v10 =	vsel vm10, v10, v18;
	v17 =	vadd.s32 v9, v11  }
0x2dc: {  	v19 =	vadd.s32 v10, v14;
	v17 =	vshrl.u32 v17, $0x1  }
0x2dd: {  	v19 =	vshrl.u32 v19, $0x1  }
0x2de: {  	v49 =	vld.idx.msk [tilespmem:v13+s3+$0x0], $0xffff  }
0x2df: {  	v50 =	vld.idx.msk [tilespmem:v16+s3+$0x0], $0xffff;
	_ =	sdelay $0x1  }
0x2e0: {  	v51 =	vld.idx.msk [tilespmem:v17+s3+$0x0], $0xffff  }
0x2e1: {  	v54 =	vld.idx.msk [tilespmem:v19+s3+$0x0], $0xffff  }
0x2e2: {  	v52 =	vadd.s32 $0x1, v13;
	v53 =	vadd.s32 $0x1, v16;
	v56 =	vadd.s32 $0x1, v17  }
0x2e3: {  	v59 =	vadd.s32 $0x1, v19;
	vm11 =	vlt.f32 v49, v3;
	vm12 =	vlt.f32 v50, v5  }
0x2e4: {  	v15 =	vsel vm11, v52, v15;
	v12 =	vsel vm11, v12, v13;
	v7 =	vsel vm12, v53, v7  }
0x2e5: {  	v8 =	vsel vm12, v8, v16;
	vm13 =	vlt.f32 v51, v4;
	v55 =	vadd.s32 v12, v15  }
0x2e6: {  	vm14 =	vlt.f32 v54, v6;
	v16 =	vshrl.u32 v55, $0x1;
	v57 =	vadd.s32 v8, v7  }
0x2e7: {  	v11 =	vsel vm13, v56, v11;
	v9 =	vsel vm13, v9, v17;
	v58 =	vshrl.u32 v57, $0x1  }
0x2e8: {  	v13 =	vsel vm14, v59, v14;
	v10 =	vsel vm14, v10, v19;
	v18 =	vadd.s32 v9, v11  }
0x2e9: {  	v62 =	vadd.s32 v10, v13;
	v18 =	vshrl.u32 v18, $0x1  }
0x2ea: {  	v20 =	vshrl.u32 v62, $0x1  }
0x2eb: {  	v60 =	vld.idx.msk [tilespmem:v16+s3+$0x0], $0xffff  }
0x2ec: {  	v61 =	vld.idx.msk [tilespmem:v58+s3+$0x0], $0xffff;
	_ =	sdelay $0x1  }
0x2ed: {  	v63 =	vld.idx.msk [tilespmem:v18+s3+$0x0], $0xffff  }
0x2ee: {  	v26 =	vld.idx.msk [tilespmem:v20+s3+$0x0], $0xffff  }
0x2ef: {  	v24 =	vadd.s32 $0x1, v16;
	v25 =	vadd.s32 $0x1, v58;
	v27 =	vadd.s32 $0x1, v18  }
0x2f0: {  	v29 =	vadd.s32 $0x1, v20;
	vm15 =	vlt.f32 v60, v3;
	vm4 =	vlt.f32 v61, v5  }
0x2f1: {  	v14 =	vsel vm15, v24, v15;
	v12 =	vsel vm15, v12, v16;
	v7 =	vsel vm4, v25, v7  }
0x2f2: {  	v8 =	vsel vm4, v8, v58;
	vm5 =	vlt.f32 v63, v4;
	v16 =	vadd.s32 v12, v14  }
0x2f3: {  	vm6 =	vlt.f32 v26, v6;
	v16 =	vshrl.u32 v16, $0x1;
	v19 =	vadd.s32 v8, v7  }
0x2f4: {  	v11 =	vsel vm5, v27, v11;
	v9 =	vsel vm5, v9, v18;
	v28 =	vshrl.u32 v19, $0x1  }
0x2f5: {  	v13 =	vsel vm6, v29, v13;
	v10 =	vsel vm6, v10, v20;
	v18 =	vadd.s32 v9, v11  }
0x2f6: {  	v31 =	vadd.s32 v10, v13;
	v18 =	vshrl.u32 v18, $0x1  }
0x2f7: {  	v19 =	vshrl.u32 v31, $0x1  }
0x2f8: {  	v30 =	vld.idx.msk [tilespmem:v16+s3+$0x0], $0xffff  }
0x2f9: {  	v32 =	vld.idx.msk [tilespmem:v28+s3+$0x0], $0xffff;
	_ =	sdelay $0x1  }
0x2fa: {  	v33 =	vld.idx.msk [tilespmem:v18+s3+$0x0], $0xffff  }
0x2fb: {  	v36 =	vld.idx.msk [tilespmem:v19+s3+$0x0], $0xffff  }
0x2fc: {  	v34 =	vadd.s32 $0x1, v16;
	v35 =	vadd.s32 $0x1, v28;
	v37 =	vadd.s32 $0x1, v18  }
0x2fd: {  	v39 =	vadd.s32 $0x1, v19;
	vm7 =	vlt.f32 v30, v3;
	vm8 =	vlt.f32 v32, v5  }
0x2fe: {  	v14 =	vsel vm7, v34, v14;
	v12 =	vsel vm7, v12, v16;
	v7 =	vsel vm8, v35, v7  }
0x2ff: {  	v8 =	vsel vm8, v8, v28;
	vm9 =	vlt.f32 v33, v4;
	v15 =	vadd.s32 v12, v14  }
0x300: {  	vm10 =	vlt.f32 v36, v6;
	v15 =	vshrl.u32 v15, $0x1;
	v17 =	vadd.s32 v8, v7  }
0x301: {  	v11 =	vsel vm9, v37, v11;
	v9 =	vsel vm9, v9, v18;
	v38 =	vshrl.u32 v17, $0x1  }
0x302: {  	v13 =	vsel vm10, v39, v13;
	v10 =	vsel vm10, v10, v19;
	v18 =	vadd.s32 v9, v11  }
0x303: {  	v41 =	vadd.s32 v10, v13;
	v40 =	vshrl.u32 v18, $0x1  }
0x304: {  	v18 =	vshrl.u32 v41, $0x1  }
0x305: {  	v42 =	vld.idx.msk [tilespmem:v15+s3+$0x0], $0xffff  }
0x306: {  	v43 =	vld.idx.msk [tilespmem:v38+s3+$0x0], $0xffff;
	_ =	sdelay $0x1  }
0x307: {  	v44 =	vld.idx.msk [tilespmem:v40+s3+$0x0], $0xffff  }
0x308: {  	v45 =	vld.idx.msk [tilespmem:v18+s3+$0x0], $0xffff  }
0x309: {  	v46 =	vadd.s32 $0x1, v15;
	v47 =	vadd.s32 $0x1, v38;
	v48 =	vadd.s32 $0x1, v40  }
0x30a: {  	v51 =	vadd.s32 $0x1, v18;
	vm11 =	vlt.f32 v42, v3;
	vm12 =	vlt.f32 v43, v5  }
0x30b: {  	v14 =	vsel vm11, v46, v14;
	v12 =	vsel vm11, v12, v15;
	v7 =	vsel vm12, v47, v7  }
0x30c: {  	vm13 =	vlt.f32 v44, v4;
	v49 =	vadd.s32 v12, v14;
	v8 =	vsel vm12, v8, v38  }
0x30d: {  	vm14 =	vlt.f32 v45, v6;
	v11 =	vsel vm13, v48, v11;
	v50 =	vshrl.u32 v49, $0x1  }
0x30e: {  	v9 =	vsel vm13, v9, v40;
	v16 =	vadd.s32 v8, v7;
	v13 =	vsel vm14, v51, v13  }
0x30f: {  	v10 =	vsel vm14, v10, v18;
	v16 =	vshrl.u32 v16, $0x1;
	v52 =	vadd.s32 v9, v11  }
0x310: {  	v18 =	vadd.s32 v10, v13;
	v53 =	vshrl.u32 v52, $0x1  }
0x311: {  	v18 =	vshrl.u32 v18, $0x1  }
0x312: {  	v54 =	vld.idx.msk [tilespmem:v50+s3+$0x0], $0xffff;
	_ =	sdelay $0x1  }
0x313: {  	v55 =	vld.idx.msk [tilespmem:v16+s3+$0x0], $0xffff  }
0x314: {  	v56 =	vld.idx.msk [tilespmem:v53+s3+$0x0], $0xffff  }
0x315: {  	v58 =	vld.idx.msk [tilespmem:v18+s3+$0x0], $0xffff  }
0x316: {  	v57 =	vadd.s32 $0x1, v50;
	v59 =	vadd.s32 $0x1, v16;
	vm15 =	vlt.f32 v54, v3  }
0x317: {  	v60 =	vadd.s32 $0x1, v53;
	v14 =	vsel vm15, v57, v14;
	v12 =	vsel vm15, v12, v50  }
0x318: {  	v61 =	vadd.s32 $0x1, v18;
	vm4 =	vlt.f32 v55, v5;
	v19 =	vadd.s32 v12, v14  }
0x319: {  	vm5 =	vlt.f32 v56, v4;
	v7 =	vsel vm4, v59, v7;
	v8 =	vsel vm4, v8, v16  }
0x31a: {  	vm6 =	vlt.f32 v58, v6;
	v19 =	vshrl.u32 v19, $0x1;
	v11 =	vsel vm5, v60, v11  }
0x31b: {  	v9 =	vsel vm5, v9, v53;
	v15 =	vadd.s32 v8, v7;
	v13 =	vsel vm6, v61, v13  }
0x31c: {  	v10 =	vsel vm6, v10, v18;
	v15 =	vshrl.u32 v15, $0x1;
	v17 =	vadd.s32 v9, v11  }
0x31d: {  	v18 =	vadd.s32 v10, v13;
	v62 =	vshrl.u32 v17, $0x1  }
0x31e: {  	v18 =	vshrl.u32 v18, $0x1  }
0x31f: {  	v63 =	vld.idx.msk [tilespmem:v19+s3+$0x0], $0xffff;
	_ =	sdelay $0x1  }
0x320: {  	v24 =	vld.idx.msk [tilespmem:v15+s3+$0x0], $0xffff  }
0x321: {  	v25 =	vld.idx.msk [tilespmem:v62+s3+$0x0], $0xffff  }
0x322: {  	v27 =	vld.idx.msk [tilespmem:v18+s3+$0x0], $0xffff  }
0x323: {  	v26 =	vadd.s32 $0x1, v19;
	v28 =	vadd.s32 $0x1, v15;
	vm7 =	vlt.f32 v63, v3  }
0x324: {  	v29 =	vadd.s32 $0x1, v62;
	v14 =	vsel vm7, v26, v14;
	v12 =	vsel vm7, v12, v19  }
0x325: {  	v30 =	vadd.s32 $0x1, v18;
	vm8 =	vlt.f32 v24, v5;
	v19 =	vadd.s32 v12, v14  }
0x326: {  	vm9 =	vlt.f32 v25, v4;
	v7 =	vsel vm8, v28, v7;
	v19 =	vshrl.u32 v19, $0x1  }
0x327: {  	v8 =	vsel vm8, v8, v15;
	vm10 =	vlt.f32 v27, v6;
	v11 =	vsel vm9, v29, v11  }
0x328: {  	v9 =	vsel vm9, v9, v62;
	v15 =	vadd.s32 v8, v7;
	v13 =	vsel vm10, v30, v13  }
0x329: {  	v10 =	vsel vm10, v10, v18;
	v15 =	vshrl.u32 v15, $0x1;
	v31 =	vadd.s32 v9, v11  }
0x32a: {  	v18 =	vadd.s32 v10, v13;
	v17 =	vshrl.u32 v31, $0x1  }
0x32b: {  	v18 =	vshrl.u32 v18, $0x1;
	v32 =	vld.idx.msk [tilespmem:v19+s3+$0x0], $0xffff;
	_ =	sdelay $0x2  }
0x32c: {  	v33 =	vld.idx.msk [tilespmem:v15+s3+$0x0], $0xffff  }
0x32d: {  	v35 =	vld.idx.msk [tilespmem:v17+s3+$0x0], $0xffff  }
0x32e: {  	v34 =	vadd.s32 $0x1, v19;
	v36 =	vld.idx.msk [tilespmem:v18+s3+$0x0], $0xffff;
	vm11 =	vlt.f32 v32, v3  }
0x32f: {  	v14 =	vsel vm11, v34, v14;
	v12 =	vsel vm11, v12, v19  }
0x330: {  	v37 =	vadd.s32 $0x1, v15;
	v19 =	vadd.s32 v12, v14  }
0x331: {  	v38 =	vadd.s32 $0x1, v17;
	vm12 =	vlt.f32 v33, v5;
	v19 =	vshrl.u32 v19, $0x1  }
0x332: {  	v39 =	vadd.s32 $0x1, v18;
	vm13 =	vlt.f32 v35, v4;
	v7 =	vsel vm12, v37, v7  }
0x333: {  	v8 =	vsel vm12, v8, v15;
	vm14 =	vlt.f32 v36, v6;
	v11 =	vsel vm13, v38, v11  }
0x334: {  	v9 =	vsel vm13, v9, v17;
	v15 =	vadd.s32 v8, v7;
	v13 =	vsel vm14, v39, v13  }
0x335: {  	v10 =	vsel vm14, v10, v18;
	v15 =	vshrl.u32 v15, $0x1;
	v41 =	vadd.s32 v9, v11  }
0x336: {  	v18 =	vadd.s32 v10, v13;
	v42 =	vshrl.u32 v41, $0x1;
	v40 =	vld.idx.msk [tilespmem:v19+s3+$0x0], $0xffff  }
0x337: {  	v18 =	vshrl.u32 v18, $0x1;
	_ =	sdelay $0x2  }
0x338: {  	v44 =	vld.idx.msk [tilespmem:v15+s3+$0x0], $0xffff  }
0x339: {  	v43 =	vadd.s32 $0x1, v19;
	v45 =	vld.idx.msk [tilespmem:v42+s3+$0x0], $0xffff;
	vm15 =	vlt.f32 v40, v3  }
0x33a: {  	v46 =	vld.idx.msk [tilespmem:v18+s3+$0x0], $0xffff;
	v14 =	vsel vm15, v43, v14;
	v12 =	vsel vm15, v12, v19  }
0x33b: {  	v19 =	vadd.s32 v12, v14  }
0x33c: {  	v19 =	vshrl.u32 v19, $0x1  }
0x33d: {  	v47 =	vadd.s32 $0x1, v15;
	v48 =	vadd.s32 $0x1, v42;
	vm4 =	vlt.f32 v44, v5  }
0x33e: {  	v51 =	vadd.s32 $0x1, v18;
	vm5 =	vlt.f32 v45, v4;
	v7 =	vsel vm4, v47, v7  }
0x33f: {  	v8 =	vsel vm4, v8, v15;
	vm6 =	vlt.f32 v46, v6;
	v11 =	vsel vm5, v48, v11  }
0x340: {  	v9 =	vsel vm5, v9, v42;
	v50 =	vadd.s32 v8, v7;
	v13 =	vsel vm6, v51, v13  }
0x341: {  	v10 =	vsel vm6, v10, v18;
	v16 =	vshrl.u32 v50, $0x1;
	v52 =	vadd.s32 v9, v11;
	v49 =	vld.idx.msk [tilespmem:v19+s3+$0x0], $0xffff  }
0x342: {  	v18 =	vadd.s32 v10, v13;
	v53 =	vshrl.u32 v52, $0x1  }
0x343: {  	v18 =	vshrl.u32 v18, $0x1;
	_ =	sdelay $0x2  }
0x344: {  	v54 =	vadd.s32 $0x1, v19;
	v55 =	vld.idx.msk [tilespmem:v16+s3+$0x0], $0xffff;
	vm7 =	vlt.f32 v49, v3  }
0x345: {  	v56 =	vld.idx.msk [tilespmem:v53+s3+$0x0], $0xffff;
	v14 =	vsel vm7, v54, v14;
	v12 =	vsel vm7, v12, v19  }
0x346: {  	v58 =	vld.idx.msk [tilespmem:v18+s3+$0x0], $0xffff;
	v57 =	vadd.s32 v12, v14  }
0x347: {  	v20 =	vshrl.u32 v57, $0x1;
	_ =	sdelay $0x1  }
0x348: {  	v59 =	vadd.s32 $0x1, v16;
	v60 =	vadd.s32 $0x1, v53;
	vm8 =	vlt.f32 v55, v5  }
0x349: {  	v62 =	vadd.s32 $0x1, v18;
	vm9 =	vlt.f32 v56, v4;
	v7 =	vsel vm8, v59, v7  }
0x34a: {  	v8 =	vsel vm8, v8, v16;
	vm10 =	vlt.f32 v58, v6;
	v11 =	vsel vm9, v60, v11  }
0x34b: {  	v9 =	vsel vm9, v9, v53;
	v16 =	vadd.s32 v8, v7;
	v13 =	vsel vm10, v62, v13;
	v61 =	vld.idx.msk [tilespmem:v20+s3+$0x0], $0xffff  }
0x34c: {  	v10 =	vsel vm10, v10, v18;
	v16 =	vshrl.u32 v16, $0x1;
	v19 =	vadd.s32 v9, v11  }
0x34d: {  	v18 =	vadd.s32 v10, v13;
	v63 =	vshrl.u32 v19, $0x1  }
0x34e: {  	v18 =	vshrl.u32 v18, $0x1;
	_ =	sdelay $0x1  }
0x34f: {  	v23 =	vadd.s32 $0x1, v20;
	vm11 =	vlt.f32 v61, v3  }
0x350: {  	v24 =	vld.idx.msk [tilespmem:v16+s3+$0x0], $0xffff;
	v14 =	vsel vm11, v23, v14;
	v12 =	vsel vm11, v12, v20  }
0x351: {  	v26 =	vld.idx.msk [tilespmem:v63+s3+$0x0], $0xffff;
	v25 =	vadd.s32 v12, v14  }
0x352: {  	v27 =	vld.idx.msk [tilespmem:v18+s3+$0x0], $0xffff;
	v19 =	vshrl.u32 v25, $0x1;
	_ =	sdelay $0x2  }
0x353: {  	v28 =	vadd.s32 $0x1, v16;
	v29 =	vadd.s32 $0x1, v63;
	vm12 =	vlt.f32 v24, v5  }
0x354: {  	v31 =	vadd.s32 $0x1, v18;
	vm13 =	vlt.f32 v26, v4;
	v7 =	vsel vm12, v28, v7  }
0x355: {  	v8 =	vsel vm12, v8, v16;
	vm14 =	vlt.f32 v27, v6;
	v11 =	vsel vm13, v29, v11;
	v30 =	vld.idx.msk [tilespmem:v19+s3+$0x0], $0xffff  }
0x356: {  	v9 =	vsel vm13, v9, v63;
	v15 =	vadd.s32 v8, v7;
	v13 =	vsel vm14, v31, v13  }
0x357: {  	v10 =	vsel vm14, v10, v18;
	v15 =	vshrl.u32 v15, $0x1;
	v17 =	vadd.s32 v9, v11  }
0x358: {  	v18 =	vadd.s32 v10, v13;
	v32 =	vshrl.u32 v17, $0x1  }
0x359: {  	v34 =	vshrl.u32 v18, $0x1  }
0x35a: {  	v33 =	vadd.s32 $0x1, v19;
	vm15 =	vlt.f32 v30, v3  }
0x35b: {  	v14 =	vsel vm15, v33, v14;
	v12 =	vsel vm15, v12, v19  }
0x35c: {  	v36 =	vld.idx.msk [tilespmem:v15+s3+$0x0], $0xffff;
	v35 =	vadd.s32 v12, v14  }
0x35d: {  	v37 =	vld.idx.msk [tilespmem:v32+s3+$0x0], $0xffff;
	v18 =	vshrl.u32 v35, $0x1  }
0x35e: {  	v38 =	vld.idx.msk [tilespmem:v34+s3+$0x0], $0xffff;
	_ =	sdelay $0x2  }
0x35f: {  	v40 =	vadd.s32 $0x1, v15;
	v41 =	vadd.s32 $0x1, v32;
	vm4 =	vlt.f32 v36, v5  }
0x360: {  	v42 =	vadd.s32 $0x1, v34;
	vm5 =	vlt.f32 v37, v4;
	v7 =	vsel vm4, v40, v7;
	v39 =	vld.idx.msk [tilespmem:v18+s3+$0x0], $0xffff  }
0x361: {  	v8 =	vsel vm4, v8, v15;
	vm6 =	vlt.f32 v38, v6;
	v11 =	vsel vm5, v41, v11  }
0x362: {  	v43 =	vadd.s32 v8, v7;
	v9 =	vsel vm5, v9, v32;
	v13 =	vsel vm6, v42, v13  }
0x363: {  	v10 =	vsel vm6, v10, v34;
	v44 =	vshrl.u32 v43, $0x1;
	v16 =	vadd.s32 v9, v11  }
0x364: {  	v46 =	vadd.s32 v10, v13;
	v16 =	vshrl.u32 v16, $0x1  }
0x365: {  	v45 =	vadd.s32 $0x1, v18;
	v47 =	vshrl.u32 v46, $0x1;
	vm7 =	vlt.f32 v39, v3  }
0x366: {  	v14 =	vsel vm7, v45, v14;
	v12 =	vsel vm7, v12, v18  }
0x367: {  	v18 =	vadd.s32 v12, v14  }
0x368: {  	v48 =	vld.idx.msk [tilespmem:v44+s3+$0x0], $0xffff;
	v18 =	vshrl.u32 v18, $0x1  }
0x369: {  	v49 =	vld.idx.msk [tilespmem:v16+s3+$0x0], $0xffff  }
0x36a: {  	v50 =	vld.idx.msk [tilespmem:v47+s3+$0x0], $0xffff;
	_ =	sdelay $0x2  }
0x36b: {  	v51 =	vadd.s32 $0x1, v44;
	v53 =	vadd.s32 $0x1, v16;
	vm8 =	vlt.f32 v48, v5;
	v52 =	vld.idx.msk [tilespmem:v18+s3+$0x0], $0xffff  }
0x36c: {  	v54 =	vadd.s32 $0x1, v47;
	v7 =	vsel vm8, v51, v7;
	vm9 =	vlt.f32 v49, v4  }
0x36d: {  	v8 =	vsel vm8, v8, v44;
	vm10 =	vlt.f32 v50, v6;
	v11 =	vsel vm9, v53, v11  }
0x36e: {  	v9 =	vsel vm9, v9, v16;
	v13 =	vsel vm10, v54, v13;
	v8 =	vadd.s32 v8, v7  }
0x36f: {  	v10 =	vsel vm10, v10, v47;
	v55 =	vadd.s32 $0x1, v18;
	v8 =	vshrl.u32 v8, $0x1  }
0x370: {  	v9 =	vadd.s32 v9, v11;
	v10 =	vadd.s32 v10, v13;
	vm11 =	vlt.f32 v52, v3  }
0x371: {  	v9 =	vshrl.u32 v9, $0x1;
	v14 =	vsel vm11, v55, v14;
	v12 =	vsel vm11, v12, v18  }
0x372: {  	v10 =	vshrl.u32 v10, $0x1;
	v12 =	vadd.s32 v12, v14  }
0x373: {  	v12 =	vshrl.u32 v12, $0x1;
	_ =	sdelay $0x1  }
0x374: {  	v56 =	vld.idx.msk [tilespmem:v8+s3+$0x0], $0xffff  }
0x375: {  	v57 =	vld.idx.msk [tilespmem:v9+s3+$0x0], $0xffff  }
0x376: {  	v58 =	vld.idx.msk [tilespmem:v10+s3+$0x0], $0xffff  }
0x377: {  	v59 =	vld.idx.msk [tilespmem:v12+s3+$0x0], $0xffff;
	_ =	sdelay $0x1  }
0x378: {  	p0 =	sne.s32 s28, $0x6300;
	v60 =	vadd.s32 $0x1, v8;
	vm12 =	vlt.f32 v56, v5  }
.Ltmp3:
0x379: {  	v61 =	vadd.s32 $0x1, v9;
	v5 =	vsel vm12, v60, v7;
	vm13 =	vlt.f32 v57, v4;
	(pc) =	sbr.rel @p0 .LBB2_8-.Ltmp3, $4  }
0x37a: {  	v62 =	vadd.s32 $0x1, v10;
	vm14 =	vlt.f32 v58, v6;
	v4 =	vsel vm13, v61, v11;
	[tilespmem:s29+$0x1A000] =	vst v5  }
0x37b: {  	v63 =	vsel vm14, v62, v13;
	[tilespmem:s29+$0x1A010] =	vst v4;
	vm15 =	vlt.f32 v59, v3;
	v3 =	vadd.s32 $0x1, v12  }
0x37c: {  	[tilespmem:s29+$0x1A020] =	vst v63;
	v3 =	vsel vm15, v3, v14  }
0x37d: {  	s28 =	sadd.s32 $0x100, s28;
	[tilespmem:s29+$0x1A030] =	vst v3  }
0x37e: {  	s28 =	simm.s32 $0x0  }
0x37f: {  	[hbm4b:s12+s28] =	stream.linear.scatter [tilespmem:s22], [sflag:$0x1], $0x1900, $0x38;
	[tilespmem:$0x1D300] =	vst v63  }
0x380: {  	_ =	swait.ge [sflag:s20], $0x1900  }
0x381: {  	[sflag:s20] =	ssyncset.done $0x0  }
0x382: {  	[sflag:s20] =	ssyncadd.s32 $0xFFFFE700  }
0x383: {  	[tilespmem:s28], [sflag:$0x1] =	stream.linear.gather [hbm4b:s0+s28], $0x18700, $0x38;
	[tilespmem:$0x1D300] =	vst v63  }
0x384: {  	_ =	swait.ge [sflag:s20], $0x18700  }
0x385: {  	[sflag:s20] =	ssyncset.done $0x0  }
0x386: {  	[sflag:s20] =	ssyncadd.s32 $0xFFFE7900  }
0x387: {  	[tilespmem:s22], [sflag:$0x1] =	stream.linear.gather [hbm4b:s6+s28], $0x1900, $0x38;
	[tilespmem:$0x1D300] =	vst v63  }
0x388: {  	_ =	swait.ge [sflag:s20], $0x1900  }
0x389: {  	[sflag:s20] =	ssyncset.done $0x0  }
0x38a: {  	s28 =	simm.s32 $0x0;
	[sflag:s20] =	ssyncadd.s32 $0xFFFFE700  }
0x38b: {  	v3 =	vld [tilespmem:s28+$0x1A000];
	_ =	sdelay $0x5  }
0x38c: {  	v4 =	vld [tilespmem:s28+$0x1A010];
	_ =	sdelay $0x1  }
0x38d: {  	v3 =	vld.idx.msk [tilespmem:v3+s3+$0x0], $0xffff;
	_ =	sdelay $0x4  }
0x38e: {  	v5 =	vld [tilespmem:s28+$0x1A020];
	[tilespmem:s28+$0x1B900] =	vst v3  }
0x38f: {  	v3 =	vld.idx.msk [tilespmem:v4+s3+$0x0], $0xffff;
	_ =	sdelay $0x4  }
0x390: {  	[tilespmem:s28+$0x1B910] =	vst v3;
	v3 =	vld [tilespmem:s28+$0x1A030];
	_ =	sdelay $0x1  }
0x391: {  	v4 =	vld.idx.msk [tilespmem:v5+s3+$0x0], $0xffff;
	_ =	sdelay $0x3  }
0x392: {  	s30 =	simm.s32 $0x40;
	s29 =	simm.s32 $0x200  }
.LBB2_10:
0x393: {  	p0 =	sne.s32 s29, $0x6300;
	v5 =	vld [tilespmem:s30+$0x1A000];
	[tilespmem:s28+$0x1B920] =	vst v4  }
0x394: {  	v3 =	vld.idx.msk [tilespmem:v3+s3+$0x0], $0xffff;
	_ =	sdelay $0x5  }
0x395: {  	v4 =	vld [tilespmem:s30+$0x1A010];
	[tilespmem:s28+$0x1B930] =	vst v3;
	s28 =	smov.u32 s30  }
0x396: {  	v3 =	vld.idx.msk [tilespmem:v5+s3+$0x0], $0xffff;
	_ =	sdelay $0x5  }
0x397: {  	[tilespmem:s28+$0x1B900] =	vst v3;
	v5 =	vld [tilespmem:s28+$0x1A020]  }
0x398: {  	v3 =	vld.idx.msk [tilespmem:v4+s3+$0x0], $0xffff;
	_ =	sdelay $0x5  }
0x399: {  	[tilespmem:s28+$0x1B910] =	vst v3;
	v3 =	vld [tilespmem:s28+$0x1A030]  }
0x39a: {  	v4 =	vld.idx.msk [tilespmem:v5+s3+$0x0], $0xffff  }
.Ltmp4:
0x39b: {  	(pc) =	sbr.rel @p0 .LBB2_10-.Ltmp4, $2  }
0x39c: {  	_ =	sdelay $0x2  }
0x39d: {  	s30 =	sshra.s32 s29, $0x2;
	s29 =	sadd.s32 $0x100, s29  }
0x39e: {  	_ =	sdelay $0x1  }
0x39f: {  	v5 =	vld [tilespmem:s30+$0x1A000]  }
0x3a0: {  	[tilespmem:s28+$0x1B920] =	vst v4  }
0x3a1: {  	v3 =	vld.idx.msk [tilespmem:v3+s3+$0x0], $0xffff;
	_ =	sdelay $0x3  }
0x3a2: {  	v4 =	vld [tilespmem:s30+$0x1A010]  }
0x3a3: {  	[tilespmem:s28+$0x1B930] =	vst v3  }
0x3a4: {  	v3 =	vld.idx.msk [tilespmem:v5+s3+$0x0], $0xffff;
	_ =	sdelay $0x4  }
0x3a5: {  	[tilespmem:s30+$0x1B900] =	vst v3;
	v3 =	vld [tilespmem:s30+$0x1A020]  }
0x3a6: {  	v4 =	vld.idx.msk [tilespmem:v4+s3+$0x0], $0xffff;
	_ =	sdelay $0x4  }
0x3a7: {  	[tilespmem:s30+$0x1B910] =	vst v4;
	v4 =	vld [tilespmem:s30+$0x1A030];
	_ =	sdelay $0x1  }
0x3a8: {  	v3 =	vld.idx.msk [tilespmem:v3+s3+$0x0], $0xffff;
	_ =	sdelay $0x4  }
0x3a9: {  	[tilespmem:s30+$0x1B920] =	vst v3  }
0x3aa: {  	v3 =	vld.idx.msk [tilespmem:v4+s3+$0x0], $0xffff;
	_ =	sdelay $0x4  }
0x3ab: {  	s28 =	simm.s32 $0x0;
	[tilespmem:s30+$0x1B930] =	vst v3  }
0x3ac: {  	[hbm4b:s13+s28] =	stream.linear.scatter [tilespmem:s23], [sflag:$0x1], $0x1900, $0x38;
	[tilespmem:$0x1D300] =	vst v63  }
0x3ad: {  	_ =	swait.ge [sflag:s20], $0x1900  }
0x3ae: {  	[sflag:s20] =	ssyncset.done $0x0  }
0x3af: {  	[sflag:s20] =	ssyncadd.s32 $0xFFFFE700  }
0x3b0: {  	[tilespmem:s22], [sflag:$0x1] =	stream.linear.gather [hbm4b:s8+s28], $0x1900, $0x38;
	[tilespmem:$0x1D300] =	vst v63  }
0x3b1: {  	_ =	swait.ge [sflag:s20], $0x1900  }
0x3b2: {  	[sflag:s20] =	ssyncset.done $0x0  }
0x3b3: {  	s28 =	simm.s32 $0x0;
	[sflag:s20] =	ssyncadd.s32 $0xFFFFE700  }
0x3b4: {  	v3 =	vld [tilespmem:s28+$0x1A000];
	_ =	sdelay $0x5  }
0x3b5: {  	v4 =	vld [tilespmem:s28+$0x1A010];
	_ =	sdelay $0x1  }
0x3b6: {  	v3 =	vld.idx.msk [tilespmem:v3+s3+$0x0], $0xffff;
	_ =	sdelay $0x4  }
0x3b7: {  	v5 =	vld [tilespmem:s28+$0x1A020];
	[tilespmem:s28+$0x1B900] =	vst v3  }
0x3b8: {  	v3 =	vld.idx.msk [tilespmem:v4+s3+$0x0], $0xffff;
	_ =	sdelay $0x4  }
0x3b9: {  	[tilespmem:s28+$0x1B910] =	vst v3;
	v3 =	vld [tilespmem:s28+$0x1A030];
	_ =	sdelay $0x1  }
0x3ba: {  	v4 =	vld.idx.msk [tilespmem:v5+s3+$0x0], $0xffff;
	_ =	sdelay $0x3  }
0x3bb: {  	s29 =	simm.s32 $0x200;
	s30 =	simm.s32 $0x40  }
.LBB2_12:
0x3bc: {  	p0 =	sne.s32 s29, $0x6300;
	v5 =	vld [tilespmem:s30+$0x1A000];
	[tilespmem:s28+$0x1B920] =	vst v4  }
0x3bd: {  	v3 =	vld.idx.msk [tilespmem:v3+s3+$0x0], $0xffff;
	_ =	sdelay $0x5  }
0x3be: {  	v4 =	vld [tilespmem:s30+$0x1A010];
	[tilespmem:s28+$0x1B930] =	vst v3;
	s28 =	smov.u32 s30  }
0x3bf: {  	v3 =	vld.idx.msk [tilespmem:v5+s3+$0x0], $0xffff;
	_ =	sdelay $0x5  }
0x3c0: {  	[tilespmem:s28+$0x1B900] =	vst v3;
	v5 =	vld [tilespmem:s28+$0x1A020]  }
0x3c1: {  	v3 =	vld.idx.msk [tilespmem:v4+s3+$0x0], $0xffff;
	_ =	sdelay $0x5  }
0x3c2: {  	[tilespmem:s28+$0x1B910] =	vst v3;
	v3 =	vld [tilespmem:s28+$0x1A030]  }
0x3c3: {  	v4 =	vld.idx.msk [tilespmem:v5+s3+$0x0], $0xffff  }
.Ltmp5:
0x3c4: {  	(pc) =	sbr.rel @p0 .LBB2_12-.Ltmp5, $2  }
0x3c5: {  	_ =	sdelay $0x2  }
0x3c6: {  	s30 =	sshra.s32 s29, $0x2;
	s29 =	sadd.s32 $0x100, s29  }
0x3c7: {  	_ =	sdelay $0x1  }
0x3c8: {  	v5 =	vld [tilespmem:s30+$0x1A000]  }
0x3c9: {  	[tilespmem:s28+$0x1B920] =	vst v4  }
0x3ca: {  	v3 =	vld.idx.msk [tilespmem:v3+s3+$0x0], $0xffff;
	_ =	sdelay $0x3  }
0x3cb: {  	v4 =	vld [tilespmem:s30+$0x1A010]  }
0x3cc: {  	[tilespmem:s28+$0x1B930] =	vst v3  }
0x3cd: {  	v3 =	vld.idx.msk [tilespmem:v5+s3+$0x0], $0xffff;
	_ =	sdelay $0x4  }
0x3ce: {  	[tilespmem:s30+$0x1B900] =	vst v3;
	v3 =	vld [tilespmem:s30+$0x1A020]  }
0x3cf: {  	v4 =	vld.idx.msk [tilespmem:v4+s3+$0x0], $0xffff;
	_ =	sdelay $0x4  }
0x3d0: {  	[tilespmem:s30+$0x1B910] =	vst v4;
	v4 =	vld [tilespmem:s30+$0x1A030];
	_ =	sdelay $0x1  }
0x3d1: {  	v3 =	vld.idx.msk [tilespmem:v3+s3+$0x0], $0xffff;
	_ =	sdelay $0x4  }
0x3d2: {  	[tilespmem:s30+$0x1B920] =	vst v3  }
0x3d3: {  	v3 =	vld.idx.msk [tilespmem:v4+s3+$0x0], $0xffff;
	_ =	sdelay $0x4  }
0x3d4: {  	s28 =	simm.s32 $0x0;
	[tilespmem:s30+$0x1B930] =	vst v3  }
0x3d5: {  	[hbm4b:s14+s28] =	stream.linear.scatter [tilespmem:s23], [sflag:$0x1], $0x1900, $0x38;
	[tilespmem:$0x1D300] =	vst v63  }
0x3d6: {  	_ =	swait.ge [sflag:s20], $0x1900  }
0x3d7: {  	[sflag:s20] =	ssyncset.done $0x0  }
0x3d8: {  	[sflag:s20] =	ssyncadd.s32 $0xFFFFE700  }
0x3d9: {  	[tilespmem:s22], [sflag:$0x1] =	stream.linear.gather [hbm4b:s10+s28], $0x1900, $0x38;
	[tilespmem:$0x1D300] =	vst v63  }
0x3da: {  	_ =	swait.ge [sflag:s20], $0x1900  }
0x3db: {  	[sflag:s20] =	ssyncset.done $0x0  }
0x3dc: {  	s28 =	simm.s32 $0x0;
	[sflag:s20] =	ssyncadd.s32 $0xFFFFE700  }
0x3dd: {  	v3 =	vld [tilespmem:s28+$0x1A000];
	_ =	sdelay $0x5  }
0x3de: {  	v4 =	vld [tilespmem:s28+$0x1A010];
	_ =	sdelay $0x1  }
0x3df: {  	v3 =	vld.idx.msk [tilespmem:v3+s3+$0x0], $0xffff;
	_ =	sdelay $0x4  }
0x3e0: {  	v5 =	vld [tilespmem:s28+$0x1A020];
	[tilespmem:s28+$0x1B900] =	vst v3  }
0x3e1: {  	v3 =	vld.idx.msk [tilespmem:v4+s3+$0x0], $0xffff;
	_ =	sdelay $0x4  }
0x3e2: {  	[tilespmem:s28+$0x1B910] =	vst v3;
	v3 =	vld [tilespmem:s28+$0x1A030];
	_ =	sdelay $0x1  }
0x3e3: {  	v4 =	vld.idx.msk [tilespmem:v5+s3+$0x0], $0xffff;
	_ =	sdelay $0x3  }
0x3e4: {  	s29 =	simm.s32 $0x200;
	s30 =	simm.s32 $0x40  }
.LBB2_14:
0x3e5: {  	p0 =	sne.s32 s29, $0x6300;
	v5 =	vld [tilespmem:s30+$0x1A000];
	[tilespmem:s28+$0x1B920] =	vst v4  }
0x3e6: {  	v3 =	vld.idx.msk [tilespmem:v3+s3+$0x0], $0xffff;
	_ =	sdelay $0x5  }
0x3e7: {  	v4 =	vld [tilespmem:s30+$0x1A010];
	[tilespmem:s28+$0x1B930] =	vst v3;
	s28 =	smov.u32 s30  }
0x3e8: {  	v3 =	vld.idx.msk [tilespmem:v5+s3+$0x0], $0xffff;
	_ =	sdelay $0x5  }
0x3e9: {  	[tilespmem:s28+$0x1B900] =	vst v3;
	v5 =	vld [tilespmem:s28+$0x1A020]  }
0x3ea: {  	v3 =	vld.idx.msk [tilespmem:v4+s3+$0x0], $0xffff;
	_ =	sdelay $0x5  }
0x3eb: {  	[tilespmem:s28+$0x1B910] =	vst v3;
	v3 =	vld [tilespmem:s28+$0x1A030]  }
0x3ec: {  	v4 =	vld.idx.msk [tilespmem:v5+s3+$0x0], $0xffff  }
.Ltmp6:
0x3ed: {  	(pc) =	sbr.rel @p0 .LBB2_14-.Ltmp6, $2  }
0x3ee: {  	_ =	sdelay $0x2  }
0x3ef: {  	s30 =	sshra.s32 s29, $0x2;
	s29 =	sadd.s32 $0x100, s29  }
0x3f0: {  	_ =	sdelay $0x1  }
0x3f1: {  	v5 =	vld [tilespmem:s30+$0x1A000]  }
0x3f2: {  	[tilespmem:s28+$0x1B920] =	vst v4  }
0x3f3: {  	v3 =	vld.idx.msk [tilespmem:v3+s3+$0x0], $0xffff;
	_ =	sdelay $0x3  }
0x3f4: {  	v4 =	vld [tilespmem:s30+$0x1A010]  }
0x3f5: {  	[tilespmem:s28+$0x1B930] =	vst v3  }
0x3f6: {  	v3 =	vld.idx.msk [tilespmem:v5+s3+$0x0], $0xffff;
	_ =	sdelay $0x4  }
0x3f7: {  	[tilespmem:s30+$0x1B900] =	vst v3;
	v3 =	vld [tilespmem:s30+$0x1A020]  }
0x3f8: {  	v4 =	vld.idx.msk [tilespmem:v4+s3+$0x0], $0xffff;
	_ =	sdelay $0x4  }
0x3f9: {  	[tilespmem:s30+$0x1B910] =	vst v4;
	v4 =	vld [tilespmem:s30+$0x1A030];
	_ =	sdelay $0x1  }
0x3fa: {  	v3 =	vld.idx.msk [tilespmem:v3+s3+$0x0], $0xffff;
	_ =	sdelay $0x4  }
0x3fb: {  	[tilespmem:s30+$0x1B920] =	vst v3  }
0x3fc: {  	v3 =	vld.idx.msk [tilespmem:v4+s3+$0x0], $0xffff;
	_ =	sdelay $0x4  }
0x3fd: {  	s28 =	simm.s32 $0x0;
	[tilespmem:s30+$0x1B930] =	vst v3  }
0x3fe: {  	[hbm4b:s15+s28] =	stream.linear.scatter [tilespmem:s23], [sflag:$0x1], $0x1900, $0x38;
	[tilespmem:$0x1D300] =	vst v63  }
0x3ff: {  	_ =	swait.ge [sflag:s20], $0x1900  }
0x400: {  	[sflag:s20] =	ssyncset.done $0x0  }
0x401: {  	[sflag:s20] =	ssyncadd.s32 $0xFFFFE700  }
0x402: {  	[tilespmem:s22], [sflag:$0x1] =	stream.linear.gather [hbm4b:s12+s28], $0x1900, $0x38;
	[tilespmem:$0x1D300] =	vst v63  }
0x403: {  	_ =	swait.ge [sflag:s20], $0x1900  }
0x404: {  	[sflag:s20] =	ssyncset.done $0x0  }
0x405: {  	s28 =	simm.s32 $0x0;
	[sflag:s20] =	ssyncadd.s32 $0xFFFFE700  }
0x406: {  	v3 =	vld [tilespmem:s28+$0x1A000];
	_ =	sdelay $0x5  }
0x407: {  	v4 =	vld [tilespmem:s28+$0x1A010];
	_ =	sdelay $0x1  }
0x408: {  	v3 =	vld.idx.msk [tilespmem:v3+s3+$0x0], $0xffff;
	_ =	sdelay $0x4  }
0x409: {  	v5 =	vld [tilespmem:s28+$0x1A020];
	[tilespmem:s28+$0x1B900] =	vst v3  }
0x40a: {  	v3 =	vld.idx.msk [tilespmem:v4+s3+$0x0], $0xffff;
	_ =	sdelay $0x4  }
0x40b: {  	[tilespmem:s28+$0x1B910] =	vst v3;
	v3 =	vld [tilespmem:s28+$0x1A030];
	_ =	sdelay $0x1  }
0x40c: {  	v4 =	vld.idx.msk [tilespmem:v5+s3+$0x0], $0xffff;
	_ =	sdelay $0x3  }
0x40d: {  	s29 =	simm.s32 $0x200;
	s30 =	simm.s32 $0x40  }
.LBB2_16:
0x40e: {  	p0 =	sne.s32 s29, $0x6300;
	v5 =	vld [tilespmem:s30+$0x1A000];
	[tilespmem:s28+$0x1B920] =	vst v4  }
0x40f: {  	v3 =	vld.idx.msk [tilespmem:v3+s3+$0x0], $0xffff;
	_ =	sdelay $0x5  }
0x410: {  	v4 =	vld [tilespmem:s30+$0x1A010];
	[tilespmem:s28+$0x1B930] =	vst v3;
	s28 =	smov.u32 s30  }
0x411: {  	v3 =	vld.idx.msk [tilespmem:v5+s3+$0x0], $0xffff;
	_ =	sdelay $0x5  }
0x412: {  	[tilespmem:s28+$0x1B900] =	vst v3;
	v5 =	vld [tilespmem:s28+$0x1A020]  }
0x413: {  	v3 =	vld.idx.msk [tilespmem:v4+s3+$0x0], $0xffff;
	_ =	sdelay $0x5  }
0x414: {  	[tilespmem:s28+$0x1B910] =	vst v3;
	v3 =	vld [tilespmem:s28+$0x1A030]  }
0x415: {  	v4 =	vld.idx.msk [tilespmem:v5+s3+$0x0], $0xffff  }
.Ltmp7:
0x416: {  	(pc) =	sbr.rel @p0 .LBB2_16-.Ltmp7, $2  }
0x417: {  	_ =	sdelay $0x2  }
0x418: {  	s30 =	sshra.s32 s29, $0x2;
	s29 =	sadd.s32 $0x100, s29  }
0x419: {  	_ =	sdelay $0x1  }
0x41a: {  	v5 =	vld [tilespmem:s30+$0x1A000]  }
0x41b: {  	[tilespmem:s28+$0x1B920] =	vst v4  }
0x41c: {  	v3 =	vld.idx.msk [tilespmem:v3+s3+$0x0], $0xffff;
	_ =	sdelay $0x4  }
0x41d: {  	v4 =	vld [tilespmem:s30+$0x1A010];
	[tilespmem:s28+$0x1B930] =	vst v3  }
0x41e: {  	v3 =	vld.idx.msk [tilespmem:v5+s3+$0x0], $0xffff;
	_ =	sdelay $0x4  }
0x41f: {  	[tilespmem:s30+$0x1B900] =	vst v3;
	v3 =	vld [tilespmem:s30+$0x1A020];
	_ =	sdelay $0x1  }
0x420: {  	v4 =	vld.idx.msk [tilespmem:v4+s3+$0x0], $0xffff;
	_ =	sdelay $0x3  }
0x421: {  	v56 =	vld [tilespmem:s30+$0x1A030]  }
0x422: {  	[tilespmem:s30+$0x1B910] =	vst v4  }
0x423: {  	v3 =	vld.idx.msk [tilespmem:v3+s3+$0x0], $0xffff;
	_ =	sdelay $0x4  }
0x424: {  	[tilespmem:s30+$0x1B920] =	vst v3  }
0x425: {  	v3 =	vld.idx.msk [tilespmem:v56+s3+$0x0], $0xffff;
	_ =	sdelay $0x4  }
0x426: {  	[tilespmem:s30+$0x1B930] =	vst v3  }
0x427: {  	[hbm4b:s16+s3] =	stream.linear.scatter [tilespmem:s23], [sflag:$0x1], $0x1900, $0x38;
	[tilespmem:$0x1D300] =	vst v63  }
0x428: {  	_ =	swait.ge [sflag:s20], $0x1900  }
0x429: {  	[sflag:s20] =	ssyncset.done $0x0  }
0x42a: {  	[sflag:s20] =	ssyncadd.s32 $0xFFFFE700  }
0x42b: {  	[tilespmem:s24], [sflag:$0x1] =	stream.linear.gather [hbm4b:s17+s3], $0x80, $0x38;
	[tilespmem:$0x1D300] =	vst v63  }
0x42c: {  	_ =	swait.ge [sflag:s20], $0x80  }
0x42d: {  	[sflag:s20] =	ssyncset.done $0x0  }
0x42e: {  	[sflag:s20] =	ssyncadd.s32 $0xFFFFFF80  }
0x42f: {  	v3 =	vld [tilespmem:$0x1D200];
	_ =	sdelay $0x5  }
0x430: {  	v57 =	vld [tilespmem:$0x1D210];
	_ =	sdelay $0x1  }
0x431: {  	v3 =	vld.idx.msk [tilespmem:v3+s3+$0x0], $0xffff;
	_ =	sdelay $0x3  }
0x432: {  	v58 =	vld [tilespmem:$0x1D220]  }
0x433: {  	[tilespmem:$0x1D280] =	vst v3  }
0x434: {  	v3 =	vld.idx.msk [tilespmem:v57+s3+$0x0], $0xffff;
	_ =	sdelay $0x3  }
0x435: {  	v59 =	vld [tilespmem:$0x1D230]  }
0x436: {  	[tilespmem:$0x1D290] =	vst v3  }
0x437: {  	v3 =	vld.idx.msk [tilespmem:v58+s3+$0x0], $0xffff;
	_ =	sdelay $0x3  }
0x438: {  	v60 =	vld [tilespmem:$0x1D240]  }
0x439: {  	[tilespmem:$0x1D2A0] =	vst v3  }
0x43a: {  	v3 =	vld.idx.msk [tilespmem:v59+s3+$0x0], $0xffff;
	_ =	sdelay $0x3  }
0x43b: {  	v61 =	vld [tilespmem:$0x1D250]  }
0x43c: {  	[tilespmem:$0x1D2B0] =	vst v3  }
0x43d: {  	v3 =	vld.idx.msk [tilespmem:v60+s3+$0x0], $0xffff;
	_ =	sdelay $0x3  }
0x43e: {  	v62 =	vld [tilespmem:$0x1D260]  }
0x43f: {  	[tilespmem:$0x1D2C0] =	vst v3  }
0x440: {  	v3 =	vld.idx.msk [tilespmem:v61+s3+$0x0], $0xffff;
	_ =	sdelay $0x3  }
0x441: {  	v63 =	vld [tilespmem:$0x1D270]  }
0x442: {  	[tilespmem:$0x1D2D0] =	vst v3  }
0x443: {  	v3 =	vld.idx.msk [tilespmem:v62+s3+$0x0], $0xffff;
	_ =	sdelay $0x4  }
0x444: {  	[tilespmem:$0x1D2E0] =	vst v3  }
0x445: {  	v3 =	vld.idx.msk [tilespmem:v63+s3+$0x0], $0xffff;
	_ =	sdelay $0x2  }
0x446: {  	s26 =	sadd.s32 $0x1, s26  }
0x447: {  	p0 =	sne.s32 s26, s19  }
.Ltmp8:
0x448: {  	[tilespmem:$0x1D2F0] =	vst v3;
	(pc) =	sbr.rel @p0 .LBB2_1-.Ltmp8, $4  }
0x449: {  	[hbm4b:s18+s3] =	stream.linear.scatter [tilespmem:s25], [sflag:$0x1], $0x80, $0x38;
	[tilespmem:$0x1D300] =	vst v63  }
0x44a: {  	_ =	swait.ge [sflag:s20], $0x80  }
0x44b: {  	[sflag:s20] =	ssyncset.done $0x0  }
0x44c: {  	[sflag:s20] =	ssyncadd.s32 $0xFFFFFF80  }
0x44d: {  	_ =	sfence.sel $0x180000  }
0x44e: {  	[bflag:$0x0] =	sbarrier.arrive $0xFFFF  }
0x44f: {  	p0 =	sne.s32 s1, $0x0;
	_ =	strace $0x90000047  }
0x450: {  	s0 =	sadd.s32 @!p0 $0x100000, s2;
	[bflag:$0x2] =	sbarrier.arrive $0xFFFF  }
0x451: {  	[sflag:s0] =	ssyncadd.tile.s32 @!p0 $0x1;
	_ =	shalt  }
.Lfunc_end2:
_tile_overlayer_lowered:
.L_overlay_start_2:
0x452: {  	(tag) =	ssettag $0x2  }
0x453: {  	s0 =	rddreg [dreg:$0x0];
	s2 =	stileid.u32  }
0x454: {  	s1 =	rddreg [dreg:$0x1];
	p0 =	sne.s32 s2, $0x0  }
0x455: {  	s3 =	rddreg [dreg:$0x2];
	[bflag:$0x3] =	sbarrier.arrive $0xFFFF;
	s2 =	simm.s32 @!p0 $0x1C01  }
0x456: {  	[timem:s3], [sflag:s2] =	dma.local @!p0 [hbm:s0], s1  }
0x457: {  	s0 =	simm.s32 @!p0 $0x1  }
0x458: {  	_ =	swait.ge @!p0 [sflag:s0], s1  }
0x459: {  	s1 =	ssub.s32 @!p0 $0x0, s1;
	[sflag:s0] =	ssyncset.done @!p0 $0x0  }
0x45a: {  	[sflag:s0] =	ssyncadd.s32 @!p0 s1  }
0x45b: {  	[bflag:$0x3] =	sbarrier.arrive $0xFFFF  }
0x45c: {  	_ =	shalt  }

</sc_bundles>
